<compile_context>
chip_gen: v7x
topology: tpu7x:2x2x1
jax: 0.10.2.dev20260603
libtpu: 0.0.44.dev20260713+nightly
codegen_flags: <defaults>
</compile_context>

<pallas_src>
import functools
import math

import jax
import jax.numpy as jnp
import numpy as np
from jax import lax
from jax.experimental import pallas as pl
from jax.experimental.pallas import tpu as pltpu
from jax.experimental.pallas import tpu_sc as plsc

_rng = np.random.RandomState(0)
_Z = _rng.randn(1000000)
_SILU_CST = float(1.0 / np.sqrt(np.mean((_Z / (1.0 + np.exp(-_Z))) ** 2)))

_N = 10000
_E = 320000
_D = 128
_K = 16
_R = 8
_HID = 64
_AVG = 32.0



def _silu_n(x):
    return _SILU_CST * x * (0.5 * (1.0 + jnp.tanh(0.5 * x)))


def _edge_w_body(ef_ref, ea_ref, w0_ref, w1_ref, w2_ref, w3_ref, o_ref):
    x = ef_ref[...]
    x = _silu_n(jnp.dot(x, w0_ref[...], preferred_element_type=jnp.float32)
                * (1.0 / math.sqrt(_R)))
    x = _silu_n(jnp.dot(x, w1_ref[...], preferred_element_type=jnp.float32)
                * (1.0 / math.sqrt(_HID)))
    x = _silu_n(jnp.dot(x, w2_ref[...], preferred_element_type=jnp.float32)
                * (1.0 / math.sqrt(_HID)))
    w = jnp.dot(x, w3_ref[...], preferred_element_type=jnp.float32) * (
        1.0 / math.sqrt(_HID))
    wbf = (w * ea_ref[...]).astype(jnp.bfloat16)
    lo = jax.lax.bitcast_convert_type(
        wbf[:, :_D // 2], jnp.uint16).astype(jnp.uint32)
    hi = jax.lax.bitcast_convert_type(
        wbf[:, _D // 2:], jnp.uint16).astype(jnp.uint32)
    o_ref[...] = jax.lax.bitcast_convert_type((hi << 16) | lo, jnp.int32)


def _edge_w(edge_feats, edge_attrs, W_r0, W_r1, W_r2, W_r3):
    BE = 4000
    grid = _E // BE
    return pl.pallas_call(
        _edge_w_body,
        grid=(grid,),
        in_specs=[
            pl.BlockSpec((BE, _R), lambda i: (i, 0)),
            pl.BlockSpec((BE, 1), lambda i: (i, 0)),
            pl.BlockSpec((_R, _HID), lambda i: (0, 0)),
            pl.BlockSpec((_HID, _HID), lambda i: (0, 0)),
            pl.BlockSpec((_HID, _HID), lambda i: (0, 0)),
            pl.BlockSpec((_HID, _D), lambda i: (0, 0)),
        ],
        out_specs=pl.BlockSpec((BE, _D // 2), lambda i: (i, 0)),
        out_shape=jax.ShapeDtypeStruct((_E, _D // 2), jnp.int32),
    )(edge_feats, edge_attrs, W_r0, W_r1, W_r2, W_r3)


def _linear_up_body(nf_ref, wu_ref, o_ref):
    o_ref[...] = jnp.dot(nf_ref[...], wu_ref[...],
                         preferred_element_type=jnp.float32) * (
        1.0 / math.sqrt(_D))


def _linear_up(node_feats, W_up):
    return pl.pallas_call(
        _linear_up_body,
        out_shape=jax.ShapeDtypeStruct((_N, _D), jnp.float32),
    )(node_feats, W_up)


def _skip_body(nf_ref, na_ref, ws_ref, o_ref):
    nf = nf_ref[...]
    acc = jnp.zeros((nf.shape[0], _D), jnp.float32)
    for v in range(_K):
        acc += na_ref[:, v:v + 1] * jnp.dot(
            nf, ws_ref[v], preferred_element_type=jnp.float32)
    o_ref[...] = acc * (1.0 / math.sqrt(float(_D * _K)))


def _skip(node_feats, node_attrs, W_skip_t):
    BN = 2000
    grid = _N // BN
    return pl.pallas_call(
        _skip_body,
        grid=(grid,),
        in_specs=[
            pl.BlockSpec((BN, _D), lambda i: (i, 0)),
            pl.BlockSpec((BN, _K), lambda i: (i, 0)),
            pl.BlockSpec((_K, _D, _D), lambda i: (0, 0, 0)),
        ],
        out_specs=pl.BlockSpec((BN, _D), lambda i: (i, 0)),
        out_shape=jax.ShapeDtypeStruct((_N, _D), jnp.float32),
    )(node_feats, node_attrs, W_skip_t)


def _final_body(p_ref, wl_ref, o_ref):
    m = p_ref[0] + p_ref[1]
    o_ref[...] = jnp.dot(m, wl_ref[...], preferred_element_type=jnp.float32) * (
        1.0 / (math.sqrt(_D) * _AVG))


def _final(parts, W_lin):
    return pl.pallas_call(
        _final_body,
        out_shape=jax.ShapeDtypeStruct((_N, _D), jnp.float32),
    )(parts, W_lin)



_NTILES = 32
_EPT = _E // _NTILES
_C = 80
_STEPS = _EPT // _C
_STRIPE = 1000
_ZROWS = 8

def _sc_body(h_hbm, w_hbm, idx_hbm, out_hbm,
             ibuf, wv, rows, zv, acc,
             semi0, semi1, semw0, semw1, semg0, semg1):
    cid = lax.axis_index("c")
    sid = lax.axis_index("s")
    wid = sid * 2 + cid
    base = wid * _EPT

    def i_copy(i, slot, sem):
        return pltpu.make_async_copy(idx_hbm.at[wid, i], ibuf.at[slot], sem)

    def w_copy(i, slot, sem):
        return pltpu.make_async_copy(
            w_hbm.at[pl.ds(base + i * _C, _C)], wv.at[slot], sem)

    def scat(slot):
        pltpu.sync_copy(rows.at[slot], acc.at[ibuf.at[slot, 1]], add=True)

    def g_copy(slot, sem):
        return pltpu.make_async_copy(
            h_hbm.at[ibuf.at[slot, 0]], rows.at[slot], sem)

    def mult(slot):
        def mrow(r, c2):
            for j in range(4):
                u = wv[slot, r, pl.ds(j * 16, 16)]
                wlo = jax.lax.bitcast_convert_type(u << 16, jnp.float32)
                whi = jax.lax.bitcast_convert_type(u & jnp.int32(-65536), jnp.float32)
                lo = pl.ds(j * 16, 16)
                hi = pl.ds(_D // 2 + j * 16, 16)
                rows[slot, r, lo] = rows[slot, r, lo] * wlo
                rows[slot, r, hi] = rows[slot, r, hi] * whi
            return c2

        lax.fori_loop(0, _C, mrow, 0)

    i_copy(0, 0, semi0).start()
    i_copy(1, 1, semi1).start()
    w_copy(0, 0, semw0).start()
    w_copy(1, 1, semw1).start()
    i_copy(0, 0, semi0).wait()
    g_copy(0, semg0).start()

    def zrow(r, carry):
        for j in range(8):
            zv[r, pl.ds(j * 16, 16)] = jnp.zeros((16,), jnp.float32)
        return carry

    lax.fori_loop(0, _ZROWS, zrow, 0)

    @pl.when(sid < 10)
    def _zero():
        for j in range(_STRIPE // _ZROWS):
            pltpu.sync_copy(
                zv, acc.at[pl.ds(sid * _STRIPE + j * _ZROWS, _ZROWS)])

    plsc.subcore_barrier()

    def body(k, carry):
        i0 = 2 * k
        i1 = i0 + 1
        i_copy(i1, 1, semi1).wait()
        g_copy(1, semg1).start()
        w_copy(i0, 0, semw0).wait()
        g_copy(0, semg0).wait()
        mult(0)
        scat(0)
        i_copy(i0 + 2, 0, semi0).start()
        w_copy(i0 + 2, 0, semw0).start()
        i_copy(i0 + 2, 0, semi0).wait()
        g_copy(0, semg0).start()

        w_copy(i1, 1, semw1).wait()
        g_copy(1, semg1).wait()
        mult(1)
        scat(1)

        @pl.when(k < _STEPS // 2 - 1)
        def _pre1():
            i_copy(i1 + 2, 1, semi1).start()
            w_copy(i1 + 2, 1, semw1).start()

        return carry

    lax.fori_loop(0, _STEPS // 2, body, 0)
    w_copy(_STEPS - 1, 0, semw0).wait()
    g_copy(0, semg0).wait()
    mult(0)
    scat(0)
    plsc.subcore_barrier()

    @pl.when(sid < 10)
    def _flush():
        pltpu.sync_copy(acc.at[pl.ds(sid * _STRIPE, _STRIPE)],
                        out_hbm.at[cid, pl.ds(sid * _STRIPE, _STRIPE)])


def _sc_messages(h, w, send, recv):
    mesh = plsc.VectorSubcoreMesh(core_axis_name="c", subcore_axis_name="s")
    fn = functools.partial(
        pl.kernel,
        mesh=mesh,
        out_type=jax.ShapeDtypeStruct((2, _N, _D), jnp.float32),
        scratch_types=[
            pltpu.VMEM((2, 2, _C), jnp.int32),
            pltpu.VMEM((2, _C, _D // 2), jnp.int32),
            pltpu.VMEM((2, _C, _D), jnp.float32),
            pltpu.VMEM((_ZROWS, _D), jnp.float32),
            pltpu.VMEM_SHARED((_N, _D), jnp.float32),
            pltpu.SemaphoreType.DMA,
            pltpu.SemaphoreType.DMA,
            pltpu.SemaphoreType.DMA,
            pltpu.SemaphoreType.DMA,
            pltpu.SemaphoreType.DMA,
            pltpu.SemaphoreType.DMA,
        ],
    )(_sc_body)
    idx4 = jnp.stack([send, recv]).reshape(
        2, _NTILES, _STEPS, _C).transpose(1, 2, 0, 3)
    return fn(h, w, idx4)




def kernel(node_attrs, node_feats, edge_attrs, edge_feats, edge_index,
           W_up, W_r0, W_r1, W_r2, W_r3, W_lin, W_skip):
    send = edge_index[0]
    recv = edge_index[1]
    w = _edge_w(edge_feats, edge_attrs, W_r0, W_r1, W_r2, W_r3)
    h = _linear_up(node_feats, W_up)
    sc = _skip(node_feats, node_attrs, jnp.transpose(W_skip, (1, 0, 2)))
    parts = _sc_messages(h, w, send, recv)
    message = _final(parts, W_lin)
    return (message[:, :, None], sc)

# --- scband reference (transcript-rebuilt; emitter-appended) ---
"""Pipeline reference for scband-real-agnostic-residual-interaction-block-89979564851569 (READ-ONLY COPY).

The authoritative reference and input builder live on the scoring server;
editing this copy changes nothing except your own understanding.
"""

import jax, jax.numpy as jnp
import numpy as np

# e3nn normalize2mom constant for SiLU (Monte-Carlo estimate, as e3nn does)
_rng = np.random.RandomState(0)
_Z = _rng.randn(1000000)
SILU_CST = float(1.0 / np.sqrt(np.mean((_Z / (1.0 + np.exp(-_Z))) ** 2)))

N = 10000   # nodes
E = 320000  # edges
D = 128     # node feature channels (128x0e)
K = 16      # node attr channels (16x0e, element one-hot slot)
R = 8       # edge radial features (8x0e)
HID = 64    # radial MLP hidden
AVG = 32.0  # avg_num_neighbors


def setup_inputs(seed: int = 0) -> dict:
    key = jax.random.key(seed)
    ks = jax.random.split(key, 12)
    inp = {}
    inp['node_attrs'] = jax.random.uniform(ks[0], (N, K), dtype=jnp.float32)
    inp['node_feats'] = jax.random.normal(ks[1], (N, D), dtype=jnp.float32)
    inp['edge_attrs'] = jax.random.normal(ks[2], (E, 1), dtype=jnp.float32)
    inp['edge_feats'] = jax.random.normal(ks[3], (E, R), dtype=jnp.float32)
    inp['edge_index'] = jax.random.randint(ks[4], (2, E), 0, N, dtype=jnp.int32)
    # learned parameters (e3nn weights ~ N(0,1); normalization applied in forward)
    inp['W_up'] = jax.random.normal(ks[5], (D, D), dtype=jnp.float32)    # linear_up
    inp['W_r0'] = jax.random.normal(ks[6], (R, HID), dtype=jnp.float32)  # radial MLP
    inp['W_r1'] = jax.random.normal(ks[7], (HID, HID), dtype=jnp.float32)
    inp['W_r2'] = jax.random.normal(ks[8], (HID, HID), dtype=jnp.float32)
    inp['W_r3'] = jax.random.normal(ks[9], (HID, D), dtype=jnp.float32)  # -> conv_tp weight_numel = 128 (uvu)
    inp['W_lin'] = jax.random.normal(ks[10], (D, D), dtype=jnp.float32)  # linear (irreps_mid -> target)
    inp['W_skip'] = jax.random.normal(ks[11], (D, K, D), dtype=jnp.float32)  # skip_tp FullyConnectedTensorProduct uvw
    return inp


def reference(node_attrs, node_feats, edge_attrs, edge_feats, edge_index,
              W_up, W_r0, W_r1, W_r2, W_r3, W_lin, W_skip):
    sender = edge_index[0]
    receiver = edge_index[1]
    num_nodes = node_feats.shape[0]
    # sc = skip_tp(node_feats, node_attrs): FullyConnectedTensorProduct, scalar uvw, norm 1/sqrt(mul1*mul2)
    sc = jnp.einsum('nu,nv,uvw->nw', node_feats, node_attrs, W_skip) / jnp.sqrt(float(D * K))
    # node_feats = linear_up(node_feats): o3.Linear, norm 1/sqrt(fan_in)
    h = (node_feats @ W_up) / jnp.sqrt(float(D))
    # tp_weights = conv_tp_weights(edge_feats): e3nn FullyConnectedNet with normalized SiLU
    x = edge_feats
    for W in (W_r0, W_r1, W_r2):
        x = SILU_CST * jax.nn.silu((x @ W) / jnp.sqrt(float(W.shape[0])))
    tp_weights = (x @ W_r3) / jnp.sqrt(float(HID))
    # mji = conv_tp(h[sender], edge_attrs, tp_weights): scalar 'uvu' channelwise product (path norm = 1)
    mji = h[sender] * edge_attrs * tp_weights
    # message = scatter_sum(mji, receiver, dim=0, dim_size=num_nodes)
    message = jax.ops.segment_sum(mji, receiver, num_segments=num_nodes)
    # message = linear(message) / avg_num_neighbors
    message = (message @ W_lin) / jnp.sqrt(float(D))
    message = message / AVG
    # reshape_irreps: [N, 128] (128x0e) -> [N, 128, 1]; return (message, sc)
    return (message[:, :, None], sc)

if __name__ == "__main__":
    import jax
    _d = setup_inputs()
    print(jax.jit(kernel)(*tuple(_d.values())))

</pallas_src>

<mosaic_0001>
#map = affine_map<(d0, d1) -> (0, 0)>
#map1 = affine_map<(d0, d1) -> (0, 0, 0, 0)>
#map2 = affine_map<(d0, d1) -> (0, 0, 0)>
module attributes {stable_mosaic.version = 14 : i64} {
  func.func @_sc_body(%arg0: i32, %arg1: i32, %arg2: memref<10000x128xf32, #tpu.memory_space<hbm>>, %arg3: memref<320000x64xi32, #tpu.memory_space<hbm>>, %arg4: memref<32x125x2x80xi32, #tpu.memory_space<hbm>>, %arg5: memref<2x10000x128xf32, #tpu.memory_space<hbm>>, %arg6: memref<2x2x80xi32, #tpu.memory_space<vmem>>, %arg7: memref<2x80x64xi32, #tpu.memory_space<vmem>>, %arg8: memref<2x80x128xf32, #tpu.memory_space<vmem>>, %arg9: memref<8x128xf32, #tpu.memory_space<vmem>>, %arg10: memref<10000x128xf32, #tpu.memory_space<vmem_shared>>, %arg11: memref<!tpu.dma_semaphore, #tpu.memory_space<semaphore_mem>>, %arg12: memref<!tpu.dma_semaphore, #tpu.memory_space<semaphore_mem>>, %arg13: memref<!tpu.dma_semaphore, #tpu.memory_space<semaphore_mem>>, %arg14: memref<!tpu.dma_semaphore, #tpu.memory_space<semaphore_mem>>, %arg15: memref<!tpu.dma_semaphore, #tpu.memory_space<semaphore_mem>>, %arg16: memref<!tpu.dma_semaphore, #tpu.memory_space<semaphore_mem>>) attributes {dimension_semantics = [#tpu.dimension_semantics<core_parallel>, #tpu.dimension_semantics<subcore_parallel>], iteration_bounds = array<i64: 2, 16>, scalar_prefetch = 0 : i64, scratch_operands = 11 : i64, tpu.core_type = #tpu.core_type<sc_vector_subcore>, window_params = [{transform_indices = #map}, {transform_indices = #map}, {transform_indices = #map1}, {transform_indices = #map2}]} {
    %mul3A = arith.constant 2 : i32
    %mul3A_0 = arith.muli %arg1, %mul3A : i32
    %add3A = arith.addi %mul3A_0, %arg0 : i32
    %mul3A_1 = arith.constant 10000 : i32
    %mul3A_2 = arith.muli %add3A, %mul3A_1 : i32
    %dma_start3A = arith.constant 0 : i32
    %dma_start3A_3 = arith.constant 0 : i32
    %dma_start3A_4 = arith.constant 0 : i32
    %dma_start3A_5 = arith.constant 0 : i32
    %dma_start3A_6 = tpu.memref_slice %arg6[%dma_start3A_3, %dma_start3A_4, %dma_start3A_5] : memref<2x2x80xi32, #tpu.memory_space<vmem>> -> memref<1x2x80xi32, #tpu.memory_space<vmem>>
    %dma_start3A_7 = tpu.memref_squeeze %dma_start3A_6 : memref<1x2x80xi32, #tpu.memory_space<vmem>> -> memref<2x80xi32, #tpu.memory_space<vmem>>
    %dma_start3A_8 = arith.constant 0 : i32
    %dma_start3A_9 = arith.constant 0 : i32
    %dma_start3A_10 = tpu.memref_slice %arg4[%add3A, %dma_start3A, %dma_start3A_8, %dma_start3A_9] : memref<32x125x2x80xi32, #tpu.memory_space<hbm>> -> memref<1x1x2x80xi32, #tpu.memory_space<hbm>>
    %dma_start3A_11 = tpu.memref_squeeze %dma_start3A_10 : memref<1x1x2x80xi32, #tpu.memory_space<hbm>> -> memref<2x80xi32, #tpu.memory_space<hbm>>
    %dma_start3A_12 = arith.constant 0 : i32
    %dma_start3A_13 = arith.constant 0 : i32
    %dma_start3A_14 = tpu.memref_slice %arg6[%dma_start3A_3, %dma_start3A_12, %dma_start3A_13] : memref<2x2x80xi32, #tpu.memory_space<vmem>> -> memref<1x2x80xi32, #tpu.memory_space<vmem>>
    %dma_start3A_15 = tpu.memref_squeeze %dma_start3A_14 : memref<1x2x80xi32, #tpu.memory_space<vmem>> -> memref<2x80xi32, #tpu.memory_space<vmem>>
    %dma_start3A_16 = arith.constant 0 : i32
    %dma_start3A_17 = arith.constant 0 : i32
    %dma_start3A_18 = tpu.memref_slice %arg4[%add3A, %dma_start3A, %dma_start3A_16, %dma_start3A_17] : memref<32x125x2x80xi32, #tpu.memory_space<hbm>> -> memref<1x1x2x80xi32, #tpu.memory_space<hbm>>
    %dma_start3A_19 = tpu.memref_squeeze %dma_start3A_18 : memref<1x1x2x80xi32, #tpu.memory_space<hbm>> -> memref<2x80xi32, #tpu.memory_space<hbm>>
    tpu.enqueue_dma source(%dma_start3A_19 : memref<2x80xi32, #tpu.memory_space<hbm>>) target(%dma_start3A_15 : memref<2x80xi32, #tpu.memory_space<vmem>>) target_semaphore(%arg11 : memref<!tpu.dma_semaphore, #tpu.memory_space<semaphore_mem>>)
    %dma_start3A_20 = arith.constant 1 : i32
    %dma_start3A_21 = arith.constant 1 : i32
    %dma_start3A_22 = arith.constant 0 : i32
    %dma_start3A_23 = arith.constant 0 : i32
    %dma_start3A_24 = tpu.memref_slice %arg6[%dma_start3A_21, %dma_start3A_22, %dma_start3A_23] : memref<2x2x80xi32, #tpu.memory_space<vmem>> -> memref<1x2x80xi32, #tpu.memory_space<vmem>>
    %dma_start3A_25 = tpu.memref_squeeze %dma_start3A_24 : memref<1x2x80xi32, #tpu.memory_space<vmem>> -> memref<2x80xi32, #tpu.memory_space<vmem>>
    %dma_start3A_26 = arith.constant 0 : i32
    %dma_start3A_27 = arith.constant 0 : i32
    %dma_start3A_28 = tpu.memref_slice %arg4[%add3A, %dma_start3A_20, %dma_start3A_26, %dma_start3A_27] : memref<32x125x2x80xi32, #tpu.memory_space<hbm>> -> memref<1x1x2x80xi32, #tpu.memory_space<hbm>>
    %dma_start3A_29 = tpu.memref_squeeze %dma_start3A_28 : memref<1x1x2x80xi32, #tpu.memory_space<hbm>> -> memref<2x80xi32, #tpu.memory_space<hbm>>
    %dma_start3A_30 = arith.constant 0 : i32
    %dma_start3A_31 = arith.constant 0 : i32
    %dma_start3A_32 = tpu.memref_slice %arg6[%dma_start3A_21, %dma_start3A_30, %dma_start3A_31] : memref<2x2x80xi32, #tpu.memory_space<vmem>> -> memref<1x2x80xi32, #tpu.memory_space<vmem>>
    %dma_start3A_33 = tpu.memref_squeeze %dma_start3A_32 : memref<1x2x80xi32, #tpu.memory_space<vmem>> -> memref<2x80xi32, #tpu.memory_space<vmem>>
    %dma_start3A_34 = arith.constant 0 : i32
    %dma_start3A_35 = arith.constant 0 : i32
    %dma_start3A_36 = tpu.memref_slice %arg4[%add3A, %dma_start3A_20, %dma_start3A_34, %dma_start3A_35] : memref<32x125x2x80xi32, #tpu.memory_space<hbm>> -> memref<1x1x2x80xi32, #tpu.memory_space<hbm>>
    %dma_start3A_37 = tpu.memref_squeeze %dma_start3A_36 : memref<1x1x2x80xi32, #tpu.memory_space<hbm>> -> memref<2x80xi32, #tpu.memory_space<hbm>>
    tpu.enqueue_dma source(%dma_start3A_37 : memref<2x80xi32, #tpu.memory_space<hbm>>) target(%dma_start3A_33 : memref<2x80xi32, #tpu.memory_space<vmem>>) target_semaphore(%arg12 : memref<!tpu.dma_semaphore, #tpu.memory_space<semaphore_mem>>)
    %add3A_38 = arith.constant 0 : i32
    %add3A_39 = arith.addi %mul3A_2, %add3A_38 : i32
    %dma_start3A_40 = arith.constant 0 : i32
    %dma_start3A_41 = arith.constant 0 : i32
    %dma_start3A_42 = arith.constant 0 : i32
    %dma_start3A_43 = tpu.memref_slice %arg7[%dma_start3A_40, %dma_start3A_41, %dma_start3A_42] : memref<2x80x64xi32, #tpu.memory_space<vmem>> -> memref<1x80x64xi32, #tpu.memory_space<vmem>>
    %dma_start3A_44 = tpu.memref_squeeze %dma_start3A_43 : memref<1x80x64xi32, #tpu.memory_space<vmem>> -> memref<80x64xi32, #tpu.memory_space<vmem>>
    %dma_start3A_45 = arith.constant 0 : i32
    %dma_start3A_46 = tpu.memref_slice %arg3[%add3A_39, %dma_start3A_45] : memref<320000x64xi32, #tpu.memory_space<hbm>> -> memref<80x64xi32, #tpu.memory_space<hbm>>
    %dma_start3A_47 = arith.constant 0 : i32
    %dma_start3A_48 = arith.constant 0 : i32
    %dma_start3A_49 = tpu.memref_slice %arg7[%dma_start3A_40, %dma_start3A_47, %dma_start3A_48] : memref<2x80x64xi32, #tpu.memory_space<vmem>> -> memref<1x80x64xi32, #tpu.memory_space<vmem>>
    %dma_start3A_50 = tpu.memref_squeeze %dma_start3A_49 : memref<1x80x64xi32, #tpu.memory_space<vmem>> -> memref<80x64xi32, #tpu.memory_space<vmem>>
    %dma_start3A_51 = arith.constant 0 : i32
    %dma_start3A_52 = tpu.memref_slice %arg3[%add3A_39, %dma_start3A_51] : memref<320000x64xi32, #tpu.memory_space<hbm>> -> memref<80x64xi32, #tpu.memory_space<hbm>>
    tpu.enqueue_dma source(%dma_start3A_52 : memref<80x64xi32, #tpu.memory_space<hbm>>) target(%dma_start3A_50 : memref<80x64xi32, #tpu.memory_space<vmem>>) target_semaphore(%arg13 : memref<!tpu.dma_semaphore, #tpu.memory_space<semaphore_mem>>)
    %add3A_53 = arith.constant 80 : i32
    %add3A_54 = arith.addi %mul3A_2, %add3A_53 : i32
    %dma_start3A_55 = arith.constant 1 : i32
    %dma_start3A_56 = arith.constant 0 : i32
    %dma_start3A_57 = arith.constant 0 : i32
    %dma_start3A_58 = tpu.memref_slice %arg7[%dma_start3A_55, %dma_start3A_56, %dma_start3A_57] : memref<2x80x64xi32, #tpu.memory_space<vmem>> -> memref<1x80x64xi32, #tpu.memory_space<vmem>>
    %dma_start3A_59 = tpu.memref_squeeze %dma_start3A_58 : memref<1x80x64xi32, #tpu.memory_space<vmem>> -> memref<80x64xi32, #tpu.memory_space<vmem>>
    %dma_start3A_60 = arith.constant 0 : i32
    %dma_start3A_61 = tpu.memref_slice %arg3[%add3A_54, %dma_start3A_60] : memref<320000x64xi32, #tpu.memory_space<hbm>> -> memref<80x64xi32, #tpu.memory_space<hbm>>
    %dma_start3A_62 = arith.constant 0 : i32
    %dma_start3A_63 = arith.constant 0 : i32
    %dma_start3A_64 = tpu.memref_slice %arg7[%dma_start3A_55, %dma_start3A_62, %dma_start3A_63] : memref<2x80x64xi32, #tpu.memory_space<vmem>> -> memref<1x80x64xi32, #tpu.memory_space<vmem>>
    %dma_start3A_65 = tpu.memref_squeeze %dma_start3A_64 : memref<1x80x64xi32, #tpu.memory_space<vmem>> -> memref<80x64xi32, #tpu.memory_space<vmem>>
    %dma_start3A_66 = arith.constant 0 : i32
    %dma_start3A_67 = tpu.memref_slice %arg3[%add3A_54, %dma_start3A_66] : memref<320000x64xi32, #tpu.memory_space<hbm>> -> memref<80x64xi32, #tpu.memory_space<hbm>>
    tpu.enqueue_dma source(%dma_start3A_67 : memref<80x64xi32, #tpu.memory_space<hbm>>) target(%dma_start3A_65 : memref<80x64xi32, #tpu.memory_space<vmem>>) target_semaphore(%arg14 : memref<!tpu.dma_semaphore, #tpu.memory_space<semaphore_mem>>)
    %dma_wait3A = arith.constant 0 : i32
    %dma_wait3A_68 = arith.constant 0 : i32
    %dma_wait3A_69 = arith.constant 0 : i32
    %dma_wait3A_70 = arith.constant 0 : i32
    %dma_wait3A_71 = tpu.memref_slice %arg6[%dma_wait3A_68, %dma_wait3A_69, %dma_wait3A_70] : memref<2x2x80xi32, #tpu.memory_space<vmem>> -> memref<1x2x80xi32, #tpu.memory_space<vmem>>
    %dma_wait3A_72 = tpu.memref_squeeze %dma_wait3A_71 : memref<1x2x80xi32, #tpu.memory_space<vmem>> -> memref<2x80xi32, #tpu.memory_space<vmem>>
    %dma_wait3A_73 = arith.constant 0 : i32
    %dma_wait3A_74 = arith.constant 0 : i32
    %dma_wait3A_75 = tpu.memref_slice %arg4[%add3A, %dma_wait3A, %dma_wait3A_73, %dma_wait3A_74] : memref<32x125x2x80xi32, #tpu.memory_space<hbm>> -> memref<1x1x2x80xi32, #tpu.memory_space<hbm>>
    %dma_wait3A_76 = tpu.memref_squeeze %dma_wait3A_75 : memref<1x1x2x80xi32, #tpu.memory_space<hbm>> -> memref<2x80xi32, #tpu.memory_space<hbm>>
    %dma_wait3A_77 = arith.constant 0 : i32
    %dma_wait3A_78 = arith.constant 0 : i32
    %dma_wait3A_79 = tpu.memref_slice %arg6[%dma_wait3A_68, %dma_wait3A_77, %dma_wait3A_78] : memref<2x2x80xi32, #tpu.memory_space<vmem>> -> memref<1x2x80xi32, #tpu.memory_space<vmem>>
    %dma_wait3A_80 = tpu.memref_squeeze %dma_wait3A_79 : memref<1x2x80xi32, #tpu.memory_space<vmem>> -> memref<2x80xi32, #tpu.memory_space<vmem>>
    %dma_wait3A_81 = arith.constant 0 : i32
    %dma_wait3A_82 = arith.constant 0 : i32
    %dma_wait3A_83 = tpu.memref_slice %arg4[%add3A, %dma_wait3A, %dma_wait3A_81, %dma_wait3A_82] : memref<32x125x2x80xi32, #tpu.memory_space<hbm>> -> memref<1x1x2x80xi32, #tpu.memory_space<hbm>>
    %dma_wait3A_84 = tpu.memref_squeeze %dma_wait3A_83 : memref<1x1x2x80xi32, #tpu.memory_space<hbm>> -> memref<2x80xi32, #tpu.memory_space<hbm>>
    tpu.wait_dma2 semaphore(%arg11 : memref<!tpu.dma_semaphore, #tpu.memory_space<semaphore_mem>>) src(%dma_wait3A_84 : memref<2x80xi32, #tpu.memory_space<hbm>>) dst(%dma_wait3A_80 : memref<2x80xi32, #tpu.memory_space<vmem>>)
    %dma_start3A_85 = arith.constant 0 : i32
    %dma_start3A_86 = arith.constant 0 : i32
    %dma_start3A_87 = arith.constant 0 : i32
    %dma_start3A_88 = arith.constant 0 : i32
    %dma_start3A_89 = arith.constant 0 : i32
    %dma_start3A_90 = tpu.memref_slice %arg8[%dma_start3A_87, %dma_start3A_88, %dma_start3A_89] : memref<2x80x128xf32, #tpu.memory_space<vmem>> -> memref<1x80x128xf32, #tpu.memory_space<vmem>>
    %dma_start3A_91 = tpu.memref_squeeze %dma_start3A_90 : memref<1x80x128xf32, #tpu.memory_space<vmem>> -> memref<80x128xf32, #tpu.memory_space<vmem>>
    %dma_start3A_92 = arith.constant 0 : i32
    %dma_start3A_93 = tpu.memref_slice %arg6[%dma_start3A_85, %dma_start3A_86, %dma_start3A_92] : memref<2x2x80xi32, #tpu.memory_space<vmem>> -> memref<1x1x80xi32, #tpu.memory_space<vmem>>
    %dma_start3A_94 = tpu.memref_squeeze %dma_start3A_93 : memref<1x1x80xi32, #tpu.memory_space<vmem>> -> memref<80xi32, #tpu.memory_space<vmem>>
    %dma_start3A_95 = arith.constant 0 : i32
    %dma_start3A_96 = arith.constant 0 : i32
    %dma_start3A_97 = tpu.memref_slice %arg2[%dma_start3A_95, %dma_start3A_96] : memref<10000x128xf32, #tpu.memory_space<hbm>> -> memref<10000x128xf32, #tpu.memory_space<hbm>>
    tpu.enqueue_indirect_dma source(%dma_start3A_97 : memref<10000x128xf32, #tpu.memory_space<hbm>>) target(%dma_start3A_91 : memref<80x128xf32, #tpu.memory_space<vmem>>) offsets(%dma_start3A_94 : memref<80xi32, #tpu.memory_space<vmem>>) semaphore(%arg15 : memref<!tpu.dma_semaphore, #tpu.memory_space<semaphore_mem>>)
    %scan3A = arith.constant 0 : i32
    %scan3A_98 = arith.constant 0 : i32
    %scan3A_99 = arith.constant 8 : i32
    %scan3A_100 = arith.addi %scan3A_98, %scan3A_99 : i32
    %scan3A_101 = arith.constant 1 : i32
    scf.for %scan3A_153 = %scan3A_98 to %scan3A_100 step %scan3A_101  : i32 {
      %broadcast_in_dim3A = arith.constant 0.000000e+00 : f32
      %broadcast_in_dim3A_154 = vector.broadcast %broadcast_in_dim3A : f32 to vector<16xf32>
      %swap3A = arith.index_cast %scan3A_153 : i32 to index
      %swap3A_155 = arith.constant 0 : index
      %swap3A_156 = tpu.vector_load %arg9[%swap3A, %swap3A_155] {strides = array<i32>} : memref<8x128xf32, #tpu.memory_space<vmem>>, vector<1x16xf32>,
      %swap3A_157 = vector.shape_cast %swap3A_156 : vector<1x16xf32> to vector<16xf32>
      %swap3A_158 = vector.shape_cast %broadcast_in_dim3A_154 : vector<16xf32> to vector<1x16xf32>
      tpu.vector_store %arg9[%swap3A, %swap3A_155], %swap3A_158 {strides = array<i32>} : memref<8x128xf32, #tpu.memory_space<vmem>>, vector<1x16xf32>,
      %broadcast_in_dim3A_159 = arith.constant 0.000000e+00 : f32
      %broadcast_in_dim3A_160 = vector.broadcast %broadcast_in_dim3A_159 : f32 to vector<16xf32>
      %swap3A_161 = arith.index_cast %scan3A_153 : i32 to index
      %swap3A_162 = arith.constant 16 : index
      %swap3A_163 = tpu.vector_load %arg9[%swap3A_161, %swap3A_162] {strides = array<i32>} : memref<8x128xf32, #tpu.memory_space<vmem>>, vector<1x16xf32>,
      %swap3A_164 = vector.shape_cast %swap3A_163 : vector<1x16xf32> to vector<16xf32>
      %swap3A_165 = vector.shape_cast %broadcast_in_dim3A_160 : vector<16xf32> to vector<1x16xf32>
      tpu.vector_store %arg9[%swap3A_161, %swap3A_162], %swap3A_165 {strides = array<i32>} : memref<8x128xf32, #tpu.memory_space<vmem>>, vector<1x16xf32>,
      %broadcast_in_dim3A_166 = arith.constant 0.000000e+00 : f32
      %broadcast_in_dim3A_167 = vector.broadcast %broadcast_in_dim3A_166 : f32 to vector<16xf32>
      %swap3A_168 = arith.index_cast %scan3A_153 : i32 to index
      %swap3A_169 = arith.constant 32 : index
      %swap3A_170 = tpu.vector_load %arg9[%swap3A_168, %swap3A_169] {strides = array<i32>} : memref<8x128xf32, #tpu.memory_space<vmem>>, vector<1x16xf32>,
      %swap3A_171 = vector.shape_cast %swap3A_170 : vector<1x16xf32> to vector<16xf32>
      %swap3A_172 = vector.shape_cast %broadcast_in_dim3A_167 : vector<16xf32> to vector<1x16xf32>
      tpu.vector_store %arg9[%swap3A_168, %swap3A_169], %swap3A_172 {strides = array<i32>} : memref<8x128xf32, #tpu.memory_space<vmem>>, vector<1x16xf32>,
      %broadcast_in_dim3A_173 = arith.constant 0.000000e+00 : f32
      %broadcast_in_dim3A_174 = vector.broadcast %broadcast_in_dim3A_173 : f32 to vector<16xf32>
      %swap3A_175 = arith.index_cast %scan3A_153 : i32 to index
      %swap3A_176 = arith.constant 48 : index
      %swap3A_177 = tpu.vector_load %arg9[%swap3A_175, %swap3A_176] {strides = array<i32>} : memref<8x128xf32, #tpu.memory_space<vmem>>, vector<1x16xf32>,
      %swap3A_178 = vector.shape_cast %swap3A_177 : vector<1x16xf32> to vector<16xf32>
      %swap3A_179 = vector.shape_cast %broadcast_in_dim3A_174 : vector<16xf32> to vector<1x16xf32>
      tpu.vector_store %arg9[%swap3A_175, %swap3A_176], %swap3A_179 {strides = array<i32>} : memref<8x128xf32, #tpu.memory_space<vmem>>, vector<1x16xf32>,
      %broadcast_in_dim3A_180 = arith.constant 0.000000e+00 : f32
      %broadcast_in_dim3A_181 = vector.broadcast %broadcast_in_dim3A_180 : f32 to vector<16xf32>
      %swap3A_182 = arith.index_cast %scan3A_153 : i32 to index
      %swap3A_183 = arith.constant 64 : index
      %swap3A_184 = tpu.vector_load %arg9[%swap3A_182, %swap3A_183] {strides = array<i32>} : memref<8x128xf32, #tpu.memory_space<vmem>>, vector<1x16xf32>,
      %swap3A_185 = vector.shape_cast %swap3A_184 : vector<1x16xf32> to vector<16xf32>
      %swap3A_186 = vector.shape_cast %broadcast_in_dim3A_181 : vector<16xf32> to vector<1x16xf32>
      tpu.vector_store %arg9[%swap3A_182, %swap3A_183], %swap3A_186 {strides = array<i32>} : memref<8x128xf32, #tpu.memory_space<vmem>>, vector<1x16xf32>,
      %broadcast_in_dim3A_187 = arith.constant 0.000000e+00 : f32
      %broadcast_in_dim3A_188 = vector.broadcast %broadcast_in_dim3A_187 : f32 to vector<16xf32>
      %swap3A_189 = arith.index_cast %scan3A_153 : i32 to index
      %swap3A_190 = arith.constant 80 : index
      %swap3A_191 = tpu.vector_load %arg9[%swap3A_189, %swap3A_190] {strides = array<i32>} : memref<8x128xf32, #tpu.memory_space<vmem>>, vector<1x16xf32>,
      %swap3A_192 = vector.shape_cast %swap3A_191 : vector<1x16xf32> to vector<16xf32>
      %swap3A_193 = vector.shape_cast %broadcast_in_dim3A_188 : vector<16xf32> to vector<1x16xf32>
      tpu.vector_store %arg9[%swap3A_189, %swap3A_190], %swap3A_193 {strides = array<i32>} : memref<8x128xf32, #tpu.memory_space<vmem>>, vector<1x16xf32>,
      %broadcast_in_dim3A_194 = arith.constant 0.000000e+00 : f32
      %broadcast_in_dim3A_195 = vector.broadcast %broadcast_in_dim3A_194 : f32 to vector<16xf32>
      %swap3A_196 = arith.index_cast %scan3A_153 : i32 to index
      %swap3A_197 = arith.constant 96 : index
      %swap3A_198 = tpu.vector_load %arg9[%swap3A_196, %swap3A_197] {strides = array<i32>} : memref<8x128xf32, #tpu.memory_space<vmem>>, vector<1x16xf32>,
      %swap3A_199 = vector.shape_cast %swap3A_198 : vector<1x16xf32> to vector<16xf32>
      %swap3A_200 = vector.shape_cast %broadcast_in_dim3A_195 : vector<16xf32> to vector<1x16xf32>
      tpu.vector_store %arg9[%swap3A_196, %swap3A_197], %swap3A_200 {strides = array<i32>} : memref<8x128xf32, #tpu.memory_space<vmem>>, vector<1x16xf32>,
      %broadcast_in_dim3A_201 = arith.constant 0.000000e+00 : f32
      %broadcast_in_dim3A_202 = vector.broadcast %broadcast_in_dim3A_201 : f32 to vector<16xf32>
      %swap3A_203 = arith.index_cast %scan3A_153 : i32 to index
      %swap3A_204 = arith.constant 112 : index
      %swap3A_205 = tpu.vector_load %arg9[%swap3A_203, %swap3A_204] {strides = array<i32>} : memref<8x128xf32, #tpu.memory_space<vmem>>, vector<1x16xf32>,
      %swap3A_206 = vector.shape_cast %swap3A_205 : vector<1x16xf32> to vector<16xf32>
      %swap3A_207 = vector.shape_cast %broadcast_in_dim3A_202 : vector<16xf32> to vector<1x16xf32>
      tpu.vector_store %arg9[%swap3A_203, %swap3A_204], %swap3A_207 {strides = array<i32>} : memref<8x128xf32, #tpu.memory_space<vmem>>, vector<1x16xf32>,
    }
    %scan3A_102 = arith.constant 8 : i32
    %lt3A = arith.constant 10 : i32
    %lt3A_103 = arith.cmpi slt, %arg1, %lt3A : i32
    %convert_element_type3A = arith.extui %lt3A_103 : i1 to i32
    %cond3A = arith.constant 0 : i32
    %cond3A_104 = arith.cmpi ne, %convert_element_type3A, %cond3A : i32
    scf.if %cond3A_104 {
      %mul3A_153 = arith.constant 1000 : i32
      %mul3A_154 = arith.muli %arg1, %mul3A_153 : i32
      %add3A_155 = arith.constant 0 : i32
      %add3A_156 = arith.addi %mul3A_154, %add3A_155 : i32
      "tpu.region"() ({
        %run_scoped3A_653 = tpu.sem_alloc : memref<!tpu.dma_semaphore, #tpu.memory_space<semaphore_mem>>
        %dma_start3A_654 = arith.constant 0 : i32
        %dma_start3A_655 = tpu.memref_slice %arg10[%add3A_156, %dma_start3A_654] : memref<10000x128xf32, #tpu.memory_space<vmem_shared>> -> memref<8x128xf32, #tpu.memory_space<vmem_shared>>
        %dma_start3A_656 = arith.constant 0 : i32
        %dma_start3A_657 = tpu.memref_slice %arg10[%add3A_156, %dma_start3A_656] : memref<10000x128xf32, #tpu.memory_space<vmem_shared>> -> memref<8x128xf32, #tpu.memory_space<vmem_shared>>
        tpu.enqueue_dma source(%arg9 : memref<8x128xf32, #tpu.memory_space<vmem>>) target(%dma_start3A_657 : memref<8x128xf32, #tpu.memory_space<vmem_shared>>) target_semaphore(%run_scoped3A_653 : memref<!tpu.dma_semaphore, #tpu.memory_space<semaphore_mem>>)
        %dma_wait3A_658 = arith.constant 0 : i32
        %dma_wait3A_659 = tpu.memref_slice %arg10[%add3A_156, %dma_wait3A_658] : memref<10000x128xf32, #tpu.memory_space<vmem_shared>> -> memref<8x128xf32, #tpu.memory_space<vmem_shared>>
        %dma_wait3A_660 = arith.constant 0 : i32
        %dma_wait3A_661 = tpu.memref_slice %arg10[%add3A_156, %dma_wait3A_660] : memref<10000x128xf32, #tpu.memory_space<vmem_shared>> -> memref<8x128xf32, #tpu.memory_space<vmem_shared>>
        tpu.wait_dma2 semaphore(%run_scoped3A_653 : memref<!tpu.dma_semaphore, #tpu.memory_space<semaphore_mem>>) src(%arg9 : memref<8x128xf32, #tpu.memory_space<vmem>>) dst(%dma_wait3A_661 : memref<8x128xf32, #tpu.memory_space<vmem_shared>>)
        tpu.yield
      }) : () -> ()
      %mul3A_157 = arith.constant 1000 : i32
      %mul3A_158 = arith.muli %arg1, %mul3A_157 : i32
      %add3A_159 = arith.constant 8 : i32
      %add3A_160 = arith.addi %mul3A_158, %add3A_159 : i32
      "tpu.region"() ({
        %run_scoped3A_653 = tpu.sem_alloc : memref<!tpu.dma_semaphore, #tpu.memory_space<semaphore_mem>>
        %dma_start3A_654 = arith.constant 0 : i32
        %dma_start3A_655 = tpu.memref_slice %arg10[%add3A_160, %dma_start3A_654] : memref<10000x128xf32, #tpu.memory_space<vmem_shared>> -> memref<8x128xf32, #tpu.memory_space<vmem_shared>>
        %dma_start3A_656 = arith.constant 0 : i32
        %dma_start3A_657 = tpu.memref_slice %arg10[%add3A_160, %dma_start3A_656] : memref<10000x128xf32, #tpu.memory_space<vmem_shared>> -> memref<8x128xf32, #tpu.memory_space<vmem_shared>>
        tpu.enqueue_dma source(%arg9 : memref<8x128xf32, #tpu.memory_space<vmem>>) target(%dma_start3A_657 : memref<8x128xf32, #tpu.memory_space<vmem_shared>>) target_semaphore(%run_scoped3A_653 : memref<!tpu.dma_semaphore, #tpu.memory_space<semaphore_mem>>)
        %dma_wait3A_658 = arith.constant 0 : i32
        %dma_wait3A_659 = tpu.memref_slice %arg10[%add3A_160, %dma_wait3A_658] : memref<10000x128xf32, #tpu.memory_space<vmem_shared>> -> memref<8x128xf32, #tpu.memory_space<vmem_shared>>
        %dma_wait3A_660 = arith.constant 0 : i32
        %dma_wait3A_661 = tpu.memref_slice %arg10[%add3A_160, %dma_wait3A_660] : memref<10000x128xf32, #tpu.memory_space<vmem_shared>> -> memref<8x128xf32, #tpu.memory_space<vmem_shared>>
        tpu.wait_dma2 semaphore(%run_scoped3A_653 : memref<!tpu.dma_semaphore, #tpu.memory_space<semaphore_mem>>) src(%arg9 : memref<8x128xf32, #tpu.memory_space<vmem>>) dst(%dma_wait3A_661 : memref<8x128xf32, #tpu.memory_space<vmem_shared>>)
        tpu.yield
      }) : () -> ()
      %mul3A_161 = arith.constant 1000 : i32
      %mul3A_162 = arith.muli %arg1, %mul3A_161 : i32
      %add3A_163 = arith.constant 16 : i32
      %add3A_164 = arith.addi %mul3A_162, %add3A_163 : i32
      "tpu.region"() ({
        %run_scoped3A_653 = tpu.sem_alloc : memref<!tpu.dma_semaphore, #tpu.memory_space<semaphore_mem>>
        %dma_start3A_654 = arith.constant 0 : i32
        %dma_start3A_655 = tpu.memref_slice %arg10[%add3A_164, %dma_start3A_654] : memref<10000x128xf32, #tpu.memory_space<vmem_shared>> -> memref<8x128xf32, #tpu.memory_space<vmem_shared>>
        %dma_start3A_656 = arith.constant 0 : i32
        %dma_start3A_657 = tpu.memref_slice %arg10[%add3A_164, %dma_start3A_656] : memref<10000x128xf32, #tpu.memory_space<vmem_shared>> -> memref<8x128xf32, #tpu.memory_space<vmem_shared>>
        tpu.enqueue_dma source(%arg9 : memref<8x128xf32, #tpu.memory_space<vmem>>) target(%dma_start3A_657 : memref<8x128xf32, #tpu.memory_space<vmem_shared>>) target_semaphore(%run_scoped3A_653 : memref<!tpu.dma_semaphore, #tpu.memory_space<semaphore_mem>>)
        %dma_wait3A_658 = arith.constant 0 : i32
        %dma_wait3A_659 = tpu.memref_slice %arg10[%add3A_164, %dma_wait3A_658] : memref<10000x128xf32, #tpu.memory_space<vmem_shared>> -> memref<8x128xf32, #tpu.memory_space<vmem_shared>>
        %dma_wait3A_660 = arith.constant 0 : i32
        %dma_wait3A_661 = tpu.memref_slice %arg10[%add3A_164, %dma_wait3A_660] : memref<10000x128xf32, #tpu.memory_space<vmem_shared>> -> memref<8x128xf32, #tpu.memory_space<vmem_shared>>
        tpu.wait_dma2 semaphore(%run_scoped3A_653 : memref<!tpu.dma_semaphore, #tpu.memory_space<semaphore_mem>>) src(%arg9 : memref<8x128xf32, #tpu.memory_space<vmem>>) dst(%dma_wait3A_661 : memref<8x128xf32, #tpu.memory_space<vmem_shared>>)
        tpu.yield
      }) : () -> ()
      %mul3A_165 = arith.constant 1000 : i32
      %mul3A_166 = arith.muli %arg1, %mul3A_165 : i32
      %add3A_167 = arith.constant 24 : i32
      %add3A_168 = arith.addi %mul3A_166, %add3A_167 : i32
      "tpu.region"() ({
        %run_scoped3A_653 = tpu.sem_alloc : memref<!tpu.dma_semaphore, #tpu.memory_space<semaphore_mem>>
        %dma_start3A_654 = arith.constant 0 : i32
        %dma_start3A_655 = tpu.memref_slice %arg10[%add3A_168, %dma_start3A_654] : memref<10000x128xf32, #tpu.memory_space<vmem_shared>> -> memref<8x128xf32, #tpu.memory_space<vmem_shared>>
        %dma_start3A_656 = arith.constant 0 : i32
        %dma_start3A_657 = tpu.memref_slice %arg10[%add3A_168, %dma_start3A_656] : memref<10000x128xf32, #tpu.memory_space<vmem_shared>> -> memref<8x128xf32, #tpu.memory_space<vmem_shared>>
        tpu.enqueue_dma source(%arg9 : memref<8x128xf32, #tpu.memory_space<vmem>>) target(%dma_start3A_657 : memref<8x128xf32, #tpu.memory_space<vmem_shared>>) target_semaphore(%run_scoped3A_653 : memref<!tpu.dma_semaphore, #tpu.memory_space<semaphore_mem>>)
        %dma_wait3A_658 = arith.constant 0 : i32
        %dma_wait3A_659 = tpu.memref_slice %arg10[%add3A_168, %dma_wait3A_658] : memref<10000x128xf32, #tpu.memory_space<vmem_shared>> -> memref<8x128xf32, #tpu.memory_space<vmem_shared>>
        %dma_wait3A_660 = arith.constant 0 : i32
        %dma_wait3A_661 = tpu.memref_slice %arg10[%add3A_168, %dma_wait3A_660] : memref<10000x128xf32, #tpu.memory_space<vmem_shared>> -> memref<8x128xf32, #tpu.memory_space<vmem_shared>>
        tpu.wait_dma2 semaphore(%run_scoped3A_653 : memref<!tpu.dma_semaphore, #tpu.memory_space<semaphore_mem>>) src(%arg9 : memref<8x128xf32, #tpu.memory_space<vmem>>) dst(%dma_wait3A_661 : memref<8x128xf32, #tpu.memory_space<vmem_shared>>)
        tpu.yield
      }) : () -> ()
      %mul3A_169 = arith.constant 1000 : i32
      %mul3A_170 = arith.muli %arg1, %mul3A_169 : i32
      %add3A_171 = arith.constant 32 : i32
      %add3A_172 = arith.addi %mul3A_170, %add3A_171 : i32
      "tpu.region"() ({
        %run_scoped3A_653 = tpu.sem_alloc : memref<!tpu.dma_semaphore, #tpu.memory_space<semaphore_mem>>
        %dma_start3A_654 = arith.constant 0 : i32
        %dma_start3A_655 = tpu.memref_slice %arg10[%add3A_172, %dma_start3A_654] : memref<10000x128xf32, #tpu.memory_space<vmem_shared>> -> memref<8x128xf32, #tpu.memory_space<vmem_shared>>
        %dma_start3A_656 = arith.constant 0 : i32
        %dma_start3A_657 = tpu.memref_slice %arg10[%add3A_172, %dma_start3A_656] : memref<10000x128xf32, #tpu.memory_space<vmem_shared>> -> memref<8x128xf32, #tpu.memory_space<vmem_shared>>
        tpu.enqueue_dma source(%arg9 : memref<8x128xf32, #tpu.memory_space<vmem>>) target(%dma_start3A_657 : memref<8x128xf32, #tpu.memory_space<vmem_shared>>) target_semaphore(%run_scoped3A_653 : memref<!tpu.dma_semaphore, #tpu.memory_space<semaphore_mem>>)
        %dma_wait3A_658 = arith.constant 0 : i32
        %dma_wait3A_659 = tpu.memref_slice %arg10[%add3A_172, %dma_wait3A_658] : memref<10000x128xf32, #tpu.memory_space<vmem_shared>> -> memref<8x128xf32, #tpu.memory_space<vmem_shared>>
        %dma_wait3A_660 = arith.constant 0 : i32
        %dma_wait3A_661 = tpu.memref_slice %arg10[%add3A_172, %dma_wait3A_660] : memref<10000x128xf32, #tpu.memory_space<vmem_shared>> -> memref<8x128xf32, #tpu.memory_space<vmem_shared>>
        tpu.wait_dma2 semaphore(%run_scoped3A_653 : memref<!tpu.dma_semaphore, #tpu.memory_space<semaphore_mem>>) src(%arg9 : memref<8x128xf32, #tpu.memory_space<vmem>>) dst(%dma_wait3A_661 : memref<8x128xf32, #tpu.memory_space<vmem_shared>>)
        tpu.yield
      }) : () -> ()
      %mul3A_173 = arith.constant 1000 : i32
      %mul3A_174 = arith.muli %arg1, %mul3A_173 : i32
      %add3A_175 = arith.constant 40 : i32
      %add3A_176 = arith.addi %mul3A_174, %add3A_175 : i32
      "tpu.region"() ({
        %run_scoped3A_653 = tpu.sem_alloc : memref<!tpu.dma_semaphore, #tpu.memory_space<semaphore_mem>>
        %dma_start3A_654 = arith.constant 0 : i32
        %dma_start3A_655 = tpu.memref_slice %arg10[%add3A_176, %dma_start3A_654] : memref<10000x128xf32, #tpu.memory_space<vmem_shared>> -> memref<8x128xf32, #tpu.memory_space<vmem_shared>>
        %dma_start3A_656 = arith.constant 0 : i32
        %dma_start3A_657 = tpu.memref_slice %arg10[%add3A_176, %dma_start3A_656] : memref<10000x128xf32, #tpu.memory_space<vmem_shared>> -> memref<8x128xf32, #tpu.memory_space<vmem_shared>>
        tpu.enqueue_dma source(%arg9 : memref<8x128xf32, #tpu.memory_space<vmem>>) target(%dma_start3A_657 : memref<8x128xf32, #tpu.memory_space<vmem_shared>>) target_semaphore(%run_scoped3A_653 : memref<!tpu.dma_semaphore, #tpu.memory_space<semaphore_mem>>)
        %dma_wait3A_658 = arith.constant 0 : i32
        %dma_wait3A_659 = tpu.memref_slice %arg10[%add3A_176, %dma_wait3A_658] : memref<10000x128xf32, #tpu.memory_space<vmem_shared>> -> memref<8x128xf32, #tpu.memory_space<vmem_shared>>
        %dma_wait3A_660 = arith.constant 0 : i32
        %dma_wait3A_661 = tpu.memref_slice %arg10[%add3A_176, %dma_wait3A_660] : memref<10000x128xf32, #tpu.memory_space<vmem_shared>> -> memref<8x128xf32, #tpu.memory_space<vmem_shared>>
        tpu.wait_dma2 semaphore(%run_scoped3A_653 : memref<!tpu.dma_semaphore, #tpu.memory_space<semaphore_mem>>) src(%arg9 : memref<8x128xf32, #tpu.memory_space<vmem>>) dst(%dma_wait3A_661 : memref<8x128xf32, #tpu.memory_space<vmem_shared>>)
        tpu.yield
      }) : () -> ()
      %mul3A_177 = arith.constant 1000 : i32
      %mul3A_178 = arith.muli %arg1, %mul3A_177 : i32
      %add3A_179 = arith.constant 48 : i32
      %add3A_180 = arith.addi %mul3A_178, %add3A_179 : i32
      "tpu.region"() ({
        %run_scoped3A_653 = tpu.sem_alloc : memref<!tpu.dma_semaphore, #tpu.memory_space<semaphore_mem>>
        %dma_start3A_654 = arith.constant 0 : i32
        %dma_start3A_655 = tpu.memref_slice %arg10[%add3A_180, %dma_start3A_654] : memref<10000x128xf32, #tpu.memory_space<vmem_shared>> -> memref<8x128xf32, #tpu.memory_space<vmem_shared>>
        %dma_start3A_656 = arith.constant 0 : i32
        %dma_start3A_657 = tpu.memref_slice %arg10[%add3A_180, %dma_start3A_656] : memref<10000x128xf32, #tpu.memory_space<vmem_shared>> -> memref<8x128xf32, #tpu.memory_space<vmem_shared>>
        tpu.enqueue_dma source(%arg9 : memref<8x128xf32, #tpu.memory_space<vmem>>) target(%dma_start3A_657 : memref<8x128xf32, #tpu.memory_space<vmem_shared>>) target_semaphore(%run_scoped3A_653 : memref<!tpu.dma_semaphore, #tpu.memory_space<semaphore_mem>>)
        %dma_wait3A_658 = arith.constant 0 : i32
        %dma_wait3A_659 = tpu.memref_slice %arg10[%add3A_180, %dma_wait3A_658] : memref<10000x128xf32, #tpu.memory_space<vmem_shared>> -> memref<8x128xf32, #tpu.memory_space<vmem_shared>>
        %dma_wait3A_660 = arith.constant 0 : i32
        %dma_wait3A_661 = tpu.memref_slice %arg10[%add3A_180, %dma_wait3A_660] : memref<10000x128xf32, #tpu.memory_space<vmem_shared>> -> memref<8x128xf32, #tpu.memory_space<vmem_shared>>
        tpu.wait_dma2 semaphore(%run_scoped3A_653 : memref<!tpu.dma_semaphore, #tpu.memory_space<semaphore_mem>>) src(%arg9 : memref<8x128xf32, #tpu.memory_space<vmem>>) dst(%dma_wait3A_661 : memref<8x128xf32, #tpu.memory_space<vmem_shared>>)
        tpu.yield
      }) : () -> ()
      %mul3A_181 = arith.constant 1000 : i32
      %mul3A_182 = arith.muli %arg1, %mul3A_181 : i32
      %add3A_183 = arith.constant 56 : i32
      %add3A_184 = arith.addi %mul3A_182, %add3A_183 : i32
      "tpu.region"() ({
        %run_scoped3A_653 = tpu.sem_alloc : memref<!tpu.dma_semaphore, #tpu.memory_space<semaphore_mem>>
        %dma_start3A_654 = arith.constant 0 : i32
        %dma_start3A_655 = tpu.memref_slice %arg10[%add3A_184, %dma_start3A_654] : memref<10000x128xf32, #tpu.memory_space<vmem_shared>> -> memref<8x128xf32, #tpu.memory_space<vmem_shared>>
        %dma_start3A_656 = arith.constant 0 : i32
        %dma_start3A_657 = tpu.memref_slice %arg10[%add3A_184, %dma_start3A_656] : memref<10000x128xf32, #tpu.memory_space<vmem_shared>> -> memref<8x128xf32, #tpu.memory_space<vmem_shared>>
        tpu.enqueue_dma source(%arg9 : memref<8x128xf32, #tpu.memory_space<vmem>>) target(%dma_start3A_657 : memref<8x128xf32, #tpu.memory_space<vmem_shared>>) target_semaphore(%run_scoped3A_653 : memref<!tpu.dma_semaphore, #tpu.memory_space<semaphore_mem>>)
        %dma_wait3A_658 = arith.constant 0 : i32
        %dma_wait3A_659 = tpu.memref_slice %arg10[%add3A_184, %dma_wait3A_658] : memref<10000x128xf32, #tpu.memory_space<vmem_shared>> -> memref<8x128xf32, #tpu.memory_space<vmem_shared>>
        %dma_wait3A_660 = arith.constant 0 : i32
        %dma_wait3A_661 = tpu.memref_slice %arg10[%add3A_184, %dma_wait3A_660] : memref<10000x128xf32, #tpu.memory_space<vmem_shared>> -> memref<8x128xf32, #tpu.memory_space<vmem_shared>>
        tpu.wait_dma2 semaphore(%run_scoped3A_653 : memref<!tpu.dma_semaphore, #tpu.memory_space<semaphore_mem>>) src(%arg9 : memref<8x128xf32, #tpu.memory_space<vmem>>) dst(%dma_wait3A_661 : memref<8x128xf32, #tpu.memory_space<vmem_shared>>)
        tpu.yield
      }) : () -> ()
      %mul3A_185 = arith.constant 1000 : i32
      %mul3A_186 = arith.muli %arg1, %mul3A_185 : i32
      %add3A_187 = arith.constant 64 : i32
      %add3A_188 = arith.addi %mul3A_186, %add3A_187 : i32
      "tpu.region"() ({
        %run_scoped3A_653 = tpu.sem_alloc : memref<!tpu.dma_semaphore, #tpu.memory_space<semaphore_mem>>
        %dma_start3A_654 = arith.constant 0 : i32
        %dma_start3A_655 = tpu.memref_slice %arg10[%add3A_188, %dma_start3A_654] : memref<10000x128xf32, #tpu.memory_space<vmem_shared>> -> memref<8x128xf32, #tpu.memory_space<vmem_shared>>
        %dma_start3A_656 = arith.constant 0 : i32
        %dma_start3A_657 = tpu.memref_slice %arg10[%add3A_188, %dma_start3A_656] : memref<10000x128xf32, #tpu.memory_space<vmem_shared>> -> memref<8x128xf32, #tpu.memory_space<vmem_shared>>
        tpu.enqueue_dma source(%arg9 : memref<8x128xf32, #tpu.memory_space<vmem>>) target(%dma_start3A_657 : memref<8x128xf32, #tpu.memory_space<vmem_shared>>) target_semaphore(%run_scoped3A_653 : memref<!tpu.dma_semaphore, #tpu.memory_space<semaphore_mem>>)
        %dma_wait3A_658 = arith.constant 0 : i32
        %dma_wait3A_659 = tpu.memref_slice %arg10[%add3A_188, %dma_wait3A_658] : memref<10000x128xf32, #tpu.memory_space<vmem_shared>> -> memref<8x128xf32, #tpu.memory_space<vmem_shared>>
        %dma_wait3A_660 = arith.constant 0 : i32
        %dma_wait3A_661 = tpu.memref_slice %arg10[%add3A_188, %dma_wait3A_660] : memref<10000x128xf32, #tpu.memory_space<vmem_shared>> -> memref<8x128xf32, #tpu.memory_space<vmem_shared>>
        tpu.wait_dma2 semaphore(%run_scoped3A_653 : memref<!tpu.dma_semaphore, #tpu.memory_space<semaphore_mem>>) src(%arg9 : memref<8x128xf32, #tpu.memory_space<vmem>>) dst(%dma_wait3A_661 : memref<8x128xf32, #tpu.memory_space<vmem_shared>>)
        tpu.yield
      }) : () -> ()
      %mul3A_189 = arith.constant 1000 : i32
      %mul3A_190 = arith.muli %arg1, %mul3A_189 : i32
      %add3A_191 = arith.constant 72 : i32
      %add3A_192 = arith.addi %mul3A_190, %add3A_191 : i32
      "tpu.region"() ({
        %run_scoped3A_653 = tpu.sem_alloc : memref<!tpu.dma_semaphore, #tpu.memory_space<semaphore_mem>>
        %dma_start3A_654 = arith.constant 0 : i32
        %dma_start3A_655 = tpu.memref_slice %arg10[%add3A_192, %dma_start3A_654] : memref<10000x128xf32, #tpu.memory_space<vmem_shared>> -> memref<8x128xf32, #tpu.memory_space<vmem_shared>>
        %dma_start3A_656 = arith.constant 0 : i32
        %dma_start3A_657 = tpu.memref_slice %arg10[%add3A_192, %dma_start3A_656] : memref<10000x128xf32, #tpu.memory_space<vmem_shared>> -> memref<8x128xf32, #tpu.memory_space<vmem_shared>>
        tpu.enqueue_dma source(%arg9 : memref<8x128xf32, #tpu.memory_space<vmem>>) target(%dma_start3A_657 : memref<8x128xf32, #tpu.memory_space<vmem_shared>>) target_semaphore(%run_scoped3A_653 : memref<!tpu.dma_semaphore, #tpu.memory_space<semaphore_mem>>)
        %dma_wait3A_658 = arith.constant 0 : i32
        %dma_wait3A_659 = tpu.memref_slice %arg10[%add3A_192, %dma_wait3A_658] : memref<10000x128xf32, #tpu.memory_space<vmem_shared>> -> memref<8x128xf32, #tpu.memory_space<vmem_shared>>
        %dma_wait3A_660 = arith.constant 0 : i32
        %dma_wait3A_661 = tpu.memref_slice %arg10[%add3A_192, %dma_wait3A_660] : memref<10000x128xf32, #tpu.memory_space<vmem_shared>> -> memref<8x128xf32, #tpu.memory_space<vmem_shared>>
        tpu.wait_dma2 semaphore(%run_scoped3A_653 : memref<!tpu.dma_semaphore, #tpu.memory_space<semaphore_mem>>) src(%arg9 : memref<8x128xf32, #tpu.memory_space<vmem>>) dst(%dma_wait3A_661 : memref<8x128xf32, #tpu.memory_space<vmem_shared>>)
        tpu.yield
      }) : () -> ()
      %mul3A_193 = arith.constant 1000 : i32
      %mul3A_194 = arith.muli %arg1, %mul3A_193 : i32
      %add3A_195 = arith.constant 80 : i32
      %add3A_196 = arith.addi %mul3A_194, %add3A_195 : i32
      "tpu.region"() ({
        %run_scoped3A_653 = tpu.sem_alloc : memref<!tpu.dma_semaphore, #tpu.memory_space<semaphore_mem>>
        %dma_start3A_654 = arith.constant 0 : i32
        %dma_start3A_655 = tpu.memref_slice %arg10[%add3A_196, %dma_start3A_654] : memref<10000x128xf32, #tpu.memory_space<vmem_shared>> -> memref<8x128xf32, #tpu.memory_space<vmem_shared>>
        %dma_start3A_656 = arith.constant 0 : i32
        %dma_start3A_657 = tpu.memref_slice %arg10[%add3A_196, %dma_start3A_656] : memref<10000x128xf32, #tpu.memory_space<vmem_shared>> -> memref<8x128xf32, #tpu.memory_space<vmem_shared>>
        tpu.enqueue_dma source(%arg9 : memref<8x128xf32, #tpu.memory_space<vmem>>) target(%dma_start3A_657 : memref<8x128xf32, #tpu.memory_space<vmem_shared>>) target_semaphore(%run_scoped3A_653 : memref<!tpu.dma_semaphore, #tpu.memory_space<semaphore_mem>>)
        %dma_wait3A_658 = arith.constant 0 : i32
        %dma_wait3A_659 = tpu.memref_slice %arg10[%add3A_196, %dma_wait3A_658] : memref<10000x128xf32, #tpu.memory_space<vmem_shared>> -> memref<8x128xf32, #tpu.memory_space<vmem_shared>>
        %dma_wait3A_660 = arith.constant 0 : i32
        %dma_wait3A_661 = tpu.memref_slice %arg10[%add3A_196, %dma_wait3A_660] : memref<10000x128xf32, #tpu.memory_space<vmem_shared>> -> memref<8x128xf32, #tpu.memory_space<vmem_shared>>
        tpu.wait_dma2 semaphore(%run_scoped3A_653 : memref<!tpu.dma_semaphore, #tpu.memory_space<semaphore_mem>>) src(%arg9 : memref<8x128xf32, #tpu.memory_space<vmem>>) dst(%dma_wait3A_661 : memref<8x128xf32, #tpu.memory_space<vmem_shared>>)
        tpu.yield
      }) : () -> ()
      %mul3A_197 = arith.constant 1000 : i32
      %mul3A_198 = arith.muli %arg1, %mul3A_197 : i32
      %add3A_199 = arith.constant 88 : i32
      %add3A_200 = arith.addi %mul3A_198, %add3A_199 : i32
      "tpu.region"() ({
        %run_scoped3A_653 = tpu.sem_alloc : memref<!tpu.dma_semaphore, #tpu.memory_space<semaphore_mem>>
        %dma_start3A_654 = arith.constant 0 : i32
        %dma_start3A_655 = tpu.memref_slice %arg10[%add3A_200, %dma_start3A_654] : memref<10000x128xf32, #tpu.memory_space<vmem_shared>> -> memref<8x128xf32, #tpu.memory_space<vmem_shared>>
        %dma_start3A_656 = arith.constant 0 : i32
        %dma_start3A_657 = tpu.memref_slice %arg10[%add3A_200, %dma_start3A_656] : memref<10000x128xf32, #tpu.memory_space<vmem_shared>> -> memref<8x128xf32, #tpu.memory_space<vmem_shared>>
        tpu.enqueue_dma source(%arg9 : memref<8x128xf32, #tpu.memory_space<vmem>>) target(%dma_start3A_657 : memref<8x128xf32, #tpu.memory_space<vmem_shared>>) target_semaphore(%run_scoped3A_653 : memref<!tpu.dma_semaphore, #tpu.memory_space<semaphore_mem>>)
        %dma_wait3A_658 = arith.constant 0 : i32
        %dma_wait3A_659 = tpu.memref_slice %arg10[%add3A_200, %dma_wait3A_658] : memref<10000x128xf32, #tpu.memory_space<vmem_shared>> -> memref<8x128xf32, #tpu.memory_space<vmem_shared>>
        %dma_wait3A_660 = arith.constant 0 : i32
        %dma_wait3A_661 = tpu.memref_slice %arg10[%add3A_200, %dma_wait3A_660] : memref<10000x128xf32, #tpu.memory_space<vmem_shared>> -> memref<8x128xf32, #tpu.memory_space<vmem_shared>>
        tpu.wait_dma2 semaphore(%run_scoped3A_653 : memref<!tpu.dma_semaphore, #tpu.memory_space<semaphore_mem>>) src(%arg9 : memref<8x128xf32, #tpu.memory_space<vmem>>) dst(%dma_wait3A_661 : memref<8x128xf32, #tpu.memory_space<vmem_shared>>)
        tpu.yield
      }) : () -> ()
      %mul3A_201 = arith.constant 1000 : i32
      %mul3A_202 = arith.muli %arg1, %mul3A_201 : i32
      %add3A_203 = arith.constant 96 : i32
      %add3A_204 = arith.addi %mul3A_202, %add3A_203 : i32
      "tpu.region"() ({
        %run_scoped3A_653 = tpu.sem_alloc : memref<!tpu.dma_semaphore, #tpu.memory_space<semaphore_mem>>
        %dma_start3A_654 = arith.constant 0 : i32
        %dma_start3A_655 = tpu.memref_slice %arg10[%add3A_204, %dma_start3A_654] : memref<10000x128xf32, #tpu.memory_space<vmem_shared>> -> memref<8x128xf32, #tpu.memory_space<vmem_shared>>
        %dma_start3A_656 = arith.constant 0 : i32
        %dma_start3A_657 = tpu.memref_slice %arg10[%add3A_204, %dma_start3A_656] : memref<10000x128xf32, #tpu.memory_space<vmem_shared>> -> memref<8x128xf32, #tpu.memory_space<vmem_shared>>
        tpu.enqueue_dma source(%arg9 : memref<8x128xf32, #tpu.memory_space<vmem>>) target(%dma_start3A_657 : memref<8x128xf32, #tpu.memory_space<vmem_shared>>) target_semaphore(%run_scoped3A_653 : memref<!tpu.dma_semaphore, #tpu.memory_space<semaphore_mem>>)
        %dma_wait3A_658 = arith.constant 0 : i32
        %dma_wait3A_659 = tpu.memref_slice %arg10[%add3A_204, %dma_wait3A_658] : memref<10000x128xf32, #tpu.memory_space<vmem_shared>> -> memref<8x128xf32, #tpu.memory_space<vmem_shared>>
        %dma_wait3A_660 = arith.constant 0 : i32
        %dma_wait3A_661 = tpu.memref_slice %arg10[%add3A_204, %dma_wait3A_660] : memref<10000x128xf32, #tpu.memory_space<vmem_shared>> -> memref<8x128xf32, #tpu.memory_space<vmem_shared>>
        tpu.wait_dma2 semaphore(%run_scoped3A_653 : memref<!tpu.dma_semaphore, #tpu.memory_space<semaphore_mem>>) src(%arg9 : memref<8x128xf32, #tpu.memory_space<vmem>>) dst(%dma_wait3A_661 : memref<8x128xf32, #tpu.memory_space<vmem_shared>>)
        tpu.yield
      }) : () -> ()
      %mul3A_205 = arith.constant 1000 : i32
      %mul3A_206 = arith.muli %arg1, %mul3A_205 : i32
      %add3A_207 = arith.constant 104 : i32
      %add3A_208 = arith.addi %mul3A_206, %add3A_207 : i32
      "tpu.region"() ({
        %run_scoped3A_653 = tpu.sem_alloc : memref<!tpu.dma_semaphore, #tpu.memory_space<semaphore_mem>>
        %dma_start3A_654 = arith.constant 0 : i32
        %dma_start3A_655 = tpu.memref_slice %arg10[%add3A_208, %dma_start3A_654] : memref<10000x128xf32, #tpu.memory_space<vmem_shared>> -> memref<8x128xf32, #tpu.memory_space<vmem_shared>>
        %dma_start3A_656 = arith.constant 0 : i32
        %dma_start3A_657 = tpu.memref_slice %arg10[%add3A_208, %dma_start3A_656] : memref<10000x128xf32, #tpu.memory_space<vmem_shared>> -> memref<8x128xf32, #tpu.memory_space<vmem_shared>>
        tpu.enqueue_dma source(%arg9 : memref<8x128xf32, #tpu.memory_space<vmem>>) target(%dma_start3A_657 : memref<8x128xf32, #tpu.memory_space<vmem_shared>>) target_semaphore(%run_scoped3A_653 : memref<!tpu.dma_semaphore, #tpu.memory_space<semaphore_mem>>)
        %dma_wait3A_658 = arith.constant 0 : i32
        %dma_wait3A_659 = tpu.memref_slice %arg10[%add3A_208, %dma_wait3A_658] : memref<10000x128xf32, #tpu.memory_space<vmem_shared>> -> memref<8x128xf32, #tpu.memory_space<vmem_shared>>
        %dma_wait3A_660 = arith.constant 0 : i32
        %dma_wait3A_661 = tpu.memref_slice %arg10[%add3A_208, %dma_wait3A_660] : memref<10000x128xf32, #tpu.memory_space<vmem_shared>> -> memref<8x128xf32, #tpu.memory_space<vmem_shared>>
        tpu.wait_dma2 semaphore(%run_scoped3A_653 : memref<!tpu.dma_semaphore, #tpu.memory_space<semaphore_mem>>) src(%arg9 : memref<8x128xf32, #tpu.memory_space<vmem>>) dst(%dma_wait3A_661 : memref<8x128xf32, #tpu.memory_space<vmem_shared>>)
        tpu.yield
      }) : () -> ()
      %mul3A_209 = arith.constant 1000 : i32
      %mul3A_210 = arith.muli %arg1, %mul3A_209 : i32
      %add3A_211 = arith.constant 112 : i32
      %add3A_212 = arith.addi %mul3A_210, %add3A_211 : i32
      "tpu.region"() ({
        %run_scoped3A_653 = tpu.sem_alloc : memref<!tpu.dma_semaphore, #tpu.memory_space<semaphore_mem>>
        %dma_start3A_654 = arith.constant 0 : i32
        %dma_start3A_655 = tpu.memref_slice %arg10[%add3A_212, %dma_start3A_654] : memref<10000x128xf32, #tpu.memory_space<vmem_shared>> -> memref<8x128xf32, #tpu.memory_space<vmem_shared>>
        %dma_start3A_656 = arith.constant 0 : i32
        %dma_start3A_657 = tpu.memref_slice %arg10[%add3A_212, %dma_start3A_656] : memref<10000x128xf32, #tpu.memory_space<vmem_shared>> -> memref<8x128xf32, #tpu.memory_space<vmem_shared>>
        tpu.enqueue_dma source(%arg9 : memref<8x128xf32, #tpu.memory_space<vmem>>) target(%dma_start3A_657 : memref<8x128xf32, #tpu.memory_space<vmem_shared>>) target_semaphore(%run_scoped3A_653 : memref<!tpu.dma_semaphore, #tpu.memory_space<semaphore_mem>>)
        %dma_wait3A_658 = arith.constant 0 : i32
        %dma_wait3A_659 = tpu.memref_slice %arg10[%add3A_212, %dma_wait3A_658] : memref<10000x128xf32, #tpu.memory_space<vmem_shared>> -> memref<8x128xf32, #tpu.memory_space<vmem_shared>>
        %dma_wait3A_660 = arith.constant 0 : i32
        %dma_wait3A_661 = tpu.memref_slice %arg10[%add3A_212, %dma_wait3A_660] : memref<10000x128xf32, #tpu.memory_space<vmem_shared>> -> memref<8x128xf32, #tpu.memory_space<vmem_shared>>
        tpu.wait_dma2 semaphore(%run_scoped3A_653 : memref<!tpu.dma_semaphore, #tpu.memory_space<semaphore_mem>>) src(%arg9 : memref<8x128xf32, #tpu.memory_space<vmem>>) dst(%dma_wait3A_661 : memref<8x128xf32, #tpu.memory_space<vmem_shared>>)
        tpu.yield
      }) : () -> ()
      %mul3A_213 = arith.constant 1000 : i32
      %mul3A_214 = arith.muli %arg1, %mul3A_213 : i32
      %add3A_215 = arith.constant 120 : i32
      %add3A_216 = arith.addi %mul3A_214, %add3A_215 : i32
      "tpu.region"() ({
        %run_scoped3A_653 = tpu.sem_alloc : memref<!tpu.dma_semaphore, #tpu.memory_space<semaphore_mem>>
        %dma_start3A_654 = arith.constant 0 : i32
        %dma_start3A_655 = tpu.memref_slice %arg10[%add3A_216, %dma_start3A_654] : memref<10000x128xf32, #tpu.memory_space<vmem_shared>> -> memref<8x128xf32, #tpu.memory_space<vmem_shared>>
        %dma_start3A_656 = arith.constant 0 : i32
        %dma_start3A_657 = tpu.memref_slice %arg10[%add3A_216, %dma_start3A_656] : memref<10000x128xf32, #tpu.memory_space<vmem_shared>> -> memref<8x128xf32, #tpu.memory_space<vmem_shared>>
        tpu.enqueue_dma source(%arg9 : memref<8x128xf32, #tpu.memory_space<vmem>>) target(%dma_start3A_657 : memref<8x128xf32, #tpu.memory_space<vmem_shared>>) target_semaphore(%run_scoped3A_653 : memref<!tpu.dma_semaphore, #tpu.memory_space<semaphore_mem>>)
        %dma_wait3A_658 = arith.constant 0 : i32
        %dma_wait3A_659 = tpu.memref_slice %arg10[%add3A_216, %dma_wait3A_658] : memref<10000x128xf32, #tpu.memory_space<vmem_shared>> -> memref<8x128xf32, #tpu.memory_space<vmem_shared>>
        %dma_wait3A_660 = arith.constant 0 : i32
        %dma_wait3A_661 = tpu.memref_slice %arg10[%add3A_216, %dma_wait3A_660] : memref<10000x128xf32, #tpu.memory_space<vmem_shared>> -> memref<8x128xf32, #tpu.memory_space<vmem_shared>>
        tpu.wait_dma2 semaphore(%run_scoped3A_653 : memref<!tpu.dma_semaphore, #tpu.memory_space<semaphore_mem>>) src(%arg9 : memref<8x128xf32, #tpu.memory_space<vmem>>) dst(%dma_wait3A_661 : memref<8x128xf32, #tpu.memory_space<vmem_shared>>)
        tpu.yield
      }) : () -> ()
      %mul3A_217 = arith.constant 1000 : i32
      %mul3A_218 = arith.muli %arg1, %mul3A_217 : i32
      %add3A_219 = arith.constant 128 : i32
      %add3A_220 = arith.addi %mul3A_218, %add3A_219 : i32
      "tpu.region"() ({
        %run_scoped3A_653 = tpu.sem_alloc : memref<!tpu.dma_semaphore, #tpu.memory_space<semaphore_mem>>
        %dma_start3A_654 = arith.constant 0 : i32
        %dma_start3A_655 = tpu.memref_slice %arg10[%add3A_220, %dma_start3A_654] : memref<10000x128xf32, #tpu.memory_space<vmem_shared>> -> memref<8x128xf32, #tpu.memory_space<vmem_shared>>
        %dma_start3A_656 = arith.constant 0 : i32
        %dma_start3A_657 = tpu.memref_slice %arg10[%add3A_220, %dma_start3A_656] : memref<10000x128xf32, #tpu.memory_space<vmem_shared>> -> memref<8x128xf32, #tpu.memory_space<vmem_shared>>
        tpu.enqueue_dma source(%arg9 : memref<8x128xf32, #tpu.memory_space<vmem>>) target(%dma_start3A_657 : memref<8x128xf32, #tpu.memory_space<vmem_shared>>) target_semaphore(%run_scoped3A_653 : memref<!tpu.dma_semaphore, #tpu.memory_space<semaphore_mem>>)
        %dma_wait3A_658 = arith.constant 0 : i32
        %dma_wait3A_659 = tpu.memref_slice %arg10[%add3A_220, %dma_wait3A_658] : memref<10000x128xf32, #tpu.memory_space<vmem_shared>> -> memref<8x128xf32, #tpu.memory_space<vmem_shared>>
        %dma_wait3A_660 = arith.constant 0 : i32
        %dma_wait3A_661 = tpu.memref_slice %arg10[%add3A_220, %dma_wait3A_660] : memref<10000x128xf32, #tpu.memory_space<vmem_shared>> -> memref<8x128xf32, #tpu.memory_space<vmem_shared>>
        tpu.wait_dma2 semaphore(%run_scoped3A_653 : memref<!tpu.dma_semaphore, #tpu.memory_space<semaphore_mem>>) src(%arg9 : memref<8x128xf32, #tpu.memory_space<vmem>>) dst(%dma_wait3A_661 : memref<8x128xf32, #tpu.memory_space<vmem_shared>>)
        tpu.yield
      }) : () -> ()
      %mul3A_221 = arith.constant 1000 : i32
      %mul3A_222 = arith.muli %arg1, %mul3A_221 : i32
      %add3A_223 = arith.constant 136 : i32
      %add3A_224 = arith.addi %mul3A_222, %add3A_223 : i32
      "tpu.region"() ({
        %run_scoped3A_653 = tpu.sem_alloc : memref<!tpu.dma_semaphore, #tpu.memory_space<semaphore_mem>>
        %dma_start3A_654 = arith.constant 0 : i32
        %dma_start3A_655 = tpu.memref_slice %arg10[%add3A_224, %dma_start3A_654] : memref<10000x128xf32, #tpu.memory_space<vmem_shared>> -> memref<8x128xf32, #tpu.memory_space<vmem_shared>>
        %dma_start3A_656 = arith.constant 0 : i32
        %dma_start3A_657 = tpu.memref_slice %arg10[%add3A_224, %dma_start3A_656] : memref<10000x128xf32, #tpu.memory_space<vmem_shared>> -> memref<8x128xf32, #tpu.memory_space<vmem_shared>>
        tpu.enqueue_dma source(%arg9 : memref<8x128xf32, #tpu.memory_space<vmem>>) target(%dma_start3A_657 : memref<8x128xf32, #tpu.memory_space<vmem_shared>>) target_semaphore(%run_scoped3A_653 : memref<!tpu.dma_semaphore, #tpu.memory_space<semaphore_mem>>)
        %dma_wait3A_658 = arith.constant 0 : i32
        %dma_wait3A_659 = tpu.memref_slice %arg10[%add3A_224, %dma_wait3A_658] : memref<10000x128xf32, #tpu.memory_space<vmem_shared>> -> memref<8x128xf32, #tpu.memory_space<vmem_shared>>
        %dma_wait3A_660 = arith.constant 0 : i32
        %dma_wait3A_661 = tpu.memref_slice %arg10[%add3A_224, %dma_wait3A_660] : memref<10000x128xf32, #tpu.memory_space<vmem_shared>> -> memref<8x128xf32, #tpu.memory_space<vmem_shared>>
        tpu.wait_dma2 semaphore(%run_scoped3A_653 : memref<!tpu.dma_semaphore, #tpu.memory_space<semaphore_mem>>) src(%arg9 : memref<8x128xf32, #tpu.memory_space<vmem>>) dst(%dma_wait3A_661 : memref<8x128xf32, #tpu.memory_space<vmem_shared>>)
        tpu.yield
      }) : () -> ()
      %mul3A_225 = arith.constant 1000 : i32
      %mul3A_226 = arith.muli %arg1, %mul3A_225 : i32
      %add3A_227 = arith.constant 144 : i32
      %add3A_228 = arith.addi %mul3A_226, %add3A_227 : i32
      "tpu.region"() ({
        %run_scoped3A_653 = tpu.sem_alloc : memref<!tpu.dma_semaphore, #tpu.memory_space<semaphore_mem>>
        %dma_start3A_654 = arith.constant 0 : i32
        %dma_start3A_655 = tpu.memref_slice %arg10[%add3A_228, %dma_start3A_654] : memref<10000x128xf32, #tpu.memory_space<vmem_shared>> -> memref<8x128xf32, #tpu.memory_space<vmem_shared>>
        %dma_start3A_656 = arith.constant 0 : i32
        %dma_start3A_657 = tpu.memref_slice %arg10[%add3A_228, %dma_start3A_656] : memref<10000x128xf32, #tpu.memory_space<vmem_shared>> -> memref<8x128xf32, #tpu.memory_space<vmem_shared>>
        tpu.enqueue_dma source(%arg9 : memref<8x128xf32, #tpu.memory_space<vmem>>) target(%dma_start3A_657 : memref<8x128xf32, #tpu.memory_space<vmem_shared>>) target_semaphore(%run_scoped3A_653 : memref<!tpu.dma_semaphore, #tpu.memory_space<semaphore_mem>>)
        %dma_wait3A_658 = arith.constant 0 : i32
        %dma_wait3A_659 = tpu.memref_slice %arg10[%add3A_228, %dma_wait3A_658] : memref<10000x128xf32, #tpu.memory_space<vmem_shared>> -> memref<8x128xf32, #tpu.memory_space<vmem_shared>>
        %dma_wait3A_660 = arith.constant 0 : i32
        %dma_wait3A_661 = tpu.memref_slice %arg10[%add3A_228, %dma_wait3A_660] : memref<10000x128xf32, #tpu.memory_space<vmem_shared>> -> memref<8x128xf32, #tpu.memory_space<vmem_shared>>
        tpu.wait_dma2 semaphore(%run_scoped3A_653 : memref<!tpu.dma_semaphore, #tpu.memory_space<semaphore_mem>>) src(%arg9 : memref<8x128xf32, #tpu.memory_space<vmem>>) dst(%dma_wait3A_661 : memref<8x128xf32, #tpu.memory_space<vmem_shared>>)
        tpu.yield
      }) : () -> ()
      %mul3A_229 = arith.constant 1000 : i32
      %mul3A_230 = arith.muli %arg1, %mul3A_229 : i32
      %add3A_231 = arith.constant 152 : i32
      %add3A_232 = arith.addi %mul3A_230, %add3A_231 : i32
      "tpu.region"() ({
        %run_scoped3A_653 = tpu.sem_alloc : memref<!tpu.dma_semaphore, #tpu.memory_space<semaphore_mem>>
        %dma_start3A_654 = arith.constant 0 : i32
        %dma_start3A_655 = tpu.memref_slice %arg10[%add3A_232, %dma_start3A_654] : memref<10000x128xf32, #tpu.memory_space<vmem_shared>> -> memref<8x128xf32, #tpu.memory_space<vmem_shared>>
        %dma_start3A_656 = arith.constant 0 : i32
        %dma_start3A_657 = tpu.memref_slice %arg10[%add3A_232, %dma_start3A_656] : memref<10000x128xf32, #tpu.memory_space<vmem_shared>> -> memref<8x128xf32, #tpu.memory_space<vmem_shared>>
        tpu.enqueue_dma source(%arg9 : memref<8x128xf32, #tpu.memory_space<vmem>>) target(%dma_start3A_657 : memref<8x128xf32, #tpu.memory_space<vmem_shared>>) target_semaphore(%run_scoped3A_653 : memref<!tpu.dma_semaphore, #tpu.memory_space<semaphore_mem>>)
        %dma_wait3A_658 = arith.constant 0 : i32
        %dma_wait3A_659 = tpu.memref_slice %arg10[%add3A_232, %dma_wait3A_658] : memref<10000x128xf32, #tpu.memory_space<vmem_shared>> -> memref<8x128xf32, #tpu.memory_space<vmem_shared>>
        %dma_wait3A_660 = arith.constant 0 : i32
        %dma_wait3A_661 = tpu.memref_slice %arg10[%add3A_232, %dma_wait3A_660] : memref<10000x128xf32, #tpu.memory_space<vmem_shared>> -> memref<8x128xf32, #tpu.memory_space<vmem_shared>>
        tpu.wait_dma2 semaphore(%run_scoped3A_653 : memref<!tpu.dma_semaphore, #tpu.memory_space<semaphore_mem>>) src(%arg9 : memref<8x128xf32, #tpu.memory_space<vmem>>) dst(%dma_wait3A_661 : memref<8x128xf32, #tpu.memory_space<vmem_shared>>)
        tpu.yield
      }) : () -> ()
      %mul3A_233 = arith.constant 1000 : i32
      %mul3A_234 = arith.muli %arg1, %mul3A_233 : i32
      %add3A_235 = arith.constant 160 : i32
      %add3A_236 = arith.addi %mul3A_234, %add3A_235 : i32
      "tpu.region"() ({
        %run_scoped3A_653 = tpu.sem_alloc : memref<!tpu.dma_semaphore, #tpu.memory_space<semaphore_mem>>
        %dma_start3A_654 = arith.constant 0 : i32
        %dma_start3A_655 = tpu.memref_slice %arg10[%add3A_236, %dma_start3A_654] : memref<10000x128xf32, #tpu.memory_space<vmem_shared>> -> memref<8x128xf32, #tpu.memory_space<vmem_shared>>
        %dma_start3A_656 = arith.constant 0 : i32
        %dma_start3A_657 = tpu.memref_slice %arg10[%add3A_236, %dma_start3A_656] : memref<10000x128xf32, #tpu.memory_space<vmem_shared>> -> memref<8x128xf32, #tpu.memory_space<vmem_shared>>
        tpu.enqueue_dma source(%arg9 : memref<8x128xf32, #tpu.memory_space<vmem>>) target(%dma_start3A_657 : memref<8x128xf32, #tpu.memory_space<vmem_shared>>) target_semaphore(%run_scoped3A_653 : memref<!tpu.dma_semaphore, #tpu.memory_space<semaphore_mem>>)
        %dma_wait3A_658 = arith.constant 0 : i32
        %dma_wait3A_659 = tpu.memref_slice %arg10[%add3A_236, %dma_wait3A_658] : memref<10000x128xf32, #tpu.memory_space<vmem_shared>> -> memref<8x128xf32, #tpu.memory_space<vmem_shared>>
        %dma_wait3A_660 = arith.constant 0 : i32
        %dma_wait3A_661 = tpu.memref_slice %arg10[%add3A_236, %dma_wait3A_660] : memref<10000x128xf32, #tpu.memory_space<vmem_shared>> -> memref<8x128xf32, #tpu.memory_space<vmem_shared>>
        tpu.wait_dma2 semaphore(%run_scoped3A_653 : memref<!tpu.dma_semaphore, #tpu.memory_space<semaphore_mem>>) src(%arg9 : memref<8x128xf32, #tpu.memory_space<vmem>>) dst(%dma_wait3A_661 : memref<8x128xf32, #tpu.memory_space<vmem_shared>>)
        tpu.yield
      }) : () -> ()
      %mul3A_237 = arith.constant 1000 : i32
      %mul3A_238 = arith.muli %arg1, %mul3A_237 : i32
      %add3A_239 = arith.constant 168 : i32
      %add3A_240 = arith.addi %mul3A_238, %add3A_239 : i32
      "tpu.region"() ({
        %run_scoped3A_653 = tpu.sem_alloc : memref<!tpu.dma_semaphore, #tpu.memory_space<semaphore_mem>>
        %dma_start3A_654 = arith.constant 0 : i32
        %dma_start3A_655 = tpu.memref_slice %arg10[%add3A_240, %dma_start3A_654] : memref<10000x128xf32, #tpu.memory_space<vmem_shared>> -> memref<8x128xf32, #tpu.memory_space<vmem_shared>>
        %dma_start3A_656 = arith.constant 0 : i32
        %dma_start3A_657 = tpu.memref_slice %arg10[%add3A_240, %dma_start3A_656] : memref<10000x128xf32, #tpu.memory_space<vmem_shared>> -> memref<8x128xf32, #tpu.memory_space<vmem_shared>>
        tpu.enqueue_dma source(%arg9 : memref<8x128xf32, #tpu.memory_space<vmem>>) target(%dma_start3A_657 : memref<8x128xf32, #tpu.memory_space<vmem_shared>>) target_semaphore(%run_scoped3A_653 : memref<!tpu.dma_semaphore, #tpu.memory_space<semaphore_mem>>)
        %dma_wait3A_658 = arith.constant 0 : i32
        %dma_wait3A_659 = tpu.memref_slice %arg10[%add3A_240, %dma_wait3A_658] : memref<10000x128xf32, #tpu.memory_space<vmem_shared>> -> memref<8x128xf32, #tpu.memory_space<vmem_shared>>
        %dma_wait3A_660 = arith.constant 0 : i32
        %dma_wait3A_661 = tpu.memref_slice %arg10[%add3A_240, %dma_wait3A_660] : memref<10000x128xf32, #tpu.memory_space<vmem_shared>> -> memref<8x128xf32, #tpu.memory_space<vmem_shared>>
        tpu.wait_dma2 semaphore(%run_scoped3A_653 : memref<!tpu.dma_semaphore, #tpu.memory_space<semaphore_mem>>) src(%arg9 : memref<8x128xf32, #tpu.memory_space<vmem>>) dst(%dma_wait3A_661 : memref<8x128xf32, #tpu.memory_space<vmem_shared>>)
        tpu.yield
      }) : () -> ()
      %mul3A_241 = arith.constant 1000 : i32
      %mul3A_242 = arith.muli %arg1, %mul3A_241 : i32
      %add3A_243 = arith.constant 176 : i32
      %add3A_244 = arith.addi %mul3A_242, %add3A_243 : i32
      "tpu.region"() ({
        %run_scoped3A_653 = tpu.sem_alloc : memref<!tpu.dma_semaphore, #tpu.memory_space<semaphore_mem>>
        %dma_start3A_654 = arith.constant 0 : i32
        %dma_start3A_655 = tpu.memref_slice %arg10[%add3A_244, %dma_start3A_654] : memref<10000x128xf32, #tpu.memory_space<vmem_shared>> -> memref<8x128xf32, #tpu.memory_space<vmem_shared>>
        %dma_start3A_656 = arith.constant 0 : i32
        %dma_start3A_657 = tpu.memref_slice %arg10[%add3A_244, %dma_start3A_656] : memref<10000x128xf32, #tpu.memory_space<vmem_shared>> -> memref<8x128xf32, #tpu.memory_space<vmem_shared>>
        tpu.enqueue_dma source(%arg9 : memref<8x128xf32, #tpu.memory_space<vmem>>) target(%dma_start3A_657 : memref<8x128xf32, #tpu.memory_space<vmem_shared>>) target_semaphore(%run_scoped3A_653 : memref<!tpu.dma_semaphore, #tpu.memory_space<semaphore_mem>>)
        %dma_wait3A_658 = arith.constant 0 : i32
        %dma_wait3A_659 = tpu.memref_slice %arg10[%add3A_244, %dma_wait3A_658] : memref<10000x128xf32, #tpu.memory_space<vmem_shared>> -> memref<8x128xf32, #tpu.memory_space<vmem_shared>>
        %dma_wait3A_660 = arith.constant 0 : i32
        %dma_wait3A_661 = tpu.memref_slice %arg10[%add3A_244, %dma_wait3A_660] : memref<10000x128xf32, #tpu.memory_space<vmem_shared>> -> memref<8x128xf32, #tpu.memory_space<vmem_shared>>
        tpu.wait_dma2 semaphore(%run_scoped3A_653 : memref<!tpu.dma_semaphore, #tpu.memory_space<semaphore_mem>>) src(%arg9 : memref<8x128xf32, #tpu.memory_space<vmem>>) dst(%dma_wait3A_661 : memref<8x128xf32, #tpu.memory_space<vmem_shared>>)
        tpu.yield
      }) : () -> ()
      %mul3A_245 = arith.constant 1000 : i32
      %mul3A_246 = arith.muli %arg1, %mul3A_245 : i32
      %add3A_247 = arith.constant 184 : i32
      %add3A_248 = arith.addi %mul3A_246, %add3A_247 : i32
      "tpu.region"() ({
        %run_scoped3A_653 = tpu.sem_alloc : memref<!tpu.dma_semaphore, #tpu.memory_space<semaphore_mem>>
        %dma_start3A_654 = arith.constant 0 : i32
        %dma_start3A_655 = tpu.memref_slice %arg10[%add3A_248, %dma_start3A_654] : memref<10000x128xf32, #tpu.memory_space<vmem_shared>> -> memref<8x128xf32, #tpu.memory_space<vmem_shared>>
        %dma_start3A_656 = arith.constant 0 : i32
        %dma_start3A_657 = tpu.memref_slice %arg10[%add3A_248, %dma_start3A_656] : memref<10000x128xf32, #tpu.memory_space<vmem_shared>> -> memref<8x128xf32, #tpu.memory_space<vmem_shared>>
        tpu.enqueue_dma source(%arg9 : memref<8x128xf32, #tpu.memory_space<vmem>>) target(%dma_start3A_657 : memref<8x128xf32, #tpu.memory_space<vmem_shared>>) target_semaphore(%run_scoped3A_653 : memref<!tpu.dma_semaphore, #tpu.memory_space<semaphore_mem>>)
        %dma_wait3A_658 = arith.constant 0 : i32
        %dma_wait3A_659 = tpu.memref_slice %arg10[%add3A_248, %dma_wait3A_658] : memref<10000x128xf32, #tpu.memory_space<vmem_shared>> -> memref<8x128xf32, #tpu.memory_space<vmem_shared>>
        %dma_wait3A_660 = arith.constant 0 : i32
        %dma_wait3A_661 = tpu.memref_slice %arg10[%add3A_248, %dma_wait3A_660] : memref<10000x128xf32, #tpu.memory_space<vmem_shared>> -> memref<8x128xf32, #tpu.memory_space<vmem_shared>>
        tpu.wait_dma2 semaphore(%run_scoped3A_653 : memref<!tpu.dma_semaphore, #tpu.memory_space<semaphore_mem>>) src(%arg9 : memref<8x128xf32, #tpu.memory_space<vmem>>) dst(%dma_wait3A_661 : memref<8x128xf32, #tpu.memory_space<vmem_shared>>)
        tpu.yield
      }) : () -> ()
      %mul3A_249 = arith.constant 1000 : i32
      %mul3A_250 = arith.muli %arg1, %mul3A_249 : i32
      %add3A_251 = arith.constant 192 : i32
      %add3A_252 = arith.addi %mul3A_250, %add3A_251 : i32
      "tpu.region"() ({
        %run_scoped3A_653 = tpu.sem_alloc : memref<!tpu.dma_semaphore, #tpu.memory_space<semaphore_mem>>
        %dma_start3A_654 = arith.constant 0 : i32
        %dma_start3A_655 = tpu.memref_slice %arg10[%add3A_252, %dma_start3A_654] : memref<10000x128xf32, #tpu.memory_space<vmem_shared>> -> memref<8x128xf32, #tpu.memory_space<vmem_shared>>
        %dma_start3A_656 = arith.constant 0 : i32
        %dma_start3A_657 = tpu.memref_slice %arg10[%add3A_252, %dma_start3A_656] : memref<10000x128xf32, #tpu.memory_space<vmem_shared>> -> memref<8x128xf32, #tpu.memory_space<vmem_shared>>
        tpu.enqueue_dma source(%arg9 : memref<8x128xf32, #tpu.memory_space<vmem>>) target(%dma_start3A_657 : memref<8x128xf32, #tpu.memory_space<vmem_shared>>) target_semaphore(%run_scoped3A_653 : memref<!tpu.dma_semaphore, #tpu.memory_space<semaphore_mem>>)
        %dma_wait3A_658 = arith.constant 0 : i32
        %dma_wait3A_659 = tpu.memref_slice %arg10[%add3A_252, %dma_wait3A_658] : memref<10000x128xf32, #tpu.memory_space<vmem_shared>> -> memref<8x128xf32, #tpu.memory_space<vmem_shared>>
        %dma_wait3A_660 = arith.constant 0 : i32
        %dma_wait3A_661 = tpu.memref_slice %arg10[%add3A_252, %dma_wait3A_660] : memref<10000x128xf32, #tpu.memory_space<vmem_shared>> -> memref<8x128xf32, #tpu.memory_space<vmem_shared>>
        tpu.wait_dma2 semaphore(%run_scoped3A_653 : memref<!tpu.dma_semaphore, #tpu.memory_space<semaphore_mem>>) src(%arg9 : memref<8x128xf32, #tpu.memory_space<vmem>>) dst(%dma_wait3A_661 : memref<8x128xf32, #tpu.memory_space<vmem_shared>>)
        tpu.yield
      }) : () -> ()
      %mul3A_253 = arith.constant 1000 : i32
      %mul3A_254 = arith.muli %arg1, %mul3A_253 : i32
      %add3A_255 = arith.constant 200 : i32
      %add3A_256 = arith.addi %mul3A_254, %add3A_255 : i32
      "tpu.region"() ({
        %run_scoped3A_653 = tpu.sem_alloc : memref<!tpu.dma_semaphore, #tpu.memory_space<semaphore_mem>>
        %dma_start3A_654 = arith.constant 0 : i32
        %dma_start3A_655 = tpu.memref_slice %arg10[%add3A_256, %dma_start3A_654] : memref<10000x128xf32, #tpu.memory_space<vmem_shared>> -> memref<8x128xf32, #tpu.memory_space<vmem_shared>>
        %dma_start3A_656 = arith.constant 0 : i32
        %dma_start3A_657 = tpu.memref_slice %arg10[%add3A_256, %dma_start3A_656] : memref<10000x128xf32, #tpu.memory_space<vmem_shared>> -> memref<8x128xf32, #tpu.memory_space<vmem_shared>>
        tpu.enqueue_dma source(%arg9 : memref<8x128xf32, #tpu.memory_space<vmem>>) target(%dma_start3A_657 : memref<8x128xf32, #tpu.memory_space<vmem_shared>>) target_semaphore(%run_scoped3A_653 : memref<!tpu.dma_semaphore, #tpu.memory_space<semaphore_mem>>)
        %dma_wait3A_658 = arith.constant 0 : i32
        %dma_wait3A_659 = tpu.memref_slice %arg10[%add3A_256, %dma_wait3A_658] : memref<10000x128xf32, #tpu.memory_space<vmem_shared>> -> memref<8x128xf32, #tpu.memory_space<vmem_shared>>
        %dma_wait3A_660 = arith.constant 0 : i32
        %dma_wait3A_661 = tpu.memref_slice %arg10[%add3A_256, %dma_wait3A_660] : memref<10000x128xf32, #tpu.memory_space<vmem_shared>> -> memref<8x128xf32, #tpu.memory_space<vmem_shared>>
        tpu.wait_dma2 semaphore(%run_scoped3A_653 : memref<!tpu.dma_semaphore, #tpu.memory_space<semaphore_mem>>) src(%arg9 : memref<8x128xf32, #tpu.memory_space<vmem>>) dst(%dma_wait3A_661 : memref<8x128xf32, #tpu.memory_space<vmem_shared>>)
        tpu.yield
      }) : () -> ()
      %mul3A_257 = arith.constant 1000 : i32
      %mul3A_258 = arith.muli %arg1, %mul3A_257 : i32
      %add3A_259 = arith.constant 208 : i32
      %add3A_260 = arith.addi %mul3A_258, %add3A_259 : i32
      "tpu.region"() ({
        %run_scoped3A_653 = tpu.sem_alloc : memref<!tpu.dma_semaphore, #tpu.memory_space<semaphore_mem>>
        %dma_start3A_654 = arith.constant 0 : i32
        %dma_start3A_655 = tpu.memref_slice %arg10[%add3A_260, %dma_start3A_654] : memref<10000x128xf32, #tpu.memory_space<vmem_shared>> -> memref<8x128xf32, #tpu.memory_space<vmem_shared>>
        %dma_start3A_656 = arith.constant 0 : i32
        %dma_start3A_657 = tpu.memref_slice %arg10[%add3A_260, %dma_start3A_656] : memref<10000x128xf32, #tpu.memory_space<vmem_shared>> -> memref<8x128xf32, #tpu.memory_space<vmem_shared>>
        tpu.enqueue_dma source(%arg9 : memref<8x128xf32, #tpu.memory_space<vmem>>) target(%dma_start3A_657 : memref<8x128xf32, #tpu.memory_space<vmem_shared>>) target_semaphore(%run_scoped3A_653 : memref<!tpu.dma_semaphore, #tpu.memory_space<semaphore_mem>>)
        %dma_wait3A_658 = arith.constant 0 : i32
        %dma_wait3A_659 = tpu.memref_slice %arg10[%add3A_260, %dma_wait3A_658] : memref<10000x128xf32, #tpu.memory_space<vmem_shared>> -> memref<8x128xf32, #tpu.memory_space<vmem_shared>>
        %dma_wait3A_660 = arith.constant 0 : i32
        %dma_wait3A_661 = tpu.memref_slice %arg10[%add3A_260, %dma_wait3A_660] : memref<10000x128xf32, #tpu.memory_space<vmem_shared>> -> memref<8x128xf32, #tpu.memory_space<vmem_shared>>
        tpu.wait_dma2 semaphore(%run_scoped3A_653 : memref<!tpu.dma_semaphore, #tpu.memory_space<semaphore_mem>>) src(%arg9 : memref<8x128xf32, #tpu.memory_space<vmem>>) dst(%dma_wait3A_661 : memref<8x128xf32, #tpu.memory_space<vmem_shared>>)
        tpu.yield
      }) : () -> ()
      %mul3A_261 = arith.constant 1000 : i32
      %mul3A_262 = arith.muli %arg1, %mul3A_261 : i32
      %add3A_263 = arith.constant 216 : i32
      %add3A_264 = arith.addi %mul3A_262, %add3A_263 : i32
      "tpu.region"() ({
        %run_scoped3A_653 = tpu.sem_alloc : memref<!tpu.dma_semaphore, #tpu.memory_space<semaphore_mem>>
        %dma_start3A_654 = arith.constant 0 : i32
        %dma_start3A_655 = tpu.memref_slice %arg10[%add3A_264, %dma_start3A_654] : memref<10000x128xf32, #tpu.memory_space<vmem_shared>> -> memref<8x128xf32, #tpu.memory_space<vmem_shared>>
        %dma_start3A_656 = arith.constant 0 : i32
        %dma_start3A_657 = tpu.memref_slice %arg10[%add3A_264, %dma_start3A_656] : memref<10000x128xf32, #tpu.memory_space<vmem_shared>> -> memref<8x128xf32, #tpu.memory_space<vmem_shared>>
        tpu.enqueue_dma source(%arg9 : memref<8x128xf32, #tpu.memory_space<vmem>>) target(%dma_start3A_657 : memref<8x128xf32, #tpu.memory_space<vmem_shared>>) target_semaphore(%run_scoped3A_653 : memref<!tpu.dma_semaphore, #tpu.memory_space<semaphore_mem>>)
        %dma_wait3A_658 = arith.constant 0 : i32
        %dma_wait3A_659 = tpu.memref_slice %arg10[%add3A_264, %dma_wait3A_658] : memref<10000x128xf32, #tpu.memory_space<vmem_shared>> -> memref<8x128xf32, #tpu.memory_space<vmem_shared>>
        %dma_wait3A_660 = arith.constant 0 : i32
        %dma_wait3A_661 = tpu.memref_slice %arg10[%add3A_264, %dma_wait3A_660] : memref<10000x128xf32, #tpu.memory_space<vmem_shared>> -> memref<8x128xf32, #tpu.memory_space<vmem_shared>>
        tpu.wait_dma2 semaphore(%run_scoped3A_653 : memref<!tpu.dma_semaphore, #tpu.memory_space<semaphore_mem>>) src(%arg9 : memref<8x128xf32, #tpu.memory_space<vmem>>) dst(%dma_wait3A_661 : memref<8x128xf32, #tpu.memory_space<vmem_shared>>)
        tpu.yield
      }) : () -> ()
      %mul3A_265 = arith.constant 1000 : i32
      %mul3A_266 = arith.muli %arg1, %mul3A_265 : i32
      %add3A_267 = arith.constant 224 : i32
      %add3A_268 = arith.addi %mul3A_266, %add3A_267 : i32
      "tpu.region"() ({
        %run_scoped3A_653 = tpu.sem_alloc : memref<!tpu.dma_semaphore, #tpu.memory_space<semaphore_mem>>
        %dma_start3A_654 = arith.constant 0 : i32
        %dma_start3A_655 = tpu.memref_slice %arg10[%add3A_268, %dma_start3A_654] : memref<10000x128xf32, #tpu.memory_space<vmem_shared>> -> memref<8x128xf32, #tpu.memory_space<vmem_shared>>
        %dma_start3A_656 = arith.constant 0 : i32
        %dma_start3A_657 = tpu.memref_slice %arg10[%add3A_268, %dma_start3A_656] : memref<10000x128xf32, #tpu.memory_space<vmem_shared>> -> memref<8x128xf32, #tpu.memory_space<vmem_shared>>
        tpu.enqueue_dma source(%arg9 : memref<8x128xf32, #tpu.memory_space<vmem>>) target(%dma_start3A_657 : memref<8x128xf32, #tpu.memory_space<vmem_shared>>) target_semaphore(%run_scoped3A_653 : memref<!tpu.dma_semaphore, #tpu.memory_space<semaphore_mem>>)
        %dma_wait3A_658 = arith.constant 0 : i32
        %dma_wait3A_659 = tpu.memref_slice %arg10[%add3A_268, %dma_wait3A_658] : memref<10000x128xf32, #tpu.memory_space<vmem_shared>> -> memref<8x128xf32, #tpu.memory_space<vmem_shared>>
        %dma_wait3A_660 = arith.constant 0 : i32
        %dma_wait3A_661 = tpu.memref_slice %arg10[%add3A_268, %dma_wait3A_660] : memref<10000x128xf32, #tpu.memory_space<vmem_shared>> -> memref<8x128xf32, #tpu.memory_space<vmem_shared>>
        tpu.wait_dma2 semaphore(%run_scoped3A_653 : memref<!tpu.dma_semaphore, #tpu.memory_space<semaphore_mem>>) src(%arg9 : memref<8x128xf32, #tpu.memory_space<vmem>>) dst(%dma_wait3A_661 : memref<8x128xf32, #tpu.memory_space<vmem_shared>>)
        tpu.yield
      }) : () -> ()
      %mul3A_269 = arith.constant 1000 : i32
      %mul3A_270 = arith.muli %arg1, %mul3A_269 : i32
      %add3A_271 = arith.constant 232 : i32
      %add3A_272 = arith.addi %mul3A_270, %add3A_271 : i32
      "tpu.region"() ({
        %run_scoped3A_653 = tpu.sem_alloc : memref<!tpu.dma_semaphore, #tpu.memory_space<semaphore_mem>>
        %dma_start3A_654 = arith.constant 0 : i32
        %dma_start3A_655 = tpu.memref_slice %arg10[%add3A_272, %dma_start3A_654] : memref<10000x128xf32, #tpu.memory_space<vmem_shared>> -> memref<8x128xf32, #tpu.memory_space<vmem_shared>>
        %dma_start3A_656 = arith.constant 0 : i32
        %dma_start3A_657 = tpu.memref_slice %arg10[%add3A_272, %dma_start3A_656] : memref<10000x128xf32, #tpu.memory_space<vmem_shared>> -> memref<8x128xf32, #tpu.memory_space<vmem_shared>>
        tpu.enqueue_dma source(%arg9 : memref<8x128xf32, #tpu.memory_space<vmem>>) target(%dma_start3A_657 : memref<8x128xf32, #tpu.memory_space<vmem_shared>>) target_semaphore(%run_scoped3A_653 : memref<!tpu.dma_semaphore, #tpu.memory_space<semaphore_mem>>)
        %dma_wait3A_658 = arith.constant 0 : i32
        %dma_wait3A_659 = tpu.memref_slice %arg10[%add3A_272, %dma_wait3A_658] : memref<10000x128xf32, #tpu.memory_space<vmem_shared>> -> memref<8x128xf32, #tpu.memory_space<vmem_shared>>
        %dma_wait3A_660 = arith.constant 0 : i32
        %dma_wait3A_661 = tpu.memref_slice %arg10[%add3A_272, %dma_wait3A_660] : memref<10000x128xf32, #tpu.memory_space<vmem_shared>> -> memref<8x128xf32, #tpu.memory_space<vmem_shared>>
        tpu.wait_dma2 semaphore(%run_scoped3A_653 : memref<!tpu.dma_semaphore, #tpu.memory_space<semaphore_mem>>) src(%arg9 : memref<8x128xf32, #tpu.memory_space<vmem>>) dst(%dma_wait3A_661 : memref<8x128xf32, #tpu.memory_space<vmem_shared>>)
        tpu.yield
      }) : () -> ()
      %mul3A_273 = arith.constant 1000 : i32
      %mul3A_274 = arith.muli %arg1, %mul3A_273 : i32
      %add3A_275 = arith.constant 240 : i32
      %add3A_276 = arith.addi %mul3A_274, %add3A_275 : i32
      "tpu.region"() ({
        %run_scoped3A_653 = tpu.sem_alloc : memref<!tpu.dma_semaphore, #tpu.memory_space<semaphore_mem>>
        %dma_start3A_654 = arith.constant 0 : i32
        %dma_start3A_655 = tpu.memref_slice %arg10[%add3A_276, %dma_start3A_654] : memref<10000x128xf32, #tpu.memory_space<vmem_shared>> -> memref<8x128xf32, #tpu.memory_space<vmem_shared>>
        %dma_start3A_656 = arith.constant 0 : i32
        %dma_start3A_657 = tpu.memref_slice %arg10[%add3A_276, %dma_start3A_656] : memref<10000x128xf32, #tpu.memory_space<vmem_shared>> -> memref<8x128xf32, #tpu.memory_space<vmem_shared>>
        tpu.enqueue_dma source(%arg9 : memref<8x128xf32, #tpu.memory_space<vmem>>) target(%dma_start3A_657 : memref<8x128xf32, #tpu.memory_space<vmem_shared>>) target_semaphore(%run_scoped3A_653 : memref<!tpu.dma_semaphore, #tpu.memory_space<semaphore_mem>>)
        %dma_wait3A_658 = arith.constant 0 : i32
        %dma_wait3A_659 = tpu.memref_slice %arg10[%add3A_276, %dma_wait3A_658] : memref<10000x128xf32, #tpu.memory_space<vmem_shared>> -> memref<8x128xf32, #tpu.memory_space<vmem_shared>>
        %dma_wait3A_660 = arith.constant 0 : i32
        %dma_wait3A_661 = tpu.memref_slice %arg10[%add3A_276, %dma_wait3A_660] : memref<10000x128xf32, #tpu.memory_space<vmem_shared>> -> memref<8x128xf32, #tpu.memory_space<vmem_shared>>
        tpu.wait_dma2 semaphore(%run_scoped3A_653 : memref<!tpu.dma_semaphore, #tpu.memory_space<semaphore_mem>>) src(%arg9 : memref<8x128xf32, #tpu.memory_space<vmem>>) dst(%dma_wait3A_661 : memref<8x128xf32, #tpu.memory_space<vmem_shared>>)
        tpu.yield
      }) : () -> ()
      %mul3A_277 = arith.constant 1000 : i32
      %mul3A_278 = arith.muli %arg1, %mul3A_277 : i32
      %add3A_279 = arith.constant 248 : i32
      %add3A_280 = arith.addi %mul3A_278, %add3A_279 : i32
      "tpu.region"() ({
        %run_scoped3A_653 = tpu.sem_alloc : memref<!tpu.dma_semaphore, #tpu.memory_space<semaphore_mem>>
        %dma_start3A_654 = arith.constant 0 : i32
        %dma_start3A_655 = tpu.memref_slice %arg10[%add3A_280, %dma_start3A_654] : memref<10000x128xf32, #tpu.memory_space<vmem_shared>> -> memref<8x128xf32, #tpu.memory_space<vmem_shared>>
        %dma_start3A_656 = arith.constant 0 : i32
        %dma_start3A_657 = tpu.memref_slice %arg10[%add3A_280, %dma_start3A_656] : memref<10000x128xf32, #tpu.memory_space<vmem_shared>> -> memref<8x128xf32, #tpu.memory_space<vmem_shared>>
        tpu.enqueue_dma source(%arg9 : memref<8x128xf32, #tpu.memory_space<vmem>>) target(%dma_start3A_657 : memref<8x128xf32, #tpu.memory_space<vmem_shared>>) target_semaphore(%run_scoped3A_653 : memref<!tpu.dma_semaphore, #tpu.memory_space<semaphore_mem>>)
        %dma_wait3A_658 = arith.constant 0 : i32
        %dma_wait3A_659 = tpu.memref_slice %arg10[%add3A_280, %dma_wait3A_658] : memref<10000x128xf32, #tpu.memory_space<vmem_shared>> -> memref<8x128xf32, #tpu.memory_space<vmem_shared>>
        %dma_wait3A_660 = arith.constant 0 : i32
        %dma_wait3A_661 = tpu.memref_slice %arg10[%add3A_280, %dma_wait3A_660] : memref<10000x128xf32, #tpu.memory_space<vmem_shared>> -> memref<8x128xf32, #tpu.memory_space<vmem_shared>>
        tpu.wait_dma2 semaphore(%run_scoped3A_653 : memref<!tpu.dma_semaphore, #tpu.memory_space<semaphore_mem>>) src(%arg9 : memref<8x128xf32, #tpu.memory_space<vmem>>) dst(%dma_wait3A_661 : memref<8x128xf32, #tpu.memory_space<vmem_shared>>)
        tpu.yield
      }) : () -> ()
      %mul3A_281 = arith.constant 1000 : i32
      %mul3A_282 = arith.muli %arg1, %mul3A_281 : i32
      %add3A_283 = arith.constant 256 : i32
      %add3A_284 = arith.addi %mul3A_282, %add3A_283 : i32
      "tpu.region"() ({
        %run_scoped3A_653 = tpu.sem_alloc : memref<!tpu.dma_semaphore, #tpu.memory_space<semaphore_mem>>
        %dma_start3A_654 = arith.constant 0 : i32
        %dma_start3A_655 = tpu.memref_slice %arg10[%add3A_284, %dma_start3A_654] : memref<10000x128xf32, #tpu.memory_space<vmem_shared>> -> memref<8x128xf32, #tpu.memory_space<vmem_shared>>
        %dma_start3A_656 = arith.constant 0 : i32
        %dma_start3A_657 = tpu.memref_slice %arg10[%add3A_284, %dma_start3A_656] : memref<10000x128xf32, #tpu.memory_space<vmem_shared>> -> memref<8x128xf32, #tpu.memory_space<vmem_shared>>
        tpu.enqueue_dma source(%arg9 : memref<8x128xf32, #tpu.memory_space<vmem>>) target(%dma_start3A_657 : memref<8x128xf32, #tpu.memory_space<vmem_shared>>) target_semaphore(%run_scoped3A_653 : memref<!tpu.dma_semaphore, #tpu.memory_space<semaphore_mem>>)
        %dma_wait3A_658 = arith.constant 0 : i32
        %dma_wait3A_659 = tpu.memref_slice %arg10[%add3A_284, %dma_wait3A_658] : memref<10000x128xf32, #tpu.memory_space<vmem_shared>> -> memref<8x128xf32, #tpu.memory_space<vmem_shared>>
        %dma_wait3A_660 = arith.constant 0 : i32
        %dma_wait3A_661 = tpu.memref_slice %arg10[%add3A_284, %dma_wait3A_660] : memref<10000x128xf32, #tpu.memory_space<vmem_shared>> -> memref<8x128xf32, #tpu.memory_space<vmem_shared>>
        tpu.wait_dma2 semaphore(%run_scoped3A_653 : memref<!tpu.dma_semaphore, #tpu.memory_space<semaphore_mem>>) src(%arg9 : memref<8x128xf32, #tpu.memory_space<vmem>>) dst(%dma_wait3A_661 : memref<8x128xf32, #tpu.memory_space<vmem_shared>>)
        tpu.yield
      }) : () -> ()
      %mul3A_285 = arith.constant 1000 : i32
      %mul3A_286 = arith.muli %arg1, %mul3A_285 : i32
      %add3A_287 = arith.constant 264 : i32
      %add3A_288 = arith.addi %mul3A_286, %add3A_287 : i32
      "tpu.region"() ({
        %run_scoped3A_653 = tpu.sem_alloc : memref<!tpu.dma_semaphore, #tpu.memory_space<semaphore_mem>>
        %dma_start3A_654 = arith.constant 0 : i32
        %dma_start3A_655 = tpu.memref_slice %arg10[%add3A_288, %dma_start3A_654] : memref<10000x128xf32, #tpu.memory_space<vmem_shared>> -> memref<8x128xf32, #tpu.memory_space<vmem_shared>>
        %dma_start3A_656 = arith.constant 0 : i32
        %dma_start3A_657 = tpu.memref_slice %arg10[%add3A_288, %dma_start3A_656] : memref<10000x128xf32, #tpu.memory_space<vmem_shared>> -> memref<8x128xf32, #tpu.memory_space<vmem_shared>>
        tpu.enqueue_dma source(%arg9 : memref<8x128xf32, #tpu.memory_space<vmem>>) target(%dma_start3A_657 : memref<8x128xf32, #tpu.memory_space<vmem_shared>>) target_semaphore(%run_scoped3A_653 : memref<!tpu.dma_semaphore, #tpu.memory_space<semaphore_mem>>)
        %dma_wait3A_658 = arith.constant 0 : i32
        %dma_wait3A_659 = tpu.memref_slice %arg10[%add3A_288, %dma_wait3A_658] : memref<10000x128xf32, #tpu.memory_space<vmem_shared>> -> memref<8x128xf32, #tpu.memory_space<vmem_shared>>
        %dma_wait3A_660 = arith.constant 0 : i32
        %dma_wait3A_661 = tpu.memref_slice %arg10[%add3A_288, %dma_wait3A_660] : memref<10000x128xf32, #tpu.memory_space<vmem_shared>> -> memref<8x128xf32, #tpu.memory_space<vmem_shared>>
        tpu.wait_dma2 semaphore(%run_scoped3A_653 : memref<!tpu.dma_semaphore, #tpu.memory_space<semaphore_mem>>) src(%arg9 : memref<8x128xf32, #tpu.memory_space<vmem>>) dst(%dma_wait3A_661 : memref<8x128xf32, #tpu.memory_space<vmem_shared>>)
        tpu.yield
      }) : () -> ()
      %mul3A_289 = arith.constant 1000 : i32
      %mul3A_290 = arith.muli %arg1, %mul3A_289 : i32
      %add3A_291 = arith.constant 272 : i32
      %add3A_292 = arith.addi %mul3A_290, %add3A_291 : i32
      "tpu.region"() ({
        %run_scoped3A_653 = tpu.sem_alloc : memref<!tpu.dma_semaphore, #tpu.memory_space<semaphore_mem>>
        %dma_start3A_654 = arith.constant 0 : i32
        %dma_start3A_655 = tpu.memref_slice %arg10[%add3A_292, %dma_start3A_654] : memref<10000x128xf32, #tpu.memory_space<vmem_shared>> -> memref<8x128xf32, #tpu.memory_space<vmem_shared>>
        %dma_start3A_656 = arith.constant 0 : i32
        %dma_start3A_657 = tpu.memref_slice %arg10[%add3A_292, %dma_start3A_656] : memref<10000x128xf32, #tpu.memory_space<vmem_shared>> -> memref<8x128xf32, #tpu.memory_space<vmem_shared>>
        tpu.enqueue_dma source(%arg9 : memref<8x128xf32, #tpu.memory_space<vmem>>) target(%dma_start3A_657 : memref<8x128xf32, #tpu.memory_space<vmem_shared>>) target_semaphore(%run_scoped3A_653 : memref<!tpu.dma_semaphore, #tpu.memory_space<semaphore_mem>>)
        %dma_wait3A_658 = arith.constant 0 : i32
        %dma_wait3A_659 = tpu.memref_slice %arg10[%add3A_292, %dma_wait3A_658] : memref<10000x128xf32, #tpu.memory_space<vmem_shared>> -> memref<8x128xf32, #tpu.memory_space<vmem_shared>>
        %dma_wait3A_660 = arith.constant 0 : i32
        %dma_wait3A_661 = tpu.memref_slice %arg10[%add3A_292, %dma_wait3A_660] : memref<10000x128xf32, #tpu.memory_space<vmem_shared>> -> memref<8x128xf32, #tpu.memory_space<vmem_shared>>
        tpu.wait_dma2 semaphore(%run_scoped3A_653 : memref<!tpu.dma_semaphore, #tpu.memory_space<semaphore_mem>>) src(%arg9 : memref<8x128xf32, #tpu.memory_space<vmem>>) dst(%dma_wait3A_661 : memref<8x128xf32, #tpu.memory_space<vmem_shared>>)
        tpu.yield
      }) : () -> ()
      %mul3A_293 = arith.constant 1000 : i32
      %mul3A_294 = arith.muli %arg1, %mul3A_293 : i32
      %add3A_295 = arith.constant 280 : i32
      %add3A_296 = arith.addi %mul3A_294, %add3A_295 : i32
      "tpu.region"() ({
        %run_scoped3A_653 = tpu.sem_alloc : memref<!tpu.dma_semaphore, #tpu.memory_space<semaphore_mem>>
        %dma_start3A_654 = arith.constant 0 : i32
        %dma_start3A_655 = tpu.memref_slice %arg10[%add3A_296, %dma_start3A_654] : memref<10000x128xf32, #tpu.memory_space<vmem_shared>> -> memref<8x128xf32, #tpu.memory_space<vmem_shared>>
        %dma_start3A_656 = arith.constant 0 : i32
        %dma_start3A_657 = tpu.memref_slice %arg10[%add3A_296, %dma_start3A_656] : memref<10000x128xf32, #tpu.memory_space<vmem_shared>> -> memref<8x128xf32, #tpu.memory_space<vmem_shared>>
        tpu.enqueue_dma source(%arg9 : memref<8x128xf32, #tpu.memory_space<vmem>>) target(%dma_start3A_657 : memref<8x128xf32, #tpu.memory_space<vmem_shared>>) target_semaphore(%run_scoped3A_653 : memref<!tpu.dma_semaphore, #tpu.memory_space<semaphore_mem>>)
        %dma_wait3A_658 = arith.constant 0 : i32
        %dma_wait3A_659 = tpu.memref_slice %arg10[%add3A_296, %dma_wait3A_658] : memref<10000x128xf32, #tpu.memory_space<vmem_shared>> -> memref<8x128xf32, #tpu.memory_space<vmem_shared>>
        %dma_wait3A_660 = arith.constant 0 : i32
        %dma_wait3A_661 = tpu.memref_slice %arg10[%add3A_296, %dma_wait3A_660] : memref<10000x128xf32, #tpu.memory_space<vmem_shared>> -> memref<8x128xf32, #tpu.memory_space<vmem_shared>>
        tpu.wait_dma2 semaphore(%run_scoped3A_653 : memref<!tpu.dma_semaphore, #tpu.memory_space<semaphore_mem>>) src(%arg9 : memref<8x128xf32, #tpu.memory_space<vmem>>) dst(%dma_wait3A_661 : memref<8x128xf32, #tpu.memory_space<vmem_shared>>)
        tpu.yield
      }) : () -> ()
      %mul3A_297 = arith.constant 1000 : i32
      %mul3A_298 = arith.muli %arg1, %mul3A_297 : i32
      %add3A_299 = arith.constant 288 : i32
      %add3A_300 = arith.addi %mul3A_298, %add3A_299 : i32
      "tpu.region"() ({
        %run_scoped3A_653 = tpu.sem_alloc : memref<!tpu.dma_semaphore, #tpu.memory_space<semaphore_mem>>
        %dma_start3A_654 = arith.constant 0 : i32
        %dma_start3A_655 = tpu.memref_slice %arg10[%add3A_300, %dma_start3A_654] : memref<10000x128xf32, #tpu.memory_space<vmem_shared>> -> memref<8x128xf32, #tpu.memory_space<vmem_shared>>
        %dma_start3A_656 = arith.constant 0 : i32
        %dma_start3A_657 = tpu.memref_slice %arg10[%add3A_300, %dma_start3A_656] : memref<10000x128xf32, #tpu.memory_space<vmem_shared>> -> memref<8x128xf32, #tpu.memory_space<vmem_shared>>
        tpu.enqueue_dma source(%arg9 : memref<8x128xf32, #tpu.memory_space<vmem>>) target(%dma_start3A_657 : memref<8x128xf32, #tpu.memory_space<vmem_shared>>) target_semaphore(%run_scoped3A_653 : memref<!tpu.dma_semaphore, #tpu.memory_space<semaphore_mem>>)
        %dma_wait3A_658 = arith.constant 0 : i32
        %dma_wait3A_659 = tpu.memref_slice %arg10[%add3A_300, %dma_wait3A_658] : memref<10000x128xf32, #tpu.memory_space<vmem_shared>> -> memref<8x128xf32, #tpu.memory_space<vmem_shared>>
        %dma_wait3A_660 = arith.constant 0 : i32
        %dma_wait3A_661 = tpu.memref_slice %arg10[%add3A_300, %dma_wait3A_660] : memref<10000x128xf32, #tpu.memory_space<vmem_shared>> -> memref<8x128xf32, #tpu.memory_space<vmem_shared>>
        tpu.wait_dma2 semaphore(%run_scoped3A_653 : memref<!tpu.dma_semaphore, #tpu.memory_space<semaphore_mem>>) src(%arg9 : memref<8x128xf32, #tpu.memory_space<vmem>>) dst(%dma_wait3A_661 : memref<8x128xf32, #tpu.memory_space<vmem_shared>>)
        tpu.yield
      }) : () -> ()
      %mul3A_301 = arith.constant 1000 : i32
      %mul3A_302 = arith.muli %arg1, %mul3A_301 : i32
      %add3A_303 = arith.constant 296 : i32
      %add3A_304 = arith.addi %mul3A_302, %add3A_303 : i32
      "tpu.region"() ({
        %run_scoped3A_653 = tpu.sem_alloc : memref<!tpu.dma_semaphore, #tpu.memory_space<semaphore_mem>>
        %dma_start3A_654 = arith.constant 0 : i32
        %dma_start3A_655 = tpu.memref_slice %arg10[%add3A_304, %dma_start3A_654] : memref<10000x128xf32, #tpu.memory_space<vmem_shared>> -> memref<8x128xf32, #tpu.memory_space<vmem_shared>>
        %dma_start3A_656 = arith.constant 0 : i32
        %dma_start3A_657 = tpu.memref_slice %arg10[%add3A_304, %dma_start3A_656] : memref<10000x128xf32, #tpu.memory_space<vmem_shared>> -> memref<8x128xf32, #tpu.memory_space<vmem_shared>>
        tpu.enqueue_dma source(%arg9 : memref<8x128xf32, #tpu.memory_space<vmem>>) target(%dma_start3A_657 : memref<8x128xf32, #tpu.memory_space<vmem_shared>>) target_semaphore(%run_scoped3A_653 : memref<!tpu.dma_semaphore, #tpu.memory_space<semaphore_mem>>)
        %dma_wait3A_658 = arith.constant 0 : i32
        %dma_wait3A_659 = tpu.memref_slice %arg10[%add3A_304, %dma_wait3A_658] : memref<10000x128xf32, #tpu.memory_space<vmem_shared>> -> memref<8x128xf32, #tpu.memory_space<vmem_shared>>
        %dma_wait3A_660 = arith.constant 0 : i32
        %dma_wait3A_661 = tpu.memref_slice %arg10[%add3A_304, %dma_wait3A_660] : memref<10000x128xf32, #tpu.memory_space<vmem_shared>> -> memref<8x128xf32, #tpu.memory_space<vmem_shared>>
        tpu.wait_dma2 semaphore(%run_scoped3A_653 : memref<!tpu.dma_semaphore, #tpu.memory_space<semaphore_mem>>) src(%arg9 : memref<8x128xf32, #tpu.memory_space<vmem>>) dst(%dma_wait3A_661 : memref<8x128xf32, #tpu.memory_space<vmem_shared>>)
        tpu.yield
      }) : () -> ()
      %mul3A_305 = arith.constant 1000 : i32
      %mul3A_306 = arith.muli %arg1, %mul3A_305 : i32
      %add3A_307 = arith.constant 304 : i32
      %add3A_308 = arith.addi %mul3A_306, %add3A_307 : i32
      "tpu.region"() ({
        %run_scoped3A_653 = tpu.sem_alloc : memref<!tpu.dma_semaphore, #tpu.memory_space<semaphore_mem>>
        %dma_start3A_654 = arith.constant 0 : i32
        %dma_start3A_655 = tpu.memref_slice %arg10[%add3A_308, %dma_start3A_654] : memref<10000x128xf32, #tpu.memory_space<vmem_shared>> -> memref<8x128xf32, #tpu.memory_space<vmem_shared>>
        %dma_start3A_656 = arith.constant 0 : i32
        %dma_start3A_657 = tpu.memref_slice %arg10[%add3A_308, %dma_start3A_656] : memref<10000x128xf32, #tpu.memory_space<vmem_shared>> -> memref<8x128xf32, #tpu.memory_space<vmem_shared>>
        tpu.enqueue_dma source(%arg9 : memref<8x128xf32, #tpu.memory_space<vmem>>) target(%dma_start3A_657 : memref<8x128xf32, #tpu.memory_space<vmem_shared>>) target_semaphore(%run_scoped3A_653 : memref<!tpu.dma_semaphore, #tpu.memory_space<semaphore_mem>>)
        %dma_wait3A_658 = arith.constant 0 : i32
        %dma_wait3A_659 = tpu.memref_slice %arg10[%add3A_308, %dma_wait3A_658] : memref<10000x128xf32, #tpu.memory_space<vmem_shared>> -> memref<8x128xf32, #tpu.memory_space<vmem_shared>>
        %dma_wait3A_660 = arith.constant 0 : i32
        %dma_wait3A_661 = tpu.memref_slice %arg10[%add3A_308, %dma_wait3A_660] : memref<10000x128xf32, #tpu.memory_space<vmem_shared>> -> memref<8x128xf32, #tpu.memory_space<vmem_shared>>
        tpu.wait_dma2 semaphore(%run_scoped3A_653 : memref<!tpu.dma_semaphore, #tpu.memory_space<semaphore_mem>>) src(%arg9 : memref<8x128xf32, #tpu.memory_space<vmem>>) dst(%dma_wait3A_661 : memref<8x128xf32, #tpu.memory_space<vmem_shared>>)
        tpu.yield
      }) : () -> ()
      %mul3A_309 = arith.constant 1000 : i32
      %mul3A_310 = arith.muli %arg1, %mul3A_309 : i32
      %add3A_311 = arith.constant 312 : i32
      %add3A_312 = arith.addi %mul3A_310, %add3A_311 : i32
      "tpu.region"() ({
        %run_scoped3A_653 = tpu.sem_alloc : memref<!tpu.dma_semaphore, #tpu.memory_space<semaphore_mem>>
        %dma_start3A_654 = arith.constant 0 : i32
        %dma_start3A_655 = tpu.memref_slice %arg10[%add3A_312, %dma_start3A_654] : memref<10000x128xf32, #tpu.memory_space<vmem_shared>> -> memref<8x128xf32, #tpu.memory_space<vmem_shared>>
        %dma_start3A_656 = arith.constant 0 : i32
        %dma_start3A_657 = tpu.memref_slice %arg10[%add3A_312, %dma_start3A_656] : memref<10000x128xf32, #tpu.memory_space<vmem_shared>> -> memref<8x128xf32, #tpu.memory_space<vmem_shared>>
        tpu.enqueue_dma source(%arg9 : memref<8x128xf32, #tpu.memory_space<vmem>>) target(%dma_start3A_657 : memref<8x128xf32, #tpu.memory_space<vmem_shared>>) target_semaphore(%run_scoped3A_653 : memref<!tpu.dma_semaphore, #tpu.memory_space<semaphore_mem>>)
        %dma_wait3A_658 = arith.constant 0 : i32
        %dma_wait3A_659 = tpu.memref_slice %arg10[%add3A_312, %dma_wait3A_658] : memref<10000x128xf32, #tpu.memory_space<vmem_shared>> -> memref<8x128xf32, #tpu.memory_space<vmem_shared>>
        %dma_wait3A_660 = arith.constant 0 : i32
        %dma_wait3A_661 = tpu.memref_slice %arg10[%add3A_312, %dma_wait3A_660] : memref<10000x128xf32, #tpu.memory_space<vmem_shared>> -> memref<8x128xf32, #tpu.memory_space<vmem_shared>>
        tpu.wait_dma2 semaphore(%run_scoped3A_653 : memref<!tpu.dma_semaphore, #tpu.memory_space<semaphore_mem>>) src(%arg9 : memref<8x128xf32, #tpu.memory_space<vmem>>) dst(%dma_wait3A_661 : memref<8x128xf32, #tpu.memory_space<vmem_shared>>)
        tpu.yield
      }) : () -> ()
      %mul3A_313 = arith.constant 1000 : i32
      %mul3A_314 = arith.muli %arg1, %mul3A_313 : i32
      %add3A_315 = arith.constant 320 : i32
      %add3A_316 = arith.addi %mul3A_314, %add3A_315 : i32
      "tpu.region"() ({
        %run_scoped3A_653 = tpu.sem_alloc : memref<!tpu.dma_semaphore, #tpu.memory_space<semaphore_mem>>
        %dma_start3A_654 = arith.constant 0 : i32
        %dma_start3A_655 = tpu.memref_slice %arg10[%add3A_316, %dma_start3A_654] : memref<10000x128xf32, #tpu.memory_space<vmem_shared>> -> memref<8x128xf32, #tpu.memory_space<vmem_shared>>
        %dma_start3A_656 = arith.constant 0 : i32
        %dma_start3A_657 = tpu.memref_slice %arg10[%add3A_316, %dma_start3A_656] : memref<10000x128xf32, #tpu.memory_space<vmem_shared>> -> memref<8x128xf32, #tpu.memory_space<vmem_shared>>
        tpu.enqueue_dma source(%arg9 : memref<8x128xf32, #tpu.memory_space<vmem>>) target(%dma_start3A_657 : memref<8x128xf32, #tpu.memory_space<vmem_shared>>) target_semaphore(%run_scoped3A_653 : memref<!tpu.dma_semaphore, #tpu.memory_space<semaphore_mem>>)
        %dma_wait3A_658 = arith.constant 0 : i32
        %dma_wait3A_659 = tpu.memref_slice %arg10[%add3A_316, %dma_wait3A_658] : memref<10000x128xf32, #tpu.memory_space<vmem_shared>> -> memref<8x128xf32, #tpu.memory_space<vmem_shared>>
        %dma_wait3A_660 = arith.constant 0 : i32
        %dma_wait3A_661 = tpu.memref_slice %arg10[%add3A_316, %dma_wait3A_660] : memref<10000x128xf32, #tpu.memory_space<vmem_shared>> -> memref<8x128xf32, #tpu.memory_space<vmem_shared>>
        tpu.wait_dma2 semaphore(%run_scoped3A_653 : memref<!tpu.dma_semaphore, #tpu.memory_space<semaphore_mem>>) src(%arg9 : memref<8x128xf32, #tpu.memory_space<vmem>>) dst(%dma_wait3A_661 : memref<8x128xf32, #tpu.memory_space<vmem_shared>>)
        tpu.yield
      }) : () -> ()
      %mul3A_317 = arith.constant 1000 : i32
      %mul3A_318 = arith.muli %arg1, %mul3A_317 : i32
      %add3A_319 = arith.constant 328 : i32
      %add3A_320 = arith.addi %mul3A_318, %add3A_319 : i32
      "tpu.region"() ({
        %run_scoped3A_653 = tpu.sem_alloc : memref<!tpu.dma_semaphore, #tpu.memory_space<semaphore_mem>>
        %dma_start3A_654 = arith.constant 0 : i32
        %dma_start3A_655 = tpu.memref_slice %arg10[%add3A_320, %dma_start3A_654] : memref<10000x128xf32, #tpu.memory_space<vmem_shared>> -> memref<8x128xf32, #tpu.memory_space<vmem_shared>>
        %dma_start3A_656 = arith.constant 0 : i32
        %dma_start3A_657 = tpu.memref_slice %arg10[%add3A_320, %dma_start3A_656] : memref<10000x128xf32, #tpu.memory_space<vmem_shared>> -> memref<8x128xf32, #tpu.memory_space<vmem_shared>>
        tpu.enqueue_dma source(%arg9 : memref<8x128xf32, #tpu.memory_space<vmem>>) target(%dma_start3A_657 : memref<8x128xf32, #tpu.memory_space<vmem_shared>>) target_semaphore(%run_scoped3A_653 : memref<!tpu.dma_semaphore, #tpu.memory_space<semaphore_mem>>)
        %dma_wait3A_658 = arith.constant 0 : i32
        %dma_wait3A_659 = tpu.memref_slice %arg10[%add3A_320, %dma_wait3A_658] : memref<10000x128xf32, #tpu.memory_space<vmem_shared>> -> memref<8x128xf32, #tpu.memory_space<vmem_shared>>
        %dma_wait3A_660 = arith.constant 0 : i32
        %dma_wait3A_661 = tpu.memref_slice %arg10[%add3A_320, %dma_wait3A_660] : memref<10000x128xf32, #tpu.memory_space<vmem_shared>> -> memref<8x128xf32, #tpu.memory_space<vmem_shared>>
        tpu.wait_dma2 semaphore(%run_scoped3A_653 : memref<!tpu.dma_semaphore, #tpu.memory_space<semaphore_mem>>) src(%arg9 : memref<8x128xf32, #tpu.memory_space<vmem>>) dst(%dma_wait3A_661 : memref<8x128xf32, #tpu.memory_space<vmem_shared>>)
        tpu.yield
      }) : () -> ()
      %mul3A_321 = arith.constant 1000 : i32
      %mul3A_322 = arith.muli %arg1, %mul3A_321 : i32
      %add3A_323 = arith.constant 336 : i32
      %add3A_324 = arith.addi %mul3A_322, %add3A_323 : i32
      "tpu.region"() ({
        %run_scoped3A_653 = tpu.sem_alloc : memref<!tpu.dma_semaphore, #tpu.memory_space<semaphore_mem>>
        %dma_start3A_654 = arith.constant 0 : i32
        %dma_start3A_655 = tpu.memref_slice %arg10[%add3A_324, %dma_start3A_654] : memref<10000x128xf32, #tpu.memory_space<vmem_shared>> -> memref<8x128xf32, #tpu.memory_space<vmem_shared>>
        %dma_start3A_656 = arith.constant 0 : i32
        %dma_start3A_657 = tpu.memref_slice %arg10[%add3A_324, %dma_start3A_656] : memref<10000x128xf32, #tpu.memory_space<vmem_shared>> -> memref<8x128xf32, #tpu.memory_space<vmem_shared>>
        tpu.enqueue_dma source(%arg9 : memref<8x128xf32, #tpu.memory_space<vmem>>) target(%dma_start3A_657 : memref<8x128xf32, #tpu.memory_space<vmem_shared>>) target_semaphore(%run_scoped3A_653 : memref<!tpu.dma_semaphore, #tpu.memory_space<semaphore_mem>>)
        %dma_wait3A_658 = arith.constant 0 : i32
        %dma_wait3A_659 = tpu.memref_slice %arg10[%add3A_324, %dma_wait3A_658] : memref<10000x128xf32, #tpu.memory_space<vmem_shared>> -> memref<8x128xf32, #tpu.memory_space<vmem_shared>>
        %dma_wait3A_660 = arith.constant 0 : i32
        %dma_wait3A_661 = tpu.memref_slice %arg10[%add3A_324, %dma_wait3A_660] : memref<10000x128xf32, #tpu.memory_space<vmem_shared>> -> memref<8x128xf32, #tpu.memory_space<vmem_shared>>
        tpu.wait_dma2 semaphore(%run_scoped3A_653 : memref<!tpu.dma_semaphore, #tpu.memory_space<semaphore_mem>>) src(%arg9 : memref<8x128xf32, #tpu.memory_space<vmem>>) dst(%dma_wait3A_661 : memref<8x128xf32, #tpu.memory_space<vmem_shared>>)
        tpu.yield
      }) : () -> ()
      %mul3A_325 = arith.constant 1000 : i32
      %mul3A_326 = arith.muli %arg1, %mul3A_325 : i32
      %add3A_327 = arith.constant 344 : i32
      %add3A_328 = arith.addi %mul3A_326, %add3A_327 : i32
      "tpu.region"() ({
        %run_scoped3A_653 = tpu.sem_alloc : memref<!tpu.dma_semaphore, #tpu.memory_space<semaphore_mem>>
        %dma_start3A_654 = arith.constant 0 : i32
        %dma_start3A_655 = tpu.memref_slice %arg10[%add3A_328, %dma_start3A_654] : memref<10000x128xf32, #tpu.memory_space<vmem_shared>> -> memref<8x128xf32, #tpu.memory_space<vmem_shared>>
        %dma_start3A_656 = arith.constant 0 : i32
        %dma_start3A_657 = tpu.memref_slice %arg10[%add3A_328, %dma_start3A_656] : memref<10000x128xf32, #tpu.memory_space<vmem_shared>> -> memref<8x128xf32, #tpu.memory_space<vmem_shared>>
        tpu.enqueue_dma source(%arg9 : memref<8x128xf32, #tpu.memory_space<vmem>>) target(%dma_start3A_657 : memref<8x128xf32, #tpu.memory_space<vmem_shared>>) target_semaphore(%run_scoped3A_653 : memref<!tpu.dma_semaphore, #tpu.memory_space<semaphore_mem>>)
        %dma_wait3A_658 = arith.constant 0 : i32
        %dma_wait3A_659 = tpu.memref_slice %arg10[%add3A_328, %dma_wait3A_658] : memref<10000x128xf32, #tpu.memory_space<vmem_shared>> -> memref<8x128xf32, #tpu.memory_space<vmem_shared>>
        %dma_wait3A_660 = arith.constant 0 : i32
        %dma_wait3A_661 = tpu.memref_slice %arg10[%add3A_328, %dma_wait3A_660] : memref<10000x128xf32, #tpu.memory_space<vmem_shared>> -> memref<8x128xf32, #tpu.memory_space<vmem_shared>>
        tpu.wait_dma2 semaphore(%run_scoped3A_653 : memref<!tpu.dma_semaphore, #tpu.memory_space<semaphore_mem>>) src(%arg9 : memref<8x128xf32, #tpu.memory_space<vmem>>) dst(%dma_wait3A_661 : memref<8x128xf32, #tpu.memory_space<vmem_shared>>)
        tpu.yield
      }) : () -> ()
      %mul3A_329 = arith.constant 1000 : i32
      %mul3A_330 = arith.muli %arg1, %mul3A_329 : i32
      %add3A_331 = arith.constant 352 : i32
      %add3A_332 = arith.addi %mul3A_330, %add3A_331 : i32
      "tpu.region"() ({
        %run_scoped3A_653 = tpu.sem_alloc : memref<!tpu.dma_semaphore, #tpu.memory_space<semaphore_mem>>
        %dma_start3A_654 = arith.constant 0 : i32
        %dma_start3A_655 = tpu.memref_slice %arg10[%add3A_332, %dma_start3A_654] : memref<10000x128xf32, #tpu.memory_space<vmem_shared>> -> memref<8x128xf32, #tpu.memory_space<vmem_shared>>
        %dma_start3A_656 = arith.constant 0 : i32
        %dma_start3A_657 = tpu.memref_slice %arg10[%add3A_332, %dma_start3A_656] : memref<10000x128xf32, #tpu.memory_space<vmem_shared>> -> memref<8x128xf32, #tpu.memory_space<vmem_shared>>
        tpu.enqueue_dma source(%arg9 : memref<8x128xf32, #tpu.memory_space<vmem>>) target(%dma_start3A_657 : memref<8x128xf32, #tpu.memory_space<vmem_shared>>) target_semaphore(%run_scoped3A_653 : memref<!tpu.dma_semaphore, #tpu.memory_space<semaphore_mem>>)
        %dma_wait3A_658 = arith.constant 0 : i32
        %dma_wait3A_659 = tpu.memref_slice %arg10[%add3A_332, %dma_wait3A_658] : memref<10000x128xf32, #tpu.memory_space<vmem_shared>> -> memref<8x128xf32, #tpu.memory_space<vmem_shared>>
        %dma_wait3A_660 = arith.constant 0 : i32
        %dma_wait3A_661 = tpu.memref_slice %arg10[%add3A_332, %dma_wait3A_660] : memref<10000x128xf32, #tpu.memory_space<vmem_shared>> -> memref<8x128xf32, #tpu.memory_space<vmem_shared>>
        tpu.wait_dma2 semaphore(%run_scoped3A_653 : memref<!tpu.dma_semaphore, #tpu.memory_space<semaphore_mem>>) src(%arg9 : memref<8x128xf32, #tpu.memory_space<vmem>>) dst(%dma_wait3A_661 : memref<8x128xf32, #tpu.memory_space<vmem_shared>>)
        tpu.yield
      }) : () -> ()
      %mul3A_333 = arith.constant 1000 : i32
      %mul3A_334 = arith.muli %arg1, %mul3A_333 : i32
      %add3A_335 = arith.constant 360 : i32
      %add3A_336 = arith.addi %mul3A_334, %add3A_335 : i32
      "tpu.region"() ({
        %run_scoped3A_653 = tpu.sem_alloc : memref<!tpu.dma_semaphore, #tpu.memory_space<semaphore_mem>>
        %dma_start3A_654 = arith.constant 0 : i32
        %dma_start3A_655 = tpu.memref_slice %arg10[%add3A_336, %dma_start3A_654] : memref<10000x128xf32, #tpu.memory_space<vmem_shared>> -> memref<8x128xf32, #tpu.memory_space<vmem_shared>>
        %dma_start3A_656 = arith.constant 0 : i32
        %dma_start3A_657 = tpu.memref_slice %arg10[%add3A_336, %dma_start3A_656] : memref<10000x128xf32, #tpu.memory_space<vmem_shared>> -> memref<8x128xf32, #tpu.memory_space<vmem_shared>>
        tpu.enqueue_dma source(%arg9 : memref<8x128xf32, #tpu.memory_space<vmem>>) target(%dma_start3A_657 : memref<8x128xf32, #tpu.memory_space<vmem_shared>>) target_semaphore(%run_scoped3A_653 : memref<!tpu.dma_semaphore, #tpu.memory_space<semaphore_mem>>)
        %dma_wait3A_658 = arith.constant 0 : i32
        %dma_wait3A_659 = tpu.memref_slice %arg10[%add3A_336, %dma_wait3A_658] : memref<10000x128xf32, #tpu.memory_space<vmem_shared>> -> memref<8x128xf32, #tpu.memory_space<vmem_shared>>
        %dma_wait3A_660 = arith.constant 0 : i32
        %dma_wait3A_661 = tpu.memref_slice %arg10[%add3A_336, %dma_wait3A_660] : memref<10000x128xf32, #tpu.memory_space<vmem_shared>> -> memref<8x128xf32, #tpu.memory_space<vmem_shared>>
        tpu.wait_dma2 semaphore(%run_scoped3A_653 : memref<!tpu.dma_semaphore, #tpu.memory_space<semaphore_mem>>) src(%arg9 : memref<8x128xf32, #tpu.memory_space<vmem>>) dst(%dma_wait3A_661 : memref<8x128xf32, #tpu.memory_space<vmem_shared>>)
        tpu.yield
      }) : () -> ()
      %mul3A_337 = arith.constant 1000 : i32
      %mul3A_338 = arith.muli %arg1, %mul3A_337 : i32
      %add3A_339 = arith.constant 368 : i32
      %add3A_340 = arith.addi %mul3A_338, %add3A_339 : i32
      "tpu.region"() ({
        %run_scoped3A_653 = tpu.sem_alloc : memref<!tpu.dma_semaphore, #tpu.memory_space<semaphore_mem>>
        %dma_start3A_654 = arith.constant 0 : i32
        %dma_start3A_655 = tpu.memref_slice %arg10[%add3A_340, %dma_start3A_654] : memref<10000x128xf32, #tpu.memory_space<vmem_shared>> -> memref<8x128xf32, #tpu.memory_space<vmem_shared>>
        %dma_start3A_656 = arith.constant 0 : i32
        %dma_start3A_657 = tpu.memref_slice %arg10[%add3A_340, %dma_start3A_656] : memref<10000x128xf32, #tpu.memory_space<vmem_shared>> -> memref<8x128xf32, #tpu.memory_space<vmem_shared>>
        tpu.enqueue_dma source(%arg9 : memref<8x128xf32, #tpu.memory_space<vmem>>) target(%dma_start3A_657 : memref<8x128xf32, #tpu.memory_space<vmem_shared>>) target_semaphore(%run_scoped3A_653 : memref<!tpu.dma_semaphore, #tpu.memory_space<semaphore_mem>>)
        %dma_wait3A_658 = arith.constant 0 : i32
        %dma_wait3A_659 = tpu.memref_slice %arg10[%add3A_340, %dma_wait3A_658] : memref<10000x128xf32, #tpu.memory_space<vmem_shared>> -> memref<8x128xf32, #tpu.memory_space<vmem_shared>>
        %dma_wait3A_660 = arith.constant 0 : i32
        %dma_wait3A_661 = tpu.memref_slice %arg10[%add3A_340, %dma_wait3A_660] : memref<10000x128xf32, #tpu.memory_space<vmem_shared>> -> memref<8x128xf32, #tpu.memory_space<vmem_shared>>
        tpu.wait_dma2 semaphore(%run_scoped3A_653 : memref<!tpu.dma_semaphore, #tpu.memory_space<semaphore_mem>>) src(%arg9 : memref<8x128xf32, #tpu.memory_space<vmem>>) dst(%dma_wait3A_661 : memref<8x128xf32, #tpu.memory_space<vmem_shared>>)
        tpu.yield
      }) : () -> ()
      %mul3A_341 = arith.constant 1000 : i32
      %mul3A_342 = arith.muli %arg1, %mul3A_341 : i32
      %add3A_343 = arith.constant 376 : i32
      %add3A_344 = arith.addi %mul3A_342, %add3A_343 : i32
      "tpu.region"() ({
        %run_scoped3A_653 = tpu.sem_alloc : memref<!tpu.dma_semaphore, #tpu.memory_space<semaphore_mem>>
        %dma_start3A_654 = arith.constant 0 : i32
        %dma_start3A_655 = tpu.memref_slice %arg10[%add3A_344, %dma_start3A_654] : memref<10000x128xf32, #tpu.memory_space<vmem_shared>> -> memref<8x128xf32, #tpu.memory_space<vmem_shared>>
        %dma_start3A_656 = arith.constant 0 : i32
        %dma_start3A_657 = tpu.memref_slice %arg10[%add3A_344, %dma_start3A_656] : memref<10000x128xf32, #tpu.memory_space<vmem_shared>> -> memref<8x128xf32, #tpu.memory_space<vmem_shared>>
        tpu.enqueue_dma source(%arg9 : memref<8x128xf32, #tpu.memory_space<vmem>>) target(%dma_start3A_657 : memref<8x128xf32, #tpu.memory_space<vmem_shared>>) target_semaphore(%run_scoped3A_653 : memref<!tpu.dma_semaphore, #tpu.memory_space<semaphore_mem>>)
        %dma_wait3A_658 = arith.constant 0 : i32
        %dma_wait3A_659 = tpu.memref_slice %arg10[%add3A_344, %dma_wait3A_658] : memref<10000x128xf32, #tpu.memory_space<vmem_shared>> -> memref<8x128xf32, #tpu.memory_space<vmem_shared>>
        %dma_wait3A_660 = arith.constant 0 : i32
        %dma_wait3A_661 = tpu.memref_slice %arg10[%add3A_344, %dma_wait3A_660] : memref<10000x128xf32, #tpu.memory_space<vmem_shared>> -> memref<8x128xf32, #tpu.memory_space<vmem_shared>>
        tpu.wait_dma2 semaphore(%run_scoped3A_653 : memref<!tpu.dma_semaphore, #tpu.memory_space<semaphore_mem>>) src(%arg9 : memref<8x128xf32, #tpu.memory_space<vmem>>) dst(%dma_wait3A_661 : memref<8x128xf32, #tpu.memory_space<vmem_shared>>)
        tpu.yield
      }) : () -> ()
      %mul3A_345 = arith.constant 1000 : i32
      %mul3A_346 = arith.muli %arg1, %mul3A_345 : i32
      %add3A_347 = arith.constant 384 : i32
      %add3A_348 = arith.addi %mul3A_346, %add3A_347 : i32
      "tpu.region"() ({
        %run_scoped3A_653 = tpu.sem_alloc : memref<!tpu.dma_semaphore, #tpu.memory_space<semaphore_mem>>
        %dma_start3A_654 = arith.constant 0 : i32
        %dma_start3A_655 = tpu.memref_slice %arg10[%add3A_348, %dma_start3A_654] : memref<10000x128xf32, #tpu.memory_space<vmem_shared>> -> memref<8x128xf32, #tpu.memory_space<vmem_shared>>
        %dma_start3A_656 = arith.constant 0 : i32
        %dma_start3A_657 = tpu.memref_slice %arg10[%add3A_348, %dma_start3A_656] : memref<10000x128xf32, #tpu.memory_space<vmem_shared>> -> memref<8x128xf32, #tpu.memory_space<vmem_shared>>
        tpu.enqueue_dma source(%arg9 : memref<8x128xf32, #tpu.memory_space<vmem>>) target(%dma_start3A_657 : memref<8x128xf32, #tpu.memory_space<vmem_shared>>) target_semaphore(%run_scoped3A_653 : memref<!tpu.dma_semaphore, #tpu.memory_space<semaphore_mem>>)
        %dma_wait3A_658 = arith.constant 0 : i32
        %dma_wait3A_659 = tpu.memref_slice %arg10[%add3A_348, %dma_wait3A_658] : memref<10000x128xf32, #tpu.memory_space<vmem_shared>> -> memref<8x128xf32, #tpu.memory_space<vmem_shared>>
        %dma_wait3A_660 = arith.constant 0 : i32
        %dma_wait3A_661 = tpu.memref_slice %arg10[%add3A_348, %dma_wait3A_660] : memref<10000x128xf32, #tpu.memory_space<vmem_shared>> -> memref<8x128xf32, #tpu.memory_space<vmem_shared>>
        tpu.wait_dma2 semaphore(%run_scoped3A_653 : memref<!tpu.dma_semaphore, #tpu.memory_space<semaphore_mem>>) src(%arg9 : memref<8x128xf32, #tpu.memory_space<vmem>>) dst(%dma_wait3A_661 : memref<8x128xf32, #tpu.memory_space<vmem_shared>>)
        tpu.yield
      }) : () -> ()
      %mul3A_349 = arith.constant 1000 : i32
      %mul3A_350 = arith.muli %arg1, %mul3A_349 : i32
      %add3A_351 = arith.constant 392 : i32
      %add3A_352 = arith.addi %mul3A_350, %add3A_351 : i32
      "tpu.region"() ({
        %run_scoped3A_653 = tpu.sem_alloc : memref<!tpu.dma_semaphore, #tpu.memory_space<semaphore_mem>>
        %dma_start3A_654 = arith.constant 0 : i32
        %dma_start3A_655 = tpu.memref_slice %arg10[%add3A_352, %dma_start3A_654] : memref<10000x128xf32, #tpu.memory_space<vmem_shared>> -> memref<8x128xf32, #tpu.memory_space<vmem_shared>>
        %dma_start3A_656 = arith.constant 0 : i32
        %dma_start3A_657 = tpu.memref_slice %arg10[%add3A_352, %dma_start3A_656] : memref<10000x128xf32, #tpu.memory_space<vmem_shared>> -> memref<8x128xf32, #tpu.memory_space<vmem_shared>>
        tpu.enqueue_dma source(%arg9 : memref<8x128xf32, #tpu.memory_space<vmem>>) target(%dma_start3A_657 : memref<8x128xf32, #tpu.memory_space<vmem_shared>>) target_semaphore(%run_scoped3A_653 : memref<!tpu.dma_semaphore, #tpu.memory_space<semaphore_mem>>)
        %dma_wait3A_658 = arith.constant 0 : i32
        %dma_wait3A_659 = tpu.memref_slice %arg10[%add3A_352, %dma_wait3A_658] : memref<10000x128xf32, #tpu.memory_space<vmem_shared>> -> memref<8x128xf32, #tpu.memory_space<vmem_shared>>
        %dma_wait3A_660 = arith.constant 0 : i32
        %dma_wait3A_661 = tpu.memref_slice %arg10[%add3A_352, %dma_wait3A_660] : memref<10000x128xf32, #tpu.memory_space<vmem_shared>> -> memref<8x128xf32, #tpu.memory_space<vmem_shared>>
        tpu.wait_dma2 semaphore(%run_scoped3A_653 : memref<!tpu.dma_semaphore, #tpu.memory_space<semaphore_mem>>) src(%arg9 : memref<8x128xf32, #tpu.memory_space<vmem>>) dst(%dma_wait3A_661 : memref<8x128xf32, #tpu.memory_space<vmem_shared>>)
        tpu.yield
      }) : () -> ()
      %mul3A_353 = arith.constant 1000 : i32
      %mul3A_354 = arith.muli %arg1, %mul3A_353 : i32
      %add3A_355 = arith.constant 400 : i32
      %add3A_356 = arith.addi %mul3A_354, %add3A_355 : i32
      "tpu.region"() ({
        %run_scoped3A_653 = tpu.sem_alloc : memref<!tpu.dma_semaphore, #tpu.memory_space<semaphore_mem>>
        %dma_start3A_654 = arith.constant 0 : i32
        %dma_start3A_655 = tpu.memref_slice %arg10[%add3A_356, %dma_start3A_654] : memref<10000x128xf32, #tpu.memory_space<vmem_shared>> -> memref<8x128xf32, #tpu.memory_space<vmem_shared>>
        %dma_start3A_656 = arith.constant 0 : i32
        %dma_start3A_657 = tpu.memref_slice %arg10[%add3A_356, %dma_start3A_656] : memref<10000x128xf32, #tpu.memory_space<vmem_shared>> -> memref<8x128xf32, #tpu.memory_space<vmem_shared>>
        tpu.enqueue_dma source(%arg9 : memref<8x128xf32, #tpu.memory_space<vmem>>) target(%dma_start3A_657 : memref<8x128xf32, #tpu.memory_space<vmem_shared>>) target_semaphore(%run_scoped3A_653 : memref<!tpu.dma_semaphore, #tpu.memory_space<semaphore_mem>>)
        %dma_wait3A_658 = arith.constant 0 : i32
        %dma_wait3A_659 = tpu.memref_slice %arg10[%add3A_356, %dma_wait3A_658] : memref<10000x128xf32, #tpu.memory_space<vmem_shared>> -> memref<8x128xf32, #tpu.memory_space<vmem_shared>>
        %dma_wait3A_660 = arith.constant 0 : i32
        %dma_wait3A_661 = tpu.memref_slice %arg10[%add3A_356, %dma_wait3A_660] : memref<10000x128xf32, #tpu.memory_space<vmem_shared>> -> memref<8x128xf32, #tpu.memory_space<vmem_shared>>
        tpu.wait_dma2 semaphore(%run_scoped3A_653 : memref<!tpu.dma_semaphore, #tpu.memory_space<semaphore_mem>>) src(%arg9 : memref<8x128xf32, #tpu.memory_space<vmem>>) dst(%dma_wait3A_661 : memref<8x128xf32, #tpu.memory_space<vmem_shared>>)
        tpu.yield
      }) : () -> ()
      %mul3A_357 = arith.constant 1000 : i32
      %mul3A_358 = arith.muli %arg1, %mul3A_357 : i32
      %add3A_359 = arith.constant 408 : i32
      %add3A_360 = arith.addi %mul3A_358, %add3A_359 : i32
      "tpu.region"() ({
        %run_scoped3A_653 = tpu.sem_alloc : memref<!tpu.dma_semaphore, #tpu.memory_space<semaphore_mem>>
        %dma_start3A_654 = arith.constant 0 : i32
        %dma_start3A_655 = tpu.memref_slice %arg10[%add3A_360, %dma_start3A_654] : memref<10000x128xf32, #tpu.memory_space<vmem_shared>> -> memref<8x128xf32, #tpu.memory_space<vmem_shared>>
        %dma_start3A_656 = arith.constant 0 : i32
        %dma_start3A_657 = tpu.memref_slice %arg10[%add3A_360, %dma_start3A_656] : memref<10000x128xf32, #tpu.memory_space<vmem_shared>> -> memref<8x128xf32, #tpu.memory_space<vmem_shared>>
        tpu.enqueue_dma source(%arg9 : memref<8x128xf32, #tpu.memory_space<vmem>>) target(%dma_start3A_657 : memref<8x128xf32, #tpu.memory_space<vmem_shared>>) target_semaphore(%run_scoped3A_653 : memref<!tpu.dma_semaphore, #tpu.memory_space<semaphore_mem>>)
        %dma_wait3A_658 = arith.constant 0 : i32
        %dma_wait3A_659 = tpu.memref_slice %arg10[%add3A_360, %dma_wait3A_658] : memref<10000x128xf32, #tpu.memory_space<vmem_shared>> -> memref<8x128xf32, #tpu.memory_space<vmem_shared>>
        %dma_wait3A_660 = arith.constant 0 : i32
        %dma_wait3A_661 = tpu.memref_slice %arg10[%add3A_360, %dma_wait3A_660] : memref<10000x128xf32, #tpu.memory_space<vmem_shared>> -> memref<8x128xf32, #tpu.memory_space<vmem_shared>>
        tpu.wait_dma2 semaphore(%run_scoped3A_653 : memref<!tpu.dma_semaphore, #tpu.memory_space<semaphore_mem>>) src(%arg9 : memref<8x128xf32, #tpu.memory_space<vmem>>) dst(%dma_wait3A_661 : memref<8x128xf32, #tpu.memory_space<vmem_shared>>)
        tpu.yield
      }) : () -> ()
      %mul3A_361 = arith.constant 1000 : i32
      %mul3A_362 = arith.muli %arg1, %mul3A_361 : i32
      %add3A_363 = arith.constant 416 : i32
      %add3A_364 = arith.addi %mul3A_362, %add3A_363 : i32
      "tpu.region"() ({
        %run_scoped3A_653 = tpu.sem_alloc : memref<!tpu.dma_semaphore, #tpu.memory_space<semaphore_mem>>
        %dma_start3A_654 = arith.constant 0 : i32
        %dma_start3A_655 = tpu.memref_slice %arg10[%add3A_364, %dma_start3A_654] : memref<10000x128xf32, #tpu.memory_space<vmem_shared>> -> memref<8x128xf32, #tpu.memory_space<vmem_shared>>
        %dma_start3A_656 = arith.constant 0 : i32
        %dma_start3A_657 = tpu.memref_slice %arg10[%add3A_364, %dma_start3A_656] : memref<10000x128xf32, #tpu.memory_space<vmem_shared>> -> memref<8x128xf32, #tpu.memory_space<vmem_shared>>
        tpu.enqueue_dma source(%arg9 : memref<8x128xf32, #tpu.memory_space<vmem>>) target(%dma_start3A_657 : memref<8x128xf32, #tpu.memory_space<vmem_shared>>) target_semaphore(%run_scoped3A_653 : memref<!tpu.dma_semaphore, #tpu.memory_space<semaphore_mem>>)
        %dma_wait3A_658 = arith.constant 0 : i32
        %dma_wait3A_659 = tpu.memref_slice %arg10[%add3A_364, %dma_wait3A_658] : memref<10000x128xf32, #tpu.memory_space<vmem_shared>> -> memref<8x128xf32, #tpu.memory_space<vmem_shared>>
        %dma_wait3A_660 = arith.constant 0 : i32
        %dma_wait3A_661 = tpu.memref_slice %arg10[%add3A_364, %dma_wait3A_660] : memref<10000x128xf32, #tpu.memory_space<vmem_shared>> -> memref<8x128xf32, #tpu.memory_space<vmem_shared>>
        tpu.wait_dma2 semaphore(%run_scoped3A_653 : memref<!tpu.dma_semaphore, #tpu.memory_space<semaphore_mem>>) src(%arg9 : memref<8x128xf32, #tpu.memory_space<vmem>>) dst(%dma_wait3A_661 : memref<8x128xf32, #tpu.memory_space<vmem_shared>>)
        tpu.yield
      }) : () -> ()
      %mul3A_365 = arith.constant 1000 : i32
      %mul3A_366 = arith.muli %arg1, %mul3A_365 : i32
      %add3A_367 = arith.constant 424 : i32
      %add3A_368 = arith.addi %mul3A_366, %add3A_367 : i32
      "tpu.region"() ({
        %run_scoped3A_653 = tpu.sem_alloc : memref<!tpu.dma_semaphore, #tpu.memory_space<semaphore_mem>>
        %dma_start3A_654 = arith.constant 0 : i32
        %dma_start3A_655 = tpu.memref_slice %arg10[%add3A_368, %dma_start3A_654] : memref<10000x128xf32, #tpu.memory_space<vmem_shared>> -> memref<8x128xf32, #tpu.memory_space<vmem_shared>>
        %dma_start3A_656 = arith.constant 0 : i32
        %dma_start3A_657 = tpu.memref_slice %arg10[%add3A_368, %dma_start3A_656] : memref<10000x128xf32, #tpu.memory_space<vmem_shared>> -> memref<8x128xf32, #tpu.memory_space<vmem_shared>>
        tpu.enqueue_dma source(%arg9 : memref<8x128xf32, #tpu.memory_space<vmem>>) target(%dma_start3A_657 : memref<8x128xf32, #tpu.memory_space<vmem_shared>>) target_semaphore(%run_scoped3A_653 : memref<!tpu.dma_semaphore, #tpu.memory_space<semaphore_mem>>)
        %dma_wait3A_658 = arith.constant 0 : i32
        %dma_wait3A_659 = tpu.memref_slice %arg10[%add3A_368, %dma_wait3A_658] : memref<10000x128xf32, #tpu.memory_space<vmem_shared>> -> memref<8x128xf32, #tpu.memory_space<vmem_shared>>
        %dma_wait3A_660 = arith.constant 0 : i32
        %dma_wait3A_661 = tpu.memref_slice %arg10[%add3A_368, %dma_wait3A_660] : memref<10000x128xf32, #tpu.memory_space<vmem_shared>> -> memref<8x128xf32, #tpu.memory_space<vmem_shared>>
        tpu.wait_dma2 semaphore(%run_scoped3A_653 : memref<!tpu.dma_semaphore, #tpu.memory_space<semaphore_mem>>) src(%arg9 : memref<8x128xf32, #tpu.memory_space<vmem>>) dst(%dma_wait3A_661 : memref<8x128xf32, #tpu.memory_space<vmem_shared>>)
        tpu.yield
      }) : () -> ()
      %mul3A_369 = arith.constant 1000 : i32
      %mul3A_370 = arith.muli %arg1, %mul3A_369 : i32
      %add3A_371 = arith.constant 432 : i32
      %add3A_372 = arith.addi %mul3A_370, %add3A_371 : i32
      "tpu.region"() ({
        %run_scoped3A_653 = tpu.sem_alloc : memref<!tpu.dma_semaphore, #tpu.memory_space<semaphore_mem>>
        %dma_start3A_654 = arith.constant 0 : i32
        %dma_start3A_655 = tpu.memref_slice %arg10[%add3A_372, %dma_start3A_654] : memref<10000x128xf32, #tpu.memory_space<vmem_shared>> -> memref<8x128xf32, #tpu.memory_space<vmem_shared>>
        %dma_start3A_656 = arith.constant 0 : i32
        %dma_start3A_657 = tpu.memref_slice %arg10[%add3A_372, %dma_start3A_656] : memref<10000x128xf32, #tpu.memory_space<vmem_shared>> -> memref<8x128xf32, #tpu.memory_space<vmem_shared>>
        tpu.enqueue_dma source(%arg9 : memref<8x128xf32, #tpu.memory_space<vmem>>) target(%dma_start3A_657 : memref<8x128xf32, #tpu.memory_space<vmem_shared>>) target_semaphore(%run_scoped3A_653 : memref<!tpu.dma_semaphore, #tpu.memory_space<semaphore_mem>>)
        %dma_wait3A_658 = arith.constant 0 : i32
        %dma_wait3A_659 = tpu.memref_slice %arg10[%add3A_372, %dma_wait3A_658] : memref<10000x128xf32, #tpu.memory_space<vmem_shared>> -> memref<8x128xf32, #tpu.memory_space<vmem_shared>>
        %dma_wait3A_660 = arith.constant 0 : i32
        %dma_wait3A_661 = tpu.memref_slice %arg10[%add3A_372, %dma_wait3A_660] : memref<10000x128xf32, #tpu.memory_space<vmem_shared>> -> memref<8x128xf32, #tpu.memory_space<vmem_shared>>
        tpu.wait_dma2 semaphore(%run_scoped3A_653 : memref<!tpu.dma_semaphore, #tpu.memory_space<semaphore_mem>>) src(%arg9 : memref<8x128xf32, #tpu.memory_space<vmem>>) dst(%dma_wait3A_661 : memref<8x128xf32, #tpu.memory_space<vmem_shared>>)
        tpu.yield
      }) : () -> ()
      %mul3A_373 = arith.constant 1000 : i32
      %mul3A_374 = arith.muli %arg1, %mul3A_373 : i32
      %add3A_375 = arith.constant 440 : i32
      %add3A_376 = arith.addi %mul3A_374, %add3A_375 : i32
      "tpu.region"() ({
        %run_scoped3A_653 = tpu.sem_alloc : memref<!tpu.dma_semaphore, #tpu.memory_space<semaphore_mem>>
        %dma_start3A_654 = arith.constant 0 : i32
        %dma_start3A_655 = tpu.memref_slice %arg10[%add3A_376, %dma_start3A_654] : memref<10000x128xf32, #tpu.memory_space<vmem_shared>> -> memref<8x128xf32, #tpu.memory_space<vmem_shared>>
        %dma_start3A_656 = arith.constant 0 : i32
        %dma_start3A_657 = tpu.memref_slice %arg10[%add3A_376, %dma_start3A_656] : memref<10000x128xf32, #tpu.memory_space<vmem_shared>> -> memref<8x128xf32, #tpu.memory_space<vmem_shared>>
        tpu.enqueue_dma source(%arg9 : memref<8x128xf32, #tpu.memory_space<vmem>>) target(%dma_start3A_657 : memref<8x128xf32, #tpu.memory_space<vmem_shared>>) target_semaphore(%run_scoped3A_653 : memref<!tpu.dma_semaphore, #tpu.memory_space<semaphore_mem>>)
        %dma_wait3A_658 = arith.constant 0 : i32
        %dma_wait3A_659 = tpu.memref_slice %arg10[%add3A_376, %dma_wait3A_658] : memref<10000x128xf32, #tpu.memory_space<vmem_shared>> -> memref<8x128xf32, #tpu.memory_space<vmem_shared>>
        %dma_wait3A_660 = arith.constant 0 : i32
        %dma_wait3A_661 = tpu.memref_slice %arg10[%add3A_376, %dma_wait3A_660] : memref<10000x128xf32, #tpu.memory_space<vmem_shared>> -> memref<8x128xf32, #tpu.memory_space<vmem_shared>>
        tpu.wait_dma2 semaphore(%run_scoped3A_653 : memref<!tpu.dma_semaphore, #tpu.memory_space<semaphore_mem>>) src(%arg9 : memref<8x128xf32, #tpu.memory_space<vmem>>) dst(%dma_wait3A_661 : memref<8x128xf32, #tpu.memory_space<vmem_shared>>)
        tpu.yield
      }) : () -> ()
      %mul3A_377 = arith.constant 1000 : i32
      %mul3A_378 = arith.muli %arg1, %mul3A_377 : i32
      %add3A_379 = arith.constant 448 : i32
      %add3A_380 = arith.addi %mul3A_378, %add3A_379 : i32
      "tpu.region"() ({
        %run_scoped3A_653 = tpu.sem_alloc : memref<!tpu.dma_semaphore, #tpu.memory_space<semaphore_mem>>
        %dma_start3A_654 = arith.constant 0 : i32
        %dma_start3A_655 = tpu.memref_slice %arg10[%add3A_380, %dma_start3A_654] : memref<10000x128xf32, #tpu.memory_space<vmem_shared>> -> memref<8x128xf32, #tpu.memory_space<vmem_shared>>
        %dma_start3A_656 = arith.constant 0 : i32
        %dma_start3A_657 = tpu.memref_slice %arg10[%add3A_380, %dma_start3A_656] : memref<10000x128xf32, #tpu.memory_space<vmem_shared>> -> memref<8x128xf32, #tpu.memory_space<vmem_shared>>
        tpu.enqueue_dma source(%arg9 : memref<8x128xf32, #tpu.memory_space<vmem>>) target(%dma_start3A_657 : memref<8x128xf32, #tpu.memory_space<vmem_shared>>) target_semaphore(%run_scoped3A_653 : memref<!tpu.dma_semaphore, #tpu.memory_space<semaphore_mem>>)
        %dma_wait3A_658 = arith.constant 0 : i32
        %dma_wait3A_659 = tpu.memref_slice %arg10[%add3A_380, %dma_wait3A_658] : memref<10000x128xf32, #tpu.memory_space<vmem_shared>> -> memref<8x128xf32, #tpu.memory_space<vmem_shared>>
        %dma_wait3A_660 = arith.constant 0 : i32
        %dma_wait3A_661 = tpu.memref_slice %arg10[%add3A_380, %dma_wait3A_660] : memref<10000x128xf32, #tpu.memory_space<vmem_shared>> -> memref<8x128xf32, #tpu.memory_space<vmem_shared>>
        tpu.wait_dma2 semaphore(%run_scoped3A_653 : memref<!tpu.dma_semaphore, #tpu.memory_space<semaphore_mem>>) src(%arg9 : memref<8x128xf32, #tpu.memory_space<vmem>>) dst(%dma_wait3A_661 : memref<8x128xf32, #tpu.memory_space<vmem_shared>>)
        tpu.yield
      }) : () -> ()
      %mul3A_381 = arith.constant 1000 : i32
      %mul3A_382 = arith.muli %arg1, %mul3A_381 : i32
      %add3A_383 = arith.constant 456 : i32
      %add3A_384 = arith.addi %mul3A_382, %add3A_383 : i32
      "tpu.region"() ({
        %run_scoped3A_653 = tpu.sem_alloc : memref<!tpu.dma_semaphore, #tpu.memory_space<semaphore_mem>>
        %dma_start3A_654 = arith.constant 0 : i32
        %dma_start3A_655 = tpu.memref_slice %arg10[%add3A_384, %dma_start3A_654] : memref<10000x128xf32, #tpu.memory_space<vmem_shared>> -> memref<8x128xf32, #tpu.memory_space<vmem_shared>>
        %dma_start3A_656 = arith.constant 0 : i32
        %dma_start3A_657 = tpu.memref_slice %arg10[%add3A_384, %dma_start3A_656] : memref<10000x128xf32, #tpu.memory_space<vmem_shared>> -> memref<8x128xf32, #tpu.memory_space<vmem_shared>>
        tpu.enqueue_dma source(%arg9 : memref<8x128xf32, #tpu.memory_space<vmem>>) target(%dma_start3A_657 : memref<8x128xf32, #tpu.memory_space<vmem_shared>>) target_semaphore(%run_scoped3A_653 : memref<!tpu.dma_semaphore, #tpu.memory_space<semaphore_mem>>)
        %dma_wait3A_658 = arith.constant 0 : i32
        %dma_wait3A_659 = tpu.memref_slice %arg10[%add3A_384, %dma_wait3A_658] : memref<10000x128xf32, #tpu.memory_space<vmem_shared>> -> memref<8x128xf32, #tpu.memory_space<vmem_shared>>
        %dma_wait3A_660 = arith.constant 0 : i32
        %dma_wait3A_661 = tpu.memref_slice %arg10[%add3A_384, %dma_wait3A_660] : memref<10000x128xf32, #tpu.memory_space<vmem_shared>> -> memref<8x128xf32, #tpu.memory_space<vmem_shared>>
        tpu.wait_dma2 semaphore(%run_scoped3A_653 : memref<!tpu.dma_semaphore, #tpu.memory_space<semaphore_mem>>) src(%arg9 : memref<8x128xf32, #tpu.memory_space<vmem>>) dst(%dma_wait3A_661 : memref<8x128xf32, #tpu.memory_space<vmem_shared>>)
        tpu.yield
      }) : () -> ()
      %mul3A_385 = arith.constant 1000 : i32
      %mul3A_386 = arith.muli %arg1, %mul3A_385 : i32
      %add3A_387 = arith.constant 464 : i32
      %add3A_388 = arith.addi %mul3A_386, %add3A_387 : i32
      "tpu.region"() ({
        %run_scoped3A_653 = tpu.sem_alloc : memref<!tpu.dma_semaphore, #tpu.memory_space<semaphore_mem>>
        %dma_start3A_654 = arith.constant 0 : i32
        %dma_start3A_655 = tpu.memref_slice %arg10[%add3A_388, %dma_start3A_654] : memref<10000x128xf32, #tpu.memory_space<vmem_shared>> -> memref<8x128xf32, #tpu.memory_space<vmem_shared>>
        %dma_start3A_656 = arith.constant 0 : i32
        %dma_start3A_657 = tpu.memref_slice %arg10[%add3A_388, %dma_start3A_656] : memref<10000x128xf32, #tpu.memory_space<vmem_shared>> -> memref<8x128xf32, #tpu.memory_space<vmem_shared>>
        tpu.enqueue_dma source(%arg9 : memref<8x128xf32, #tpu.memory_space<vmem>>) target(%dma_start3A_657 : memref<8x128xf32, #tpu.memory_space<vmem_shared>>) target_semaphore(%run_scoped3A_653 : memref<!tpu.dma_semaphore, #tpu.memory_space<semaphore_mem>>)
        %dma_wait3A_658 = arith.constant 0 : i32
        %dma_wait3A_659 = tpu.memref_slice %arg10[%add3A_388, %dma_wait3A_658] : memref<10000x128xf32, #tpu.memory_space<vmem_shared>> -> memref<8x128xf32, #tpu.memory_space<vmem_shared>>
        %dma_wait3A_660 = arith.constant 0 : i32
        %dma_wait3A_661 = tpu.memref_slice %arg10[%add3A_388, %dma_wait3A_660] : memref<10000x128xf32, #tpu.memory_space<vmem_shared>> -> memref<8x128xf32, #tpu.memory_space<vmem_shared>>
        tpu.wait_dma2 semaphore(%run_scoped3A_653 : memref<!tpu.dma_semaphore, #tpu.memory_space<semaphore_mem>>) src(%arg9 : memref<8x128xf32, #tpu.memory_space<vmem>>) dst(%dma_wait3A_661 : memref<8x128xf32, #tpu.memory_space<vmem_shared>>)
        tpu.yield
      }) : () -> ()
      %mul3A_389 = arith.constant 1000 : i32
      %mul3A_390 = arith.muli %arg1, %mul3A_389 : i32
      %add3A_391 = arith.constant 472 : i32
      %add3A_392 = arith.addi %mul3A_390, %add3A_391 : i32
      "tpu.region"() ({
        %run_scoped3A_653 = tpu.sem_alloc : memref<!tpu.dma_semaphore, #tpu.memory_space<semaphore_mem>>
        %dma_start3A_654 = arith.constant 0 : i32
        %dma_start3A_655 = tpu.memref_slice %arg10[%add3A_392, %dma_start3A_654] : memref<10000x128xf32, #tpu.memory_space<vmem_shared>> -> memref<8x128xf32, #tpu.memory_space<vmem_shared>>
        %dma_start3A_656 = arith.constant 0 : i32
        %dma_start3A_657 = tpu.memref_slice %arg10[%add3A_392, %dma_start3A_656] : memref<10000x128xf32, #tpu.memory_space<vmem_shared>> -> memref<8x128xf32, #tpu.memory_space<vmem_shared>>
        tpu.enqueue_dma source(%arg9 : memref<8x128xf32, #tpu.memory_space<vmem>>) target(%dma_start3A_657 : memref<8x128xf32, #tpu.memory_space<vmem_shared>>) target_semaphore(%run_scoped3A_653 : memref<!tpu.dma_semaphore, #tpu.memory_space<semaphore_mem>>)
        %dma_wait3A_658 = arith.constant 0 : i32
        %dma_wait3A_659 = tpu.memref_slice %arg10[%add3A_392, %dma_wait3A_658] : memref<10000x128xf32, #tpu.memory_space<vmem_shared>> -> memref<8x128xf32, #tpu.memory_space<vmem_shared>>
        %dma_wait3A_660 = arith.constant 0 : i32
        %dma_wait3A_661 = tpu.memref_slice %arg10[%add3A_392, %dma_wait3A_660] : memref<10000x128xf32, #tpu.memory_space<vmem_shared>> -> memref<8x128xf32, #tpu.memory_space<vmem_shared>>
        tpu.wait_dma2 semaphore(%run_scoped3A_653 : memref<!tpu.dma_semaphore, #tpu.memory_space<semaphore_mem>>) src(%arg9 : memref<8x128xf32, #tpu.memory_space<vmem>>) dst(%dma_wait3A_661 : memref<8x128xf32, #tpu.memory_space<vmem_shared>>)
        tpu.yield
      }) : () -> ()
      %mul3A_393 = arith.constant 1000 : i32
      %mul3A_394 = arith.muli %arg1, %mul3A_393 : i32
      %add3A_395 = arith.constant 480 : i32
      %add3A_396 = arith.addi %mul3A_394, %add3A_395 : i32
      "tpu.region"() ({
        %run_scoped3A_653 = tpu.sem_alloc : memref<!tpu.dma_semaphore, #tpu.memory_space<semaphore_mem>>
        %dma_start3A_654 = arith.constant 0 : i32
        %dma_start3A_655 = tpu.memref_slice %arg10[%add3A_396, %dma_start3A_654] : memref<10000x128xf32, #tpu.memory_space<vmem_shared>> -> memref<8x128xf32, #tpu.memory_space<vmem_shared>>
        %dma_start3A_656 = arith.constant 0 : i32
        %dma_start3A_657 = tpu.memref_slice %arg10[%add3A_396, %dma_start3A_656] : memref<10000x128xf32, #tpu.memory_space<vmem_shared>> -> memref<8x128xf32, #tpu.memory_space<vmem_shared>>
        tpu.enqueue_dma source(%arg9 : memref<8x128xf32, #tpu.memory_space<vmem>>) target(%dma_start3A_657 : memref<8x128xf32, #tpu.memory_space<vmem_shared>>) target_semaphore(%run_scoped3A_653 : memref<!tpu.dma_semaphore, #tpu.memory_space<semaphore_mem>>)
        %dma_wait3A_658 = arith.constant 0 : i32
        %dma_wait3A_659 = tpu.memref_slice %arg10[%add3A_396, %dma_wait3A_658] : memref<10000x128xf32, #tpu.memory_space<vmem_shared>> -> memref<8x128xf32, #tpu.memory_space<vmem_shared>>
        %dma_wait3A_660 = arith.constant 0 : i32
        %dma_wait3A_661 = tpu.memref_slice %arg10[%add3A_396, %dma_wait3A_660] : memref<10000x128xf32, #tpu.memory_space<vmem_shared>> -> memref<8x128xf32, #tpu.memory_space<vmem_shared>>
        tpu.wait_dma2 semaphore(%run_scoped3A_653 : memref<!tpu.dma_semaphore, #tpu.memory_space<semaphore_mem>>) src(%arg9 : memref<8x128xf32, #tpu.memory_space<vmem>>) dst(%dma_wait3A_661 : memref<8x128xf32, #tpu.memory_space<vmem_shared>>)
        tpu.yield
      }) : () -> ()
      %mul3A_397 = arith.constant 1000 : i32
      %mul3A_398 = arith.muli %arg1, %mul3A_397 : i32
      %add3A_399 = arith.constant 488 : i32
      %add3A_400 = arith.addi %mul3A_398, %add3A_399 : i32
      "tpu.region"() ({
        %run_scoped3A_653 = tpu.sem_alloc : memref<!tpu.dma_semaphore, #tpu.memory_space<semaphore_mem>>
        %dma_start3A_654 = arith.constant 0 : i32
        %dma_start3A_655 = tpu.memref_slice %arg10[%add3A_400, %dma_start3A_654] : memref<10000x128xf32, #tpu.memory_space<vmem_shared>> -> memref<8x128xf32, #tpu.memory_space<vmem_shared>>
        %dma_start3A_656 = arith.constant 0 : i32
        %dma_start3A_657 = tpu.memref_slice %arg10[%add3A_400, %dma_start3A_656] : memref<10000x128xf32, #tpu.memory_space<vmem_shared>> -> memref<8x128xf32, #tpu.memory_space<vmem_shared>>
        tpu.enqueue_dma source(%arg9 : memref<8x128xf32, #tpu.memory_space<vmem>>) target(%dma_start3A_657 : memref<8x128xf32, #tpu.memory_space<vmem_shared>>) target_semaphore(%run_scoped3A_653 : memref<!tpu.dma_semaphore, #tpu.memory_space<semaphore_mem>>)
        %dma_wait3A_658 = arith.constant 0 : i32
        %dma_wait3A_659 = tpu.memref_slice %arg10[%add3A_400, %dma_wait3A_658] : memref<10000x128xf32, #tpu.memory_space<vmem_shared>> -> memref<8x128xf32, #tpu.memory_space<vmem_shared>>
        %dma_wait3A_660 = arith.constant 0 : i32
        %dma_wait3A_661 = tpu.memref_slice %arg10[%add3A_400, %dma_wait3A_660] : memref<10000x128xf32, #tpu.memory_space<vmem_shared>> -> memref<8x128xf32, #tpu.memory_space<vmem_shared>>
        tpu.wait_dma2 semaphore(%run_scoped3A_653 : memref<!tpu.dma_semaphore, #tpu.memory_space<semaphore_mem>>) src(%arg9 : memref<8x128xf32, #tpu.memory_space<vmem>>) dst(%dma_wait3A_661 : memref<8x128xf32, #tpu.memory_space<vmem_shared>>)
        tpu.yield
      }) : () -> ()
      %mul3A_401 = arith.constant 1000 : i32
      %mul3A_402 = arith.muli %arg1, %mul3A_401 : i32
      %add3A_403 = arith.constant 496 : i32
      %add3A_404 = arith.addi %mul3A_402, %add3A_403 : i32
      "tpu.region"() ({
        %run_scoped3A_653 = tpu.sem_alloc : memref<!tpu.dma_semaphore, #tpu.memory_space<semaphore_mem>>
        %dma_start3A_654 = arith.constant 0 : i32
        %dma_start3A_655 = tpu.memref_slice %arg10[%add3A_404, %dma_start3A_654] : memref<10000x128xf32, #tpu.memory_space<vmem_shared>> -> memref<8x128xf32, #tpu.memory_space<vmem_shared>>
        %dma_start3A_656 = arith.constant 0 : i32
        %dma_start3A_657 = tpu.memref_slice %arg10[%add3A_404, %dma_start3A_656] : memref<10000x128xf32, #tpu.memory_space<vmem_shared>> -> memref<8x128xf32, #tpu.memory_space<vmem_shared>>
        tpu.enqueue_dma source(%arg9 : memref<8x128xf32, #tpu.memory_space<vmem>>) target(%dma_start3A_657 : memref<8x128xf32, #tpu.memory_space<vmem_shared>>) target_semaphore(%run_scoped3A_653 : memref<!tpu.dma_semaphore, #tpu.memory_space<semaphore_mem>>)
        %dma_wait3A_658 = arith.constant 0 : i32
        %dma_wait3A_659 = tpu.memref_slice %arg10[%add3A_404, %dma_wait3A_658] : memref<10000x128xf32, #tpu.memory_space<vmem_shared>> -> memref<8x128xf32, #tpu.memory_space<vmem_shared>>
        %dma_wait3A_660 = arith.constant 0 : i32
        %dma_wait3A_661 = tpu.memref_slice %arg10[%add3A_404, %dma_wait3A_660] : memref<10000x128xf32, #tpu.memory_space<vmem_shared>> -> memref<8x128xf32, #tpu.memory_space<vmem_shared>>
        tpu.wait_dma2 semaphore(%run_scoped3A_653 : memref<!tpu.dma_semaphore, #tpu.memory_space<semaphore_mem>>) src(%arg9 : memref<8x128xf32, #tpu.memory_space<vmem>>) dst(%dma_wait3A_661 : memref<8x128xf32, #tpu.memory_space<vmem_shared>>)
        tpu.yield
      }) : () -> ()
      %mul3A_405 = arith.constant 1000 : i32
      %mul3A_406 = arith.muli %arg1, %mul3A_405 : i32
      %add3A_407 = arith.constant 504 : i32
      %add3A_408 = arith.addi %mul3A_406, %add3A_407 : i32
      "tpu.region"() ({
        %run_scoped3A_653 = tpu.sem_alloc : memref<!tpu.dma_semaphore, #tpu.memory_space<semaphore_mem>>
        %dma_start3A_654 = arith.constant 0 : i32
        %dma_start3A_655 = tpu.memref_slice %arg10[%add3A_408, %dma_start3A_654] : memref<10000x128xf32, #tpu.memory_space<vmem_shared>> -> memref<8x128xf32, #tpu.memory_space<vmem_shared>>
        %dma_start3A_656 = arith.constant 0 : i32
        %dma_start3A_657 = tpu.memref_slice %arg10[%add3A_408, %dma_start3A_656] : memref<10000x128xf32, #tpu.memory_space<vmem_shared>> -> memref<8x128xf32, #tpu.memory_space<vmem_shared>>
        tpu.enqueue_dma source(%arg9 : memref<8x128xf32, #tpu.memory_space<vmem>>) target(%dma_start3A_657 : memref<8x128xf32, #tpu.memory_space<vmem_shared>>) target_semaphore(%run_scoped3A_653 : memref<!tpu.dma_semaphore, #tpu.memory_space<semaphore_mem>>)
        %dma_wait3A_658 = arith.constant 0 : i32
        %dma_wait3A_659 = tpu.memref_slice %arg10[%add3A_408, %dma_wait3A_658] : memref<10000x128xf32, #tpu.memory_space<vmem_shared>> -> memref<8x128xf32, #tpu.memory_space<vmem_shared>>
        %dma_wait3A_660 = arith.constant 0 : i32
        %dma_wait3A_661 = tpu.memref_slice %arg10[%add3A_408, %dma_wait3A_660] : memref<10000x128xf32, #tpu.memory_space<vmem_shared>> -> memref<8x128xf32, #tpu.memory_space<vmem_shared>>
        tpu.wait_dma2 semaphore(%run_scoped3A_653 : memref<!tpu.dma_semaphore, #tpu.memory_space<semaphore_mem>>) src(%arg9 : memref<8x128xf32, #tpu.memory_space<vmem>>) dst(%dma_wait3A_661 : memref<8x128xf32, #tpu.memory_space<vmem_shared>>)
        tpu.yield
      }) : () -> ()
      %mul3A_409 = arith.constant 1000 : i32
      %mul3A_410 = arith.muli %arg1, %mul3A_409 : i32
      %add3A_411 = arith.constant 512 : i32
      %add3A_412 = arith.addi %mul3A_410, %add3A_411 : i32
      "tpu.region"() ({
        %run_scoped3A_653 = tpu.sem_alloc : memref<!tpu.dma_semaphore, #tpu.memory_space<semaphore_mem>>
        %dma_start3A_654 = arith.constant 0 : i32
        %dma_start3A_655 = tpu.memref_slice %arg10[%add3A_412, %dma_start3A_654] : memref<10000x128xf32, #tpu.memory_space<vmem_shared>> -> memref<8x128xf32, #tpu.memory_space<vmem_shared>>
        %dma_start3A_656 = arith.constant 0 : i32
        %dma_start3A_657 = tpu.memref_slice %arg10[%add3A_412, %dma_start3A_656] : memref<10000x128xf32, #tpu.memory_space<vmem_shared>> -> memref<8x128xf32, #tpu.memory_space<vmem_shared>>
        tpu.enqueue_dma source(%arg9 : memref<8x128xf32, #tpu.memory_space<vmem>>) target(%dma_start3A_657 : memref<8x128xf32, #tpu.memory_space<vmem_shared>>) target_semaphore(%run_scoped3A_653 : memref<!tpu.dma_semaphore, #tpu.memory_space<semaphore_mem>>)
        %dma_wait3A_658 = arith.constant 0 : i32
        %dma_wait3A_659 = tpu.memref_slice %arg10[%add3A_412, %dma_wait3A_658] : memref<10000x128xf32, #tpu.memory_space<vmem_shared>> -> memref<8x128xf32, #tpu.memory_space<vmem_shared>>
        %dma_wait3A_660 = arith.constant 0 : i32
        %dma_wait3A_661 = tpu.memref_slice %arg10[%add3A_412, %dma_wait3A_660] : memref<10000x128xf32, #tpu.memory_space<vmem_shared>> -> memref<8x128xf32, #tpu.memory_space<vmem_shared>>
        tpu.wait_dma2 semaphore(%run_scoped3A_653 : memref<!tpu.dma_semaphore, #tpu.memory_space<semaphore_mem>>) src(%arg9 : memref<8x128xf32, #tpu.memory_space<vmem>>) dst(%dma_wait3A_661 : memref<8x128xf32, #tpu.memory_space<vmem_shared>>)
        tpu.yield
      }) : () -> ()
      %mul3A_413 = arith.constant 1000 : i32
      %mul3A_414 = arith.muli %arg1, %mul3A_413 : i32
      %add3A_415 = arith.constant 520 : i32
      %add3A_416 = arith.addi %mul3A_414, %add3A_415 : i32
      "tpu.region"() ({
        %run_scoped3A_653 = tpu.sem_alloc : memref<!tpu.dma_semaphore, #tpu.memory_space<semaphore_mem>>
        %dma_start3A_654 = arith.constant 0 : i32
        %dma_start3A_655 = tpu.memref_slice %arg10[%add3A_416, %dma_start3A_654] : memref<10000x128xf32, #tpu.memory_space<vmem_shared>> -> memref<8x128xf32, #tpu.memory_space<vmem_shared>>
        %dma_start3A_656 = arith.constant 0 : i32
        %dma_start3A_657 = tpu.memref_slice %arg10[%add3A_416, %dma_start3A_656] : memref<10000x128xf32, #tpu.memory_space<vmem_shared>> -> memref<8x128xf32, #tpu.memory_space<vmem_shared>>
        tpu.enqueue_dma source(%arg9 : memref<8x128xf32, #tpu.memory_space<vmem>>) target(%dma_start3A_657 : memref<8x128xf32, #tpu.memory_space<vmem_shared>>) target_semaphore(%run_scoped3A_653 : memref<!tpu.dma_semaphore, #tpu.memory_space<semaphore_mem>>)
        %dma_wait3A_658 = arith.constant 0 : i32
        %dma_wait3A_659 = tpu.memref_slice %arg10[%add3A_416, %dma_wait3A_658] : memref<10000x128xf32, #tpu.memory_space<vmem_shared>> -> memref<8x128xf32, #tpu.memory_space<vmem_shared>>
        %dma_wait3A_660 = arith.constant 0 : i32
        %dma_wait3A_661 = tpu.memref_slice %arg10[%add3A_416, %dma_wait3A_660] : memref<10000x128xf32, #tpu.memory_space<vmem_shared>> -> memref<8x128xf32, #tpu.memory_space<vmem_shared>>
        tpu.wait_dma2 semaphore(%run_scoped3A_653 : memref<!tpu.dma_semaphore, #tpu.memory_space<semaphore_mem>>) src(%arg9 : memref<8x128xf32, #tpu.memory_space<vmem>>) dst(%dma_wait3A_661 : memref<8x128xf32, #tpu.memory_space<vmem_shared>>)
        tpu.yield
      }) : () -> ()
      %mul3A_417 = arith.constant 1000 : i32
      %mul3A_418 = arith.muli %arg1, %mul3A_417 : i32
      %add3A_419 = arith.constant 528 : i32
      %add3A_420 = arith.addi %mul3A_418, %add3A_419 : i32
      "tpu.region"() ({
        %run_scoped3A_653 = tpu.sem_alloc : memref<!tpu.dma_semaphore, #tpu.memory_space<semaphore_mem>>
        %dma_start3A_654 = arith.constant 0 : i32
        %dma_start3A_655 = tpu.memref_slice %arg10[%add3A_420, %dma_start3A_654] : memref<10000x128xf32, #tpu.memory_space<vmem_shared>> -> memref<8x128xf32, #tpu.memory_space<vmem_shared>>
        %dma_start3A_656 = arith.constant 0 : i32
        %dma_start3A_657 = tpu.memref_slice %arg10[%add3A_420, %dma_start3A_656] : memref<10000x128xf32, #tpu.memory_space<vmem_shared>> -> memref<8x128xf32, #tpu.memory_space<vmem_shared>>
        tpu.enqueue_dma source(%arg9 : memref<8x128xf32, #tpu.memory_space<vmem>>) target(%dma_start3A_657 : memref<8x128xf32, #tpu.memory_space<vmem_shared>>) target_semaphore(%run_scoped3A_653 : memref<!tpu.dma_semaphore, #tpu.memory_space<semaphore_mem>>)
        %dma_wait3A_658 = arith.constant 0 : i32
        %dma_wait3A_659 = tpu.memref_slice %arg10[%add3A_420, %dma_wait3A_658] : memref<10000x128xf32, #tpu.memory_space<vmem_shared>> -> memref<8x128xf32, #tpu.memory_space<vmem_shared>>
        %dma_wait3A_660 = arith.constant 0 : i32
        %dma_wait3A_661 = tpu.memref_slice %arg10[%add3A_420, %dma_wait3A_660] : memref<10000x128xf32, #tpu.memory_space<vmem_shared>> -> memref<8x128xf32, #tpu.memory_space<vmem_shared>>
        tpu.wait_dma2 semaphore(%run_scoped3A_653 : memref<!tpu.dma_semaphore, #tpu.memory_space<semaphore_mem>>) src(%arg9 : memref<8x128xf32, #tpu.memory_space<vmem>>) dst(%dma_wait3A_661 : memref<8x128xf32, #tpu.memory_space<vmem_shared>>)
        tpu.yield
      }) : () -> ()
      %mul3A_421 = arith.constant 1000 : i32
      %mul3A_422 = arith.muli %arg1, %mul3A_421 : i32
      %add3A_423 = arith.constant 536 : i32
      %add3A_424 = arith.addi %mul3A_422, %add3A_423 : i32
      "tpu.region"() ({
        %run_scoped3A_653 = tpu.sem_alloc : memref<!tpu.dma_semaphore, #tpu.memory_space<semaphore_mem>>
        %dma_start3A_654 = arith.constant 0 : i32
        %dma_start3A_655 = tpu.memref_slice %arg10[%add3A_424, %dma_start3A_654] : memref<10000x128xf32, #tpu.memory_space<vmem_shared>> -> memref<8x128xf32, #tpu.memory_space<vmem_shared>>
        %dma_start3A_656 = arith.constant 0 : i32
        %dma_start3A_657 = tpu.memref_slice %arg10[%add3A_424, %dma_start3A_656] : memref<10000x128xf32, #tpu.memory_space<vmem_shared>> -> memref<8x128xf32, #tpu.memory_space<vmem_shared>>
        tpu.enqueue_dma source(%arg9 : memref<8x128xf32, #tpu.memory_space<vmem>>) target(%dma_start3A_657 : memref<8x128xf32, #tpu.memory_space<vmem_shared>>) target_semaphore(%run_scoped3A_653 : memref<!tpu.dma_semaphore, #tpu.memory_space<semaphore_mem>>)
        %dma_wait3A_658 = arith.constant 0 : i32
        %dma_wait3A_659 = tpu.memref_slice %arg10[%add3A_424, %dma_wait3A_658] : memref<10000x128xf32, #tpu.memory_space<vmem_shared>> -> memref<8x128xf32, #tpu.memory_space<vmem_shared>>
        %dma_wait3A_660 = arith.constant 0 : i32
        %dma_wait3A_661 = tpu.memref_slice %arg10[%add3A_424, %dma_wait3A_660] : memref<10000x128xf32, #tpu.memory_space<vmem_shared>> -> memref<8x128xf32, #tpu.memory_space<vmem_shared>>
        tpu.wait_dma2 semaphore(%run_scoped3A_653 : memref<!tpu.dma_semaphore, #tpu.memory_space<semaphore_mem>>) src(%arg9 : memref<8x128xf32, #tpu.memory_space<vmem>>) dst(%dma_wait3A_661 : memref<8x128xf32, #tpu.memory_space<vmem_shared>>)
        tpu.yield
      }) : () -> ()
      %mul3A_425 = arith.constant 1000 : i32
      %mul3A_426 = arith.muli %arg1, %mul3A_425 : i32
      %add3A_427 = arith.constant 544 : i32
      %add3A_428 = arith.addi %mul3A_426, %add3A_427 : i32
      "tpu.region"() ({
        %run_scoped3A_653 = tpu.sem_alloc : memref<!tpu.dma_semaphore, #tpu.memory_space<semaphore_mem>>
        %dma_start3A_654 = arith.constant 0 : i32
        %dma_start3A_655 = tpu.memref_slice %arg10[%add3A_428, %dma_start3A_654] : memref<10000x128xf32, #tpu.memory_space<vmem_shared>> -> memref<8x128xf32, #tpu.memory_space<vmem_shared>>
        %dma_start3A_656 = arith.constant 0 : i32
        %dma_start3A_657 = tpu.memref_slice %arg10[%add3A_428, %dma_start3A_656] : memref<10000x128xf32, #tpu.memory_space<vmem_shared>> -> memref<8x128xf32, #tpu.memory_space<vmem_shared>>
        tpu.enqueue_dma source(%arg9 : memref<8x128xf32, #tpu.memory_space<vmem>>) target(%dma_start3A_657 : memref<8x128xf32, #tpu.memory_space<vmem_shared>>) target_semaphore(%run_scoped3A_653 : memref<!tpu.dma_semaphore, #tpu.memory_space<semaphore_mem>>)
        %dma_wait3A_658 = arith.constant 0 : i32
        %dma_wait3A_659 = tpu.memref_slice %arg10[%add3A_428, %dma_wait3A_658] : memref<10000x128xf32, #tpu.memory_space<vmem_shared>> -> memref<8x128xf32, #tpu.memory_space<vmem_shared>>
        %dma_wait3A_660 = arith.constant 0 : i32
        %dma_wait3A_661 = tpu.memref_slice %arg10[%add3A_428, %dma_wait3A_660] : memref<10000x128xf32, #tpu.memory_space<vmem_shared>> -> memref<8x128xf32, #tpu.memory_space<vmem_shared>>
        tpu.wait_dma2 semaphore(%run_scoped3A_653 : memref<!tpu.dma_semaphore, #tpu.memory_space<semaphore_mem>>) src(%arg9 : memref<8x128xf32, #tpu.memory_space<vmem>>) dst(%dma_wait3A_661 : memref<8x128xf32, #tpu.memory_space<vmem_shared>>)
        tpu.yield
      }) : () -> ()
      %mul3A_429 = arith.constant 1000 : i32
      %mul3A_430 = arith.muli %arg1, %mul3A_429 : i32
      %add3A_431 = arith.constant 552 : i32
      %add3A_432 = arith.addi %mul3A_430, %add3A_431 : i32
      "tpu.region"() ({
        %run_scoped3A_653 = tpu.sem_alloc : memref<!tpu.dma_semaphore, #tpu.memory_space<semaphore_mem>>
        %dma_start3A_654 = arith.constant 0 : i32
        %dma_start3A_655 = tpu.memref_slice %arg10[%add3A_432, %dma_start3A_654] : memref<10000x128xf32, #tpu.memory_space<vmem_shared>> -> memref<8x128xf32, #tpu.memory_space<vmem_shared>>
        %dma_start3A_656 = arith.constant 0 : i32
        %dma_start3A_657 = tpu.memref_slice %arg10[%add3A_432, %dma_start3A_656] : memref<10000x128xf32, #tpu.memory_space<vmem_shared>> -> memref<8x128xf32, #tpu.memory_space<vmem_shared>>
        tpu.enqueue_dma source(%arg9 : memref<8x128xf32, #tpu.memory_space<vmem>>) target(%dma_start3A_657 : memref<8x128xf32, #tpu.memory_space<vmem_shared>>) target_semaphore(%run_scoped3A_653 : memref<!tpu.dma_semaphore, #tpu.memory_space<semaphore_mem>>)
        %dma_wait3A_658 = arith.constant 0 : i32
        %dma_wait3A_659 = tpu.memref_slice %arg10[%add3A_432, %dma_wait3A_658] : memref<10000x128xf32, #tpu.memory_space<vmem_shared>> -> memref<8x128xf32, #tpu.memory_space<vmem_shared>>
        %dma_wait3A_660 = arith.constant 0 : i32
        %dma_wait3A_661 = tpu.memref_slice %arg10[%add3A_432, %dma_wait3A_660] : memref<10000x128xf32, #tpu.memory_space<vmem_shared>> -> memref<8x128xf32, #tpu.memory_space<vmem_shared>>
        tpu.wait_dma2 semaphore(%run_scoped3A_653 : memref<!tpu.dma_semaphore, #tpu.memory_space<semaphore_mem>>) src(%arg9 : memref<8x128xf32, #tpu.memory_space<vmem>>) dst(%dma_wait3A_661 : memref<8x128xf32, #tpu.memory_space<vmem_shared>>)
        tpu.yield
      }) : () -> ()
      %mul3A_433 = arith.constant 1000 : i32
      %mul3A_434 = arith.muli %arg1, %mul3A_433 : i32
      %add3A_435 = arith.constant 560 : i32
      %add3A_436 = arith.addi %mul3A_434, %add3A_435 : i32
      "tpu.region"() ({
        %run_scoped3A_653 = tpu.sem_alloc : memref<!tpu.dma_semaphore, #tpu.memory_space<semaphore_mem>>
        %dma_start3A_654 = arith.constant 0 : i32
        %dma_start3A_655 = tpu.memref_slice %arg10[%add3A_436, %dma_start3A_654] : memref<10000x128xf32, #tpu.memory_space<vmem_shared>> -> memref<8x128xf32, #tpu.memory_space<vmem_shared>>
        %dma_start3A_656 = arith.constant 0 : i32
        %dma_start3A_657 = tpu.memref_slice %arg10[%add3A_436, %dma_start3A_656] : memref<10000x128xf32, #tpu.memory_space<vmem_shared>> -> memref<8x128xf32, #tpu.memory_space<vmem_shared>>
        tpu.enqueue_dma source(%arg9 : memref<8x128xf32, #tpu.memory_space<vmem>>) target(%dma_start3A_657 : memref<8x128xf32, #tpu.memory_space<vmem_shared>>) target_semaphore(%run_scoped3A_653 : memref<!tpu.dma_semaphore, #tpu.memory_space<semaphore_mem>>)
        %dma_wait3A_658 = arith.constant 0 : i32
        %dma_wait3A_659 = tpu.memref_slice %arg10[%add3A_436, %dma_wait3A_658] : memref<10000x128xf32, #tpu.memory_space<vmem_shared>> -> memref<8x128xf32, #tpu.memory_space<vmem_shared>>
        %dma_wait3A_660 = arith.constant 0 : i32
        %dma_wait3A_661 = tpu.memref_slice %arg10[%add3A_436, %dma_wait3A_660] : memref<10000x128xf32, #tpu.memory_space<vmem_shared>> -> memref<8x128xf32, #tpu.memory_space<vmem_shared>>
        tpu.wait_dma2 semaphore(%run_scoped3A_653 : memref<!tpu.dma_semaphore, #tpu.memory_space<semaphore_mem>>) src(%arg9 : memref<8x128xf32, #tpu.memory_space<vmem>>) dst(%dma_wait3A_661 : memref<8x128xf32, #tpu.memory_space<vmem_shared>>)
        tpu.yield
      }) : () -> ()
      %mul3A_437 = arith.constant 1000 : i32
      %mul3A_438 = arith.muli %arg1, %mul3A_437 : i32
      %add3A_439 = arith.constant 568 : i32
      %add3A_440 = arith.addi %mul3A_438, %add3A_439 : i32
      "tpu.region"() ({
        %run_scoped3A_653 = tpu.sem_alloc : memref<!tpu.dma_semaphore, #tpu.memory_space<semaphore_mem>>
        %dma_start3A_654 = arith.constant 0 : i32
        %dma_start3A_655 = tpu.memref_slice %arg10[%add3A_440, %dma_start3A_654] : memref<10000x128xf32, #tpu.memory_space<vmem_shared>> -> memref<8x128xf32, #tpu.memory_space<vmem_shared>>
        %dma_start3A_656 = arith.constant 0 : i32
        %dma_start3A_657 = tpu.memref_slice %arg10[%add3A_440, %dma_start3A_656] : memref<10000x128xf32, #tpu.memory_space<vmem_shared>> -> memref<8x128xf32, #tpu.memory_space<vmem_shared>>
        tpu.enqueue_dma source(%arg9 : memref<8x128xf32, #tpu.memory_space<vmem>>) target(%dma_start3A_657 : memref<8x128xf32, #tpu.memory_space<vmem_shared>>) target_semaphore(%run_scoped3A_653 : memref<!tpu.dma_semaphore, #tpu.memory_space<semaphore_mem>>)
        %dma_wait3A_658 = arith.constant 0 : i32
        %dma_wait3A_659 = tpu.memref_slice %arg10[%add3A_440, %dma_wait3A_658] : memref<10000x128xf32, #tpu.memory_space<vmem_shared>> -> memref<8x128xf32, #tpu.memory_space<vmem_shared>>
        %dma_wait3A_660 = arith.constant 0 : i32
        %dma_wait3A_661 = tpu.memref_slice %arg10[%add3A_440, %dma_wait3A_660] : memref<10000x128xf32, #tpu.memory_space<vmem_shared>> -> memref<8x128xf32, #tpu.memory_space<vmem_shared>>
        tpu.wait_dma2 semaphore(%run_scoped3A_653 : memref<!tpu.dma_semaphore, #tpu.memory_space<semaphore_mem>>) src(%arg9 : memref<8x128xf32, #tpu.memory_space<vmem>>) dst(%dma_wait3A_661 : memref<8x128xf32, #tpu.memory_space<vmem_shared>>)
        tpu.yield
      }) : () -> ()
      %mul3A_441 = arith.constant 1000 : i32
      %mul3A_442 = arith.muli %arg1, %mul3A_441 : i32
      %add3A_443 = arith.constant 576 : i32
      %add3A_444 = arith.addi %mul3A_442, %add3A_443 : i32
      "tpu.region"() ({
        %run_scoped3A_653 = tpu.sem_alloc : memref<!tpu.dma_semaphore, #tpu.memory_space<semaphore_mem>>
        %dma_start3A_654 = arith.constant 0 : i32
        %dma_start3A_655 = tpu.memref_slice %arg10[%add3A_444, %dma_start3A_654] : memref<10000x128xf32, #tpu.memory_space<vmem_shared>> -> memref<8x128xf32, #tpu.memory_space<vmem_shared>>
        %dma_start3A_656 = arith.constant 0 : i32
        %dma_start3A_657 = tpu.memref_slice %arg10[%add3A_444, %dma_start3A_656] : memref<10000x128xf32, #tpu.memory_space<vmem_shared>> -> memref<8x128xf32, #tpu.memory_space<vmem_shared>>
        tpu.enqueue_dma source(%arg9 : memref<8x128xf32, #tpu.memory_space<vmem>>) target(%dma_start3A_657 : memref<8x128xf32, #tpu.memory_space<vmem_shared>>) target_semaphore(%run_scoped3A_653 : memref<!tpu.dma_semaphore, #tpu.memory_space<semaphore_mem>>)
        %dma_wait3A_658 = arith.constant 0 : i32
        %dma_wait3A_659 = tpu.memref_slice %arg10[%add3A_444, %dma_wait3A_658] : memref<10000x128xf32, #tpu.memory_space<vmem_shared>> -> memref<8x128xf32, #tpu.memory_space<vmem_shared>>
        %dma_wait3A_660 = arith.constant 0 : i32
        %dma_wait3A_661 = tpu.memref_slice %arg10[%add3A_444, %dma_wait3A_660] : memref<10000x128xf32, #tpu.memory_space<vmem_shared>> -> memref<8x128xf32, #tpu.memory_space<vmem_shared>>
        tpu.wait_dma2 semaphore(%run_scoped3A_653 : memref<!tpu.dma_semaphore, #tpu.memory_space<semaphore_mem>>) src(%arg9 : memref<8x128xf32, #tpu.memory_space<vmem>>) dst(%dma_wait3A_661 : memref<8x128xf32, #tpu.memory_space<vmem_shared>>)
        tpu.yield
      }) : () -> ()
      %mul3A_445 = arith.constant 1000 : i32
      %mul3A_446 = arith.muli %arg1, %mul3A_445 : i32
      %add3A_447 = arith.constant 584 : i32
      %add3A_448 = arith.addi %mul3A_446, %add3A_447 : i32
      "tpu.region"() ({
        %run_scoped3A_653 = tpu.sem_alloc : memref<!tpu.dma_semaphore, #tpu.memory_space<semaphore_mem>>
        %dma_start3A_654 = arith.constant 0 : i32
        %dma_start3A_655 = tpu.memref_slice %arg10[%add3A_448, %dma_start3A_654] : memref<10000x128xf32, #tpu.memory_space<vmem_shared>> -> memref<8x128xf32, #tpu.memory_space<vmem_shared>>
        %dma_start3A_656 = arith.constant 0 : i32
        %dma_start3A_657 = tpu.memref_slice %arg10[%add3A_448, %dma_start3A_656] : memref<10000x128xf32, #tpu.memory_space<vmem_shared>> -> memref<8x128xf32, #tpu.memory_space<vmem_shared>>
        tpu.enqueue_dma source(%arg9 : memref<8x128xf32, #tpu.memory_space<vmem>>) target(%dma_start3A_657 : memref<8x128xf32, #tpu.memory_space<vmem_shared>>) target_semaphore(%run_scoped3A_653 : memref<!tpu.dma_semaphore, #tpu.memory_space<semaphore_mem>>)
        %dma_wait3A_658 = arith.constant 0 : i32
        %dma_wait3A_659 = tpu.memref_slice %arg10[%add3A_448, %dma_wait3A_658] : memref<10000x128xf32, #tpu.memory_space<vmem_shared>> -> memref<8x128xf32, #tpu.memory_space<vmem_shared>>
        %dma_wait3A_660 = arith.constant 0 : i32
        %dma_wait3A_661 = tpu.memref_slice %arg10[%add3A_448, %dma_wait3A_660] : memref<10000x128xf32, #tpu.memory_space<vmem_shared>> -> memref<8x128xf32, #tpu.memory_space<vmem_shared>>
        tpu.wait_dma2 semaphore(%run_scoped3A_653 : memref<!tpu.dma_semaphore, #tpu.memory_space<semaphore_mem>>) src(%arg9 : memref<8x128xf32, #tpu.memory_space<vmem>>) dst(%dma_wait3A_661 : memref<8x128xf32, #tpu.memory_space<vmem_shared>>)
        tpu.yield
      }) : () -> ()
      %mul3A_449 = arith.constant 1000 : i32
      %mul3A_450 = arith.muli %arg1, %mul3A_449 : i32
      %add3A_451 = arith.constant 592 : i32
      %add3A_452 = arith.addi %mul3A_450, %add3A_451 : i32
      "tpu.region"() ({
        %run_scoped3A_653 = tpu.sem_alloc : memref<!tpu.dma_semaphore, #tpu.memory_space<semaphore_mem>>
        %dma_start3A_654 = arith.constant 0 : i32
        %dma_start3A_655 = tpu.memref_slice %arg10[%add3A_452, %dma_start3A_654] : memref<10000x128xf32, #tpu.memory_space<vmem_shared>> -> memref<8x128xf32, #tpu.memory_space<vmem_shared>>
        %dma_start3A_656 = arith.constant 0 : i32
        %dma_start3A_657 = tpu.memref_slice %arg10[%add3A_452, %dma_start3A_656] : memref<10000x128xf32, #tpu.memory_space<vmem_shared>> -> memref<8x128xf32, #tpu.memory_space<vmem_shared>>
        tpu.enqueue_dma source(%arg9 : memref<8x128xf32, #tpu.memory_space<vmem>>) target(%dma_start3A_657 : memref<8x128xf32, #tpu.memory_space<vmem_shared>>) target_semaphore(%run_scoped3A_653 : memref<!tpu.dma_semaphore, #tpu.memory_space<semaphore_mem>>)
        %dma_wait3A_658 = arith.constant 0 : i32
        %dma_wait3A_659 = tpu.memref_slice %arg10[%add3A_452, %dma_wait3A_658] : memref<10000x128xf32, #tpu.memory_space<vmem_shared>> -> memref<8x128xf32, #tpu.memory_space<vmem_shared>>
        %dma_wait3A_660 = arith.constant 0 : i32
        %dma_wait3A_661 = tpu.memref_slice %arg10[%add3A_452, %dma_wait3A_660] : memref<10000x128xf32, #tpu.memory_space<vmem_shared>> -> memref<8x128xf32, #tpu.memory_space<vmem_shared>>
        tpu.wait_dma2 semaphore(%run_scoped3A_653 : memref<!tpu.dma_semaphore, #tpu.memory_space<semaphore_mem>>) src(%arg9 : memref<8x128xf32, #tpu.memory_space<vmem>>) dst(%dma_wait3A_661 : memref<8x128xf32, #tpu.memory_space<vmem_shared>>)
        tpu.yield
      }) : () -> ()
      %mul3A_453 = arith.constant 1000 : i32
      %mul3A_454 = arith.muli %arg1, %mul3A_453 : i32
      %add3A_455 = arith.constant 600 : i32
      %add3A_456 = arith.addi %mul3A_454, %add3A_455 : i32
      "tpu.region"() ({
        %run_scoped3A_653 = tpu.sem_alloc : memref<!tpu.dma_semaphore, #tpu.memory_space<semaphore_mem>>
        %dma_start3A_654 = arith.constant 0 : i32
        %dma_start3A_655 = tpu.memref_slice %arg10[%add3A_456, %dma_start3A_654] : memref<10000x128xf32, #tpu.memory_space<vmem_shared>> -> memref<8x128xf32, #tpu.memory_space<vmem_shared>>
        %dma_start3A_656 = arith.constant 0 : i32
        %dma_start3A_657 = tpu.memref_slice %arg10[%add3A_456, %dma_start3A_656] : memref<10000x128xf32, #tpu.memory_space<vmem_shared>> -> memref<8x128xf32, #tpu.memory_space<vmem_shared>>
        tpu.enqueue_dma source(%arg9 : memref<8x128xf32, #tpu.memory_space<vmem>>) target(%dma_start3A_657 : memref<8x128xf32, #tpu.memory_space<vmem_shared>>) target_semaphore(%run_scoped3A_653 : memref<!tpu.dma_semaphore, #tpu.memory_space<semaphore_mem>>)
        %dma_wait3A_658 = arith.constant 0 : i32
        %dma_wait3A_659 = tpu.memref_slice %arg10[%add3A_456, %dma_wait3A_658] : memref<10000x128xf32, #tpu.memory_space<vmem_shared>> -> memref<8x128xf32, #tpu.memory_space<vmem_shared>>
        %dma_wait3A_660 = arith.constant 0 : i32
        %dma_wait3A_661 = tpu.memref_slice %arg10[%add3A_456, %dma_wait3A_660] : memref<10000x128xf32, #tpu.memory_space<vmem_shared>> -> memref<8x128xf32, #tpu.memory_space<vmem_shared>>
        tpu.wait_dma2 semaphore(%run_scoped3A_653 : memref<!tpu.dma_semaphore, #tpu.memory_space<semaphore_mem>>) src(%arg9 : memref<8x128xf32, #tpu.memory_space<vmem>>) dst(%dma_wait3A_661 : memref<8x128xf32, #tpu.memory_space<vmem_shared>>)
        tpu.yield
      }) : () -> ()
      %mul3A_457 = arith.constant 1000 : i32
      %mul3A_458 = arith.muli %arg1, %mul3A_457 : i32
      %add3A_459 = arith.constant 608 : i32
      %add3A_460 = arith.addi %mul3A_458, %add3A_459 : i32
      "tpu.region"() ({
        %run_scoped3A_653 = tpu.sem_alloc : memref<!tpu.dma_semaphore, #tpu.memory_space<semaphore_mem>>
        %dma_start3A_654 = arith.constant 0 : i32
        %dma_start3A_655 = tpu.memref_slice %arg10[%add3A_460, %dma_start3A_654] : memref<10000x128xf32, #tpu.memory_space<vmem_shared>> -> memref<8x128xf32, #tpu.memory_space<vmem_shared>>
        %dma_start3A_656 = arith.constant 0 : i32
        %dma_start3A_657 = tpu.memref_slice %arg10[%add3A_460, %dma_start3A_656] : memref<10000x128xf32, #tpu.memory_space<vmem_shared>> -> memref<8x128xf32, #tpu.memory_space<vmem_shared>>
        tpu.enqueue_dma source(%arg9 : memref<8x128xf32, #tpu.memory_space<vmem>>) target(%dma_start3A_657 : memref<8x128xf32, #tpu.memory_space<vmem_shared>>) target_semaphore(%run_scoped3A_653 : memref<!tpu.dma_semaphore, #tpu.memory_space<semaphore_mem>>)
        %dma_wait3A_658 = arith.constant 0 : i32
        %dma_wait3A_659 = tpu.memref_slice %arg10[%add3A_460, %dma_wait3A_658] : memref<10000x128xf32, #tpu.memory_space<vmem_shared>> -> memref<8x128xf32, #tpu.memory_space<vmem_shared>>
        %dma_wait3A_660 = arith.constant 0 : i32
        %dma_wait3A_661 = tpu.memref_slice %arg10[%add3A_460, %dma_wait3A_660] : memref<10000x128xf32, #tpu.memory_space<vmem_shared>> -> memref<8x128xf32, #tpu.memory_space<vmem_shared>>
        tpu.wait_dma2 semaphore(%run_scoped3A_653 : memref<!tpu.dma_semaphore, #tpu.memory_space<semaphore_mem>>) src(%arg9 : memref<8x128xf32, #tpu.memory_space<vmem>>) dst(%dma_wait3A_661 : memref<8x128xf32, #tpu.memory_space<vmem_shared>>)
        tpu.yield
      }) : () -> ()
      %mul3A_461 = arith.constant 1000 : i32
      %mul3A_462 = arith.muli %arg1, %mul3A_461 : i32
      %add3A_463 = arith.constant 616 : i32
      %add3A_464 = arith.addi %mul3A_462, %add3A_463 : i32
      "tpu.region"() ({
        %run_scoped3A_653 = tpu.sem_alloc : memref<!tpu.dma_semaphore, #tpu.memory_space<semaphore_mem>>
        %dma_start3A_654 = arith.constant 0 : i32
        %dma_start3A_655 = tpu.memref_slice %arg10[%add3A_464, %dma_start3A_654] : memref<10000x128xf32, #tpu.memory_space<vmem_shared>> -> memref<8x128xf32, #tpu.memory_space<vmem_shared>>
        %dma_start3A_656 = arith.constant 0 : i32
        %dma_start3A_657 = tpu.memref_slice %arg10[%add3A_464, %dma_start3A_656] : memref<10000x128xf32, #tpu.memory_space<vmem_shared>> -> memref<8x128xf32, #tpu.memory_space<vmem_shared>>
        tpu.enqueue_dma source(%arg9 : memref<8x128xf32, #tpu.memory_space<vmem>>) target(%dma_start3A_657 : memref<8x128xf32, #tpu.memory_space<vmem_shared>>) target_semaphore(%run_scoped3A_653 : memref<!tpu.dma_semaphore, #tpu.memory_space<semaphore_mem>>)
        %dma_wait3A_658 = arith.constant 0 : i32
        %dma_wait3A_659 = tpu.memref_slice %arg10[%add3A_464, %dma_wait3A_658] : memref<10000x128xf32, #tpu.memory_space<vmem_shared>> -> memref<8x128xf32, #tpu.memory_space<vmem_shared>>
        %dma_wait3A_660 = arith.constant 0 : i32
        %dma_wait3A_661 = tpu.memref_slice %arg10[%add3A_464, %dma_wait3A_660] : memref<10000x128xf32, #tpu.memory_space<vmem_shared>> -> memref<8x128xf32, #tpu.memory_space<vmem_shared>>
        tpu.wait_dma2 semaphore(%run_scoped3A_653 : memref<!tpu.dma_semaphore, #tpu.memory_space<semaphore_mem>>) src(%arg9 : memref<8x128xf32, #tpu.memory_space<vmem>>) dst(%dma_wait3A_661 : memref<8x128xf32, #tpu.memory_space<vmem_shared>>)
        tpu.yield
      }) : () -> ()
      %mul3A_465 = arith.constant 1000 : i32
      %mul3A_466 = arith.muli %arg1, %mul3A_465 : i32
      %add3A_467 = arith.constant 624 : i32
      %add3A_468 = arith.addi %mul3A_466, %add3A_467 : i32
      "tpu.region"() ({
        %run_scoped3A_653 = tpu.sem_alloc : memref<!tpu.dma_semaphore, #tpu.memory_space<semaphore_mem>>
        %dma_start3A_654 = arith.constant 0 : i32
        %dma_start3A_655 = tpu.memref_slice %arg10[%add3A_468, %dma_start3A_654] : memref<10000x128xf32, #tpu.memory_space<vmem_shared>> -> memref<8x128xf32, #tpu.memory_space<vmem_shared>>
        %dma_start3A_656 = arith.constant 0 : i32
        %dma_start3A_657 = tpu.memref_slice %arg10[%add3A_468, %dma_start3A_656] : memref<10000x128xf32, #tpu.memory_space<vmem_shared>> -> memref<8x128xf32, #tpu.memory_space<vmem_shared>>
        tpu.enqueue_dma source(%arg9 : memref<8x128xf32, #tpu.memory_space<vmem>>) target(%dma_start3A_657 : memref<8x128xf32, #tpu.memory_space<vmem_shared>>) target_semaphore(%run_scoped3A_653 : memref<!tpu.dma_semaphore, #tpu.memory_space<semaphore_mem>>)
        %dma_wait3A_658 = arith.constant 0 : i32
        %dma_wait3A_659 = tpu.memref_slice %arg10[%add3A_468, %dma_wait3A_658] : memref<10000x128xf32, #tpu.memory_space<vmem_shared>> -> memref<8x128xf32, #tpu.memory_space<vmem_shared>>
        %dma_wait3A_660 = arith.constant 0 : i32
        %dma_wait3A_661 = tpu.memref_slice %arg10[%add3A_468, %dma_wait3A_660] : memref<10000x128xf32, #tpu.memory_space<vmem_shared>> -> memref<8x128xf32, #tpu.memory_space<vmem_shared>>
        tpu.wait_dma2 semaphore(%run_scoped3A_653 : memref<!tpu.dma_semaphore, #tpu.memory_space<semaphore_mem>>) src(%arg9 : memref<8x128xf32, #tpu.memory_space<vmem>>) dst(%dma_wait3A_661 : memref<8x128xf32, #tpu.memory_space<vmem_shared>>)
        tpu.yield
      }) : () -> ()
      %mul3A_469 = arith.constant 1000 : i32
      %mul3A_470 = arith.muli %arg1, %mul3A_469 : i32
      %add3A_471 = arith.constant 632 : i32
      %add3A_472 = arith.addi %mul3A_470, %add3A_471 : i32
      "tpu.region"() ({
        %run_scoped3A_653 = tpu.sem_alloc : memref<!tpu.dma_semaphore, #tpu.memory_space<semaphore_mem>>
        %dma_start3A_654 = arith.constant 0 : i32
        %dma_start3A_655 = tpu.memref_slice %arg10[%add3A_472, %dma_start3A_654] : memref<10000x128xf32, #tpu.memory_space<vmem_shared>> -> memref<8x128xf32, #tpu.memory_space<vmem_shared>>
        %dma_start3A_656 = arith.constant 0 : i32
        %dma_start3A_657 = tpu.memref_slice %arg10[%add3A_472, %dma_start3A_656] : memref<10000x128xf32, #tpu.memory_space<vmem_shared>> -> memref<8x128xf32, #tpu.memory_space<vmem_shared>>
        tpu.enqueue_dma source(%arg9 : memref<8x128xf32, #tpu.memory_space<vmem>>) target(%dma_start3A_657 : memref<8x128xf32, #tpu.memory_space<vmem_shared>>) target_semaphore(%run_scoped3A_653 : memref<!tpu.dma_semaphore, #tpu.memory_space<semaphore_mem>>)
        %dma_wait3A_658 = arith.constant 0 : i32
        %dma_wait3A_659 = tpu.memref_slice %arg10[%add3A_472, %dma_wait3A_658] : memref<10000x128xf32, #tpu.memory_space<vmem_shared>> -> memref<8x128xf32, #tpu.memory_space<vmem_shared>>
        %dma_wait3A_660 = arith.constant 0 : i32
        %dma_wait3A_661 = tpu.memref_slice %arg10[%add3A_472, %dma_wait3A_660] : memref<10000x128xf32, #tpu.memory_space<vmem_shared>> -> memref<8x128xf32, #tpu.memory_space<vmem_shared>>
        tpu.wait_dma2 semaphore(%run_scoped3A_653 : memref<!tpu.dma_semaphore, #tpu.memory_space<semaphore_mem>>) src(%arg9 : memref<8x128xf32, #tpu.memory_space<vmem>>) dst(%dma_wait3A_661 : memref<8x128xf32, #tpu.memory_space<vmem_shared>>)
        tpu.yield
      }) : () -> ()
      %mul3A_473 = arith.constant 1000 : i32
      %mul3A_474 = arith.muli %arg1, %mul3A_473 : i32
      %add3A_475 = arith.constant 640 : i32
      %add3A_476 = arith.addi %mul3A_474, %add3A_475 : i32
      "tpu.region"() ({
        %run_scoped3A_653 = tpu.sem_alloc : memref<!tpu.dma_semaphore, #tpu.memory_space<semaphore_mem>>
        %dma_start3A_654 = arith.constant 0 : i32
        %dma_start3A_655 = tpu.memref_slice %arg10[%add3A_476, %dma_start3A_654] : memref<10000x128xf32, #tpu.memory_space<vmem_shared>> -> memref<8x128xf32, #tpu.memory_space<vmem_shared>>
        %dma_start3A_656 = arith.constant 0 : i32
        %dma_start3A_657 = tpu.memref_slice %arg10[%add3A_476, %dma_start3A_656] : memref<10000x128xf32, #tpu.memory_space<vmem_shared>> -> memref<8x128xf32, #tpu.memory_space<vmem_shared>>
        tpu.enqueue_dma source(%arg9 : memref<8x128xf32, #tpu.memory_space<vmem>>) target(%dma_start3A_657 : memref<8x128xf32, #tpu.memory_space<vmem_shared>>) target_semaphore(%run_scoped3A_653 : memref<!tpu.dma_semaphore, #tpu.memory_space<semaphore_mem>>)
        %dma_wait3A_658 = arith.constant 0 : i32
        %dma_wait3A_659 = tpu.memref_slice %arg10[%add3A_476, %dma_wait3A_658] : memref<10000x128xf32, #tpu.memory_space<vmem_shared>> -> memref<8x128xf32, #tpu.memory_space<vmem_shared>>
        %dma_wait3A_660 = arith.constant 0 : i32
        %dma_wait3A_661 = tpu.memref_slice %arg10[%add3A_476, %dma_wait3A_660] : memref<10000x128xf32, #tpu.memory_space<vmem_shared>> -> memref<8x128xf32, #tpu.memory_space<vmem_shared>>
        tpu.wait_dma2 semaphore(%run_scoped3A_653 : memref<!tpu.dma_semaphore, #tpu.memory_space<semaphore_mem>>) src(%arg9 : memref<8x128xf32, #tpu.memory_space<vmem>>) dst(%dma_wait3A_661 : memref<8x128xf32, #tpu.memory_space<vmem_shared>>)
        tpu.yield
      }) : () -> ()
      %mul3A_477 = arith.constant 1000 : i32
      %mul3A_478 = arith.muli %arg1, %mul3A_477 : i32
      %add3A_479 = arith.constant 648 : i32
      %add3A_480 = arith.addi %mul3A_478, %add3A_479 : i32
      "tpu.region"() ({
        %run_scoped3A_653 = tpu.sem_alloc : memref<!tpu.dma_semaphore, #tpu.memory_space<semaphore_mem>>
        %dma_start3A_654 = arith.constant 0 : i32
        %dma_start3A_655 = tpu.memref_slice %arg10[%add3A_480, %dma_start3A_654] : memref<10000x128xf32, #tpu.memory_space<vmem_shared>> -> memref<8x128xf32, #tpu.memory_space<vmem_shared>>
        %dma_start3A_656 = arith.constant 0 : i32
        %dma_start3A_657 = tpu.memref_slice %arg10[%add3A_480, %dma_start3A_656] : memref<10000x128xf32, #tpu.memory_space<vmem_shared>> -> memref<8x128xf32, #tpu.memory_space<vmem_shared>>
        tpu.enqueue_dma source(%arg9 : memref<8x128xf32, #tpu.memory_space<vmem>>) target(%dma_start3A_657 : memref<8x128xf32, #tpu.memory_space<vmem_shared>>) target_semaphore(%run_scoped3A_653 : memref<!tpu.dma_semaphore, #tpu.memory_space<semaphore_mem>>)
        %dma_wait3A_658 = arith.constant 0 : i32
        %dma_wait3A_659 = tpu.memref_slice %arg10[%add3A_480, %dma_wait3A_658] : memref<10000x128xf32, #tpu.memory_space<vmem_shared>> -> memref<8x128xf32, #tpu.memory_space<vmem_shared>>
        %dma_wait3A_660 = arith.constant 0 : i32
        %dma_wait3A_661 = tpu.memref_slice %arg10[%add3A_480, %dma_wait3A_660] : memref<10000x128xf32, #tpu.memory_space<vmem_shared>> -> memref<8x128xf32, #tpu.memory_space<vmem_shared>>
        tpu.wait_dma2 semaphore(%run_scoped3A_653 : memref<!tpu.dma_semaphore, #tpu.memory_space<semaphore_mem>>) src(%arg9 : memref<8x128xf32, #tpu.memory_space<vmem>>) dst(%dma_wait3A_661 : memref<8x128xf32, #tpu.memory_space<vmem_shared>>)
        tpu.yield
      }) : () -> ()
      %mul3A_481 = arith.constant 1000 : i32
      %mul3A_482 = arith.muli %arg1, %mul3A_481 : i32
      %add3A_483 = arith.constant 656 : i32
      %add3A_484 = arith.addi %mul3A_482, %add3A_483 : i32
      "tpu.region"() ({
        %run_scoped3A_653 = tpu.sem_alloc : memref<!tpu.dma_semaphore, #tpu.memory_space<semaphore_mem>>
        %dma_start3A_654 = arith.constant 0 : i32
        %dma_start3A_655 = tpu.memref_slice %arg10[%add3A_484, %dma_start3A_654] : memref<10000x128xf32, #tpu.memory_space<vmem_shared>> -> memref<8x128xf32, #tpu.memory_space<vmem_shared>>
        %dma_start3A_656 = arith.constant 0 : i32
        %dma_start3A_657 = tpu.memref_slice %arg10[%add3A_484, %dma_start3A_656] : memref<10000x128xf32, #tpu.memory_space<vmem_shared>> -> memref<8x128xf32, #tpu.memory_space<vmem_shared>>
        tpu.enqueue_dma source(%arg9 : memref<8x128xf32, #tpu.memory_space<vmem>>) target(%dma_start3A_657 : memref<8x128xf32, #tpu.memory_space<vmem_shared>>) target_semaphore(%run_scoped3A_653 : memref<!tpu.dma_semaphore, #tpu.memory_space<semaphore_mem>>)
        %dma_wait3A_658 = arith.constant 0 : i32
        %dma_wait3A_659 = tpu.memref_slice %arg10[%add3A_484, %dma_wait3A_658] : memref<10000x128xf32, #tpu.memory_space<vmem_shared>> -> memref<8x128xf32, #tpu.memory_space<vmem_shared>>
        %dma_wait3A_660 = arith.constant 0 : i32
        %dma_wait3A_661 = tpu.memref_slice %arg10[%add3A_484, %dma_wait3A_660] : memref<10000x128xf32, #tpu.memory_space<vmem_shared>> -> memref<8x128xf32, #tpu.memory_space<vmem_shared>>
        tpu.wait_dma2 semaphore(%run_scoped3A_653 : memref<!tpu.dma_semaphore, #tpu.memory_space<semaphore_mem>>) src(%arg9 : memref<8x128xf32, #tpu.memory_space<vmem>>) dst(%dma_wait3A_661 : memref<8x128xf32, #tpu.memory_space<vmem_shared>>)
        tpu.yield
      }) : () -> ()
      %mul3A_485 = arith.constant 1000 : i32
      %mul3A_486 = arith.muli %arg1, %mul3A_485 : i32
      %add3A_487 = arith.constant 664 : i32
      %add3A_488 = arith.addi %mul3A_486, %add3A_487 : i32
      "tpu.region"() ({
        %run_scoped3A_653 = tpu.sem_alloc : memref<!tpu.dma_semaphore, #tpu.memory_space<semaphore_mem>>
        %dma_start3A_654 = arith.constant 0 : i32
        %dma_start3A_655 = tpu.memref_slice %arg10[%add3A_488, %dma_start3A_654] : memref<10000x128xf32, #tpu.memory_space<vmem_shared>> -> memref<8x128xf32, #tpu.memory_space<vmem_shared>>
        %dma_start3A_656 = arith.constant 0 : i32
        %dma_start3A_657 = tpu.memref_slice %arg10[%add3A_488, %dma_start3A_656] : memref<10000x128xf32, #tpu.memory_space<vmem_shared>> -> memref<8x128xf32, #tpu.memory_space<vmem_shared>>
        tpu.enqueue_dma source(%arg9 : memref<8x128xf32, #tpu.memory_space<vmem>>) target(%dma_start3A_657 : memref<8x128xf32, #tpu.memory_space<vmem_shared>>) target_semaphore(%run_scoped3A_653 : memref<!tpu.dma_semaphore, #tpu.memory_space<semaphore_mem>>)
        %dma_wait3A_658 = arith.constant 0 : i32
        %dma_wait3A_659 = tpu.memref_slice %arg10[%add3A_488, %dma_wait3A_658] : memref<10000x128xf32, #tpu.memory_space<vmem_shared>> -> memref<8x128xf32, #tpu.memory_space<vmem_shared>>
        %dma_wait3A_660 = arith.constant 0 : i32
        %dma_wait3A_661 = tpu.memref_slice %arg10[%add3A_488, %dma_wait3A_660] : memref<10000x128xf32, #tpu.memory_space<vmem_shared>> -> memref<8x128xf32, #tpu.memory_space<vmem_shared>>
        tpu.wait_dma2 semaphore(%run_scoped3A_653 : memref<!tpu.dma_semaphore, #tpu.memory_space<semaphore_mem>>) src(%arg9 : memref<8x128xf32, #tpu.memory_space<vmem>>) dst(%dma_wait3A_661 : memref<8x128xf32, #tpu.memory_space<vmem_shared>>)
        tpu.yield
      }) : () -> ()
      %mul3A_489 = arith.constant 1000 : i32
      %mul3A_490 = arith.muli %arg1, %mul3A_489 : i32
      %add3A_491 = arith.constant 672 : i32
      %add3A_492 = arith.addi %mul3A_490, %add3A_491 : i32
      "tpu.region"() ({
        %run_scoped3A_653 = tpu.sem_alloc : memref<!tpu.dma_semaphore, #tpu.memory_space<semaphore_mem>>
        %dma_start3A_654 = arith.constant 0 : i32
        %dma_start3A_655 = tpu.memref_slice %arg10[%add3A_492, %dma_start3A_654] : memref<10000x128xf32, #tpu.memory_space<vmem_shared>> -> memref<8x128xf32, #tpu.memory_space<vmem_shared>>
        %dma_start3A_656 = arith.constant 0 : i32
        %dma_start3A_657 = tpu.memref_slice %arg10[%add3A_492, %dma_start3A_656] : memref<10000x128xf32, #tpu.memory_space<vmem_shared>> -> memref<8x128xf32, #tpu.memory_space<vmem_shared>>
        tpu.enqueue_dma source(%arg9 : memref<8x128xf32, #tpu.memory_space<vmem>>) target(%dma_start3A_657 : memref<8x128xf32, #tpu.memory_space<vmem_shared>>) target_semaphore(%run_scoped3A_653 : memref<!tpu.dma_semaphore, #tpu.memory_space<semaphore_mem>>)
        %dma_wait3A_658 = arith.constant 0 : i32
        %dma_wait3A_659 = tpu.memref_slice %arg10[%add3A_492, %dma_wait3A_658] : memref<10000x128xf32, #tpu.memory_space<vmem_shared>> -> memref<8x128xf32, #tpu.memory_space<vmem_shared>>
        %dma_wait3A_660 = arith.constant 0 : i32
        %dma_wait3A_661 = tpu.memref_slice %arg10[%add3A_492, %dma_wait3A_660] : memref<10000x128xf32, #tpu.memory_space<vmem_shared>> -> memref<8x128xf32, #tpu.memory_space<vmem_shared>>
        tpu.wait_dma2 semaphore(%run_scoped3A_653 : memref<!tpu.dma_semaphore, #tpu.memory_space<semaphore_mem>>) src(%arg9 : memref<8x128xf32, #tpu.memory_space<vmem>>) dst(%dma_wait3A_661 : memref<8x128xf32, #tpu.memory_space<vmem_shared>>)
        tpu.yield
      }) : () -> ()
      %mul3A_493 = arith.constant 1000 : i32
      %mul3A_494 = arith.muli %arg1, %mul3A_493 : i32
      %add3A_495 = arith.constant 680 : i32
      %add3A_496 = arith.addi %mul3A_494, %add3A_495 : i32
      "tpu.region"() ({
        %run_scoped3A_653 = tpu.sem_alloc : memref<!tpu.dma_semaphore, #tpu.memory_space<semaphore_mem>>
        %dma_start3A_654 = arith.constant 0 : i32
        %dma_start3A_655 = tpu.memref_slice %arg10[%add3A_496, %dma_start3A_654] : memref<10000x128xf32, #tpu.memory_space<vmem_shared>> -> memref<8x128xf32, #tpu.memory_space<vmem_shared>>
        %dma_start3A_656 = arith.constant 0 : i32
        %dma_start3A_657 = tpu.memref_slice %arg10[%add3A_496, %dma_start3A_656] : memref<10000x128xf32, #tpu.memory_space<vmem_shared>> -> memref<8x128xf32, #tpu.memory_space<vmem_shared>>
        tpu.enqueue_dma source(%arg9 : memref<8x128xf32, #tpu.memory_space<vmem>>) target(%dma_start3A_657 : memref<8x128xf32, #tpu.memory_space<vmem_shared>>) target_semaphore(%run_scoped3A_653 : memref<!tpu.dma_semaphore, #tpu.memory_space<semaphore_mem>>)
        %dma_wait3A_658 = arith.constant 0 : i32
        %dma_wait3A_659 = tpu.memref_slice %arg10[%add3A_496, %dma_wait3A_658] : memref<10000x128xf32, #tpu.memory_space<vmem_shared>> -> memref<8x128xf32, #tpu.memory_space<vmem_shared>>
        %dma_wait3A_660 = arith.constant 0 : i32
        %dma_wait3A_661 = tpu.memref_slice %arg10[%add3A_496, %dma_wait3A_660] : memref<10000x128xf32, #tpu.memory_space<vmem_shared>> -> memref<8x128xf32, #tpu.memory_space<vmem_shared>>
        tpu.wait_dma2 semaphore(%run_scoped3A_653 : memref<!tpu.dma_semaphore, #tpu.memory_space<semaphore_mem>>) src(%arg9 : memref<8x128xf32, #tpu.memory_space<vmem>>) dst(%dma_wait3A_661 : memref<8x128xf32, #tpu.memory_space<vmem_shared>>)
        tpu.yield
      }) : () -> ()
      %mul3A_497 = arith.constant 1000 : i32
      %mul3A_498 = arith.muli %arg1, %mul3A_497 : i32
      %add3A_499 = arith.constant 688 : i32
      %add3A_500 = arith.addi %mul3A_498, %add3A_499 : i32
      "tpu.region"() ({
        %run_scoped3A_653 = tpu.sem_alloc : memref<!tpu.dma_semaphore, #tpu.memory_space<semaphore_mem>>
        %dma_start3A_654 = arith.constant 0 : i32
        %dma_start3A_655 = tpu.memref_slice %arg10[%add3A_500, %dma_start3A_654] : memref<10000x128xf32, #tpu.memory_space<vmem_shared>> -> memref<8x128xf32, #tpu.memory_space<vmem_shared>>
        %dma_start3A_656 = arith.constant 0 : i32
        %dma_start3A_657 = tpu.memref_slice %arg10[%add3A_500, %dma_start3A_656] : memref<10000x128xf32, #tpu.memory_space<vmem_shared>> -> memref<8x128xf32, #tpu.memory_space<vmem_shared>>
        tpu.enqueue_dma source(%arg9 : memref<8x128xf32, #tpu.memory_space<vmem>>) target(%dma_start3A_657 : memref<8x128xf32, #tpu.memory_space<vmem_shared>>) target_semaphore(%run_scoped3A_653 : memref<!tpu.dma_semaphore, #tpu.memory_space<semaphore_mem>>)
        %dma_wait3A_658 = arith.constant 0 : i32
        %dma_wait3A_659 = tpu.memref_slice %arg10[%add3A_500, %dma_wait3A_658] : memref<10000x128xf32, #tpu.memory_space<vmem_shared>> -> memref<8x128xf32, #tpu.memory_space<vmem_shared>>
        %dma_wait3A_660 = arith.constant 0 : i32
        %dma_wait3A_661 = tpu.memref_slice %arg10[%add3A_500, %dma_wait3A_660] : memref<10000x128xf32, #tpu.memory_space<vmem_shared>> -> memref<8x128xf32, #tpu.memory_space<vmem_shared>>
        tpu.wait_dma2 semaphore(%run_scoped3A_653 : memref<!tpu.dma_semaphore, #tpu.memory_space<semaphore_mem>>) src(%arg9 : memref<8x128xf32, #tpu.memory_space<vmem>>) dst(%dma_wait3A_661 : memref<8x128xf32, #tpu.memory_space<vmem_shared>>)
        tpu.yield
      }) : () -> ()
      %mul3A_501 = arith.constant 1000 : i32
      %mul3A_502 = arith.muli %arg1, %mul3A_501 : i32
      %add3A_503 = arith.constant 696 : i32
      %add3A_504 = arith.addi %mul3A_502, %add3A_503 : i32
      "tpu.region"() ({
        %run_scoped3A_653 = tpu.sem_alloc : memref<!tpu.dma_semaphore, #tpu.memory_space<semaphore_mem>>
        %dma_start3A_654 = arith.constant 0 : i32
        %dma_start3A_655 = tpu.memref_slice %arg10[%add3A_504, %dma_start3A_654] : memref<10000x128xf32, #tpu.memory_space<vmem_shared>> -> memref<8x128xf32, #tpu.memory_space<vmem_shared>>
        %dma_start3A_656 = arith.constant 0 : i32
        %dma_start3A_657 = tpu.memref_slice %arg10[%add3A_504, %dma_start3A_656] : memref<10000x128xf32, #tpu.memory_space<vmem_shared>> -> memref<8x128xf32, #tpu.memory_space<vmem_shared>>
        tpu.enqueue_dma source(%arg9 : memref<8x128xf32, #tpu.memory_space<vmem>>) target(%dma_start3A_657 : memref<8x128xf32, #tpu.memory_space<vmem_shared>>) target_semaphore(%run_scoped3A_653 : memref<!tpu.dma_semaphore, #tpu.memory_space<semaphore_mem>>)
        %dma_wait3A_658 = arith.constant 0 : i32
        %dma_wait3A_659 = tpu.memref_slice %arg10[%add3A_504, %dma_wait3A_658] : memref<10000x128xf32, #tpu.memory_space<vmem_shared>> -> memref<8x128xf32, #tpu.memory_space<vmem_shared>>
        %dma_wait3A_660 = arith.constant 0 : i32
        %dma_wait3A_661 = tpu.memref_slice %arg10[%add3A_504, %dma_wait3A_660] : memref<10000x128xf32, #tpu.memory_space<vmem_shared>> -> memref<8x128xf32, #tpu.memory_space<vmem_shared>>
        tpu.wait_dma2 semaphore(%run_scoped3A_653 : memref<!tpu.dma_semaphore, #tpu.memory_space<semaphore_mem>>) src(%arg9 : memref<8x128xf32, #tpu.memory_space<vmem>>) dst(%dma_wait3A_661 : memref<8x128xf32, #tpu.memory_space<vmem_shared>>)
        tpu.yield
      }) : () -> ()
      %mul3A_505 = arith.constant 1000 : i32
      %mul3A_506 = arith.muli %arg1, %mul3A_505 : i32
      %add3A_507 = arith.constant 704 : i32
      %add3A_508 = arith.addi %mul3A_506, %add3A_507 : i32
      "tpu.region"() ({
        %run_scoped3A_653 = tpu.sem_alloc : memref<!tpu.dma_semaphore, #tpu.memory_space<semaphore_mem>>
        %dma_start3A_654 = arith.constant 0 : i32
        %dma_start3A_655 = tpu.memref_slice %arg10[%add3A_508, %dma_start3A_654] : memref<10000x128xf32, #tpu.memory_space<vmem_shared>> -> memref<8x128xf32, #tpu.memory_space<vmem_shared>>
        %dma_start3A_656 = arith.constant 0 : i32
        %dma_start3A_657 = tpu.memref_slice %arg10[%add3A_508, %dma_start3A_656] : memref<10000x128xf32, #tpu.memory_space<vmem_shared>> -> memref<8x128xf32, #tpu.memory_space<vmem_shared>>
        tpu.enqueue_dma source(%arg9 : memref<8x128xf32, #tpu.memory_space<vmem>>) target(%dma_start3A_657 : memref<8x128xf32, #tpu.memory_space<vmem_shared>>) target_semaphore(%run_scoped3A_653 : memref<!tpu.dma_semaphore, #tpu.memory_space<semaphore_mem>>)
        %dma_wait3A_658 = arith.constant 0 : i32
        %dma_wait3A_659 = tpu.memref_slice %arg10[%add3A_508, %dma_wait3A_658] : memref<10000x128xf32, #tpu.memory_space<vmem_shared>> -> memref<8x128xf32, #tpu.memory_space<vmem_shared>>
        %dma_wait3A_660 = arith.constant 0 : i32
        %dma_wait3A_661 = tpu.memref_slice %arg10[%add3A_508, %dma_wait3A_660] : memref<10000x128xf32, #tpu.memory_space<vmem_shared>> -> memref<8x128xf32, #tpu.memory_space<vmem_shared>>
        tpu.wait_dma2 semaphore(%run_scoped3A_653 : memref<!tpu.dma_semaphore, #tpu.memory_space<semaphore_mem>>) src(%arg9 : memref<8x128xf32, #tpu.memory_space<vmem>>) dst(%dma_wait3A_661 : memref<8x128xf32, #tpu.memory_space<vmem_shared>>)
        tpu.yield
      }) : () -> ()
      %mul3A_509 = arith.constant 1000 : i32
      %mul3A_510 = arith.muli %arg1, %mul3A_509 : i32
      %add3A_511 = arith.constant 712 : i32
      %add3A_512 = arith.addi %mul3A_510, %add3A_511 : i32
      "tpu.region"() ({
        %run_scoped3A_653 = tpu.sem_alloc : memref<!tpu.dma_semaphore, #tpu.memory_space<semaphore_mem>>
        %dma_start3A_654 = arith.constant 0 : i32
        %dma_start3A_655 = tpu.memref_slice %arg10[%add3A_512, %dma_start3A_654] : memref<10000x128xf32, #tpu.memory_space<vmem_shared>> -> memref<8x128xf32, #tpu.memory_space<vmem_shared>>
        %dma_start3A_656 = arith.constant 0 : i32
        %dma_start3A_657 = tpu.memref_slice %arg10[%add3A_512, %dma_start3A_656] : memref<10000x128xf32, #tpu.memory_space<vmem_shared>> -> memref<8x128xf32, #tpu.memory_space<vmem_shared>>
        tpu.enqueue_dma source(%arg9 : memref<8x128xf32, #tpu.memory_space<vmem>>) target(%dma_start3A_657 : memref<8x128xf32, #tpu.memory_space<vmem_shared>>) target_semaphore(%run_scoped3A_653 : memref<!tpu.dma_semaphore, #tpu.memory_space<semaphore_mem>>)
        %dma_wait3A_658 = arith.constant 0 : i32
        %dma_wait3A_659 = tpu.memref_slice %arg10[%add3A_512, %dma_wait3A_658] : memref<10000x128xf32, #tpu.memory_space<vmem_shared>> -> memref<8x128xf32, #tpu.memory_space<vmem_shared>>
        %dma_wait3A_660 = arith.constant 0 : i32
        %dma_wait3A_661 = tpu.memref_slice %arg10[%add3A_512, %dma_wait3A_660] : memref<10000x128xf32, #tpu.memory_space<vmem_shared>> -> memref<8x128xf32, #tpu.memory_space<vmem_shared>>
        tpu.wait_dma2 semaphore(%run_scoped3A_653 : memref<!tpu.dma_semaphore, #tpu.memory_space<semaphore_mem>>) src(%arg9 : memref<8x128xf32, #tpu.memory_space<vmem>>) dst(%dma_wait3A_661 : memref<8x128xf32, #tpu.memory_space<vmem_shared>>)
        tpu.yield
      }) : () -> ()
      %mul3A_513 = arith.constant 1000 : i32
      %mul3A_514 = arith.muli %arg1, %mul3A_513 : i32
      %add3A_515 = arith.constant 720 : i32
      %add3A_516 = arith.addi %mul3A_514, %add3A_515 : i32
      "tpu.region"() ({
        %run_scoped3A_653 = tpu.sem_alloc : memref<!tpu.dma_semaphore, #tpu.memory_space<semaphore_mem>>
        %dma_start3A_654 = arith.constant 0 : i32
        %dma_start3A_655 = tpu.memref_slice %arg10[%add3A_516, %dma_start3A_654] : memref<10000x128xf32, #tpu.memory_space<vmem_shared>> -> memref<8x128xf32, #tpu.memory_space<vmem_shared>>
        %dma_start3A_656 = arith.constant 0 : i32
        %dma_start3A_657 = tpu.memref_slice %arg10[%add3A_516, %dma_start3A_656] : memref<10000x128xf32, #tpu.memory_space<vmem_shared>> -> memref<8x128xf32, #tpu.memory_space<vmem_shared>>
        tpu.enqueue_dma source(%arg9 : memref<8x128xf32, #tpu.memory_space<vmem>>) target(%dma_start3A_657 : memref<8x128xf32, #tpu.memory_space<vmem_shared>>) target_semaphore(%run_scoped3A_653 : memref<!tpu.dma_semaphore, #tpu.memory_space<semaphore_mem>>)
        %dma_wait3A_658 = arith.constant 0 : i32
        %dma_wait3A_659 = tpu.memref_slice %arg10[%add3A_516, %dma_wait3A_658] : memref<10000x128xf32, #tpu.memory_space<vmem_shared>> -> memref<8x128xf32, #tpu.memory_space<vmem_shared>>
        %dma_wait3A_660 = arith.constant 0 : i32
        %dma_wait3A_661 = tpu.memref_slice %arg10[%add3A_516, %dma_wait3A_660] : memref<10000x128xf32, #tpu.memory_space<vmem_shared>> -> memref<8x128xf32, #tpu.memory_space<vmem_shared>>
        tpu.wait_dma2 semaphore(%run_scoped3A_653 : memref<!tpu.dma_semaphore, #tpu.memory_space<semaphore_mem>>) src(%arg9 : memref<8x128xf32, #tpu.memory_space<vmem>>) dst(%dma_wait3A_661 : memref<8x128xf32, #tpu.memory_space<vmem_shared>>)
        tpu.yield
      }) : () -> ()
      %mul3A_517 = arith.constant 1000 : i32
      %mul3A_518 = arith.muli %arg1, %mul3A_517 : i32
      %add3A_519 = arith.constant 728 : i32
      %add3A_520 = arith.addi %mul3A_518, %add3A_519 : i32
      "tpu.region"() ({
        %run_scoped3A_653 = tpu.sem_alloc : memref<!tpu.dma_semaphore, #tpu.memory_space<semaphore_mem>>
        %dma_start3A_654 = arith.constant 0 : i32
        %dma_start3A_655 = tpu.memref_slice %arg10[%add3A_520, %dma_start3A_654] : memref<10000x128xf32, #tpu.memory_space<vmem_shared>> -> memref<8x128xf32, #tpu.memory_space<vmem_shared>>
        %dma_start3A_656 = arith.constant 0 : i32
        %dma_start3A_657 = tpu.memref_slice %arg10[%add3A_520, %dma_start3A_656] : memref<10000x128xf32, #tpu.memory_space<vmem_shared>> -> memref<8x128xf32, #tpu.memory_space<vmem_shared>>
        tpu.enqueue_dma source(%arg9 : memref<8x128xf32, #tpu.memory_space<vmem>>) target(%dma_start3A_657 : memref<8x128xf32, #tpu.memory_space<vmem_shared>>) target_semaphore(%run_scoped3A_653 : memref<!tpu.dma_semaphore, #tpu.memory_space<semaphore_mem>>)
        %dma_wait3A_658 = arith.constant 0 : i32
        %dma_wait3A_659 = tpu.memref_slice %arg10[%add3A_520, %dma_wait3A_658] : memref<10000x128xf32, #tpu.memory_space<vmem_shared>> -> memref<8x128xf32, #tpu.memory_space<vmem_shared>>
        %dma_wait3A_660 = arith.constant 0 : i32
        %dma_wait3A_661 = tpu.memref_slice %arg10[%add3A_520, %dma_wait3A_660] : memref<10000x128xf32, #tpu.memory_space<vmem_shared>> -> memref<8x128xf32, #tpu.memory_space<vmem_shared>>
        tpu.wait_dma2 semaphore(%run_scoped3A_653 : memref<!tpu.dma_semaphore, #tpu.memory_space<semaphore_mem>>) src(%arg9 : memref<8x128xf32, #tpu.memory_space<vmem>>) dst(%dma_wait3A_661 : memref<8x128xf32, #tpu.memory_space<vmem_shared>>)
        tpu.yield
      }) : () -> ()
      %mul3A_521 = arith.constant 1000 : i32
      %mul3A_522 = arith.muli %arg1, %mul3A_521 : i32
      %add3A_523 = arith.constant 736 : i32
      %add3A_524 = arith.addi %mul3A_522, %add3A_523 : i32
      "tpu.region"() ({
        %run_scoped3A_653 = tpu.sem_alloc : memref<!tpu.dma_semaphore, #tpu.memory_space<semaphore_mem>>
        %dma_start3A_654 = arith.constant 0 : i32
        %dma_start3A_655 = tpu.memref_slice %arg10[%add3A_524, %dma_start3A_654] : memref<10000x128xf32, #tpu.memory_space<vmem_shared>> -> memref<8x128xf32, #tpu.memory_space<vmem_shared>>
        %dma_start3A_656 = arith.constant 0 : i32
        %dma_start3A_657 = tpu.memref_slice %arg10[%add3A_524, %dma_start3A_656] : memref<10000x128xf32, #tpu.memory_space<vmem_shared>> -> memref<8x128xf32, #tpu.memory_space<vmem_shared>>
        tpu.enqueue_dma source(%arg9 : memref<8x128xf32, #tpu.memory_space<vmem>>) target(%dma_start3A_657 : memref<8x128xf32, #tpu.memory_space<vmem_shared>>) target_semaphore(%run_scoped3A_653 : memref<!tpu.dma_semaphore, #tpu.memory_space<semaphore_mem>>)
        %dma_wait3A_658 = arith.constant 0 : i32
        %dma_wait3A_659 = tpu.memref_slice %arg10[%add3A_524, %dma_wait3A_658] : memref<10000x128xf32, #tpu.memory_space<vmem_shared>> -> memref<8x128xf32, #tpu.memory_space<vmem_shared>>
        %dma_wait3A_660 = arith.constant 0 : i32
        %dma_wait3A_661 = tpu.memref_slice %arg10[%add3A_524, %dma_wait3A_660] : memref<10000x128xf32, #tpu.memory_space<vmem_shared>> -> memref<8x128xf32, #tpu.memory_space<vmem_shared>>
        tpu.wait_dma2 semaphore(%run_scoped3A_653 : memref<!tpu.dma_semaphore, #tpu.memory_space<semaphore_mem>>) src(%arg9 : memref<8x128xf32, #tpu.memory_space<vmem>>) dst(%dma_wait3A_661 : memref<8x128xf32, #tpu.memory_space<vmem_shared>>)
        tpu.yield
      }) : () -> ()
      %mul3A_525 = arith.constant 1000 : i32
      %mul3A_526 = arith.muli %arg1, %mul3A_525 : i32
      %add3A_527 = arith.constant 744 : i32
      %add3A_528 = arith.addi %mul3A_526, %add3A_527 : i32
      "tpu.region"() ({
        %run_scoped3A_653 = tpu.sem_alloc : memref<!tpu.dma_semaphore, #tpu.memory_space<semaphore_mem>>
        %dma_start3A_654 = arith.constant 0 : i32
        %dma_start3A_655 = tpu.memref_slice %arg10[%add3A_528, %dma_start3A_654] : memref<10000x128xf32, #tpu.memory_space<vmem_shared>> -> memref<8x128xf32, #tpu.memory_space<vmem_shared>>
        %dma_start3A_656 = arith.constant 0 : i32
        %dma_start3A_657 = tpu.memref_slice %arg10[%add3A_528, %dma_start3A_656] : memref<10000x128xf32, #tpu.memory_space<vmem_shared>> -> memref<8x128xf32, #tpu.memory_space<vmem_shared>>
        tpu.enqueue_dma source(%arg9 : memref<8x128xf32, #tpu.memory_space<vmem>>) target(%dma_start3A_657 : memref<8x128xf32, #tpu.memory_space<vmem_shared>>) target_semaphore(%run_scoped3A_653 : memref<!tpu.dma_semaphore, #tpu.memory_space<semaphore_mem>>)
        %dma_wait3A_658 = arith.constant 0 : i32
        %dma_wait3A_659 = tpu.memref_slice %arg10[%add3A_528, %dma_wait3A_658] : memref<10000x128xf32, #tpu.memory_space<vmem_shared>> -> memref<8x128xf32, #tpu.memory_space<vmem_shared>>
        %dma_wait3A_660 = arith.constant 0 : i32
        %dma_wait3A_661 = tpu.memref_slice %arg10[%add3A_528, %dma_wait3A_660] : memref<10000x128xf32, #tpu.memory_space<vmem_shared>> -> memref<8x128xf32, #tpu.memory_space<vmem_shared>>
        tpu.wait_dma2 semaphore(%run_scoped3A_653 : memref<!tpu.dma_semaphore, #tpu.memory_space<semaphore_mem>>) src(%arg9 : memref<8x128xf32, #tpu.memory_space<vmem>>) dst(%dma_wait3A_661 : memref<8x128xf32, #tpu.memory_space<vmem_shared>>)
        tpu.yield
      }) : () -> ()
      %mul3A_529 = arith.constant 1000 : i32
      %mul3A_530 = arith.muli %arg1, %mul3A_529 : i32
      %add3A_531 = arith.constant 752 : i32
      %add3A_532 = arith.addi %mul3A_530, %add3A_531 : i32
      "tpu.region"() ({
        %run_scoped3A_653 = tpu.sem_alloc : memref<!tpu.dma_semaphore, #tpu.memory_space<semaphore_mem>>
        %dma_start3A_654 = arith.constant 0 : i32
        %dma_start3A_655 = tpu.memref_slice %arg10[%add3A_532, %dma_start3A_654] : memref<10000x128xf32, #tpu.memory_space<vmem_shared>> -> memref<8x128xf32, #tpu.memory_space<vmem_shared>>
        %dma_start3A_656 = arith.constant 0 : i32
        %dma_start3A_657 = tpu.memref_slice %arg10[%add3A_532, %dma_start3A_656] : memref<10000x128xf32, #tpu.memory_space<vmem_shared>> -> memref<8x128xf32, #tpu.memory_space<vmem_shared>>
        tpu.enqueue_dma source(%arg9 : memref<8x128xf32, #tpu.memory_space<vmem>>) target(%dma_start3A_657 : memref<8x128xf32, #tpu.memory_space<vmem_shared>>) target_semaphore(%run_scoped3A_653 : memref<!tpu.dma_semaphore, #tpu.memory_space<semaphore_mem>>)
        %dma_wait3A_658 = arith.constant 0 : i32
        %dma_wait3A_659 = tpu.memref_slice %arg10[%add3A_532, %dma_wait3A_658] : memref<10000x128xf32, #tpu.memory_space<vmem_shared>> -> memref<8x128xf32, #tpu.memory_space<vmem_shared>>
        %dma_wait3A_660 = arith.constant 0 : i32
        %dma_wait3A_661 = tpu.memref_slice %arg10[%add3A_532, %dma_wait3A_660] : memref<10000x128xf32, #tpu.memory_space<vmem_shared>> -> memref<8x128xf32, #tpu.memory_space<vmem_shared>>
        tpu.wait_dma2 semaphore(%run_scoped3A_653 : memref<!tpu.dma_semaphore, #tpu.memory_space<semaphore_mem>>) src(%arg9 : memref<8x128xf32, #tpu.memory_space<vmem>>) dst(%dma_wait3A_661 : memref<8x128xf32, #tpu.memory_space<vmem_shared>>)
        tpu.yield
      }) : () -> ()
      %mul3A_533 = arith.constant 1000 : i32
      %mul3A_534 = arith.muli %arg1, %mul3A_533 : i32
      %add3A_535 = arith.constant 760 : i32
      %add3A_536 = arith.addi %mul3A_534, %add3A_535 : i32
      "tpu.region"() ({
        %run_scoped3A_653 = tpu.sem_alloc : memref<!tpu.dma_semaphore, #tpu.memory_space<semaphore_mem>>
        %dma_start3A_654 = arith.constant 0 : i32
        %dma_start3A_655 = tpu.memref_slice %arg10[%add3A_536, %dma_start3A_654] : memref<10000x128xf32, #tpu.memory_space<vmem_shared>> -> memref<8x128xf32, #tpu.memory_space<vmem_shared>>
        %dma_start3A_656 = arith.constant 0 : i32
        %dma_start3A_657 = tpu.memref_slice %arg10[%add3A_536, %dma_start3A_656] : memref<10000x128xf32, #tpu.memory_space<vmem_shared>> -> memref<8x128xf32, #tpu.memory_space<vmem_shared>>
        tpu.enqueue_dma source(%arg9 : memref<8x128xf32, #tpu.memory_space<vmem>>) target(%dma_start3A_657 : memref<8x128xf32, #tpu.memory_space<vmem_shared>>) target_semaphore(%run_scoped3A_653 : memref<!tpu.dma_semaphore, #tpu.memory_space<semaphore_mem>>)
        %dma_wait3A_658 = arith.constant 0 : i32
        %dma_wait3A_659 = tpu.memref_slice %arg10[%add3A_536, %dma_wait3A_658] : memref<10000x128xf32, #tpu.memory_space<vmem_shared>> -> memref<8x128xf32, #tpu.memory_space<vmem_shared>>
        %dma_wait3A_660 = arith.constant 0 : i32
        %dma_wait3A_661 = tpu.memref_slice %arg10[%add3A_536, %dma_wait3A_660] : memref<10000x128xf32, #tpu.memory_space<vmem_shared>> -> memref<8x128xf32, #tpu.memory_space<vmem_shared>>
        tpu.wait_dma2 semaphore(%run_scoped3A_653 : memref<!tpu.dma_semaphore, #tpu.memory_space<semaphore_mem>>) src(%arg9 : memref<8x128xf32, #tpu.memory_space<vmem>>) dst(%dma_wait3A_661 : memref<8x128xf32, #tpu.memory_space<vmem_shared>>)
        tpu.yield
      }) : () -> ()
      %mul3A_537 = arith.constant 1000 : i32
      %mul3A_538 = arith.muli %arg1, %mul3A_537 : i32
      %add3A_539 = arith.constant 768 : i32
      %add3A_540 = arith.addi %mul3A_538, %add3A_539 : i32
      "tpu.region"() ({
        %run_scoped3A_653 = tpu.sem_alloc : memref<!tpu.dma_semaphore, #tpu.memory_space<semaphore_mem>>
        %dma_start3A_654 = arith.constant 0 : i32
        %dma_start3A_655 = tpu.memref_slice %arg10[%add3A_540, %dma_start3A_654] : memref<10000x128xf32, #tpu.memory_space<vmem_shared>> -> memref<8x128xf32, #tpu.memory_space<vmem_shared>>
        %dma_start3A_656 = arith.constant 0 : i32
        %dma_start3A_657 = tpu.memref_slice %arg10[%add3A_540, %dma_start3A_656] : memref<10000x128xf32, #tpu.memory_space<vmem_shared>> -> memref<8x128xf32, #tpu.memory_space<vmem_shared>>
        tpu.enqueue_dma source(%arg9 : memref<8x128xf32, #tpu.memory_space<vmem>>) target(%dma_start3A_657 : memref<8x128xf32, #tpu.memory_space<vmem_shared>>) target_semaphore(%run_scoped3A_653 : memref<!tpu.dma_semaphore, #tpu.memory_space<semaphore_mem>>)
        %dma_wait3A_658 = arith.constant 0 : i32
        %dma_wait3A_659 = tpu.memref_slice %arg10[%add3A_540, %dma_wait3A_658] : memref<10000x128xf32, #tpu.memory_space<vmem_shared>> -> memref<8x128xf32, #tpu.memory_space<vmem_shared>>
        %dma_wait3A_660 = arith.constant 0 : i32
        %dma_wait3A_661 = tpu.memref_slice %arg10[%add3A_540, %dma_wait3A_660] : memref<10000x128xf32, #tpu.memory_space<vmem_shared>> -> memref<8x128xf32, #tpu.memory_space<vmem_shared>>
        tpu.wait_dma2 semaphore(%run_scoped3A_653 : memref<!tpu.dma_semaphore, #tpu.memory_space<semaphore_mem>>) src(%arg9 : memref<8x128xf32, #tpu.memory_space<vmem>>) dst(%dma_wait3A_661 : memref<8x128xf32, #tpu.memory_space<vmem_shared>>)
        tpu.yield
      }) : () -> ()
      %mul3A_541 = arith.constant 1000 : i32
      %mul3A_542 = arith.muli %arg1, %mul3A_541 : i32
      %add3A_543 = arith.constant 776 : i32
      %add3A_544 = arith.addi %mul3A_542, %add3A_543 : i32
      "tpu.region"() ({
        %run_scoped3A_653 = tpu.sem_alloc : memref<!tpu.dma_semaphore, #tpu.memory_space<semaphore_mem>>
        %dma_start3A_654 = arith.constant 0 : i32
        %dma_start3A_655 = tpu.memref_slice %arg10[%add3A_544, %dma_start3A_654] : memref<10000x128xf32, #tpu.memory_space<vmem_shared>> -> memref<8x128xf32, #tpu.memory_space<vmem_shared>>
        %dma_start3A_656 = arith.constant 0 : i32
        %dma_start3A_657 = tpu.memref_slice %arg10[%add3A_544, %dma_start3A_656] : memref<10000x128xf32, #tpu.memory_space<vmem_shared>> -> memref<8x128xf32, #tpu.memory_space<vmem_shared>>
        tpu.enqueue_dma source(%arg9 : memref<8x128xf32, #tpu.memory_space<vmem>>) target(%dma_start3A_657 : memref<8x128xf32, #tpu.memory_space<vmem_shared>>) target_semaphore(%run_scoped3A_653 : memref<!tpu.dma_semaphore, #tpu.memory_space<semaphore_mem>>)
        %dma_wait3A_658 = arith.constant 0 : i32
        %dma_wait3A_659 = tpu.memref_slice %arg10[%add3A_544, %dma_wait3A_658] : memref<10000x128xf32, #tpu.memory_space<vmem_shared>> -> memref<8x128xf32, #tpu.memory_space<vmem_shared>>
        %dma_wait3A_660 = arith.constant 0 : i32
        %dma_wait3A_661 = tpu.memref_slice %arg10[%add3A_544, %dma_wait3A_660] : memref<10000x128xf32, #tpu.memory_space<vmem_shared>> -> memref<8x128xf32, #tpu.memory_space<vmem_shared>>
        tpu.wait_dma2 semaphore(%run_scoped3A_653 : memref<!tpu.dma_semaphore, #tpu.memory_space<semaphore_mem>>) src(%arg9 : memref<8x128xf32, #tpu.memory_space<vmem>>) dst(%dma_wait3A_661 : memref<8x128xf32, #tpu.memory_space<vmem_shared>>)
        tpu.yield
      }) : () -> ()
      %mul3A_545 = arith.constant 1000 : i32
      %mul3A_546 = arith.muli %arg1, %mul3A_545 : i32
      %add3A_547 = arith.constant 784 : i32
      %add3A_548 = arith.addi %mul3A_546, %add3A_547 : i32
      "tpu.region"() ({
        %run_scoped3A_653 = tpu.sem_alloc : memref<!tpu.dma_semaphore, #tpu.memory_space<semaphore_mem>>
        %dma_start3A_654 = arith.constant 0 : i32
        %dma_start3A_655 = tpu.memref_slice %arg10[%add3A_548, %dma_start3A_654] : memref<10000x128xf32, #tpu.memory_space<vmem_shared>> -> memref<8x128xf32, #tpu.memory_space<vmem_shared>>
        %dma_start3A_656 = arith.constant 0 : i32
        %dma_start3A_657 = tpu.memref_slice %arg10[%add3A_548, %dma_start3A_656] : memref<10000x128xf32, #tpu.memory_space<vmem_shared>> -> memref<8x128xf32, #tpu.memory_space<vmem_shared>>
        tpu.enqueue_dma source(%arg9 : memref<8x128xf32, #tpu.memory_space<vmem>>) target(%dma_start3A_657 : memref<8x128xf32, #tpu.memory_space<vmem_shared>>) target_semaphore(%run_scoped3A_653 : memref<!tpu.dma_semaphore, #tpu.memory_space<semaphore_mem>>)
        %dma_wait3A_658 = arith.constant 0 : i32
        %dma_wait3A_659 = tpu.memref_slice %arg10[%add3A_548, %dma_wait3A_658] : memref<10000x128xf32, #tpu.memory_space<vmem_shared>> -> memref<8x128xf32, #tpu.memory_space<vmem_shared>>
        %dma_wait3A_660 = arith.constant 0 : i32
        %dma_wait3A_661 = tpu.memref_slice %arg10[%add3A_548, %dma_wait3A_660] : memref<10000x128xf32, #tpu.memory_space<vmem_shared>> -> memref<8x128xf32, #tpu.memory_space<vmem_shared>>
        tpu.wait_dma2 semaphore(%run_scoped3A_653 : memref<!tpu.dma_semaphore, #tpu.memory_space<semaphore_mem>>) src(%arg9 : memref<8x128xf32, #tpu.memory_space<vmem>>) dst(%dma_wait3A_661 : memref<8x128xf32, #tpu.memory_space<vmem_shared>>)
        tpu.yield
      }) : () -> ()
      %mul3A_549 = arith.constant 1000 : i32
      %mul3A_550 = arith.muli %arg1, %mul3A_549 : i32
      %add3A_551 = arith.constant 792 : i32
      %add3A_552 = arith.addi %mul3A_550, %add3A_551 : i32
      "tpu.region"() ({
        %run_scoped3A_653 = tpu.sem_alloc : memref<!tpu.dma_semaphore, #tpu.memory_space<semaphore_mem>>
        %dma_start3A_654 = arith.constant 0 : i32
        %dma_start3A_655 = tpu.memref_slice %arg10[%add3A_552, %dma_start3A_654] : memref<10000x128xf32, #tpu.memory_space<vmem_shared>> -> memref<8x128xf32, #tpu.memory_space<vmem_shared>>
        %dma_start3A_656 = arith.constant 0 : i32
        %dma_start3A_657 = tpu.memref_slice %arg10[%add3A_552, %dma_start3A_656] : memref<10000x128xf32, #tpu.memory_space<vmem_shared>> -> memref<8x128xf32, #tpu.memory_space<vmem_shared>>
        tpu.enqueue_dma source(%arg9 : memref<8x128xf32, #tpu.memory_space<vmem>>) target(%dma_start3A_657 : memref<8x128xf32, #tpu.memory_space<vmem_shared>>) target_semaphore(%run_scoped3A_653 : memref<!tpu.dma_semaphore, #tpu.memory_space<semaphore_mem>>)
        %dma_wait3A_658 = arith.constant 0 : i32
        %dma_wait3A_659 = tpu.memref_slice %arg10[%add3A_552, %dma_wait3A_658] : memref<10000x128xf32, #tpu.memory_space<vmem_shared>> -> memref<8x128xf32, #tpu.memory_space<vmem_shared>>
        %dma_wait3A_660 = arith.constant 0 : i32
        %dma_wait3A_661 = tpu.memref_slice %arg10[%add3A_552, %dma_wait3A_660] : memref<10000x128xf32, #tpu.memory_space<vmem_shared>> -> memref<8x128xf32, #tpu.memory_space<vmem_shared>>
        tpu.wait_dma2 semaphore(%run_scoped3A_653 : memref<!tpu.dma_semaphore, #tpu.memory_space<semaphore_mem>>) src(%arg9 : memref<8x128xf32, #tpu.memory_space<vmem>>) dst(%dma_wait3A_661 : memref<8x128xf32, #tpu.memory_space<vmem_shared>>)
        tpu.yield
      }) : () -> ()
      %mul3A_553 = arith.constant 1000 : i32
      %mul3A_554 = arith.muli %arg1, %mul3A_553 : i32
      %add3A_555 = arith.constant 800 : i32
      %add3A_556 = arith.addi %mul3A_554, %add3A_555 : i32
      "tpu.region"() ({
        %run_scoped3A_653 = tpu.sem_alloc : memref<!tpu.dma_semaphore, #tpu.memory_space<semaphore_mem>>
        %dma_start3A_654 = arith.constant 0 : i32
        %dma_start3A_655 = tpu.memref_slice %arg10[%add3A_556, %dma_start3A_654] : memref<10000x128xf32, #tpu.memory_space<vmem_shared>> -> memref<8x128xf32, #tpu.memory_space<vmem_shared>>
        %dma_start3A_656 = arith.constant 0 : i32
        %dma_start3A_657 = tpu.memref_slice %arg10[%add3A_556, %dma_start3A_656] : memref<10000x128xf32, #tpu.memory_space<vmem_shared>> -> memref<8x128xf32, #tpu.memory_space<vmem_shared>>
        tpu.enqueue_dma source(%arg9 : memref<8x128xf32, #tpu.memory_space<vmem>>) target(%dma_start3A_657 : memref<8x128xf32, #tpu.memory_space<vmem_shared>>) target_semaphore(%run_scoped3A_653 : memref<!tpu.dma_semaphore, #tpu.memory_space<semaphore_mem>>)
        %dma_wait3A_658 = arith.constant 0 : i32
        %dma_wait3A_659 = tpu.memref_slice %arg10[%add3A_556, %dma_wait3A_658] : memref<10000x128xf32, #tpu.memory_space<vmem_shared>> -> memref<8x128xf32, #tpu.memory_space<vmem_shared>>
        %dma_wait3A_660 = arith.constant 0 : i32
        %dma_wait3A_661 = tpu.memref_slice %arg10[%add3A_556, %dma_wait3A_660] : memref<10000x128xf32, #tpu.memory_space<vmem_shared>> -> memref<8x128xf32, #tpu.memory_space<vmem_shared>>
        tpu.wait_dma2 semaphore(%run_scoped3A_653 : memref<!tpu.dma_semaphore, #tpu.memory_space<semaphore_mem>>) src(%arg9 : memref<8x128xf32, #tpu.memory_space<vmem>>) dst(%dma_wait3A_661 : memref<8x128xf32, #tpu.memory_space<vmem_shared>>)
        tpu.yield
      }) : () -> ()
      %mul3A_557 = arith.constant 1000 : i32
      %mul3A_558 = arith.muli %arg1, %mul3A_557 : i32
      %add3A_559 = arith.constant 808 : i32
      %add3A_560 = arith.addi %mul3A_558, %add3A_559 : i32
      "tpu.region"() ({
        %run_scoped3A_653 = tpu.sem_alloc : memref<!tpu.dma_semaphore, #tpu.memory_space<semaphore_mem>>
        %dma_start3A_654 = arith.constant 0 : i32
        %dma_start3A_655 = tpu.memref_slice %arg10[%add3A_560, %dma_start3A_654] : memref<10000x128xf32, #tpu.memory_space<vmem_shared>> -> memref<8x128xf32, #tpu.memory_space<vmem_shared>>
        %dma_start3A_656 = arith.constant 0 : i32
        %dma_start3A_657 = tpu.memref_slice %arg10[%add3A_560, %dma_start3A_656] : memref<10000x128xf32, #tpu.memory_space<vmem_shared>> -> memref<8x128xf32, #tpu.memory_space<vmem_shared>>
        tpu.enqueue_dma source(%arg9 : memref<8x128xf32, #tpu.memory_space<vmem>>) target(%dma_start3A_657 : memref<8x128xf32, #tpu.memory_space<vmem_shared>>) target_semaphore(%run_scoped3A_653 : memref<!tpu.dma_semaphore, #tpu.memory_space<semaphore_mem>>)
        %dma_wait3A_658 = arith.constant 0 : i32
        %dma_wait3A_659 = tpu.memref_slice %arg10[%add3A_560, %dma_wait3A_658] : memref<10000x128xf32, #tpu.memory_space<vmem_shared>> -> memref<8x128xf32, #tpu.memory_space<vmem_shared>>
        %dma_wait3A_660 = arith.constant 0 : i32
        %dma_wait3A_661 = tpu.memref_slice %arg10[%add3A_560, %dma_wait3A_660] : memref<10000x128xf32, #tpu.memory_space<vmem_shared>> -> memref<8x128xf32, #tpu.memory_space<vmem_shared>>
        tpu.wait_dma2 semaphore(%run_scoped3A_653 : memref<!tpu.dma_semaphore, #tpu.memory_space<semaphore_mem>>) src(%arg9 : memref<8x128xf32, #tpu.memory_space<vmem>>) dst(%dma_wait3A_661 : memref<8x128xf32, #tpu.memory_space<vmem_shared>>)
        tpu.yield
      }) : () -> ()
      %mul3A_561 = arith.constant 1000 : i32
      %mul3A_562 = arith.muli %arg1, %mul3A_561 : i32
      %add3A_563 = arith.constant 816 : i32
      %add3A_564 = arith.addi %mul3A_562, %add3A_563 : i32
      "tpu.region"() ({
        %run_scoped3A_653 = tpu.sem_alloc : memref<!tpu.dma_semaphore, #tpu.memory_space<semaphore_mem>>
        %dma_start3A_654 = arith.constant 0 : i32
        %dma_start3A_655 = tpu.memref_slice %arg10[%add3A_564, %dma_start3A_654] : memref<10000x128xf32, #tpu.memory_space<vmem_shared>> -> memref<8x128xf32, #tpu.memory_space<vmem_shared>>
        %dma_start3A_656 = arith.constant 0 : i32
        %dma_start3A_657 = tpu.memref_slice %arg10[%add3A_564, %dma_start3A_656] : memref<10000x128xf32, #tpu.memory_space<vmem_shared>> -> memref<8x128xf32, #tpu.memory_space<vmem_shared>>
        tpu.enqueue_dma source(%arg9 : memref<8x128xf32, #tpu.memory_space<vmem>>) target(%dma_start3A_657 : memref<8x128xf32, #tpu.memory_space<vmem_shared>>) target_semaphore(%run_scoped3A_653 : memref<!tpu.dma_semaphore, #tpu.memory_space<semaphore_mem>>)
        %dma_wait3A_658 = arith.constant 0 : i32
        %dma_wait3A_659 = tpu.memref_slice %arg10[%add3A_564, %dma_wait3A_658] : memref<10000x128xf32, #tpu.memory_space<vmem_shared>> -> memref<8x128xf32, #tpu.memory_space<vmem_shared>>
        %dma_wait3A_660 = arith.constant 0 : i32
        %dma_wait3A_661 = tpu.memref_slice %arg10[%add3A_564, %dma_wait3A_660] : memref<10000x128xf32, #tpu.memory_space<vmem_shared>> -> memref<8x128xf32, #tpu.memory_space<vmem_shared>>
        tpu.wait_dma2 semaphore(%run_scoped3A_653 : memref<!tpu.dma_semaphore, #tpu.memory_space<semaphore_mem>>) src(%arg9 : memref<8x128xf32, #tpu.memory_space<vmem>>) dst(%dma_wait3A_661 : memref<8x128xf32, #tpu.memory_space<vmem_shared>>)
        tpu.yield
      }) : () -> ()
      %mul3A_565 = arith.constant 1000 : i32
      %mul3A_566 = arith.muli %arg1, %mul3A_565 : i32
      %add3A_567 = arith.constant 824 : i32
      %add3A_568 = arith.addi %mul3A_566, %add3A_567 : i32
      "tpu.region"() ({
        %run_scoped3A_653 = tpu.sem_alloc : memref<!tpu.dma_semaphore, #tpu.memory_space<semaphore_mem>>
        %dma_start3A_654 = arith.constant 0 : i32
        %dma_start3A_655 = tpu.memref_slice %arg10[%add3A_568, %dma_start3A_654] : memref<10000x128xf32, #tpu.memory_space<vmem_shared>> -> memref<8x128xf32, #tpu.memory_space<vmem_shared>>
        %dma_start3A_656 = arith.constant 0 : i32
        %dma_start3A_657 = tpu.memref_slice %arg10[%add3A_568, %dma_start3A_656] : memref<10000x128xf32, #tpu.memory_space<vmem_shared>> -> memref<8x128xf32, #tpu.memory_space<vmem_shared>>
        tpu.enqueue_dma source(%arg9 : memref<8x128xf32, #tpu.memory_space<vmem>>) target(%dma_start3A_657 : memref<8x128xf32, #tpu.memory_space<vmem_shared>>) target_semaphore(%run_scoped3A_653 : memref<!tpu.dma_semaphore, #tpu.memory_space<semaphore_mem>>)
        %dma_wait3A_658 = arith.constant 0 : i32
        %dma_wait3A_659 = tpu.memref_slice %arg10[%add3A_568, %dma_wait3A_658] : memref<10000x128xf32, #tpu.memory_space<vmem_shared>> -> memref<8x128xf32, #tpu.memory_space<vmem_shared>>
        %dma_wait3A_660 = arith.constant 0 : i32
        %dma_wait3A_661 = tpu.memref_slice %arg10[%add3A_568, %dma_wait3A_660] : memref<10000x128xf32, #tpu.memory_space<vmem_shared>> -> memref<8x128xf32, #tpu.memory_space<vmem_shared>>
        tpu.wait_dma2 semaphore(%run_scoped3A_653 : memref<!tpu.dma_semaphore, #tpu.memory_space<semaphore_mem>>) src(%arg9 : memref<8x128xf32, #tpu.memory_space<vmem>>) dst(%dma_wait3A_661 : memref<8x128xf32, #tpu.memory_space<vmem_shared>>)
        tpu.yield
      }) : () -> ()
      %mul3A_569 = arith.constant 1000 : i32
      %mul3A_570 = arith.muli %arg1, %mul3A_569 : i32
      %add3A_571 = arith.constant 832 : i32
      %add3A_572 = arith.addi %mul3A_570, %add3A_571 : i32
      "tpu.region"() ({
        %run_scoped3A_653 = tpu.sem_alloc : memref<!tpu.dma_semaphore, #tpu.memory_space<semaphore_mem>>
        %dma_start3A_654 = arith.constant 0 : i32
        %dma_start3A_655 = tpu.memref_slice %arg10[%add3A_572, %dma_start3A_654] : memref<10000x128xf32, #tpu.memory_space<vmem_shared>> -> memref<8x128xf32, #tpu.memory_space<vmem_shared>>
        %dma_start3A_656 = arith.constant 0 : i32
        %dma_start3A_657 = tpu.memref_slice %arg10[%add3A_572, %dma_start3A_656] : memref<10000x128xf32, #tpu.memory_space<vmem_shared>> -> memref<8x128xf32, #tpu.memory_space<vmem_shared>>
        tpu.enqueue_dma source(%arg9 : memref<8x128xf32, #tpu.memory_space<vmem>>) target(%dma_start3A_657 : memref<8x128xf32, #tpu.memory_space<vmem_shared>>) target_semaphore(%run_scoped3A_653 : memref<!tpu.dma_semaphore, #tpu.memory_space<semaphore_mem>>)
        %dma_wait3A_658 = arith.constant 0 : i32
        %dma_wait3A_659 = tpu.memref_slice %arg10[%add3A_572, %dma_wait3A_658] : memref<10000x128xf32, #tpu.memory_space<vmem_shared>> -> memref<8x128xf32, #tpu.memory_space<vmem_shared>>
        %dma_wait3A_660 = arith.constant 0 : i32
        %dma_wait3A_661 = tpu.memref_slice %arg10[%add3A_572, %dma_wait3A_660] : memref<10000x128xf32, #tpu.memory_space<vmem_shared>> -> memref<8x128xf32, #tpu.memory_space<vmem_shared>>
        tpu.wait_dma2 semaphore(%run_scoped3A_653 : memref<!tpu.dma_semaphore, #tpu.memory_space<semaphore_mem>>) src(%arg9 : memref<8x128xf32, #tpu.memory_space<vmem>>) dst(%dma_wait3A_661 : memref<8x128xf32, #tpu.memory_space<vmem_shared>>)
        tpu.yield
      }) : () -> ()
      %mul3A_573 = arith.constant 1000 : i32
      %mul3A_574 = arith.muli %arg1, %mul3A_573 : i32
      %add3A_575 = arith.constant 840 : i32
      %add3A_576 = arith.addi %mul3A_574, %add3A_575 : i32
      "tpu.region"() ({
        %run_scoped3A_653 = tpu.sem_alloc : memref<!tpu.dma_semaphore, #tpu.memory_space<semaphore_mem>>
        %dma_start3A_654 = arith.constant 0 : i32
        %dma_start3A_655 = tpu.memref_slice %arg10[%add3A_576, %dma_start3A_654] : memref<10000x128xf32, #tpu.memory_space<vmem_shared>> -> memref<8x128xf32, #tpu.memory_space<vmem_shared>>
        %dma_start3A_656 = arith.constant 0 : i32
        %dma_start3A_657 = tpu.memref_slice %arg10[%add3A_576, %dma_start3A_656] : memref<10000x128xf32, #tpu.memory_space<vmem_shared>> -> memref<8x128xf32, #tpu.memory_space<vmem_shared>>
        tpu.enqueue_dma source(%arg9 : memref<8x128xf32, #tpu.memory_space<vmem>>) target(%dma_start3A_657 : memref<8x128xf32, #tpu.memory_space<vmem_shared>>) target_semaphore(%run_scoped3A_653 : memref<!tpu.dma_semaphore, #tpu.memory_space<semaphore_mem>>)
        %dma_wait3A_658 = arith.constant 0 : i32
        %dma_wait3A_659 = tpu.memref_slice %arg10[%add3A_576, %dma_wait3A_658] : memref<10000x128xf32, #tpu.memory_space<vmem_shared>> -> memref<8x128xf32, #tpu.memory_space<vmem_shared>>
        %dma_wait3A_660 = arith.constant 0 : i32
        %dma_wait3A_661 = tpu.memref_slice %arg10[%add3A_576, %dma_wait3A_660] : memref<10000x128xf32, #tpu.memory_space<vmem_shared>> -> memref<8x128xf32, #tpu.memory_space<vmem_shared>>
        tpu.wait_dma2 semaphore(%run_scoped3A_653 : memref<!tpu.dma_semaphore, #tpu.memory_space<semaphore_mem>>) src(%arg9 : memref<8x128xf32, #tpu.memory_space<vmem>>) dst(%dma_wait3A_661 : memref<8x128xf32, #tpu.memory_space<vmem_shared>>)
        tpu.yield
      }) : () -> ()
      %mul3A_577 = arith.constant 1000 : i32
      %mul3A_578 = arith.muli %arg1, %mul3A_577 : i32
      %add3A_579 = arith.constant 848 : i32
      %add3A_580 = arith.addi %mul3A_578, %add3A_579 : i32
      "tpu.region"() ({
        %run_scoped3A_653 = tpu.sem_alloc : memref<!tpu.dma_semaphore, #tpu.memory_space<semaphore_mem>>
        %dma_start3A_654 = arith.constant 0 : i32
        %dma_start3A_655 = tpu.memref_slice %arg10[%add3A_580, %dma_start3A_654] : memref<10000x128xf32, #tpu.memory_space<vmem_shared>> -> memref<8x128xf32, #tpu.memory_space<vmem_shared>>
        %dma_start3A_656 = arith.constant 0 : i32
        %dma_start3A_657 = tpu.memref_slice %arg10[%add3A_580, %dma_start3A_656] : memref<10000x128xf32, #tpu.memory_space<vmem_shared>> -> memref<8x128xf32, #tpu.memory_space<vmem_shared>>
        tpu.enqueue_dma source(%arg9 : memref<8x128xf32, #tpu.memory_space<vmem>>) target(%dma_start3A_657 : memref<8x128xf32, #tpu.memory_space<vmem_shared>>) target_semaphore(%run_scoped3A_653 : memref<!tpu.dma_semaphore, #tpu.memory_space<semaphore_mem>>)
        %dma_wait3A_658 = arith.constant 0 : i32
        %dma_wait3A_659 = tpu.memref_slice %arg10[%add3A_580, %dma_wait3A_658] : memref<10000x128xf32, #tpu.memory_space<vmem_shared>> -> memref<8x128xf32, #tpu.memory_space<vmem_shared>>
        %dma_wait3A_660 = arith.constant 0 : i32
        %dma_wait3A_661 = tpu.memref_slice %arg10[%add3A_580, %dma_wait3A_660] : memref<10000x128xf32, #tpu.memory_space<vmem_shared>> -> memref<8x128xf32, #tpu.memory_space<vmem_shared>>
        tpu.wait_dma2 semaphore(%run_scoped3A_653 : memref<!tpu.dma_semaphore, #tpu.memory_space<semaphore_mem>>) src(%arg9 : memref<8x128xf32, #tpu.memory_space<vmem>>) dst(%dma_wait3A_661 : memref<8x128xf32, #tpu.memory_space<vmem_shared>>)
        tpu.yield
      }) : () -> ()
      %mul3A_581 = arith.constant 1000 : i32
      %mul3A_582 = arith.muli %arg1, %mul3A_581 : i32
      %add3A_583 = arith.constant 856 : i32
      %add3A_584 = arith.addi %mul3A_582, %add3A_583 : i32
      "tpu.region"() ({
        %run_scoped3A_653 = tpu.sem_alloc : memref<!tpu.dma_semaphore, #tpu.memory_space<semaphore_mem>>
        %dma_start3A_654 = arith.constant 0 : i32
        %dma_start3A_655 = tpu.memref_slice %arg10[%add3A_584, %dma_start3A_654] : memref<10000x128xf32, #tpu.memory_space<vmem_shared>> -> memref<8x128xf32, #tpu.memory_space<vmem_shared>>
        %dma_start3A_656 = arith.constant 0 : i32
        %dma_start3A_657 = tpu.memref_slice %arg10[%add3A_584, %dma_start3A_656] : memref<10000x128xf32, #tpu.memory_space<vmem_shared>> -> memref<8x128xf32, #tpu.memory_space<vmem_shared>>
        tpu.enqueue_dma source(%arg9 : memref<8x128xf32, #tpu.memory_space<vmem>>) target(%dma_start3A_657 : memref<8x128xf32, #tpu.memory_space<vmem_shared>>) target_semaphore(%run_scoped3A_653 : memref<!tpu.dma_semaphore, #tpu.memory_space<semaphore_mem>>)
        %dma_wait3A_658 = arith.constant 0 : i32
        %dma_wait3A_659 = tpu.memref_slice %arg10[%add3A_584, %dma_wait3A_658] : memref<10000x128xf32, #tpu.memory_space<vmem_shared>> -> memref<8x128xf32, #tpu.memory_space<vmem_shared>>
        %dma_wait3A_660 = arith.constant 0 : i32
        %dma_wait3A_661 = tpu.memref_slice %arg10[%add3A_584, %dma_wait3A_660] : memref<10000x128xf32, #tpu.memory_space<vmem_shared>> -> memref<8x128xf32, #tpu.memory_space<vmem_shared>>
        tpu.wait_dma2 semaphore(%run_scoped3A_653 : memref<!tpu.dma_semaphore, #tpu.memory_space<semaphore_mem>>) src(%arg9 : memref<8x128xf32, #tpu.memory_space<vmem>>) dst(%dma_wait3A_661 : memref<8x128xf32, #tpu.memory_space<vmem_shared>>)
        tpu.yield
      }) : () -> ()
      %mul3A_585 = arith.constant 1000 : i32
      %mul3A_586 = arith.muli %arg1, %mul3A_585 : i32
      %add3A_587 = arith.constant 864 : i32
      %add3A_588 = arith.addi %mul3A_586, %add3A_587 : i32
      "tpu.region"() ({
        %run_scoped3A_653 = tpu.sem_alloc : memref<!tpu.dma_semaphore, #tpu.memory_space<semaphore_mem>>
        %dma_start3A_654 = arith.constant 0 : i32
        %dma_start3A_655 = tpu.memref_slice %arg10[%add3A_588, %dma_start3A_654] : memref<10000x128xf32, #tpu.memory_space<vmem_shared>> -> memref<8x128xf32, #tpu.memory_space<vmem_shared>>
        %dma_start3A_656 = arith.constant 0 : i32
        %dma_start3A_657 = tpu.memref_slice %arg10[%add3A_588, %dma_start3A_656] : memref<10000x128xf32, #tpu.memory_space<vmem_shared>> -> memref<8x128xf32, #tpu.memory_space<vmem_shared>>
        tpu.enqueue_dma source(%arg9 : memref<8x128xf32, #tpu.memory_space<vmem>>) target(%dma_start3A_657 : memref<8x128xf32, #tpu.memory_space<vmem_shared>>) target_semaphore(%run_scoped3A_653 : memref<!tpu.dma_semaphore, #tpu.memory_space<semaphore_mem>>)
        %dma_wait3A_658 = arith.constant 0 : i32
        %dma_wait3A_659 = tpu.memref_slice %arg10[%add3A_588, %dma_wait3A_658] : memref<10000x128xf32, #tpu.memory_space<vmem_shared>> -> memref<8x128xf32, #tpu.memory_space<vmem_shared>>
        %dma_wait3A_660 = arith.constant 0 : i32
        %dma_wait3A_661 = tpu.memref_slice %arg10[%add3A_588, %dma_wait3A_660] : memref<10000x128xf32, #tpu.memory_space<vmem_shared>> -> memref<8x128xf32, #tpu.memory_space<vmem_shared>>
        tpu.wait_dma2 semaphore(%run_scoped3A_653 : memref<!tpu.dma_semaphore, #tpu.memory_space<semaphore_mem>>) src(%arg9 : memref<8x128xf32, #tpu.memory_space<vmem>>) dst(%dma_wait3A_661 : memref<8x128xf32, #tpu.memory_space<vmem_shared>>)
        tpu.yield
      }) : () -> ()
      %mul3A_589 = arith.constant 1000 : i32
      %mul3A_590 = arith.muli %arg1, %mul3A_589 : i32
      %add3A_591 = arith.constant 872 : i32
      %add3A_592 = arith.addi %mul3A_590, %add3A_591 : i32
      "tpu.region"() ({
        %run_scoped3A_653 = tpu.sem_alloc : memref<!tpu.dma_semaphore, #tpu.memory_space<semaphore_mem>>
        %dma_start3A_654 = arith.constant 0 : i32
        %dma_start3A_655 = tpu.memref_slice %arg10[%add3A_592, %dma_start3A_654] : memref<10000x128xf32, #tpu.memory_space<vmem_shared>> -> memref<8x128xf32, #tpu.memory_space<vmem_shared>>
        %dma_start3A_656 = arith.constant 0 : i32
        %dma_start3A_657 = tpu.memref_slice %arg10[%add3A_592, %dma_start3A_656] : memref<10000x128xf32, #tpu.memory_space<vmem_shared>> -> memref<8x128xf32, #tpu.memory_space<vmem_shared>>
        tpu.enqueue_dma source(%arg9 : memref<8x128xf32, #tpu.memory_space<vmem>>) target(%dma_start3A_657 : memref<8x128xf32, #tpu.memory_space<vmem_shared>>) target_semaphore(%run_scoped3A_653 : memref<!tpu.dma_semaphore, #tpu.memory_space<semaphore_mem>>)
        %dma_wait3A_658 = arith.constant 0 : i32
        %dma_wait3A_659 = tpu.memref_slice %arg10[%add3A_592, %dma_wait3A_658] : memref<10000x128xf32, #tpu.memory_space<vmem_shared>> -> memref<8x128xf32, #tpu.memory_space<vmem_shared>>
        %dma_wait3A_660 = arith.constant 0 : i32
        %dma_wait3A_661 = tpu.memref_slice %arg10[%add3A_592, %dma_wait3A_660] : memref<10000x128xf32, #tpu.memory_space<vmem_shared>> -> memref<8x128xf32, #tpu.memory_space<vmem_shared>>
        tpu.wait_dma2 semaphore(%run_scoped3A_653 : memref<!tpu.dma_semaphore, #tpu.memory_space<semaphore_mem>>) src(%arg9 : memref<8x128xf32, #tpu.memory_space<vmem>>) dst(%dma_wait3A_661 : memref<8x128xf32, #tpu.memory_space<vmem_shared>>)
        tpu.yield
      }) : () -> ()
      %mul3A_593 = arith.constant 1000 : i32
      %mul3A_594 = arith.muli %arg1, %mul3A_593 : i32
      %add3A_595 = arith.constant 880 : i32
      %add3A_596 = arith.addi %mul3A_594, %add3A_595 : i32
      "tpu.region"() ({
        %run_scoped3A_653 = tpu.sem_alloc : memref<!tpu.dma_semaphore, #tpu.memory_space<semaphore_mem>>
        %dma_start3A_654 = arith.constant 0 : i32
        %dma_start3A_655 = tpu.memref_slice %arg10[%add3A_596, %dma_start3A_654] : memref<10000x128xf32, #tpu.memory_space<vmem_shared>> -> memref<8x128xf32, #tpu.memory_space<vmem_shared>>
        %dma_start3A_656 = arith.constant 0 : i32
        %dma_start3A_657 = tpu.memref_slice %arg10[%add3A_596, %dma_start3A_656] : memref<10000x128xf32, #tpu.memory_space<vmem_shared>> -> memref<8x128xf32, #tpu.memory_space<vmem_shared>>
        tpu.enqueue_dma source(%arg9 : memref<8x128xf32, #tpu.memory_space<vmem>>) target(%dma_start3A_657 : memref<8x128xf32, #tpu.memory_space<vmem_shared>>) target_semaphore(%run_scoped3A_653 : memref<!tpu.dma_semaphore, #tpu.memory_space<semaphore_mem>>)
        %dma_wait3A_658 = arith.constant 0 : i32
        %dma_wait3A_659 = tpu.memref_slice %arg10[%add3A_596, %dma_wait3A_658] : memref<10000x128xf32, #tpu.memory_space<vmem_shared>> -> memref<8x128xf32, #tpu.memory_space<vmem_shared>>
        %dma_wait3A_660 = arith.constant 0 : i32
        %dma_wait3A_661 = tpu.memref_slice %arg10[%add3A_596, %dma_wait3A_660] : memref<10000x128xf32, #tpu.memory_space<vmem_shared>> -> memref<8x128xf32, #tpu.memory_space<vmem_shared>>
        tpu.wait_dma2 semaphore(%run_scoped3A_653 : memref<!tpu.dma_semaphore, #tpu.memory_space<semaphore_mem>>) src(%arg9 : memref<8x128xf32, #tpu.memory_space<vmem>>) dst(%dma_wait3A_661 : memref<8x128xf32, #tpu.memory_space<vmem_shared>>)
        tpu.yield
      }) : () -> ()
      %mul3A_597 = arith.constant 1000 : i32
      %mul3A_598 = arith.muli %arg1, %mul3A_597 : i32
      %add3A_599 = arith.constant 888 : i32
      %add3A_600 = arith.addi %mul3A_598, %add3A_599 : i32
      "tpu.region"() ({
        %run_scoped3A_653 = tpu.sem_alloc : memref<!tpu.dma_semaphore, #tpu.memory_space<semaphore_mem>>
        %dma_start3A_654 = arith.constant 0 : i32
        %dma_start3A_655 = tpu.memref_slice %arg10[%add3A_600, %dma_start3A_654] : memref<10000x128xf32, #tpu.memory_space<vmem_shared>> -> memref<8x128xf32, #tpu.memory_space<vmem_shared>>
        %dma_start3A_656 = arith.constant 0 : i32
        %dma_start3A_657 = tpu.memref_slice %arg10[%add3A_600, %dma_start3A_656] : memref<10000x128xf32, #tpu.memory_space<vmem_shared>> -> memref<8x128xf32, #tpu.memory_space<vmem_shared>>
        tpu.enqueue_dma source(%arg9 : memref<8x128xf32, #tpu.memory_space<vmem>>) target(%dma_start3A_657 : memref<8x128xf32, #tpu.memory_space<vmem_shared>>) target_semaphore(%run_scoped3A_653 : memref<!tpu.dma_semaphore, #tpu.memory_space<semaphore_mem>>)
        %dma_wait3A_658 = arith.constant 0 : i32
        %dma_wait3A_659 = tpu.memref_slice %arg10[%add3A_600, %dma_wait3A_658] : memref<10000x128xf32, #tpu.memory_space<vmem_shared>> -> memref<8x128xf32, #tpu.memory_space<vmem_shared>>
        %dma_wait3A_660 = arith.constant 0 : i32
        %dma_wait3A_661 = tpu.memref_slice %arg10[%add3A_600, %dma_wait3A_660] : memref<10000x128xf32, #tpu.memory_space<vmem_shared>> -> memref<8x128xf32, #tpu.memory_space<vmem_shared>>
        tpu.wait_dma2 semaphore(%run_scoped3A_653 : memref<!tpu.dma_semaphore, #tpu.memory_space<semaphore_mem>>) src(%arg9 : memref<8x128xf32, #tpu.memory_space<vmem>>) dst(%dma_wait3A_661 : memref<8x128xf32, #tpu.memory_space<vmem_shared>>)
        tpu.yield
      }) : () -> ()
      %mul3A_601 = arith.constant 1000 : i32
      %mul3A_602 = arith.muli %arg1, %mul3A_601 : i32
      %add3A_603 = arith.constant 896 : i32
      %add3A_604 = arith.addi %mul3A_602, %add3A_603 : i32
      "tpu.region"() ({
        %run_scoped3A_653 = tpu.sem_alloc : memref<!tpu.dma_semaphore, #tpu.memory_space<semaphore_mem>>
        %dma_start3A_654 = arith.constant 0 : i32
        %dma_start3A_655 = tpu.memref_slice %arg10[%add3A_604, %dma_start3A_654] : memref<10000x128xf32, #tpu.memory_space<vmem_shared>> -> memref<8x128xf32, #tpu.memory_space<vmem_shared>>
        %dma_start3A_656 = arith.constant 0 : i32
        %dma_start3A_657 = tpu.memref_slice %arg10[%add3A_604, %dma_start3A_656] : memref<10000x128xf32, #tpu.memory_space<vmem_shared>> -> memref<8x128xf32, #tpu.memory_space<vmem_shared>>
        tpu.enqueue_dma source(%arg9 : memref<8x128xf32, #tpu.memory_space<vmem>>) target(%dma_start3A_657 : memref<8x128xf32, #tpu.memory_space<vmem_shared>>) target_semaphore(%run_scoped3A_653 : memref<!tpu.dma_semaphore, #tpu.memory_space<semaphore_mem>>)
        %dma_wait3A_658 = arith.constant 0 : i32
        %dma_wait3A_659 = tpu.memref_slice %arg10[%add3A_604, %dma_wait3A_658] : memref<10000x128xf32, #tpu.memory_space<vmem_shared>> -> memref<8x128xf32, #tpu.memory_space<vmem_shared>>
        %dma_wait3A_660 = arith.constant 0 : i32
        %dma_wait3A_661 = tpu.memref_slice %arg10[%add3A_604, %dma_wait3A_660] : memref<10000x128xf32, #tpu.memory_space<vmem_shared>> -> memref<8x128xf32, #tpu.memory_space<vmem_shared>>
        tpu.wait_dma2 semaphore(%run_scoped3A_653 : memref<!tpu.dma_semaphore, #tpu.memory_space<semaphore_mem>>) src(%arg9 : memref<8x128xf32, #tpu.memory_space<vmem>>) dst(%dma_wait3A_661 : memref<8x128xf32, #tpu.memory_space<vmem_shared>>)
        tpu.yield
      }) : () -> ()
      %mul3A_605 = arith.constant 1000 : i32
      %mul3A_606 = arith.muli %arg1, %mul3A_605 : i32
      %add3A_607 = arith.constant 904 : i32
      %add3A_608 = arith.addi %mul3A_606, %add3A_607 : i32
      "tpu.region"() ({
        %run_scoped3A_653 = tpu.sem_alloc : memref<!tpu.dma_semaphore, #tpu.memory_space<semaphore_mem>>
        %dma_start3A_654 = arith.constant 0 : i32
        %dma_start3A_655 = tpu.memref_slice %arg10[%add3A_608, %dma_start3A_654] : memref<10000x128xf32, #tpu.memory_space<vmem_shared>> -> memref<8x128xf32, #tpu.memory_space<vmem_shared>>
        %dma_start3A_656 = arith.constant 0 : i32
        %dma_start3A_657 = tpu.memref_slice %arg10[%add3A_608, %dma_start3A_656] : memref<10000x128xf32, #tpu.memory_space<vmem_shared>> -> memref<8x128xf32, #tpu.memory_space<vmem_shared>>
        tpu.enqueue_dma source(%arg9 : memref<8x128xf32, #tpu.memory_space<vmem>>) target(%dma_start3A_657 : memref<8x128xf32, #tpu.memory_space<vmem_shared>>) target_semaphore(%run_scoped3A_653 : memref<!tpu.dma_semaphore, #tpu.memory_space<semaphore_mem>>)
        %dma_wait3A_658 = arith.constant 0 : i32
        %dma_wait3A_659 = tpu.memref_slice %arg10[%add3A_608, %dma_wait3A_658] : memref<10000x128xf32, #tpu.memory_space<vmem_shared>> -> memref<8x128xf32, #tpu.memory_space<vmem_shared>>
        %dma_wait3A_660 = arith.constant 0 : i32
        %dma_wait3A_661 = tpu.memref_slice %arg10[%add3A_608, %dma_wait3A_660] : memref<10000x128xf32, #tpu.memory_space<vmem_shared>> -> memref<8x128xf32, #tpu.memory_space<vmem_shared>>
        tpu.wait_dma2 semaphore(%run_scoped3A_653 : memref<!tpu.dma_semaphore, #tpu.memory_space<semaphore_mem>>) src(%arg9 : memref<8x128xf32, #tpu.memory_space<vmem>>) dst(%dma_wait3A_661 : memref<8x128xf32, #tpu.memory_space<vmem_shared>>)
        tpu.yield
      }) : () -> ()
      %mul3A_609 = arith.constant 1000 : i32
      %mul3A_610 = arith.muli %arg1, %mul3A_609 : i32
      %add3A_611 = arith.constant 912 : i32
      %add3A_612 = arith.addi %mul3A_610, %add3A_611 : i32
      "tpu.region"() ({
        %run_scoped3A_653 = tpu.sem_alloc : memref<!tpu.dma_semaphore, #tpu.memory_space<semaphore_mem>>
        %dma_start3A_654 = arith.constant 0 : i32
        %dma_start3A_655 = tpu.memref_slice %arg10[%add3A_612, %dma_start3A_654] : memref<10000x128xf32, #tpu.memory_space<vmem_shared>> -> memref<8x128xf32, #tpu.memory_space<vmem_shared>>
        %dma_start3A_656 = arith.constant 0 : i32
        %dma_start3A_657 = tpu.memref_slice %arg10[%add3A_612, %dma_start3A_656] : memref<10000x128xf32, #tpu.memory_space<vmem_shared>> -> memref<8x128xf32, #tpu.memory_space<vmem_shared>>
        tpu.enqueue_dma source(%arg9 : memref<8x128xf32, #tpu.memory_space<vmem>>) target(%dma_start3A_657 : memref<8x128xf32, #tpu.memory_space<vmem_shared>>) target_semaphore(%run_scoped3A_653 : memref<!tpu.dma_semaphore, #tpu.memory_space<semaphore_mem>>)
        %dma_wait3A_658 = arith.constant 0 : i32
        %dma_wait3A_659 = tpu.memref_slice %arg10[%add3A_612, %dma_wait3A_658] : memref<10000x128xf32, #tpu.memory_space<vmem_shared>> -> memref<8x128xf32, #tpu.memory_space<vmem_shared>>
        %dma_wait3A_660 = arith.constant 0 : i32
        %dma_wait3A_661 = tpu.memref_slice %arg10[%add3A_612, %dma_wait3A_660] : memref<10000x128xf32, #tpu.memory_space<vmem_shared>> -> memref<8x128xf32, #tpu.memory_space<vmem_shared>>
        tpu.wait_dma2 semaphore(%run_scoped3A_653 : memref<!tpu.dma_semaphore, #tpu.memory_space<semaphore_mem>>) src(%arg9 : memref<8x128xf32, #tpu.memory_space<vmem>>) dst(%dma_wait3A_661 : memref<8x128xf32, #tpu.memory_space<vmem_shared>>)
        tpu.yield
      }) : () -> ()
      %mul3A_613 = arith.constant 1000 : i32
      %mul3A_614 = arith.muli %arg1, %mul3A_613 : i32
      %add3A_615 = arith.constant 920 : i32
      %add3A_616 = arith.addi %mul3A_614, %add3A_615 : i32
      "tpu.region"() ({
        %run_scoped3A_653 = tpu.sem_alloc : memref<!tpu.dma_semaphore, #tpu.memory_space<semaphore_mem>>
        %dma_start3A_654 = arith.constant 0 : i32
        %dma_start3A_655 = tpu.memref_slice %arg10[%add3A_616, %dma_start3A_654] : memref<10000x128xf32, #tpu.memory_space<vmem_shared>> -> memref<8x128xf32, #tpu.memory_space<vmem_shared>>
        %dma_start3A_656 = arith.constant 0 : i32
        %dma_start3A_657 = tpu.memref_slice %arg10[%add3A_616, %dma_start3A_656] : memref<10000x128xf32, #tpu.memory_space<vmem_shared>> -> memref<8x128xf32, #tpu.memory_space<vmem_shared>>
        tpu.enqueue_dma source(%arg9 : memref<8x128xf32, #tpu.memory_space<vmem>>) target(%dma_start3A_657 : memref<8x128xf32, #tpu.memory_space<vmem_shared>>) target_semaphore(%run_scoped3A_653 : memref<!tpu.dma_semaphore, #tpu.memory_space<semaphore_mem>>)
        %dma_wait3A_658 = arith.constant 0 : i32
        %dma_wait3A_659 = tpu.memref_slice %arg10[%add3A_616, %dma_wait3A_658] : memref<10000x128xf32, #tpu.memory_space<vmem_shared>> -> memref<8x128xf32, #tpu.memory_space<vmem_shared>>
        %dma_wait3A_660 = arith.constant 0 : i32
        %dma_wait3A_661 = tpu.memref_slice %arg10[%add3A_616, %dma_wait3A_660] : memref<10000x128xf32, #tpu.memory_space<vmem_shared>> -> memref<8x128xf32, #tpu.memory_space<vmem_shared>>
        tpu.wait_dma2 semaphore(%run_scoped3A_653 : memref<!tpu.dma_semaphore, #tpu.memory_space<semaphore_mem>>) src(%arg9 : memref<8x128xf32, #tpu.memory_space<vmem>>) dst(%dma_wait3A_661 : memref<8x128xf32, #tpu.memory_space<vmem_shared>>)
        tpu.yield
      }) : () -> ()
      %mul3A_617 = arith.constant 1000 : i32
      %mul3A_618 = arith.muli %arg1, %mul3A_617 : i32
      %add3A_619 = arith.constant 928 : i32
      %add3A_620 = arith.addi %mul3A_618, %add3A_619 : i32
      "tpu.region"() ({
        %run_scoped3A_653 = tpu.sem_alloc : memref<!tpu.dma_semaphore, #tpu.memory_space<semaphore_mem>>
        %dma_start3A_654 = arith.constant 0 : i32
        %dma_start3A_655 = tpu.memref_slice %arg10[%add3A_620, %dma_start3A_654] : memref<10000x128xf32, #tpu.memory_space<vmem_shared>> -> memref<8x128xf32, #tpu.memory_space<vmem_shared>>
        %dma_start3A_656 = arith.constant 0 : i32
        %dma_start3A_657 = tpu.memref_slice %arg10[%add3A_620, %dma_start3A_656] : memref<10000x128xf32, #tpu.memory_space<vmem_shared>> -> memref<8x128xf32, #tpu.memory_space<vmem_shared>>
        tpu.enqueue_dma source(%arg9 : memref<8x128xf32, #tpu.memory_space<vmem>>) target(%dma_start3A_657 : memref<8x128xf32, #tpu.memory_space<vmem_shared>>) target_semaphore(%run_scoped3A_653 : memref<!tpu.dma_semaphore, #tpu.memory_space<semaphore_mem>>)
        %dma_wait3A_658 = arith.constant 0 : i32
        %dma_wait3A_659 = tpu.memref_slice %arg10[%add3A_620, %dma_wait3A_658] : memref<10000x128xf32, #tpu.memory_space<vmem_shared>> -> memref<8x128xf32, #tpu.memory_space<vmem_shared>>
        %dma_wait3A_660 = arith.constant 0 : i32
        %dma_wait3A_661 = tpu.memref_slice %arg10[%add3A_620, %dma_wait3A_660] : memref<10000x128xf32, #tpu.memory_space<vmem_shared>> -> memref<8x128xf32, #tpu.memory_space<vmem_shared>>
        tpu.wait_dma2 semaphore(%run_scoped3A_653 : memref<!tpu.dma_semaphore, #tpu.memory_space<semaphore_mem>>) src(%arg9 : memref<8x128xf32, #tpu.memory_space<vmem>>) dst(%dma_wait3A_661 : memref<8x128xf32, #tpu.memory_space<vmem_shared>>)
        tpu.yield
      }) : () -> ()
      %mul3A_621 = arith.constant 1000 : i32
      %mul3A_622 = arith.muli %arg1, %mul3A_621 : i32
      %add3A_623 = arith.constant 936 : i32
      %add3A_624 = arith.addi %mul3A_622, %add3A_623 : i32
      "tpu.region"() ({
        %run_scoped3A_653 = tpu.sem_alloc : memref<!tpu.dma_semaphore, #tpu.memory_space<semaphore_mem>>
        %dma_start3A_654 = arith.constant 0 : i32
        %dma_start3A_655 = tpu.memref_slice %arg10[%add3A_624, %dma_start3A_654] : memref<10000x128xf32, #tpu.memory_space<vmem_shared>> -> memref<8x128xf32, #tpu.memory_space<vmem_shared>>
        %dma_start3A_656 = arith.constant 0 : i32
        %dma_start3A_657 = tpu.memref_slice %arg10[%add3A_624, %dma_start3A_656] : memref<10000x128xf32, #tpu.memory_space<vmem_shared>> -> memref<8x128xf32, #tpu.memory_space<vmem_shared>>
        tpu.enqueue_dma source(%arg9 : memref<8x128xf32, #tpu.memory_space<vmem>>) target(%dma_start3A_657 : memref<8x128xf32, #tpu.memory_space<vmem_shared>>) target_semaphore(%run_scoped3A_653 : memref<!tpu.dma_semaphore, #tpu.memory_space<semaphore_mem>>)
        %dma_wait3A_658 = arith.constant 0 : i32
        %dma_wait3A_659 = tpu.memref_slice %arg10[%add3A_624, %dma_wait3A_658] : memref<10000x128xf32, #tpu.memory_space<vmem_shared>> -> memref<8x128xf32, #tpu.memory_space<vmem_shared>>
        %dma_wait3A_660 = arith.constant 0 : i32
        %dma_wait3A_661 = tpu.memref_slice %arg10[%add3A_624, %dma_wait3A_660] : memref<10000x128xf32, #tpu.memory_space<vmem_shared>> -> memref<8x128xf32, #tpu.memory_space<vmem_shared>>
        tpu.wait_dma2 semaphore(%run_scoped3A_653 : memref<!tpu.dma_semaphore, #tpu.memory_space<semaphore_mem>>) src(%arg9 : memref<8x128xf32, #tpu.memory_space<vmem>>) dst(%dma_wait3A_661 : memref<8x128xf32, #tpu.memory_space<vmem_shared>>)
        tpu.yield
      }) : () -> ()
      %mul3A_625 = arith.constant 1000 : i32
      %mul3A_626 = arith.muli %arg1, %mul3A_625 : i32
      %add3A_627 = arith.constant 944 : i32
      %add3A_628 = arith.addi %mul3A_626, %add3A_627 : i32
      "tpu.region"() ({
        %run_scoped3A_653 = tpu.sem_alloc : memref<!tpu.dma_semaphore, #tpu.memory_space<semaphore_mem>>
        %dma_start3A_654 = arith.constant 0 : i32
        %dma_start3A_655 = tpu.memref_slice %arg10[%add3A_628, %dma_start3A_654] : memref<10000x128xf32, #tpu.memory_space<vmem_shared>> -> memref<8x128xf32, #tpu.memory_space<vmem_shared>>
        %dma_start3A_656 = arith.constant 0 : i32
        %dma_start3A_657 = tpu.memref_slice %arg10[%add3A_628, %dma_start3A_656] : memref<10000x128xf32, #tpu.memory_space<vmem_shared>> -> memref<8x128xf32, #tpu.memory_space<vmem_shared>>
        tpu.enqueue_dma source(%arg9 : memref<8x128xf32, #tpu.memory_space<vmem>>) target(%dma_start3A_657 : memref<8x128xf32, #tpu.memory_space<vmem_shared>>) target_semaphore(%run_scoped3A_653 : memref<!tpu.dma_semaphore, #tpu.memory_space<semaphore_mem>>)
        %dma_wait3A_658 = arith.constant 0 : i32
        %dma_wait3A_659 = tpu.memref_slice %arg10[%add3A_628, %dma_wait3A_658] : memref<10000x128xf32, #tpu.memory_space<vmem_shared>> -> memref<8x128xf32, #tpu.memory_space<vmem_shared>>
        %dma_wait3A_660 = arith.constant 0 : i32
        %dma_wait3A_661 = tpu.memref_slice %arg10[%add3A_628, %dma_wait3A_660] : memref<10000x128xf32, #tpu.memory_space<vmem_shared>> -> memref<8x128xf32, #tpu.memory_space<vmem_shared>>
        tpu.wait_dma2 semaphore(%run_scoped3A_653 : memref<!tpu.dma_semaphore, #tpu.memory_space<semaphore_mem>>) src(%arg9 : memref<8x128xf32, #tpu.memory_space<vmem>>) dst(%dma_wait3A_661 : memref<8x128xf32, #tpu.memory_space<vmem_shared>>)
        tpu.yield
      }) : () -> ()
      %mul3A_629 = arith.constant 1000 : i32
      %mul3A_630 = arith.muli %arg1, %mul3A_629 : i32
      %add3A_631 = arith.constant 952 : i32
      %add3A_632 = arith.addi %mul3A_630, %add3A_631 : i32
      "tpu.region"() ({
        %run_scoped3A_653 = tpu.sem_alloc : memref<!tpu.dma_semaphore, #tpu.memory_space<semaphore_mem>>
        %dma_start3A_654 = arith.constant 0 : i32
        %dma_start3A_655 = tpu.memref_slice %arg10[%add3A_632, %dma_start3A_654] : memref<10000x128xf32, #tpu.memory_space<vmem_shared>> -> memref<8x128xf32, #tpu.memory_space<vmem_shared>>
        %dma_start3A_656 = arith.constant 0 : i32
        %dma_start3A_657 = tpu.memref_slice %arg10[%add3A_632, %dma_start3A_656] : memref<10000x128xf32, #tpu.memory_space<vmem_shared>> -> memref<8x128xf32, #tpu.memory_space<vmem_shared>>
        tpu.enqueue_dma source(%arg9 : memref<8x128xf32, #tpu.memory_space<vmem>>) target(%dma_start3A_657 : memref<8x128xf32, #tpu.memory_space<vmem_shared>>) target_semaphore(%run_scoped3A_653 : memref<!tpu.dma_semaphore, #tpu.memory_space<semaphore_mem>>)
        %dma_wait3A_658 = arith.constant 0 : i32
        %dma_wait3A_659 = tpu.memref_slice %arg10[%add3A_632, %dma_wait3A_658] : memref<10000x128xf32, #tpu.memory_space<vmem_shared>> -> memref<8x128xf32, #tpu.memory_space<vmem_shared>>
        %dma_wait3A_660 = arith.constant 0 : i32
        %dma_wait3A_661 = tpu.memref_slice %arg10[%add3A_632, %dma_wait3A_660] : memref<10000x128xf32, #tpu.memory_space<vmem_shared>> -> memref<8x128xf32, #tpu.memory_space<vmem_shared>>
        tpu.wait_dma2 semaphore(%run_scoped3A_653 : memref<!tpu.dma_semaphore, #tpu.memory_space<semaphore_mem>>) src(%arg9 : memref<8x128xf32, #tpu.memory_space<vmem>>) dst(%dma_wait3A_661 : memref<8x128xf32, #tpu.memory_space<vmem_shared>>)
        tpu.yield
      }) : () -> ()
      %mul3A_633 = arith.constant 1000 : i32
      %mul3A_634 = arith.muli %arg1, %mul3A_633 : i32
      %add3A_635 = arith.constant 960 : i32
      %add3A_636 = arith.addi %mul3A_634, %add3A_635 : i32
      "tpu.region"() ({
        %run_scoped3A_653 = tpu.sem_alloc : memref<!tpu.dma_semaphore, #tpu.memory_space<semaphore_mem>>
        %dma_start3A_654 = arith.constant 0 : i32
        %dma_start3A_655 = tpu.memref_slice %arg10[%add3A_636, %dma_start3A_654] : memref<10000x128xf32, #tpu.memory_space<vmem_shared>> -> memref<8x128xf32, #tpu.memory_space<vmem_shared>>
        %dma_start3A_656 = arith.constant 0 : i32
        %dma_start3A_657 = tpu.memref_slice %arg10[%add3A_636, %dma_start3A_656] : memref<10000x128xf32, #tpu.memory_space<vmem_shared>> -> memref<8x128xf32, #tpu.memory_space<vmem_shared>>
        tpu.enqueue_dma source(%arg9 : memref<8x128xf32, #tpu.memory_space<vmem>>) target(%dma_start3A_657 : memref<8x128xf32, #tpu.memory_space<vmem_shared>>) target_semaphore(%run_scoped3A_653 : memref<!tpu.dma_semaphore, #tpu.memory_space<semaphore_mem>>)
        %dma_wait3A_658 = arith.constant 0 : i32
        %dma_wait3A_659 = tpu.memref_slice %arg10[%add3A_636, %dma_wait3A_658] : memref<10000x128xf32, #tpu.memory_space<vmem_shared>> -> memref<8x128xf32, #tpu.memory_space<vmem_shared>>
        %dma_wait3A_660 = arith.constant 0 : i32
        %dma_wait3A_661 = tpu.memref_slice %arg10[%add3A_636, %dma_wait3A_660] : memref<10000x128xf32, #tpu.memory_space<vmem_shared>> -> memref<8x128xf32, #tpu.memory_space<vmem_shared>>
        tpu.wait_dma2 semaphore(%run_scoped3A_653 : memref<!tpu.dma_semaphore, #tpu.memory_space<semaphore_mem>>) src(%arg9 : memref<8x128xf32, #tpu.memory_space<vmem>>) dst(%dma_wait3A_661 : memref<8x128xf32, #tpu.memory_space<vmem_shared>>)
        tpu.yield
      }) : () -> ()
      %mul3A_637 = arith.constant 1000 : i32
      %mul3A_638 = arith.muli %arg1, %mul3A_637 : i32
      %add3A_639 = arith.constant 968 : i32
      %add3A_640 = arith.addi %mul3A_638, %add3A_639 : i32
      "tpu.region"() ({
        %run_scoped3A_653 = tpu.sem_alloc : memref<!tpu.dma_semaphore, #tpu.memory_space<semaphore_mem>>
        %dma_start3A_654 = arith.constant 0 : i32
        %dma_start3A_655 = tpu.memref_slice %arg10[%add3A_640, %dma_start3A_654] : memref<10000x128xf32, #tpu.memory_space<vmem_shared>> -> memref<8x128xf32, #tpu.memory_space<vmem_shared>>
        %dma_start3A_656 = arith.constant 0 : i32
        %dma_start3A_657 = tpu.memref_slice %arg10[%add3A_640, %dma_start3A_656] : memref<10000x128xf32, #tpu.memory_space<vmem_shared>> -> memref<8x128xf32, #tpu.memory_space<vmem_shared>>
        tpu.enqueue_dma source(%arg9 : memref<8x128xf32, #tpu.memory_space<vmem>>) target(%dma_start3A_657 : memref<8x128xf32, #tpu.memory_space<vmem_shared>>) target_semaphore(%run_scoped3A_653 : memref<!tpu.dma_semaphore, #tpu.memory_space<semaphore_mem>>)
        %dma_wait3A_658 = arith.constant 0 : i32
        %dma_wait3A_659 = tpu.memref_slice %arg10[%add3A_640, %dma_wait3A_658] : memref<10000x128xf32, #tpu.memory_space<vmem_shared>> -> memref<8x128xf32, #tpu.memory_space<vmem_shared>>
        %dma_wait3A_660 = arith.constant 0 : i32
        %dma_wait3A_661 = tpu.memref_slice %arg10[%add3A_640, %dma_wait3A_660] : memref<10000x128xf32, #tpu.memory_space<vmem_shared>> -> memref<8x128xf32, #tpu.memory_space<vmem_shared>>
        tpu.wait_dma2 semaphore(%run_scoped3A_653 : memref<!tpu.dma_semaphore, #tpu.memory_space<semaphore_mem>>) src(%arg9 : memref<8x128xf32, #tpu.memory_space<vmem>>) dst(%dma_wait3A_661 : memref<8x128xf32, #tpu.memory_space<vmem_shared>>)
        tpu.yield
      }) : () -> ()
      %mul3A_641 = arith.constant 1000 : i32
      %mul3A_642 = arith.muli %arg1, %mul3A_641 : i32
      %add3A_643 = arith.constant 976 : i32
      %add3A_644 = arith.addi %mul3A_642, %add3A_643 : i32
      "tpu.region"() ({
        %run_scoped3A_653 = tpu.sem_alloc : memref<!tpu.dma_semaphore, #tpu.memory_space<semaphore_mem>>
        %dma_start3A_654 = arith.constant 0 : i32
        %dma_start3A_655 = tpu.memref_slice %arg10[%add3A_644, %dma_start3A_654] : memref<10000x128xf32, #tpu.memory_space<vmem_shared>> -> memref<8x128xf32, #tpu.memory_space<vmem_shared>>
        %dma_start3A_656 = arith.constant 0 : i32
        %dma_start3A_657 = tpu.memref_slice %arg10[%add3A_644, %dma_start3A_656] : memref<10000x128xf32, #tpu.memory_space<vmem_shared>> -> memref<8x128xf32, #tpu.memory_space<vmem_shared>>
        tpu.enqueue_dma source(%arg9 : memref<8x128xf32, #tpu.memory_space<vmem>>) target(%dma_start3A_657 : memref<8x128xf32, #tpu.memory_space<vmem_shared>>) target_semaphore(%run_scoped3A_653 : memref<!tpu.dma_semaphore, #tpu.memory_space<semaphore_mem>>)
        %dma_wait3A_658 = arith.constant 0 : i32
        %dma_wait3A_659 = tpu.memref_slice %arg10[%add3A_644, %dma_wait3A_658] : memref<10000x128xf32, #tpu.memory_space<vmem_shared>> -> memref<8x128xf32, #tpu.memory_space<vmem_shared>>
        %dma_wait3A_660 = arith.constant 0 : i32
        %dma_wait3A_661 = tpu.memref_slice %arg10[%add3A_644, %dma_wait3A_660] : memref<10000x128xf32, #tpu.memory_space<vmem_shared>> -> memref<8x128xf32, #tpu.memory_space<vmem_shared>>
        tpu.wait_dma2 semaphore(%run_scoped3A_653 : memref<!tpu.dma_semaphore, #tpu.memory_space<semaphore_mem>>) src(%arg9 : memref<8x128xf32, #tpu.memory_space<vmem>>) dst(%dma_wait3A_661 : memref<8x128xf32, #tpu.memory_space<vmem_shared>>)
        tpu.yield
      }) : () -> ()
      %mul3A_645 = arith.constant 1000 : i32
      %mul3A_646 = arith.muli %arg1, %mul3A_645 : i32
      %add3A_647 = arith.constant 984 : i32
      %add3A_648 = arith.addi %mul3A_646, %add3A_647 : i32
      "tpu.region"() ({
        %run_scoped3A_653 = tpu.sem_alloc : memref<!tpu.dma_semaphore, #tpu.memory_space<semaphore_mem>>
        %dma_start3A_654 = arith.constant 0 : i32
        %dma_start3A_655 = tpu.memref_slice %arg10[%add3A_648, %dma_start3A_654] : memref<10000x128xf32, #tpu.memory_space<vmem_shared>> -> memref<8x128xf32, #tpu.memory_space<vmem_shared>>
        %dma_start3A_656 = arith.constant 0 : i32
        %dma_start3A_657 = tpu.memref_slice %arg10[%add3A_648, %dma_start3A_656] : memref<10000x128xf32, #tpu.memory_space<vmem_shared>> -> memref<8x128xf32, #tpu.memory_space<vmem_shared>>
        tpu.enqueue_dma source(%arg9 : memref<8x128xf32, #tpu.memory_space<vmem>>) target(%dma_start3A_657 : memref<8x128xf32, #tpu.memory_space<vmem_shared>>) target_semaphore(%run_scoped3A_653 : memref<!tpu.dma_semaphore, #tpu.memory_space<semaphore_mem>>)
        %dma_wait3A_658 = arith.constant 0 : i32
        %dma_wait3A_659 = tpu.memref_slice %arg10[%add3A_648, %dma_wait3A_658] : memref<10000x128xf32, #tpu.memory_space<vmem_shared>> -> memref<8x128xf32, #tpu.memory_space<vmem_shared>>
        %dma_wait3A_660 = arith.constant 0 : i32
        %dma_wait3A_661 = tpu.memref_slice %arg10[%add3A_648, %dma_wait3A_660] : memref<10000x128xf32, #tpu.memory_space<vmem_shared>> -> memref<8x128xf32, #tpu.memory_space<vmem_shared>>
        tpu.wait_dma2 semaphore(%run_scoped3A_653 : memref<!tpu.dma_semaphore, #tpu.memory_space<semaphore_mem>>) src(%arg9 : memref<8x128xf32, #tpu.memory_space<vmem>>) dst(%dma_wait3A_661 : memref<8x128xf32, #tpu.memory_space<vmem_shared>>)
        tpu.yield
      }) : () -> ()
      %mul3A_649 = arith.constant 1000 : i32
      %mul3A_650 = arith.muli %arg1, %mul3A_649 : i32
      %add3A_651 = arith.constant 992 : i32
      %add3A_652 = arith.addi %mul3A_650, %add3A_651 : i32
      "tpu.region"() ({
        %run_scoped3A_653 = tpu.sem_alloc : memref<!tpu.dma_semaphore, #tpu.memory_space<semaphore_mem>>
        %dma_start3A_654 = arith.constant 0 : i32
        %dma_start3A_655 = tpu.memref_slice %arg10[%add3A_652, %dma_start3A_654] : memref<10000x128xf32, #tpu.memory_space<vmem_shared>> -> memref<8x128xf32, #tpu.memory_space<vmem_shared>>
        %dma_start3A_656 = arith.constant 0 : i32
        %dma_start3A_657 = tpu.memref_slice %arg10[%add3A_652, %dma_start3A_656] : memref<10000x128xf32, #tpu.memory_space<vmem_shared>> -> memref<8x128xf32, #tpu.memory_space<vmem_shared>>
        tpu.enqueue_dma source(%arg9 : memref<8x128xf32, #tpu.memory_space<vmem>>) target(%dma_start3A_657 : memref<8x128xf32, #tpu.memory_space<vmem_shared>>) target_semaphore(%run_scoped3A_653 : memref<!tpu.dma_semaphore, #tpu.memory_space<semaphore_mem>>)
        %dma_wait3A_658 = arith.constant 0 : i32
        %dma_wait3A_659 = tpu.memref_slice %arg10[%add3A_652, %dma_wait3A_658] : memref<10000x128xf32, #tpu.memory_space<vmem_shared>> -> memref<8x128xf32, #tpu.memory_space<vmem_shared>>
        %dma_wait3A_660 = arith.constant 0 : i32
        %dma_wait3A_661 = tpu.memref_slice %arg10[%add3A_652, %dma_wait3A_660] : memref<10000x128xf32, #tpu.memory_space<vmem_shared>> -> memref<8x128xf32, #tpu.memory_space<vmem_shared>>
        tpu.wait_dma2 semaphore(%run_scoped3A_653 : memref<!tpu.dma_semaphore, #tpu.memory_space<semaphore_mem>>) src(%arg9 : memref<8x128xf32, #tpu.memory_space<vmem>>) dst(%dma_wait3A_661 : memref<8x128xf32, #tpu.memory_space<vmem_shared>>)
        tpu.yield
      }) : () -> ()
    } else {
    }
    %barrier3A = arith.constant 0 : index
    tpu.barrier barrier_id(%barrier3A)
    %scan3A_105 = arith.constant 0 : i32
    %scan3A_106 = arith.constant 0 : i32
    %scan3A_107 = arith.constant 62 : i32
    %scan3A_108 = arith.addi %scan3A_106, %scan3A_107 : i32
    %scan3A_109 = arith.constant 1 : i32
    scf.for %scan3A_153 = %scan3A_106 to %scan3A_108 step %scan3A_109  : i32 {
      %mul3A_154 = arith.constant 2 : i32
      %mul3A_155 = arith.muli %mul3A_154, %scan3A_153 : i32
      %add3A_156 = arith.constant 1 : i32
      %add3A_157 = arith.addi %mul3A_155, %add3A_156 : i32
      %dma_wait3A_158 = arith.constant 1 : i32
      %dma_wait3A_159 = arith.constant 0 : i32
      %dma_wait3A_160 = arith.constant 0 : i32
      %dma_wait3A_161 = tpu.memref_slice %arg6[%dma_wait3A_158, %dma_wait3A_159, %dma_wait3A_160] : memref<2x2x80xi32, #tpu.memory_space<vmem>> -> memref<1x2x80xi32, #tpu.memory_space<vmem>>
      %dma_wait3A_162 = tpu.memref_squeeze %dma_wait3A_161 : memref<1x2x80xi32, #tpu.memory_space<vmem>> -> memref<2x80xi32, #tpu.memory_space<vmem>>
      %dma_wait3A_163 = arith.constant 0 : i32
      %dma_wait3A_164 = arith.constant 0 : i32
      %dma_wait3A_165 = tpu.memref_slice %arg4[%add3A, %add3A_157, %dma_wait3A_163, %dma_wait3A_164] : memref<32x125x2x80xi32, #tpu.memory_space<hbm>> -> memref<1x1x2x80xi32, #tpu.memory_space<hbm>>
      %dma_wait3A_166 = tpu.memref_squeeze %dma_wait3A_165 : memref<1x1x2x80xi32, #tpu.memory_space<hbm>> -> memref<2x80xi32, #tpu.memory_space<hbm>>
      %dma_wait3A_167 = arith.constant 0 : i32
      %dma_wait3A_168 = arith.constant 0 : i32
      %dma_wait3A_169 = tpu.memref_slice %arg6[%dma_wait3A_158, %dma_wait3A_167, %dma_wait3A_168] : memref<2x2x80xi32, #tpu.memory_space<vmem>> -> memref<1x2x80xi32, #tpu.memory_space<vmem>>
      %dma_wait3A_170 = tpu.memref_squeeze %dma_wait3A_169 : memref<1x2x80xi32, #tpu.memory_space<vmem>> -> memref<2x80xi32, #tpu.memory_space<vmem>>
      %dma_wait3A_171 = arith.constant 0 : i32
      %dma_wait3A_172 = arith.constant 0 : i32
      %dma_wait3A_173 = tpu.memref_slice %arg4[%add3A, %add3A_157, %dma_wait3A_171, %dma_wait3A_172] : memref<32x125x2x80xi32, #tpu.memory_space<hbm>> -> memref<1x1x2x80xi32, #tpu.memory_space<hbm>>
      %dma_wait3A_174 = tpu.memref_squeeze %dma_wait3A_173 : memref<1x1x2x80xi32, #tpu.memory_space<hbm>> -> memref<2x80xi32, #tpu.memory_space<hbm>>
      tpu.wait_dma2 semaphore(%arg12 : memref<!tpu.dma_semaphore, #tpu.memory_space<semaphore_mem>>) src(%dma_wait3A_174 : memref<2x80xi32, #tpu.memory_space<hbm>>) dst(%dma_wait3A_170 : memref<2x80xi32, #tpu.memory_space<vmem>>)
      %dma_start3A_175 = arith.constant 1 : i32
      %dma_start3A_176 = arith.constant 0 : i32
      %dma_start3A_177 = arith.constant 1 : i32
      %dma_start3A_178 = arith.constant 0 : i32
      %dma_start3A_179 = arith.constant 0 : i32
      %dma_start3A_180 = tpu.memref_slice %arg8[%dma_start3A_177, %dma_start3A_178, %dma_start3A_179] : memref<2x80x128xf32, #tpu.memory_space<vmem>> -> memref<1x80x128xf32, #tpu.memory_space<vmem>>
      %dma_start3A_181 = tpu.memref_squeeze %dma_start3A_180 : memref<1x80x128xf32, #tpu.memory_space<vmem>> -> memref<80x128xf32, #tpu.memory_space<vmem>>
      %dma_start3A_182 = arith.constant 0 : i32
      %dma_start3A_183 = tpu.memref_slice %arg6[%dma_start3A_175, %dma_start3A_176, %dma_start3A_182] : memref<2x2x80xi32, #tpu.memory_space<vmem>> -> memref<1x1x80xi32, #tpu.memory_space<vmem>>
      %dma_start3A_184 = tpu.memref_squeeze %dma_start3A_183 : memref<1x1x80xi32, #tpu.memory_space<vmem>> -> memref<80xi32, #tpu.memory_space<vmem>>
      %dma_start3A_185 = arith.constant 0 : i32
      %dma_start3A_186 = arith.constant 0 : i32
      %dma_start3A_187 = tpu.memref_slice %arg2[%dma_start3A_185, %dma_start3A_186] : memref<10000x128xf32, #tpu.memory_space<hbm>> -> memref<10000x128xf32, #tpu.memory_space<hbm>>
      tpu.enqueue_indirect_dma source(%dma_start3A_187 : memref<10000x128xf32, #tpu.memory_space<hbm>>) target(%dma_start3A_181 : memref<80x128xf32, #tpu.memory_space<vmem>>) offsets(%dma_start3A_184 : memref<80xi32, #tpu.memory_space<vmem>>) semaphore(%arg16 : memref<!tpu.dma_semaphore, #tpu.memory_space<semaphore_mem>>)
      %mul3A_188 = arith.constant 80 : i32
      %mul3A_189 = arith.muli %mul3A_155, %mul3A_188 : i32
      %add3A_190 = arith.addi %mul3A_2, %mul3A_189 : i32
      %dma_wait3A_191 = arith.constant 0 : i32
      %dma_wait3A_192 = arith.constant 0 : i32
      %dma_wait3A_193 = arith.constant 0 : i32
      %dma_wait3A_194 = tpu.memref_slice %arg7[%dma_wait3A_191, %dma_wait3A_192, %dma_wait3A_193] : memref<2x80x64xi32, #tpu.memory_space<vmem>> -> memref<1x80x64xi32, #tpu.memory_space<vmem>>
      %dma_wait3A_195 = tpu.memref_squeeze %dma_wait3A_194 : memref<1x80x64xi32, #tpu.memory_space<vmem>> -> memref<80x64xi32, #tpu.memory_space<vmem>>
      %dma_wait3A_196 = arith.constant 0 : i32
      %dma_wait3A_197 = tpu.memref_slice %arg3[%add3A_190, %dma_wait3A_196] : memref<320000x64xi32, #tpu.memory_space<hbm>> -> memref<80x64xi32, #tpu.memory_space<hbm>>
      %dma_wait3A_198 = arith.constant 0 : i32
      %dma_wait3A_199 = arith.constant 0 : i32
      %dma_wait3A_200 = tpu.memref_slice %arg7[%dma_wait3A_191, %dma_wait3A_198, %dma_wait3A_199] : memref<2x80x64xi32, #tpu.memory_space<vmem>> -> memref<1x80x64xi32, #tpu.memory_space<vmem>>
      %dma_wait3A_201 = tpu.memref_squeeze %dma_wait3A_200 : memref<1x80x64xi32, #tpu.memory_space<vmem>> -> memref<80x64xi32, #tpu.memory_space<vmem>>
      %dma_wait3A_202 = arith.constant 0 : i32
      %dma_wait3A_203 = tpu.memref_slice %arg3[%add3A_190, %dma_wait3A_202] : memref<320000x64xi32, #tpu.memory_space<hbm>> -> memref<80x64xi32, #tpu.memory_space<hbm>>
      tpu.wait_dma2 semaphore(%arg13 : memref<!tpu.dma_semaphore, #tpu.memory_space<semaphore_mem>>) src(%dma_wait3A_203 : memref<80x64xi32, #tpu.memory_space<hbm>>) dst(%dma_wait3A_201 : memref<80x64xi32, #tpu.memory_space<vmem>>)
      %dma_wait3A_204 = arith.constant 0 : i32
      %dma_wait3A_205 = arith.constant 0 : i32
      %dma_wait3A_206 = arith.constant 0 : i32
      %dma_wait3A_207 = arith.constant 0 : i32
      %dma_wait3A_208 = arith.constant 0 : i32
      %dma_wait3A_209 = tpu.memref_slice %arg8[%dma_wait3A_206, %dma_wait3A_207, %dma_wait3A_208] : memref<2x80x128xf32, #tpu.memory_space<vmem>> -> memref<1x80x128xf32, #tpu.memory_space<vmem>>
      %dma_wait3A_210 = tpu.memref_squeeze %dma_wait3A_209 : memref<1x80x128xf32, #tpu.memory_space<vmem>> -> memref<80x128xf32, #tpu.memory_space<vmem>>
      %dma_wait3A_211 = arith.constant 0 : i32
      %dma_wait3A_212 = tpu.memref_slice %arg6[%dma_wait3A_204, %dma_wait3A_205, %dma_wait3A_211] : memref<2x2x80xi32, #tpu.memory_space<vmem>> -> memref<1x1x80xi32, #tpu.memory_space<vmem>>
      %dma_wait3A_213 = tpu.memref_squeeze %dma_wait3A_212 : memref<1x1x80xi32, #tpu.memory_space<vmem>> -> memref<80xi32, #tpu.memory_space<vmem>>
      %dma_wait3A_214 = arith.constant 0 : i32
      %dma_wait3A_215 = arith.constant 0 : i32
      %dma_wait3A_216 = tpu.memref_slice %arg2[%dma_wait3A_214, %dma_wait3A_215] : memref<10000x128xf32, #tpu.memory_space<hbm>> -> memref<10000x128xf32, #tpu.memory_space<hbm>>
      tpu.wait_indirect_dma semaphore(%arg15 : memref<!tpu.dma_semaphore, #tpu.memory_space<semaphore_mem>>) src(%dma_wait3A_216 : memref<10000x128xf32, #tpu.memory_space<hbm>>) dst(%dma_wait3A_210 : memref<80x128xf32, #tpu.memory_space<vmem>>)
      %scan3A_217 = arith.constant 0 : i32
      %scan3A_218 = arith.constant 0 : i32
      %scan3A_219 = arith.constant 80 : i32
      %scan3A_220 = arith.addi %scan3A_218, %scan3A_219 : i32
      %scan3A_221 = arith.constant 1 : i32
      scf.for %scan3A_338 = %scan3A_218 to %scan3A_220 step %scan3A_221  : i32 {
        %get3A = arith.constant 0 : i32
        %get3A_339 = arith.index_cast %get3A : i32 to index
        %get3A_340 = arith.index_cast %scan3A_338 : i32 to index
        %get3A_341 = arith.constant 0 : index
        %get3A_342 = tpu.vector_load %arg7[%get3A_339, %get3A_340, %get3A_341] {strides = array<i32>} : memref<2x80x64xi32, #tpu.memory_space<vmem>>, vector<1x1x16xi32>,
        %get3A_343 = vector.shape_cast %get3A_342 : vector<1x1x16xi32> to vector<16xi32>
        %shift_left3A = arith.constant 16 : i32
        %shift_left3A_344 = vector.broadcast %shift_left3A : i32 to vector<16xi32>
        %shift_left3A_345 = arith.shli %get3A_343, %shift_left3A_344 : vector<16xi32>
        %bitcast_convert_type3A = tpu.bitcast %shift_left3A_345 : vector<16xi32> -> vector<16xf32>
        %and3A = arith.constant -65536 : i32
        %and3A_346 = vector.broadcast %and3A : i32 to vector<16xi32>
        %and3A_347 = arith.andi %get3A_343, %and3A_346 : vector<16xi32>
        %bitcast_convert_type3A_348 = tpu.bitcast %and3A_347 : vector<16xi32> -> vector<16xf32>
        %get3A_349 = arith.constant 0 : i32
        %get3A_350 = arith.index_cast %get3A_349 : i32 to index
        %get3A_351 = arith.index_cast %scan3A_338 : i32 to index
        %get3A_352 = arith.constant 0 : index
        %get3A_353 = tpu.vector_load %arg8[%get3A_350, %get3A_351, %get3A_352] {strides = array<i32>} : memref<2x80x128xf32, #tpu.memory_space<vmem>>, vector<1x1x16xf32>,
        %get3A_354 = vector.shape_cast %get3A_353 : vector<1x1x16xf32> to vector<16xf32>
        %mul3A_355 = arith.mulf %get3A_354, %bitcast_convert_type3A : vector<16xf32>
        %swap3A = arith.constant 0 : i32
        %swap3A_356 = arith.index_cast %swap3A : i32 to index
        %swap3A_357 = arith.index_cast %scan3A_338 : i32 to index
        %swap3A_358 = arith.constant 0 : index
        %swap3A_359 = tpu.vector_load %arg8[%swap3A_356, %swap3A_357, %swap3A_358] {strides = array<i32>} : memref<2x80x128xf32, #tpu.memory_space<vmem>>, vector<1x1x16xf32>,
        %swap3A_360 = vector.shape_cast %swap3A_359 : vector<1x1x16xf32> to vector<16xf32>
        %swap3A_361 = vector.shape_cast %mul3A_355 : vector<16xf32> to vector<1x1x16xf32>
        tpu.vector_store %arg8[%swap3A_356, %swap3A_357, %swap3A_358], %swap3A_361 {strides = array<i32>} : memref<2x80x128xf32, #tpu.memory_space<vmem>>, vector<1x1x16xf32>,
        %get3A_362 = arith.constant 0 : i32
        %get3A_363 = arith.index_cast %get3A_362 : i32 to index
        %get3A_364 = arith.index_cast %scan3A_338 : i32 to index
        %get3A_365 = arith.constant 64 : index
        %get3A_366 = tpu.vector_load %arg8[%get3A_363, %get3A_364, %get3A_365] {strides = array<i32>} : memref<2x80x128xf32, #tpu.memory_space<vmem>>, vector<1x1x16xf32>,
        %get3A_367 = vector.shape_cast %get3A_366 : vector<1x1x16xf32> to vector<16xf32>
        %mul3A_368 = arith.mulf %get3A_367, %bitcast_convert_type3A_348 : vector<16xf32>
        %swap3A_369 = arith.constant 0 : i32
        %swap3A_370 = arith.index_cast %swap3A_369 : i32 to index
        %swap3A_371 = arith.index_cast %scan3A_338 : i32 to index
        %swap3A_372 = arith.constant 64 : index
        %swap3A_373 = tpu.vector_load %arg8[%swap3A_370, %swap3A_371, %swap3A_372] {strides = array<i32>} : memref<2x80x128xf32, #tpu.memory_space<vmem>>, vector<1x1x16xf32>,
        %swap3A_374 = vector.shape_cast %swap3A_373 : vector<1x1x16xf32> to vector<16xf32>
        %swap3A_375 = vector.shape_cast %mul3A_368 : vector<16xf32> to vector<1x1x16xf32>
        tpu.vector_store %arg8[%swap3A_370, %swap3A_371, %swap3A_372], %swap3A_375 {strides = array<i32>} : memref<2x80x128xf32, #tpu.memory_space<vmem>>, vector<1x1x16xf32>,
        %get3A_376 = arith.constant 0 : i32
        %get3A_377 = arith.index_cast %get3A_376 : i32 to index
        %get3A_378 = arith.index_cast %scan3A_338 : i32 to index
        %get3A_379 = arith.constant 16 : index
        %get3A_380 = tpu.vector_load %arg7[%get3A_377, %get3A_378, %get3A_379] {strides = array<i32>} : memref<2x80x64xi32, #tpu.memory_space<vmem>>, vector<1x1x16xi32>,
        %get3A_381 = vector.shape_cast %get3A_380 : vector<1x1x16xi32> to vector<16xi32>
        %shift_left3A_382 = arith.constant 16 : i32
        %shift_left3A_383 = vector.broadcast %shift_left3A_382 : i32 to vector<16xi32>
        %shift_left3A_384 = arith.shli %get3A_381, %shift_left3A_383 : vector<16xi32>
        %bitcast_convert_type3A_385 = tpu.bitcast %shift_left3A_384 : vector<16xi32> -> vector<16xf32>
        %and3A_386 = arith.constant -65536 : i32
        %and3A_387 = vector.broadcast %and3A_386 : i32 to vector<16xi32>
        %and3A_388 = arith.andi %get3A_381, %and3A_387 : vector<16xi32>
        %bitcast_convert_type3A_389 = tpu.bitcast %and3A_388 : vector<16xi32> -> vector<16xf32>
        %get3A_390 = arith.constant 0 : i32
        %get3A_391 = arith.index_cast %get3A_390 : i32 to index
        %get3A_392 = arith.index_cast %scan3A_338 : i32 to index
        %get3A_393 = arith.constant 16 : index
        %get3A_394 = tpu.vector_load %arg8[%get3A_391, %get3A_392, %get3A_393] {strides = array<i32>} : memref<2x80x128xf32, #tpu.memory_space<vmem>>, vector<1x1x16xf32>,
        %get3A_395 = vector.shape_cast %get3A_394 : vector<1x1x16xf32> to vector<16xf32>
        %mul3A_396 = arith.mulf %get3A_395, %bitcast_convert_type3A_385 : vector<16xf32>
        %swap3A_397 = arith.constant 0 : i32
        %swap3A_398 = arith.index_cast %swap3A_397 : i32 to index
        %swap3A_399 = arith.index_cast %scan3A_338 : i32 to index
        %swap3A_400 = arith.constant 16 : index
        %swap3A_401 = tpu.vector_load %arg8[%swap3A_398, %swap3A_399, %swap3A_400] {strides = array<i32>} : memref<2x80x128xf32, #tpu.memory_space<vmem>>, vector<1x1x16xf32>,
        %swap3A_402 = vector.shape_cast %swap3A_401 : vector<1x1x16xf32> to vector<16xf32>
        %swap3A_403 = vector.shape_cast %mul3A_396 : vector<16xf32> to vector<1x1x16xf32>
        tpu.vector_store %arg8[%swap3A_398, %swap3A_399, %swap3A_400], %swap3A_403 {strides = array<i32>} : memref<2x80x128xf32, #tpu.memory_space<vmem>>, vector<1x1x16xf32>,
        %get3A_404 = arith.constant 0 : i32
        %get3A_405 = arith.index_cast %get3A_404 : i32 to index
        %get3A_406 = arith.index_cast %scan3A_338 : i32 to index
        %get3A_407 = arith.constant 80 : index
        %get3A_408 = tpu.vector_load %arg8[%get3A_405, %get3A_406, %get3A_407] {strides = array<i32>} : memref<2x80x128xf32, #tpu.memory_space<vmem>>, vector<1x1x16xf32>,
        %get3A_409 = vector.shape_cast %get3A_408 : vector<1x1x16xf32> to vector<16xf32>
        %mul3A_410 = arith.mulf %get3A_409, %bitcast_convert_type3A_389 : vector<16xf32>
        %swap3A_411 = arith.constant 0 : i32
        %swap3A_412 = arith.index_cast %swap3A_411 : i32 to index
        %swap3A_413 = arith.index_cast %scan3A_338 : i32 to index
        %swap3A_414 = arith.constant 80 : index
        %swap3A_415 = tpu.vector_load %arg8[%swap3A_412, %swap3A_413, %swap3A_414] {strides = array<i32>} : memref<2x80x128xf32, #tpu.memory_space<vmem>>, vector<1x1x16xf32>,
        %swap3A_416 = vector.shape_cast %swap3A_415 : vector<1x1x16xf32> to vector<16xf32>
        %swap3A_417 = vector.shape_cast %mul3A_410 : vector<16xf32> to vector<1x1x16xf32>
        tpu.vector_store %arg8[%swap3A_412, %swap3A_413, %swap3A_414], %swap3A_417 {strides = array<i32>} : memref<2x80x128xf32, #tpu.memory_space<vmem>>, vector<1x1x16xf32>,
        %get3A_418 = arith.constant 0 : i32
        %get3A_419 = arith.index_cast %get3A_418 : i32 to index
        %get3A_420 = arith.index_cast %scan3A_338 : i32 to index
        %get3A_421 = arith.constant 32 : index
        %get3A_422 = tpu.vector_load %arg7[%get3A_419, %get3A_420, %get3A_421] {strides = array<i32>} : memref<2x80x64xi32, #tpu.memory_space<vmem>>, vector<1x1x16xi32>,
        %get3A_423 = vector.shape_cast %get3A_422 : vector<1x1x16xi32> to vector<16xi32>
        %shift_left3A_424 = arith.constant 16 : i32
        %shift_left3A_425 = vector.broadcast %shift_left3A_424 : i32 to vector<16xi32>
        %shift_left3A_426 = arith.shli %get3A_423, %shift_left3A_425 : vector<16xi32>
        %bitcast_convert_type3A_427 = tpu.bitcast %shift_left3A_426 : vector<16xi32> -> vector<16xf32>
        %and3A_428 = arith.constant -65536 : i32
        %and3A_429 = vector.broadcast %and3A_428 : i32 to vector<16xi32>
        %and3A_430 = arith.andi %get3A_423, %and3A_429 : vector<16xi32>
        %bitcast_convert_type3A_431 = tpu.bitcast %and3A_430 : vector<16xi32> -> vector<16xf32>
        %get3A_432 = arith.constant 0 : i32
        %get3A_433 = arith.index_cast %get3A_432 : i32 to index
        %get3A_434 = arith.index_cast %scan3A_338 : i32 to index
        %get3A_435 = arith.constant 32 : index
        %get3A_436 = tpu.vector_load %arg8[%get3A_433, %get3A_434, %get3A_435] {strides = array<i32>} : memref<2x80x128xf32, #tpu.memory_space<vmem>>, vector<1x1x16xf32>,
        %get3A_437 = vector.shape_cast %get3A_436 : vector<1x1x16xf32> to vector<16xf32>
        %mul3A_438 = arith.mulf %get3A_437, %bitcast_convert_type3A_427 : vector<16xf32>
        %swap3A_439 = arith.constant 0 : i32
        %swap3A_440 = arith.index_cast %swap3A_439 : i32 to index
        %swap3A_441 = arith.index_cast %scan3A_338 : i32 to index
        %swap3A_442 = arith.constant 32 : index
        %swap3A_443 = tpu.vector_load %arg8[%swap3A_440, %swap3A_441, %swap3A_442] {strides = array<i32>} : memref<2x80x128xf32, #tpu.memory_space<vmem>>, vector<1x1x16xf32>,
        %swap3A_444 = vector.shape_cast %swap3A_443 : vector<1x1x16xf32> to vector<16xf32>
        %swap3A_445 = vector.shape_cast %mul3A_438 : vector<16xf32> to vector<1x1x16xf32>
        tpu.vector_store %arg8[%swap3A_440, %swap3A_441, %swap3A_442], %swap3A_445 {strides = array<i32>} : memref<2x80x128xf32, #tpu.memory_space<vmem>>, vector<1x1x16xf32>,
        %get3A_446 = arith.constant 0 : i32
        %get3A_447 = arith.index_cast %get3A_446 : i32 to index
        %get3A_448 = arith.index_cast %scan3A_338 : i32 to index
        %get3A_449 = arith.constant 96 : index
        %get3A_450 = tpu.vector_load %arg8[%get3A_447, %get3A_448, %get3A_449] {strides = array<i32>} : memref<2x80x128xf32, #tpu.memory_space<vmem>>, vector<1x1x16xf32>,
        %get3A_451 = vector.shape_cast %get3A_450 : vector<1x1x16xf32> to vector<16xf32>
        %mul3A_452 = arith.mulf %get3A_451, %bitcast_convert_type3A_431 : vector<16xf32>
        %swap3A_453 = arith.constant 0 : i32
        %swap3A_454 = arith.index_cast %swap3A_453 : i32 to index
        %swap3A_455 = arith.index_cast %scan3A_338 : i32 to index
        %swap3A_456 = arith.constant 96 : index
        %swap3A_457 = tpu.vector_load %arg8[%swap3A_454, %swap3A_455, %swap3A_456] {strides = array<i32>} : memref<2x80x128xf32, #tpu.memory_space<vmem>>, vector<1x1x16xf32>,
        %swap3A_458 = vector.shape_cast %swap3A_457 : vector<1x1x16xf32> to vector<16xf32>
        %swap3A_459 = vector.shape_cast %mul3A_452 : vector<16xf32> to vector<1x1x16xf32>
        tpu.vector_store %arg8[%swap3A_454, %swap3A_455, %swap3A_456], %swap3A_459 {strides = array<i32>} : memref<2x80x128xf32, #tpu.memory_space<vmem>>, vector<1x1x16xf32>,
        %get3A_460 = arith.constant 0 : i32
        %get3A_461 = arith.index_cast %get3A_460 : i32 to index
        %get3A_462 = arith.index_cast %scan3A_338 : i32 to index
        %get3A_463 = arith.constant 48 : index
        %get3A_464 = tpu.vector_load %arg7[%get3A_461, %get3A_462, %get3A_463] {strides = array<i32>} : memref<2x80x64xi32, #tpu.memory_space<vmem>>, vector<1x1x16xi32>,
        %get3A_465 = vector.shape_cast %get3A_464 : vector<1x1x16xi32> to vector<16xi32>
        %shift_left3A_466 = arith.constant 16 : i32
        %shift_left3A_467 = vector.broadcast %shift_left3A_466 : i32 to vector<16xi32>
        %shift_left3A_468 = arith.shli %get3A_465, %shift_left3A_467 : vector<16xi32>
        %bitcast_convert_type3A_469 = tpu.bitcast %shift_left3A_468 : vector<16xi32> -> vector<16xf32>
        %and3A_470 = arith.constant -65536 : i32
        %and3A_471 = vector.broadcast %and3A_470 : i32 to vector<16xi32>
        %and3A_472 = arith.andi %get3A_465, %and3A_471 : vector<16xi32>
        %bitcast_convert_type3A_473 = tpu.bitcast %and3A_472 : vector<16xi32> -> vector<16xf32>
        %get3A_474 = arith.constant 0 : i32
        %get3A_475 = arith.index_cast %get3A_474 : i32 to index
        %get3A_476 = arith.index_cast %scan3A_338 : i32 to index
        %get3A_477 = arith.constant 48 : index
        %get3A_478 = tpu.vector_load %arg8[%get3A_475, %get3A_476, %get3A_477] {strides = array<i32>} : memref<2x80x128xf32, #tpu.memory_space<vmem>>, vector<1x1x16xf32>,
        %get3A_479 = vector.shape_cast %get3A_478 : vector<1x1x16xf32> to vector<16xf32>
        %mul3A_480 = arith.mulf %get3A_479, %bitcast_convert_type3A_469 : vector<16xf32>
        %swap3A_481 = arith.constant 0 : i32
        %swap3A_482 = arith.index_cast %swap3A_481 : i32 to index
        %swap3A_483 = arith.index_cast %scan3A_338 : i32 to index
        %swap3A_484 = arith.constant 48 : index
        %swap3A_485 = tpu.vector_load %arg8[%swap3A_482, %swap3A_483, %swap3A_484] {strides = array<i32>} : memref<2x80x128xf32, #tpu.memory_space<vmem>>, vector<1x1x16xf32>,
        %swap3A_486 = vector.shape_cast %swap3A_485 : vector<1x1x16xf32> to vector<16xf32>
        %swap3A_487 = vector.shape_cast %mul3A_480 : vector<16xf32> to vector<1x1x16xf32>
        tpu.vector_store %arg8[%swap3A_482, %swap3A_483, %swap3A_484], %swap3A_487 {strides = array<i32>} : memref<2x80x128xf32, #tpu.memory_space<vmem>>, vector<1x1x16xf32>,
        %get3A_488 = arith.constant 0 : i32
        %get3A_489 = arith.index_cast %get3A_488 : i32 to index
        %get3A_490 = arith.index_cast %scan3A_338 : i32 to index
        %get3A_491 = arith.constant 112 : index
        %get3A_492 = tpu.vector_load %arg8[%get3A_489, %get3A_490, %get3A_491] {strides = array<i32>} : memref<2x80x128xf32, #tpu.memory_space<vmem>>, vector<1x1x16xf32>,
        %get3A_493 = vector.shape_cast %get3A_492 : vector<1x1x16xf32> to vector<16xf32>
        %mul3A_494 = arith.mulf %get3A_493, %bitcast_convert_type3A_473 : vector<16xf32>
        %swap3A_495 = arith.constant 0 : i32
        %swap3A_496 = arith.index_cast %swap3A_495 : i32 to index
        %swap3A_497 = arith.index_cast %scan3A_338 : i32 to index
        %swap3A_498 = arith.constant 112 : index
        %swap3A_499 = tpu.vector_load %arg8[%swap3A_496, %swap3A_497, %swap3A_498] {strides = array<i32>} : memref<2x80x128xf32, #tpu.memory_space<vmem>>, vector<1x1x16xf32>,
        %swap3A_500 = vector.shape_cast %swap3A_499 : vector<1x1x16xf32> to vector<16xf32>
        %swap3A_501 = vector.shape_cast %mul3A_494 : vector<16xf32> to vector<1x1x16xf32>
        tpu.vector_store %arg8[%swap3A_496, %swap3A_497, %swap3A_498], %swap3A_501 {strides = array<i32>} : memref<2x80x128xf32, #tpu.memory_space<vmem>>, vector<1x1x16xf32>,
      }
      %scan3A_222 = arith.constant 80 : i32
      %run_scoped3A_223 = arith.constant 0 : i32
      %run_scoped3A_224 = arith.constant 0 : i32
      %run_scoped3A_225 = arith.constant 1 : i32
      "tpu.region"() ({
        %run_scoped3A_338 = tpu.sem_alloc : memref<!tpu.dma_semaphore, #tpu.memory_space<semaphore_mem>>
        %dma_start3A_339 = arith.constant 0 : i32
        %dma_start3A_340 = arith.constant 0 : i32
        %dma_start3A_341 = tpu.memref_slice %arg8[%run_scoped3A_223, %dma_start3A_339, %dma_start3A_340] : memref<2x80x128xf32, #tpu.memory_space<vmem>> -> memref<1x80x128xf32, #tpu.memory_space<vmem>>
        %dma_start3A_342 = tpu.memref_squeeze %dma_start3A_341 : memref<1x80x128xf32, #tpu.memory_space<vmem>> -> memref<80x128xf32, #tpu.memory_space<vmem>>
        %dma_start3A_343 = arith.constant 0 : i32
        %dma_start3A_344 = tpu.memref_slice %arg6[%run_scoped3A_224, %run_scoped3A_225, %dma_start3A_343] : memref<2x2x80xi32, #tpu.memory_space<vmem>> -> memref<1x1x80xi32, #tpu.memory_space<vmem>>
        %dma_start3A_345 = tpu.memref_squeeze %dma_start3A_344 : memref<1x1x80xi32, #tpu.memory_space<vmem>> -> memref<80xi32, #tpu.memory_space<vmem>>
        %dma_start3A_346 = arith.constant 0 : i32
        %dma_start3A_347 = arith.constant 0 : i32
        %dma_start3A_348 = tpu.memref_slice %arg10[%dma_start3A_346, %dma_start3A_347] : memref<10000x128xf32, #tpu.memory_space<vmem_shared>> -> memref<10000x128xf32, #tpu.memory_space<vmem_shared>>
        tpu.enqueue_indirect_dma source(%dma_start3A_342 : memref<80x128xf32, #tpu.memory_space<vmem>>) target(%dma_start3A_348 : memref<10000x128xf32, #tpu.memory_space<vmem_shared>>) offsets(%dma_start3A_345 : memref<80xi32, #tpu.memory_space<vmem>>) semaphore(%run_scoped3A_338 : memref<!tpu.dma_semaphore, #tpu.memory_space<semaphore_mem>>) {add = true}
        %dma_wait3A_349 = arith.constant 0 : i32
        %dma_wait3A_350 = arith.constant 0 : i32
        %dma_wait3A_351 = tpu.memref_slice %arg8[%run_scoped3A_223, %dma_wait3A_349, %dma_wait3A_350] : memref<2x80x128xf32, #tpu.memory_space<vmem>> -> memref<1x80x128xf32, #tpu.memory_space<vmem>>
        %dma_wait3A_352 = tpu.memref_squeeze %dma_wait3A_351 : memref<1x80x128xf32, #tpu.memory_space<vmem>> -> memref<80x128xf32, #tpu.memory_space<vmem>>
        %dma_wait3A_353 = arith.constant 0 : i32
        %dma_wait3A_354 = tpu.memref_slice %arg6[%run_scoped3A_224, %run_scoped3A_225, %dma_wait3A_353] : memref<2x2x80xi32, #tpu.memory_space<vmem>> -> memref<1x1x80xi32, #tpu.memory_space<vmem>>
        %dma_wait3A_355 = tpu.memref_squeeze %dma_wait3A_354 : memref<1x1x80xi32, #tpu.memory_space<vmem>> -> memref<80xi32, #tpu.memory_space<vmem>>
        %dma_wait3A_356 = arith.constant 0 : i32
        %dma_wait3A_357 = arith.constant 0 : i32
        %dma_wait3A_358 = tpu.memref_slice %arg10[%dma_wait3A_356, %dma_wait3A_357] : memref<10000x128xf32, #tpu.memory_space<vmem_shared>> -> memref<10000x128xf32, #tpu.memory_space<vmem_shared>>
        tpu.wait_indirect_dma semaphore(%run_scoped3A_338 : memref<!tpu.dma_semaphore, #tpu.memory_space<semaphore_mem>>) src(%dma_wait3A_352 : memref<80x128xf32, #tpu.memory_space<vmem>>) dst(%dma_wait3A_358 : memref<10000x128xf32, #tpu.memory_space<vmem_shared>>)
        tpu.yield
      }) : () -> ()
      %add3A_226 = arith.constant 2 : i32
      %add3A_227 = arith.addi %mul3A_155, %add3A_226 : i32
      %dma_start3A_228 = arith.constant 0 : i32
      %dma_start3A_229 = arith.constant 0 : i32
      %dma_start3A_230 = arith.constant 0 : i32
      %dma_start3A_231 = tpu.memref_slice %arg6[%dma_start3A_228, %dma_start3A_229, %dma_start3A_230] : memref<2x2x80xi32, #tpu.memory_space<vmem>> -> memref<1x2x80xi32, #tpu.memory_space<vmem>>
      %dma_start3A_232 = tpu.memref_squeeze %dma_start3A_231 : memref<1x2x80xi32, #tpu.memory_space<vmem>> -> memref<2x80xi32, #tpu.memory_space<vmem>>
      %dma_start3A_233 = arith.constant 0 : i32
      %dma_start3A_234 = arith.constant 0 : i32
      %dma_start3A_235 = tpu.memref_slice %arg4[%add3A, %add3A_227, %dma_start3A_233, %dma_start3A_234] : memref<32x125x2x80xi32, #tpu.memory_space<hbm>> -> memref<1x1x2x80xi32, #tpu.memory_space<hbm>>
      %dma_start3A_236 = tpu.memref_squeeze %dma_start3A_235 : memref<1x1x2x80xi32, #tpu.memory_space<hbm>> -> memref<2x80xi32, #tpu.memory_space<hbm>>
      %dma_start3A_237 = arith.constant 0 : i32
      %dma_start3A_238 = arith.constant 0 : i32
      %dma_start3A_239 = tpu.memref_slice %arg6[%dma_start3A_228, %dma_start3A_237, %dma_start3A_238] : memref<2x2x80xi32, #tpu.memory_space<vmem>> -> memref<1x2x80xi32, #tpu.memory_space<vmem>>
      %dma_start3A_240 = tpu.memref_squeeze %dma_start3A_239 : memref<1x2x80xi32, #tpu.memory_space<vmem>> -> memref<2x80xi32, #tpu.memory_space<vmem>>
      %dma_start3A_241 = arith.constant 0 : i32
      %dma_start3A_242 = arith.constant 0 : i32
      %dma_start3A_243 = tpu.memref_slice %arg4[%add3A, %add3A_227, %dma_start3A_241, %dma_start3A_242] : memref<32x125x2x80xi32, #tpu.memory_space<hbm>> -> memref<1x1x2x80xi32, #tpu.memory_space<hbm>>
      %dma_start3A_244 = tpu.memref_squeeze %dma_start3A_243 : memref<1x1x2x80xi32, #tpu.memory_space<hbm>> -> memref<2x80xi32, #tpu.memory_space<hbm>>
      tpu.enqueue_dma source(%dma_start3A_244 : memref<2x80xi32, #tpu.memory_space<hbm>>) target(%dma_start3A_240 : memref<2x80xi32, #tpu.memory_space<vmem>>) target_semaphore(%arg11 : memref<!tpu.dma_semaphore, #tpu.memory_space<semaphore_mem>>)
      %add3A_245 = arith.constant 2 : i32
      %add3A_246 = arith.addi %mul3A_155, %add3A_245 : i32
      %mul3A_247 = arith.constant 80 : i32
      %mul3A_248 = arith.muli %add3A_246, %mul3A_247 : i32
      %add3A_249 = arith.addi %mul3A_2, %mul3A_248 : i32
      %dma_start3A_250 = arith.constant 0 : i32
      %dma_start3A_251 = arith.constant 0 : i32
      %dma_start3A_252 = arith.constant 0 : i32
      %dma_start3A_253 = tpu.memref_slice %arg7[%dma_start3A_250, %dma_start3A_251, %dma_start3A_252] : memref<2x80x64xi32, #tpu.memory_space<vmem>> -> memref<1x80x64xi32, #tpu.memory_space<vmem>>
      %dma_start3A_254 = tpu.memref_squeeze %dma_start3A_253 : memref<1x80x64xi32, #tpu.memory_space<vmem>> -> memref<80x64xi32, #tpu.memory_space<vmem>>
      %dma_start3A_255 = arith.constant 0 : i32
      %dma_start3A_256 = tpu.memref_slice %arg3[%add3A_249, %dma_start3A_255] : memref<320000x64xi32, #tpu.memory_space<hbm>> -> memref<80x64xi32, #tpu.memory_space<hbm>>
      %dma_start3A_257 = arith.constant 0 : i32
      %dma_start3A_258 = arith.constant 0 : i32
      %dma_start3A_259 = tpu.memref_slice %arg7[%dma_start3A_250, %dma_start3A_257, %dma_start3A_258] : memref<2x80x64xi32, #tpu.memory_space<vmem>> -> memref<1x80x64xi32, #tpu.memory_space<vmem>>
      %dma_start3A_260 = tpu.memref_squeeze %dma_start3A_259 : memref<1x80x64xi32, #tpu.memory_space<vmem>> -> memref<80x64xi32, #tpu.memory_space<vmem>>
      %dma_start3A_261 = arith.constant 0 : i32
      %dma_start3A_262 = tpu.memref_slice %arg3[%add3A_249, %dma_start3A_261] : memref<320000x64xi32, #tpu.memory_space<hbm>> -> memref<80x64xi32, #tpu.memory_space<hbm>>
      tpu.enqueue_dma source(%dma_start3A_262 : memref<80x64xi32, #tpu.memory_space<hbm>>) target(%dma_start3A_260 : memref<80x64xi32, #tpu.memory_space<vmem>>) target_semaphore(%arg13 : memref<!tpu.dma_semaphore, #tpu.memory_space<semaphore_mem>>)
      %add3A_263 = arith.constant 2 : i32
      %add3A_264 = arith.addi %mul3A_155, %add3A_263 : i32
      %dma_wait3A_265 = arith.constant 0 : i32
      %dma_wait3A_266 = arith.constant 0 : i32
      %dma_wait3A_267 = arith.constant 0 : i32
      %dma_wait3A_268 = tpu.memref_slice %arg6[%dma_wait3A_265, %dma_wait3A_266, %dma_wait3A_267] : memref<2x2x80xi32, #tpu.memory_space<vmem>> -> memref<1x2x80xi32, #tpu.memory_space<vmem>>
      %dma_wait3A_269 = tpu.memref_squeeze %dma_wait3A_268 : memref<1x2x80xi32, #tpu.memory_space<vmem>> -> memref<2x80xi32, #tpu.memory_space<vmem>>
      %dma_wait3A_270 = arith.constant 0 : i32
      %dma_wait3A_271 = arith.constant 0 : i32
      %dma_wait3A_272 = tpu.memref_slice %arg4[%add3A, %add3A_264, %dma_wait3A_270, %dma_wait3A_271] : memref<32x125x2x80xi32, #tpu.memory_space<hbm>> -> memref<1x1x2x80xi32, #tpu.memory_space<hbm>>
      %dma_wait3A_273 = tpu.memref_squeeze %dma_wait3A_272 : memref<1x1x2x80xi32, #tpu.memory_space<hbm>> -> memref<2x80xi32, #tpu.memory_space<hbm>>
      %dma_wait3A_274 = arith.constant 0 : i32
      %dma_wait3A_275 = arith.constant 0 : i32
      %dma_wait3A_276 = tpu.memref_slice %arg6[%dma_wait3A_265, %dma_wait3A_274, %dma_wait3A_275] : memref<2x2x80xi32, #tpu.memory_space<vmem>> -> memref<1x2x80xi32, #tpu.memory_space<vmem>>
      %dma_wait3A_277 = tpu.memref_squeeze %dma_wait3A_276 : memref<1x2x80xi32, #tpu.memory_space<vmem>> -> memref<2x80xi32, #tpu.memory_space<vmem>>
      %dma_wait3A_278 = arith.constant 0 : i32
      %dma_wait3A_279 = arith.constant 0 : i32
      %dma_wait3A_280 = tpu.memref_slice %arg4[%add3A, %add3A_264, %dma_wait3A_278, %dma_wait3A_279] : memref<32x125x2x80xi32, #tpu.memory_space<hbm>> -> memref<1x1x2x80xi32, #tpu.memory_space<hbm>>
      %dma_wait3A_281 = tpu.memref_squeeze %dma_wait3A_280 : memref<1x1x2x80xi32, #tpu.memory_space<hbm>> -> memref<2x80xi32, #tpu.memory_space<hbm>>
      tpu.wait_dma2 semaphore(%arg11 : memref<!tpu.dma_semaphore, #tpu.memory_space<semaphore_mem>>) src(%dma_wait3A_281 : memref<2x80xi32, #tpu.memory_space<hbm>>) dst(%dma_wait3A_277 : memref<2x80xi32, #tpu.memory_space<vmem>>)
      %dma_start3A_282 = arith.constant 0 : i32
      %dma_start3A_283 = arith.constant 0 : i32
      %dma_start3A_284 = arith.constant 0 : i32
      %dma_start3A_285 = arith.constant 0 : i32
      %dma_start3A_286 = arith.constant 0 : i32
      %dma_start3A_287 = tpu.memref_slice %arg8[%dma_start3A_284, %dma_start3A_285, %dma_start3A_286] : memref<2x80x128xf32, #tpu.memory_space<vmem>> -> memref<1x80x128xf32, #tpu.memory_space<vmem>>
      %dma_start3A_288 = tpu.memref_squeeze %dma_start3A_287 : memref<1x80x128xf32, #tpu.memory_space<vmem>> -> memref<80x128xf32, #tpu.memory_space<vmem>>
      %dma_start3A_289 = arith.constant 0 : i32
      %dma_start3A_290 = tpu.memref_slice %arg6[%dma_start3A_282, %dma_start3A_283, %dma_start3A_289] : memref<2x2x80xi32, #tpu.memory_space<vmem>> -> memref<1x1x80xi32, #tpu.memory_space<vmem>>
      %dma_start3A_291 = tpu.memref_squeeze %dma_start3A_290 : memref<1x1x80xi32, #tpu.memory_space<vmem>> -> memref<80xi32, #tpu.memory_space<vmem>>
      %dma_start3A_292 = arith.constant 0 : i32
      %dma_start3A_293 = arith.constant 0 : i32
      %dma_start3A_294 = tpu.memref_slice %arg2[%dma_start3A_292, %dma_start3A_293] : memref<10000x128xf32, #tpu.memory_space<hbm>> -> memref<10000x128xf32, #tpu.memory_space<hbm>>
      tpu.enqueue_indirect_dma source(%dma_start3A_294 : memref<10000x128xf32, #tpu.memory_space<hbm>>) target(%dma_start3A_288 : memref<80x128xf32, #tpu.memory_space<vmem>>) offsets(%dma_start3A_291 : memref<80xi32, #tpu.memory_space<vmem>>) semaphore(%arg15 : memref<!tpu.dma_semaphore, #tpu.memory_space<semaphore_mem>>)
      %mul3A_295 = arith.constant 80 : i32
      %mul3A_296 = arith.muli %add3A_157, %mul3A_295 : i32
      %add3A_297 = arith.addi %mul3A_2, %mul3A_296 : i32
      %dma_wait3A_298 = arith.constant 1 : i32
      %dma_wait3A_299 = arith.constant 0 : i32
      %dma_wait3A_300 = arith.constant 0 : i32
      %dma_wait3A_301 = tpu.memref_slice %arg7[%dma_wait3A_298, %dma_wait3A_299, %dma_wait3A_300] : memref<2x80x64xi32, #tpu.memory_space<vmem>> -> memref<1x80x64xi32, #tpu.memory_space<vmem>>
      %dma_wait3A_302 = tpu.memref_squeeze %dma_wait3A_301 : memref<1x80x64xi32, #tpu.memory_space<vmem>> -> memref<80x64xi32, #tpu.memory_space<vmem>>
      %dma_wait3A_303 = arith.constant 0 : i32
      %dma_wait3A_304 = tpu.memref_slice %arg3[%add3A_297, %dma_wait3A_303] : memref<320000x64xi32, #tpu.memory_space<hbm>> -> memref<80x64xi32, #tpu.memory_space<hbm>>
      %dma_wait3A_305 = arith.constant 0 : i32
      %dma_wait3A_306 = arith.constant 0 : i32
      %dma_wait3A_307 = tpu.memref_slice %arg7[%dma_wait3A_298, %dma_wait3A_305, %dma_wait3A_306] : memref<2x80x64xi32, #tpu.memory_space<vmem>> -> memref<1x80x64xi32, #tpu.memory_space<vmem>>
      %dma_wait3A_308 = tpu.memref_squeeze %dma_wait3A_307 : memref<1x80x64xi32, #tpu.memory_space<vmem>> -> memref<80x64xi32, #tpu.memory_space<vmem>>
      %dma_wait3A_309 = arith.constant 0 : i32
      %dma_wait3A_310 = tpu.memref_slice %arg3[%add3A_297, %dma_wait3A_309] : memref<320000x64xi32, #tpu.memory_space<hbm>> -> memref<80x64xi32, #tpu.memory_space<hbm>>
      tpu.wait_dma2 semaphore(%arg14 : memref<!tpu.dma_semaphore, #tpu.memory_space<semaphore_mem>>) src(%dma_wait3A_310 : memref<80x64xi32, #tpu.memory_space<hbm>>) dst(%dma_wait3A_308 : memref<80x64xi32, #tpu.memory_space<vmem>>)
      %dma_wait3A_311 = arith.constant 1 : i32
      %dma_wait3A_312 = arith.constant 0 : i32
      %dma_wait3A_313 = arith.constant 1 : i32
      %dma_wait3A_314 = arith.constant 0 : i32
      %dma_wait3A_315 = arith.constant 0 : i32
      %dma_wait3A_316 = tpu.memref_slice %arg8[%dma_wait3A_313, %dma_wait3A_314, %dma_wait3A_315] : memref<2x80x128xf32, #tpu.memory_space<vmem>> -> memref<1x80x128xf32, #tpu.memory_space<vmem>>
      %dma_wait3A_317 = tpu.memref_squeeze %dma_wait3A_316 : memref<1x80x128xf32, #tpu.memory_space<vmem>> -> memref<80x128xf32, #tpu.memory_space<vmem>>
      %dma_wait3A_318 = arith.constant 0 : i32
      %dma_wait3A_319 = tpu.memref_slice %arg6[%dma_wait3A_311, %dma_wait3A_312, %dma_wait3A_318] : memref<2x2x80xi32, #tpu.memory_space<vmem>> -> memref<1x1x80xi32, #tpu.memory_space<vmem>>
      %dma_wait3A_320 = tpu.memref_squeeze %dma_wait3A_319 : memref<1x1x80xi32, #tpu.memory_space<vmem>> -> memref<80xi32, #tpu.memory_space<vmem>>
      %dma_wait3A_321 = arith.constant 0 : i32
      %dma_wait3A_322 = arith.constant 0 : i32
      %dma_wait3A_323 = tpu.memref_slice %arg2[%dma_wait3A_321, %dma_wait3A_322] : memref<10000x128xf32, #tpu.memory_space<hbm>> -> memref<10000x128xf32, #tpu.memory_space<hbm>>
      tpu.wait_indirect_dma semaphore(%arg16 : memref<!tpu.dma_semaphore, #tpu.memory_space<semaphore_mem>>) src(%dma_wait3A_323 : memref<10000x128xf32, #tpu.memory_space<hbm>>) dst(%dma_wait3A_317 : memref<80x128xf32, #tpu.memory_space<vmem>>)
      %scan3A_324 = arith.constant 0 : i32
      %scan3A_325 = arith.constant 0 : i32
      %scan3A_326 = arith.constant 80 : i32
      %scan3A_327 = arith.addi %scan3A_325, %scan3A_326 : i32
      %scan3A_328 = arith.constant 1 : i32
      scf.for %scan3A_338 = %scan3A_325 to %scan3A_327 step %scan3A_328  : i32 {
        %get3A = arith.constant 1 : i32
        %get3A_339 = arith.index_cast %get3A : i32 to index
        %get3A_340 = arith.index_cast %scan3A_338 : i32 to index
        %get3A_341 = arith.constant 0 : index
        %get3A_342 = tpu.vector_load %arg7[%get3A_339, %get3A_340, %get3A_341] {strides = array<i32>} : memref<2x80x64xi32, #tpu.memory_space<vmem>>, vector<1x1x16xi32>,
        %get3A_343 = vector.shape_cast %get3A_342 : vector<1x1x16xi32> to vector<16xi32>
        %shift_left3A = arith.constant 16 : i32
        %shift_left3A_344 = vector.broadcast %shift_left3A : i32 to vector<16xi32>
        %shift_left3A_345 = arith.shli %get3A_343, %shift_left3A_344 : vector<16xi32>
        %bitcast_convert_type3A = tpu.bitcast %shift_left3A_345 : vector<16xi32> -> vector<16xf32>
        %and3A = arith.constant -65536 : i32
        %and3A_346 = vector.broadcast %and3A : i32 to vector<16xi32>
        %and3A_347 = arith.andi %get3A_343, %and3A_346 : vector<16xi32>
        %bitcast_convert_type3A_348 = tpu.bitcast %and3A_347 : vector<16xi32> -> vector<16xf32>
        %get3A_349 = arith.constant 1 : i32
        %get3A_350 = arith.index_cast %get3A_349 : i32 to index
        %get3A_351 = arith.index_cast %scan3A_338 : i32 to index
        %get3A_352 = arith.constant 0 : index
        %get3A_353 = tpu.vector_load %arg8[%get3A_350, %get3A_351, %get3A_352] {strides = array<i32>} : memref<2x80x128xf32, #tpu.memory_space<vmem>>, vector<1x1x16xf32>,
        %get3A_354 = vector.shape_cast %get3A_353 : vector<1x1x16xf32> to vector<16xf32>
        %mul3A_355 = arith.mulf %get3A_354, %bitcast_convert_type3A : vector<16xf32>
        %swap3A = arith.constant 1 : i32
        %swap3A_356 = arith.index_cast %swap3A : i32 to index
        %swap3A_357 = arith.index_cast %scan3A_338 : i32 to index
        %swap3A_358 = arith.constant 0 : index
        %swap3A_359 = tpu.vector_load %arg8[%swap3A_356, %swap3A_357, %swap3A_358] {strides = array<i32>} : memref<2x80x128xf32, #tpu.memory_space<vmem>>, vector<1x1x16xf32>,
        %swap3A_360 = vector.shape_cast %swap3A_359 : vector<1x1x16xf32> to vector<16xf32>
        %swap3A_361 = vector.shape_cast %mul3A_355 : vector<16xf32> to vector<1x1x16xf32>
        tpu.vector_store %arg8[%swap3A_356, %swap3A_357, %swap3A_358], %swap3A_361 {strides = array<i32>} : memref<2x80x128xf32, #tpu.memory_space<vmem>>, vector<1x1x16xf32>,
        %get3A_362 = arith.constant 1 : i32
        %get3A_363 = arith.index_cast %get3A_362 : i32 to index
        %get3A_364 = arith.index_cast %scan3A_338 : i32 to index
        %get3A_365 = arith.constant 64 : index
        %get3A_366 = tpu.vector_load %arg8[%get3A_363, %get3A_364, %get3A_365] {strides = array<i32>} : memref<2x80x128xf32, #tpu.memory_space<vmem>>, vector<1x1x16xf32>,
        %get3A_367 = vector.shape_cast %get3A_366 : vector<1x1x16xf32> to vector<16xf32>
        %mul3A_368 = arith.mulf %get3A_367, %bitcast_convert_type3A_348 : vector<16xf32>
        %swap3A_369 = arith.constant 1 : i32
        %swap3A_370 = arith.index_cast %swap3A_369 : i32 to index
        %swap3A_371 = arith.index_cast %scan3A_338 : i32 to index
        %swap3A_372 = arith.constant 64 : index
        %swap3A_373 = tpu.vector_load %arg8[%swap3A_370, %swap3A_371, %swap3A_372] {strides = array<i32>} : memref<2x80x128xf32, #tpu.memory_space<vmem>>, vector<1x1x16xf32>,
        %swap3A_374 = vector.shape_cast %swap3A_373 : vector<1x1x16xf32> to vector<16xf32>
        %swap3A_375 = vector.shape_cast %mul3A_368 : vector<16xf32> to vector<1x1x16xf32>
        tpu.vector_store %arg8[%swap3A_370, %swap3A_371, %swap3A_372], %swap3A_375 {strides = array<i32>} : memref<2x80x128xf32, #tpu.memory_space<vmem>>, vector<1x1x16xf32>,
        %get3A_376 = arith.constant 1 : i32
        %get3A_377 = arith.index_cast %get3A_376 : i32 to index
        %get3A_378 = arith.index_cast %scan3A_338 : i32 to index
        %get3A_379 = arith.constant 16 : index
        %get3A_380 = tpu.vector_load %arg7[%get3A_377, %get3A_378, %get3A_379] {strides = array<i32>} : memref<2x80x64xi32, #tpu.memory_space<vmem>>, vector<1x1x16xi32>,
        %get3A_381 = vector.shape_cast %get3A_380 : vector<1x1x16xi32> to vector<16xi32>
        %shift_left3A_382 = arith.constant 16 : i32
        %shift_left3A_383 = vector.broadcast %shift_left3A_382 : i32 to vector<16xi32>
        %shift_left3A_384 = arith.shli %get3A_381, %shift_left3A_383 : vector<16xi32>
        %bitcast_convert_type3A_385 = tpu.bitcast %shift_left3A_384 : vector<16xi32> -> vector<16xf32>
        %and3A_386 = arith.constant -65536 : i32
        %and3A_387 = vector.broadcast %and3A_386 : i32 to vector<16xi32>
        %and3A_388 = arith.andi %get3A_381, %and3A_387 : vector<16xi32>
        %bitcast_convert_type3A_389 = tpu.bitcast %and3A_388 : vector<16xi32> -> vector<16xf32>
        %get3A_390 = arith.constant 1 : i32
        %get3A_391 = arith.index_cast %get3A_390 : i32 to index
        %get3A_392 = arith.index_cast %scan3A_338 : i32 to index
        %get3A_393 = arith.constant 16 : index
        %get3A_394 = tpu.vector_load %arg8[%get3A_391, %get3A_392, %get3A_393] {strides = array<i32>} : memref<2x80x128xf32, #tpu.memory_space<vmem>>, vector<1x1x16xf32>,
        %get3A_395 = vector.shape_cast %get3A_394 : vector<1x1x16xf32> to vector<16xf32>
        %mul3A_396 = arith.mulf %get3A_395, %bitcast_convert_type3A_385 : vector<16xf32>
        %swap3A_397 = arith.constant 1 : i32
        %swap3A_398 = arith.index_cast %swap3A_397 : i32 to index
        %swap3A_399 = arith.index_cast %scan3A_338 : i32 to index
        %swap3A_400 = arith.constant 16 : index
        %swap3A_401 = tpu.vector_load %arg8[%swap3A_398, %swap3A_399, %swap3A_400] {strides = array<i32>} : memref<2x80x128xf32, #tpu.memory_space<vmem>>, vector<1x1x16xf32>,
        %swap3A_402 = vector.shape_cast %swap3A_401 : vector<1x1x16xf32> to vector<16xf32>
        %swap3A_403 = vector.shape_cast %mul3A_396 : vector<16xf32> to vector<1x1x16xf32>
        tpu.vector_store %arg8[%swap3A_398, %swap3A_399, %swap3A_400], %swap3A_403 {strides = array<i32>} : memref<2x80x128xf32, #tpu.memory_space<vmem>>, vector<1x1x16xf32>,
        %get3A_404 = arith.constant 1 : i32
        %get3A_405 = arith.index_cast %get3A_404 : i32 to index
        %get3A_406 = arith.index_cast %scan3A_338 : i32 to index
        %get3A_407 = arith.constant 80 : index
        %get3A_408 = tpu.vector_load %arg8[%get3A_405, %get3A_406, %get3A_407] {strides = array<i32>} : memref<2x80x128xf32, #tpu.memory_space<vmem>>, vector<1x1x16xf32>,
        %get3A_409 = vector.shape_cast %get3A_408 : vector<1x1x16xf32> to vector<16xf32>
        %mul3A_410 = arith.mulf %get3A_409, %bitcast_convert_type3A_389 : vector<16xf32>
        %swap3A_411 = arith.constant 1 : i32
        %swap3A_412 = arith.index_cast %swap3A_411 : i32 to index
        %swap3A_413 = arith.index_cast %scan3A_338 : i32 to index
        %swap3A_414 = arith.constant 80 : index
        %swap3A_415 = tpu.vector_load %arg8[%swap3A_412, %swap3A_413, %swap3A_414] {strides = array<i32>} : memref<2x80x128xf32, #tpu.memory_space<vmem>>, vector<1x1x16xf32>,
        %swap3A_416 = vector.shape_cast %swap3A_415 : vector<1x1x16xf32> to vector<16xf32>
        %swap3A_417 = vector.shape_cast %mul3A_410 : vector<16xf32> to vector<1x1x16xf32>
        tpu.vector_store %arg8[%swap3A_412, %swap3A_413, %swap3A_414], %swap3A_417 {strides = array<i32>} : memref<2x80x128xf32, #tpu.memory_space<vmem>>, vector<1x1x16xf32>,
        %get3A_418 = arith.constant 1 : i32
        %get3A_419 = arith.index_cast %get3A_418 : i32 to index
        %get3A_420 = arith.index_cast %scan3A_338 : i32 to index
        %get3A_421 = arith.constant 32 : index
        %get3A_422 = tpu.vector_load %arg7[%get3A_419, %get3A_420, %get3A_421] {strides = array<i32>} : memref<2x80x64xi32, #tpu.memory_space<vmem>>, vector<1x1x16xi32>,
        %get3A_423 = vector.shape_cast %get3A_422 : vector<1x1x16xi32> to vector<16xi32>
        %shift_left3A_424 = arith.constant 16 : i32
        %shift_left3A_425 = vector.broadcast %shift_left3A_424 : i32 to vector<16xi32>
        %shift_left3A_426 = arith.shli %get3A_423, %shift_left3A_425 : vector<16xi32>
        %bitcast_convert_type3A_427 = tpu.bitcast %shift_left3A_426 : vector<16xi32> -> vector<16xf32>
        %and3A_428 = arith.constant -65536 : i32
        %and3A_429 = vector.broadcast %and3A_428 : i32 to vector<16xi32>
        %and3A_430 = arith.andi %get3A_423, %and3A_429 : vector<16xi32>
        %bitcast_convert_type3A_431 = tpu.bitcast %and3A_430 : vector<16xi32> -> vector<16xf32>
        %get3A_432 = arith.constant 1 : i32
        %get3A_433 = arith.index_cast %get3A_432 : i32 to index
        %get3A_434 = arith.index_cast %scan3A_338 : i32 to index
        %get3A_435 = arith.constant 32 : index
        %get3A_436 = tpu.vector_load %arg8[%get3A_433, %get3A_434, %get3A_435] {strides = array<i32>} : memref<2x80x128xf32, #tpu.memory_space<vmem>>, vector<1x1x16xf32>,
        %get3A_437 = vector.shape_cast %get3A_436 : vector<1x1x16xf32> to vector<16xf32>
        %mul3A_438 = arith.mulf %get3A_437, %bitcast_convert_type3A_427 : vector<16xf32>
        %swap3A_439 = arith.constant 1 : i32
        %swap3A_440 = arith.index_cast %swap3A_439 : i32 to index
        %swap3A_441 = arith.index_cast %scan3A_338 : i32 to index
        %swap3A_442 = arith.constant 32 : index
        %swap3A_443 = tpu.vector_load %arg8[%swap3A_440, %swap3A_441, %swap3A_442] {strides = array<i32>} : memref<2x80x128xf32, #tpu.memory_space<vmem>>, vector<1x1x16xf32>,
        %swap3A_444 = vector.shape_cast %swap3A_443 : vector<1x1x16xf32> to vector<16xf32>
        %swap3A_445 = vector.shape_cast %mul3A_438 : vector<16xf32> to vector<1x1x16xf32>
        tpu.vector_store %arg8[%swap3A_440, %swap3A_441, %swap3A_442], %swap3A_445 {strides = array<i32>} : memref<2x80x128xf32, #tpu.memory_space<vmem>>, vector<1x1x16xf32>,
        %get3A_446 = arith.constant 1 : i32
        %get3A_447 = arith.index_cast %get3A_446 : i32 to index
        %get3A_448 = arith.index_cast %scan3A_338 : i32 to index
        %get3A_449 = arith.constant 96 : index
        %get3A_450 = tpu.vector_load %arg8[%get3A_447, %get3A_448, %get3A_449] {strides = array<i32>} : memref<2x80x128xf32, #tpu.memory_space<vmem>>, vector<1x1x16xf32>,
        %get3A_451 = vector.shape_cast %get3A_450 : vector<1x1x16xf32> to vector<16xf32>
        %mul3A_452 = arith.mulf %get3A_451, %bitcast_convert_type3A_431 : vector<16xf32>
        %swap3A_453 = arith.constant 1 : i32
        %swap3A_454 = arith.index_cast %swap3A_453 : i32 to index
        %swap3A_455 = arith.index_cast %scan3A_338 : i32 to index
        %swap3A_456 = arith.constant 96 : index
        %swap3A_457 = tpu.vector_load %arg8[%swap3A_454, %swap3A_455, %swap3A_456] {strides = array<i32>} : memref<2x80x128xf32, #tpu.memory_space<vmem>>, vector<1x1x16xf32>,
        %swap3A_458 = vector.shape_cast %swap3A_457 : vector<1x1x16xf32> to vector<16xf32>
        %swap3A_459 = vector.shape_cast %mul3A_452 : vector<16xf32> to vector<1x1x16xf32>
        tpu.vector_store %arg8[%swap3A_454, %swap3A_455, %swap3A_456], %swap3A_459 {strides = array<i32>} : memref<2x80x128xf32, #tpu.memory_space<vmem>>, vector<1x1x16xf32>,
        %get3A_460 = arith.constant 1 : i32
        %get3A_461 = arith.index_cast %get3A_460 : i32 to index
        %get3A_462 = arith.index_cast %scan3A_338 : i32 to index
        %get3A_463 = arith.constant 48 : index
        %get3A_464 = tpu.vector_load %arg7[%get3A_461, %get3A_462, %get3A_463] {strides = array<i32>} : memref<2x80x64xi32, #tpu.memory_space<vmem>>, vector<1x1x16xi32>,
        %get3A_465 = vector.shape_cast %get3A_464 : vector<1x1x16xi32> to vector<16xi32>
        %shift_left3A_466 = arith.constant 16 : i32
        %shift_left3A_467 = vector.broadcast %shift_left3A_466 : i32 to vector<16xi32>
        %shift_left3A_468 = arith.shli %get3A_465, %shift_left3A_467 : vector<16xi32>
        %bitcast_convert_type3A_469 = tpu.bitcast %shift_left3A_468 : vector<16xi32> -> vector<16xf32>
        %and3A_470 = arith.constant -65536 : i32
        %and3A_471 = vector.broadcast %and3A_470 : i32 to vector<16xi32>
        %and3A_472 = arith.andi %get3A_465, %and3A_471 : vector<16xi32>
        %bitcast_convert_type3A_473 = tpu.bitcast %and3A_472 : vector<16xi32> -> vector<16xf32>
        %get3A_474 = arith.constant 1 : i32
        %get3A_475 = arith.index_cast %get3A_474 : i32 to index
        %get3A_476 = arith.index_cast %scan3A_338 : i32 to index
        %get3A_477 = arith.constant 48 : index
        %get3A_478 = tpu.vector_load %arg8[%get3A_475, %get3A_476, %get3A_477] {strides = array<i32>} : memref<2x80x128xf32, #tpu.memory_space<vmem>>, vector<1x1x16xf32>,
        %get3A_479 = vector.shape_cast %get3A_478 : vector<1x1x16xf32> to vector<16xf32>
        %mul3A_480 = arith.mulf %get3A_479, %bitcast_convert_type3A_469 : vector<16xf32>
        %swap3A_481 = arith.constant 1 : i32
        %swap3A_482 = arith.index_cast %swap3A_481 : i32 to index
        %swap3A_483 = arith.index_cast %scan3A_338 : i32 to index
        %swap3A_484 = arith.constant 48 : index
        %swap3A_485 = tpu.vector_load %arg8[%swap3A_482, %swap3A_483, %swap3A_484] {strides = array<i32>} : memref<2x80x128xf32, #tpu.memory_space<vmem>>, vector<1x1x16xf32>,
        %swap3A_486 = vector.shape_cast %swap3A_485 : vector<1x1x16xf32> to vector<16xf32>
        %swap3A_487 = vector.shape_cast %mul3A_480 : vector<16xf32> to vector<1x1x16xf32>
        tpu.vector_store %arg8[%swap3A_482, %swap3A_483, %swap3A_484], %swap3A_487 {strides = array<i32>} : memref<2x80x128xf32, #tpu.memory_space<vmem>>, vector<1x1x16xf32>,
        %get3A_488 = arith.constant 1 : i32
        %get3A_489 = arith.index_cast %get3A_488 : i32 to index
        %get3A_490 = arith.index_cast %scan3A_338 : i32 to index
        %get3A_491 = arith.constant 112 : index
        %get3A_492 = tpu.vector_load %arg8[%get3A_489, %get3A_490, %get3A_491] {strides = array<i32>} : memref<2x80x128xf32, #tpu.memory_space<vmem>>, vector<1x1x16xf32>,
        %get3A_493 = vector.shape_cast %get3A_492 : vector<1x1x16xf32> to vector<16xf32>
        %mul3A_494 = arith.mulf %get3A_493, %bitcast_convert_type3A_473 : vector<16xf32>
        %swap3A_495 = arith.constant 1 : i32
        %swap3A_496 = arith.index_cast %swap3A_495 : i32 to index
        %swap3A_497 = arith.index_cast %scan3A_338 : i32 to index
        %swap3A_498 = arith.constant 112 : index
        %swap3A_499 = tpu.vector_load %arg8[%swap3A_496, %swap3A_497, %swap3A_498] {strides = array<i32>} : memref<2x80x128xf32, #tpu.memory_space<vmem>>, vector<1x1x16xf32>,
        %swap3A_500 = vector.shape_cast %swap3A_499 : vector<1x1x16xf32> to vector<16xf32>
        %swap3A_501 = vector.shape_cast %mul3A_494 : vector<16xf32> to vector<1x1x16xf32>
        tpu.vector_store %arg8[%swap3A_496, %swap3A_497, %swap3A_498], %swap3A_501 {strides = array<i32>} : memref<2x80x128xf32, #tpu.memory_space<vmem>>, vector<1x1x16xf32>,
      }
      %scan3A_329 = arith.constant 80 : i32
      %run_scoped3A_330 = arith.constant 1 : i32
      %run_scoped3A_331 = arith.constant 1 : i32
      %run_scoped3A_332 = arith.constant 1 : i32
      "tpu.region"() ({
        %run_scoped3A_338 = tpu.sem_alloc : memref<!tpu.dma_semaphore, #tpu.memory_space<semaphore_mem>>
        %dma_start3A_339 = arith.constant 0 : i32
        %dma_start3A_340 = arith.constant 0 : i32
        %dma_start3A_341 = tpu.memref_slice %arg8[%run_scoped3A_330, %dma_start3A_339, %dma_start3A_340] : memref<2x80x128xf32, #tpu.memory_space<vmem>> -> memref<1x80x128xf32, #tpu.memory_space<vmem>>
        %dma_start3A_342 = tpu.memref_squeeze %dma_start3A_341 : memref<1x80x128xf32, #tpu.memory_space<vmem>> -> memref<80x128xf32, #tpu.memory_space<vmem>>
        %dma_start3A_343 = arith.constant 0 : i32
        %dma_start3A_344 = tpu.memref_slice %arg6[%run_scoped3A_331, %run_scoped3A_332, %dma_start3A_343] : memref<2x2x80xi32, #tpu.memory_space<vmem>> -> memref<1x1x80xi32, #tpu.memory_space<vmem>>
        %dma_start3A_345 = tpu.memref_squeeze %dma_start3A_344 : memref<1x1x80xi32, #tpu.memory_space<vmem>> -> memref<80xi32, #tpu.memory_space<vmem>>
        %dma_start3A_346 = arith.constant 0 : i32
        %dma_start3A_347 = arith.constant 0 : i32
        %dma_start3A_348 = tpu.memref_slice %arg10[%dma_start3A_346, %dma_start3A_347] : memref<10000x128xf32, #tpu.memory_space<vmem_shared>> -> memref<10000x128xf32, #tpu.memory_space<vmem_shared>>
        tpu.enqueue_indirect_dma source(%dma_start3A_342 : memref<80x128xf32, #tpu.memory_space<vmem>>) target(%dma_start3A_348 : memref<10000x128xf32, #tpu.memory_space<vmem_shared>>) offsets(%dma_start3A_345 : memref<80xi32, #tpu.memory_space<vmem>>) semaphore(%run_scoped3A_338 : memref<!tpu.dma_semaphore, #tpu.memory_space<semaphore_mem>>) {add = true}
        %dma_wait3A_349 = arith.constant 0 : i32
        %dma_wait3A_350 = arith.constant 0 : i32
        %dma_wait3A_351 = tpu.memref_slice %arg8[%run_scoped3A_330, %dma_wait3A_349, %dma_wait3A_350] : memref<2x80x128xf32, #tpu.memory_space<vmem>> -> memref<1x80x128xf32, #tpu.memory_space<vmem>>
        %dma_wait3A_352 = tpu.memref_squeeze %dma_wait3A_351 : memref<1x80x128xf32, #tpu.memory_space<vmem>> -> memref<80x128xf32, #tpu.memory_space<vmem>>
        %dma_wait3A_353 = arith.constant 0 : i32
        %dma_wait3A_354 = tpu.memref_slice %arg6[%run_scoped3A_331, %run_scoped3A_332, %dma_wait3A_353] : memref<2x2x80xi32, #tpu.memory_space<vmem>> -> memref<1x1x80xi32, #tpu.memory_space<vmem>>
        %dma_wait3A_355 = tpu.memref_squeeze %dma_wait3A_354 : memref<1x1x80xi32, #tpu.memory_space<vmem>> -> memref<80xi32, #tpu.memory_space<vmem>>
        %dma_wait3A_356 = arith.constant 0 : i32
        %dma_wait3A_357 = arith.constant 0 : i32
        %dma_wait3A_358 = tpu.memref_slice %arg10[%dma_wait3A_356, %dma_wait3A_357] : memref<10000x128xf32, #tpu.memory_space<vmem_shared>> -> memref<10000x128xf32, #tpu.memory_space<vmem_shared>>
        tpu.wait_indirect_dma semaphore(%run_scoped3A_338 : memref<!tpu.dma_semaphore, #tpu.memory_space<semaphore_mem>>) src(%dma_wait3A_352 : memref<80x128xf32, #tpu.memory_space<vmem>>) dst(%dma_wait3A_358 : memref<10000x128xf32, #tpu.memory_space<vmem_shared>>)
        tpu.yield
      }) : () -> ()
      %lt3A_333 = arith.constant 61 : i32
      %lt3A_334 = arith.cmpi slt, %scan3A_153, %lt3A_333 : i32
      %convert_element_type3A_335 = arith.extui %lt3A_334 : i1 to i32
      %cond3A_336 = arith.constant 0 : i32
      %cond3A_337 = arith.cmpi ne, %convert_element_type3A_335, %cond3A_336 : i32
      scf.if %cond3A_337 {
        %add3A_338 = arith.constant 2 : i32
        %add3A_339 = arith.addi %add3A_157, %add3A_338 : i32
        %dma_start3A_340 = arith.constant 1 : i32
        %dma_start3A_341 = arith.constant 0 : i32
        %dma_start3A_342 = arith.constant 0 : i32
        %dma_start3A_343 = tpu.memref_slice %arg6[%dma_start3A_340, %dma_start3A_341, %dma_start3A_342] : memref<2x2x80xi32, #tpu.memory_space<vmem>> -> memref<1x2x80xi32, #tpu.memory_space<vmem>>
        %dma_start3A_344 = tpu.memref_squeeze %dma_start3A_343 : memref<1x2x80xi32, #tpu.memory_space<vmem>> -> memref<2x80xi32, #tpu.memory_space<vmem>>
        %dma_start3A_345 = arith.constant 0 : i32
        %dma_start3A_346 = arith.constant 0 : i32
        %dma_start3A_347 = tpu.memref_slice %arg4[%add3A, %add3A_339, %dma_start3A_345, %dma_start3A_346] : memref<32x125x2x80xi32, #tpu.memory_space<hbm>> -> memref<1x1x2x80xi32, #tpu.memory_space<hbm>>
        %dma_start3A_348 = tpu.memref_squeeze %dma_start3A_347 : memref<1x1x2x80xi32, #tpu.memory_space<hbm>> -> memref<2x80xi32, #tpu.memory_space<hbm>>
        %dma_start3A_349 = arith.constant 0 : i32
        %dma_start3A_350 = arith.constant 0 : i32
        %dma_start3A_351 = tpu.memref_slice %arg6[%dma_start3A_340, %dma_start3A_349, %dma_start3A_350] : memref<2x2x80xi32, #tpu.memory_space<vmem>> -> memref<1x2x80xi32, #tpu.memory_space<vmem>>
        %dma_start3A_352 = tpu.memref_squeeze %dma_start3A_351 : memref<1x2x80xi32, #tpu.memory_space<vmem>> -> memref<2x80xi32, #tpu.memory_space<vmem>>
        %dma_start3A_353 = arith.constant 0 : i32
        %dma_start3A_354 = arith.constant 0 : i32
        %dma_start3A_355 = tpu.memref_slice %arg4[%add3A, %add3A_339, %dma_start3A_353, %dma_start3A_354] : memref<32x125x2x80xi32, #tpu.memory_space<hbm>> -> memref<1x1x2x80xi32, #tpu.memory_space<hbm>>
        %dma_start3A_356 = tpu.memref_squeeze %dma_start3A_355 : memref<1x1x2x80xi32, #tpu.memory_space<hbm>> -> memref<2x80xi32, #tpu.memory_space<hbm>>
        tpu.enqueue_dma source(%dma_start3A_356 : memref<2x80xi32, #tpu.memory_space<hbm>>) target(%dma_start3A_352 : memref<2x80xi32, #tpu.memory_space<vmem>>) target_semaphore(%arg12 : memref<!tpu.dma_semaphore, #tpu.memory_space<semaphore_mem>>)
        %add3A_357 = arith.constant 2 : i32
        %add3A_358 = arith.addi %add3A_157, %add3A_357 : i32
        %mul3A_359 = arith.constant 80 : i32
        %mul3A_360 = arith.muli %add3A_358, %mul3A_359 : i32
        %add3A_361 = arith.addi %mul3A_2, %mul3A_360 : i32
        %dma_start3A_362 = arith.constant 1 : i32
        %dma_start3A_363 = arith.constant 0 : i32
        %dma_start3A_364 = arith.constant 0 : i32
        %dma_start3A_365 = tpu.memref_slice %arg7[%dma_start3A_362, %dma_start3A_363, %dma_start3A_364] : memref<2x80x64xi32, #tpu.memory_space<vmem>> -> memref<1x80x64xi32, #tpu.memory_space<vmem>>
        %dma_start3A_366 = tpu.memref_squeeze %dma_start3A_365 : memref<1x80x64xi32, #tpu.memory_space<vmem>> -> memref<80x64xi32, #tpu.memory_space<vmem>>
        %dma_start3A_367 = arith.constant 0 : i32
        %dma_start3A_368 = tpu.memref_slice %arg3[%add3A_361, %dma_start3A_367] : memref<320000x64xi32, #tpu.memory_space<hbm>> -> memref<80x64xi32, #tpu.memory_space<hbm>>
        %dma_start3A_369 = arith.constant 0 : i32
        %dma_start3A_370 = arith.constant 0 : i32
        %dma_start3A_371 = tpu.memref_slice %arg7[%dma_start3A_362, %dma_start3A_369, %dma_start3A_370] : memref<2x80x64xi32, #tpu.memory_space<vmem>> -> memref<1x80x64xi32, #tpu.memory_space<vmem>>
        %dma_start3A_372 = tpu.memref_squeeze %dma_start3A_371 : memref<1x80x64xi32, #tpu.memory_space<vmem>> -> memref<80x64xi32, #tpu.memory_space<vmem>>
        %dma_start3A_373 = arith.constant 0 : i32
        %dma_start3A_374 = tpu.memref_slice %arg3[%add3A_361, %dma_start3A_373] : memref<320000x64xi32, #tpu.memory_space<hbm>> -> memref<80x64xi32, #tpu.memory_space<hbm>>
        tpu.enqueue_dma source(%dma_start3A_374 : memref<80x64xi32, #tpu.memory_space<hbm>>) target(%dma_start3A_372 : memref<80x64xi32, #tpu.memory_space<vmem>>) target_semaphore(%arg14 : memref<!tpu.dma_semaphore, #tpu.memory_space<semaphore_mem>>)
      } else {
      }
    }
    %scan3A_110 = arith.constant 62 : i32
    %add3A_111 = arith.constant 9920 : i32
    %add3A_112 = arith.addi %mul3A_2, %add3A_111 : i32
    %dma_wait3A_113 = arith.constant 0 : i32
    %dma_wait3A_114 = arith.constant 0 : i32
    %dma_wait3A_115 = arith.constant 0 : i32
    %dma_wait3A_116 = tpu.memref_slice %arg7[%dma_wait3A_113, %dma_wait3A_114, %dma_wait3A_115] : memref<2x80x64xi32, #tpu.memory_space<vmem>> -> memref<1x80x64xi32, #tpu.memory_space<vmem>>
    %dma_wait3A_117 = tpu.memref_squeeze %dma_wait3A_116 : memref<1x80x64xi32, #tpu.memory_space<vmem>> -> memref<80x64xi32, #tpu.memory_space<vmem>>
    %dma_wait3A_118 = arith.constant 0 : i32
    %dma_wait3A_119 = tpu.memref_slice %arg3[%add3A_112, %dma_wait3A_118] : memref<320000x64xi32, #tpu.memory_space<hbm>> -> memref<80x64xi32, #tpu.memory_space<hbm>>
    %dma_wait3A_120 = arith.constant 0 : i32
    %dma_wait3A_121 = arith.constant 0 : i32
    %dma_wait3A_122 = tpu.memref_slice %arg7[%dma_wait3A_113, %dma_wait3A_120, %dma_wait3A_121] : memref<2x80x64xi32, #tpu.memory_space<vmem>> -> memref<1x80x64xi32, #tpu.memory_space<vmem>>
    %dma_wait3A_123 = tpu.memref_squeeze %dma_wait3A_122 : memref<1x80x64xi32, #tpu.memory_space<vmem>> -> memref<80x64xi32, #tpu.memory_space<vmem>>
    %dma_wait3A_124 = arith.constant 0 : i32
    %dma_wait3A_125 = tpu.memref_slice %arg3[%add3A_112, %dma_wait3A_124] : memref<320000x64xi32, #tpu.memory_space<hbm>> -> memref<80x64xi32, #tpu.memory_space<hbm>>
    tpu.wait_dma2 semaphore(%arg13 : memref<!tpu.dma_semaphore, #tpu.memory_space<semaphore_mem>>) src(%dma_wait3A_125 : memref<80x64xi32, #tpu.memory_space<hbm>>) dst(%dma_wait3A_123 : memref<80x64xi32, #tpu.memory_space<vmem>>)
    %dma_wait3A_126 = arith.constant 0 : i32
    %dma_wait3A_127 = arith.constant 0 : i32
    %dma_wait3A_128 = arith.constant 0 : i32
    %dma_wait3A_129 = arith.constant 0 : i32
    %dma_wait3A_130 = arith.constant 0 : i32
    %dma_wait3A_131 = tpu.memref_slice %arg8[%dma_wait3A_128, %dma_wait3A_129, %dma_wait3A_130] : memref<2x80x128xf32, #tpu.memory_space<vmem>> -> memref<1x80x128xf32, #tpu.memory_space<vmem>>
    %dma_wait3A_132 = tpu.memref_squeeze %dma_wait3A_131 : memref<1x80x128xf32, #tpu.memory_space<vmem>> -> memref<80x128xf32, #tpu.memory_space<vmem>>
    %dma_wait3A_133 = arith.constant 0 : i32
    %dma_wait3A_134 = tpu.memref_slice %arg6[%dma_wait3A_126, %dma_wait3A_127, %dma_wait3A_133] : memref<2x2x80xi32, #tpu.memory_space<vmem>> -> memref<1x1x80xi32, #tpu.memory_space<vmem>>
    %dma_wait3A_135 = tpu.memref_squeeze %dma_wait3A_134 : memref<1x1x80xi32, #tpu.memory_space<vmem>> -> memref<80xi32, #tpu.memory_space<vmem>>
    %dma_wait3A_136 = arith.constant 0 : i32
    %dma_wait3A_137 = arith.constant 0 : i32
    %dma_wait3A_138 = tpu.memref_slice %arg2[%dma_wait3A_136, %dma_wait3A_137] : memref<10000x128xf32, #tpu.memory_space<hbm>> -> memref<10000x128xf32, #tpu.memory_space<hbm>>
    tpu.wait_indirect_dma semaphore(%arg15 : memref<!tpu.dma_semaphore, #tpu.memory_space<semaphore_mem>>) src(%dma_wait3A_138 : memref<10000x128xf32, #tpu.memory_space<hbm>>) dst(%dma_wait3A_132 : memref<80x128xf32, #tpu.memory_space<vmem>>)
    %scan3A_139 = arith.constant 0 : i32
    %scan3A_140 = arith.constant 0 : i32
    %scan3A_141 = arith.constant 80 : i32
    %scan3A_142 = arith.addi %scan3A_140, %scan3A_141 : i32
    %scan3A_143 = arith.constant 1 : i32
    scf.for %scan3A_153 = %scan3A_140 to %scan3A_142 step %scan3A_143  : i32 {
      %get3A = arith.constant 0 : i32
      %get3A_154 = arith.index_cast %get3A : i32 to index
      %get3A_155 = arith.index_cast %scan3A_153 : i32 to index
      %get3A_156 = arith.constant 0 : index
      %get3A_157 = tpu.vector_load %arg7[%get3A_154, %get3A_155, %get3A_156] {strides = array<i32>} : memref<2x80x64xi32, #tpu.memory_space<vmem>>, vector<1x1x16xi32>,
      %get3A_158 = vector.shape_cast %get3A_157 : vector<1x1x16xi32> to vector<16xi32>
      %shift_left3A = arith.constant 16 : i32
      %shift_left3A_159 = vector.broadcast %shift_left3A : i32 to vector<16xi32>
      %shift_left3A_160 = arith.shli %get3A_158, %shift_left3A_159 : vector<16xi32>
      %bitcast_convert_type3A = tpu.bitcast %shift_left3A_160 : vector<16xi32> -> vector<16xf32>
      %and3A = arith.constant -65536 : i32
      %and3A_161 = vector.broadcast %and3A : i32 to vector<16xi32>
      %and3A_162 = arith.andi %get3A_158, %and3A_161 : vector<16xi32>
      %bitcast_convert_type3A_163 = tpu.bitcast %and3A_162 : vector<16xi32> -> vector<16xf32>
      %get3A_164 = arith.constant 0 : i32
      %get3A_165 = arith.index_cast %get3A_164 : i32 to index
      %get3A_166 = arith.index_cast %scan3A_153 : i32 to index
      %get3A_167 = arith.constant 0 : index
      %get3A_168 = tpu.vector_load %arg8[%get3A_165, %get3A_166, %get3A_167] {strides = array<i32>} : memref<2x80x128xf32, #tpu.memory_space<vmem>>, vector<1x1x16xf32>,
      %get3A_169 = vector.shape_cast %get3A_168 : vector<1x1x16xf32> to vector<16xf32>
      %mul3A_170 = arith.mulf %get3A_169, %bitcast_convert_type3A : vector<16xf32>
      %swap3A = arith.constant 0 : i32
      %swap3A_171 = arith.index_cast %swap3A : i32 to index
      %swap3A_172 = arith.index_cast %scan3A_153 : i32 to index
      %swap3A_173 = arith.constant 0 : index
      %swap3A_174 = tpu.vector_load %arg8[%swap3A_171, %swap3A_172, %swap3A_173] {strides = array<i32>} : memref<2x80x128xf32, #tpu.memory_space<vmem>>, vector<1x1x16xf32>,
      %swap3A_175 = vector.shape_cast %swap3A_174 : vector<1x1x16xf32> to vector<16xf32>
      %swap3A_176 = vector.shape_cast %mul3A_170 : vector<16xf32> to vector<1x1x16xf32>
      tpu.vector_store %arg8[%swap3A_171, %swap3A_172, %swap3A_173], %swap3A_176 {strides = array<i32>} : memref<2x80x128xf32, #tpu.memory_space<vmem>>, vector<1x1x16xf32>,
      %get3A_177 = arith.constant 0 : i32
      %get3A_178 = arith.index_cast %get3A_177 : i32 to index
      %get3A_179 = arith.index_cast %scan3A_153 : i32 to index
      %get3A_180 = arith.constant 64 : index
      %get3A_181 = tpu.vector_load %arg8[%get3A_178, %get3A_179, %get3A_180] {strides = array<i32>} : memref<2x80x128xf32, #tpu.memory_space<vmem>>, vector<1x1x16xf32>,
      %get3A_182 = vector.shape_cast %get3A_181 : vector<1x1x16xf32> to vector<16xf32>
      %mul3A_183 = arith.mulf %get3A_182, %bitcast_convert_type3A_163 : vector<16xf32>
      %swap3A_184 = arith.constant 0 : i32
      %swap3A_185 = arith.index_cast %swap3A_184 : i32 to index
      %swap3A_186 = arith.index_cast %scan3A_153 : i32 to index
      %swap3A_187 = arith.constant 64 : index
      %swap3A_188 = tpu.vector_load %arg8[%swap3A_185, %swap3A_186, %swap3A_187] {strides = array<i32>} : memref<2x80x128xf32, #tpu.memory_space<vmem>>, vector<1x1x16xf32>,
      %swap3A_189 = vector.shape_cast %swap3A_188 : vector<1x1x16xf32> to vector<16xf32>
      %swap3A_190 = vector.shape_cast %mul3A_183 : vector<16xf32> to vector<1x1x16xf32>
      tpu.vector_store %arg8[%swap3A_185, %swap3A_186, %swap3A_187], %swap3A_190 {strides = array<i32>} : memref<2x80x128xf32, #tpu.memory_space<vmem>>, vector<1x1x16xf32>,
      %get3A_191 = arith.constant 0 : i32
      %get3A_192 = arith.index_cast %get3A_191 : i32 to index
      %get3A_193 = arith.index_cast %scan3A_153 : i32 to index
      %get3A_194 = arith.constant 16 : index
      %get3A_195 = tpu.vector_load %arg7[%get3A_192, %get3A_193, %get3A_194] {strides = array<i32>} : memref<2x80x64xi32, #tpu.memory_space<vmem>>, vector<1x1x16xi32>,
      %get3A_196 = vector.shape_cast %get3A_195 : vector<1x1x16xi32> to vector<16xi32>
      %shift_left3A_197 = arith.constant 16 : i32
      %shift_left3A_198 = vector.broadcast %shift_left3A_197 : i32 to vector<16xi32>
      %shift_left3A_199 = arith.shli %get3A_196, %shift_left3A_198 : vector<16xi32>
      %bitcast_convert_type3A_200 = tpu.bitcast %shift_left3A_199 : vector<16xi32> -> vector<16xf32>
      %and3A_201 = arith.constant -65536 : i32
      %and3A_202 = vector.broadcast %and3A_201 : i32 to vector<16xi32>
      %and3A_203 = arith.andi %get3A_196, %and3A_202 : vector<16xi32>
      %bitcast_convert_type3A_204 = tpu.bitcast %and3A_203 : vector<16xi32> -> vector<16xf32>
      %get3A_205 = arith.constant 0 : i32
      %get3A_206 = arith.index_cast %get3A_205 : i32 to index
      %get3A_207 = arith.index_cast %scan3A_153 : i32 to index
      %get3A_208 = arith.constant 16 : index
      %get3A_209 = tpu.vector_load %arg8[%get3A_206, %get3A_207, %get3A_208] {strides = array<i32>} : memref<2x80x128xf32, #tpu.memory_space<vmem>>, vector<1x1x16xf32>,
      %get3A_210 = vector.shape_cast %get3A_209 : vector<1x1x16xf32> to vector<16xf32>
      %mul3A_211 = arith.mulf %get3A_210, %bitcast_convert_type3A_200 : vector<16xf32>
      %swap3A_212 = arith.constant 0 : i32
      %swap3A_213 = arith.index_cast %swap3A_212 : i32 to index
      %swap3A_214 = arith.index_cast %scan3A_153 : i32 to index
      %swap3A_215 = arith.constant 16 : index
      %swap3A_216 = tpu.vector_load %arg8[%swap3A_213, %swap3A_214, %swap3A_215] {strides = array<i32>} : memref<2x80x128xf32, #tpu.memory_space<vmem>>, vector<1x1x16xf32>,
      %swap3A_217 = vector.shape_cast %swap3A_216 : vector<1x1x16xf32> to vector<16xf32>
      %swap3A_218 = vector.shape_cast %mul3A_211 : vector<16xf32> to vector<1x1x16xf32>
      tpu.vector_store %arg8[%swap3A_213, %swap3A_214, %swap3A_215], %swap3A_218 {strides = array<i32>} : memref<2x80x128xf32, #tpu.memory_space<vmem>>, vector<1x1x16xf32>,
      %get3A_219 = arith.constant 0 : i32
      %get3A_220 = arith.index_cast %get3A_219 : i32 to index
      %get3A_221 = arith.index_cast %scan3A_153 : i32 to index
      %get3A_222 = arith.constant 80 : index
      %get3A_223 = tpu.vector_load %arg8[%get3A_220, %get3A_221, %get3A_222] {strides = array<i32>} : memref<2x80x128xf32, #tpu.memory_space<vmem>>, vector<1x1x16xf32>,
      %get3A_224 = vector.shape_cast %get3A_223 : vector<1x1x16xf32> to vector<16xf32>
      %mul3A_225 = arith.mulf %get3A_224, %bitcast_convert_type3A_204 : vector<16xf32>
      %swap3A_226 = arith.constant 0 : i32
      %swap3A_227 = arith.index_cast %swap3A_226 : i32 to index
      %swap3A_228 = arith.index_cast %scan3A_153 : i32 to index
      %swap3A_229 = arith.constant 80 : index
      %swap3A_230 = tpu.vector_load %arg8[%swap3A_227, %swap3A_228, %swap3A_229] {strides = array<i32>} : memref<2x80x128xf32, #tpu.memory_space<vmem>>, vector<1x1x16xf32>,
      %swap3A_231 = vector.shape_cast %swap3A_230 : vector<1x1x16xf32> to vector<16xf32>
      %swap3A_232 = vector.shape_cast %mul3A_225 : vector<16xf32> to vector<1x1x16xf32>
      tpu.vector_store %arg8[%swap3A_227, %swap3A_228, %swap3A_229], %swap3A_232 {strides = array<i32>} : memref<2x80x128xf32, #tpu.memory_space<vmem>>, vector<1x1x16xf32>,
      %get3A_233 = arith.constant 0 : i32
      %get3A_234 = arith.index_cast %get3A_233 : i32 to index
      %get3A_235 = arith.index_cast %scan3A_153 : i32 to index
      %get3A_236 = arith.constant 32 : index
      %get3A_237 = tpu.vector_load %arg7[%get3A_234, %get3A_235, %get3A_236] {strides = array<i32>} : memref<2x80x64xi32, #tpu.memory_space<vmem>>, vector<1x1x16xi32>,
      %get3A_238 = vector.shape_cast %get3A_237 : vector<1x1x16xi32> to vector<16xi32>
      %shift_left3A_239 = arith.constant 16 : i32
      %shift_left3A_240 = vector.broadcast %shift_left3A_239 : i32 to vector<16xi32>
      %shift_left3A_241 = arith.shli %get3A_238, %shift_left3A_240 : vector<16xi32>
      %bitcast_convert_type3A_242 = tpu.bitcast %shift_left3A_241 : vector<16xi32> -> vector<16xf32>
      %and3A_243 = arith.constant -65536 : i32
      %and3A_244 = vector.broadcast %and3A_243 : i32 to vector<16xi32>
      %and3A_245 = arith.andi %get3A_238, %and3A_244 : vector<16xi32>
      %bitcast_convert_type3A_246 = tpu.bitcast %and3A_245 : vector<16xi32> -> vector<16xf32>
      %get3A_247 = arith.constant 0 : i32
      %get3A_248 = arith.index_cast %get3A_247 : i32 to index
      %get3A_249 = arith.index_cast %scan3A_153 : i32 to index
      %get3A_250 = arith.constant 32 : index
      %get3A_251 = tpu.vector_load %arg8[%get3A_248, %get3A_249, %get3A_250] {strides = array<i32>} : memref<2x80x128xf32, #tpu.memory_space<vmem>>, vector<1x1x16xf32>,
      %get3A_252 = vector.shape_cast %get3A_251 : vector<1x1x16xf32> to vector<16xf32>
      %mul3A_253 = arith.mulf %get3A_252, %bitcast_convert_type3A_242 : vector<16xf32>
      %swap3A_254 = arith.constant 0 : i32
      %swap3A_255 = arith.index_cast %swap3A_254 : i32 to index
      %swap3A_256 = arith.index_cast %scan3A_153 : i32 to index
      %swap3A_257 = arith.constant 32 : index
      %swap3A_258 = tpu.vector_load %arg8[%swap3A_255, %swap3A_256, %swap3A_257] {strides = array<i32>} : memref<2x80x128xf32, #tpu.memory_space<vmem>>, vector<1x1x16xf32>,
      %swap3A_259 = vector.shape_cast %swap3A_258 : vector<1x1x16xf32> to vector<16xf32>
      %swap3A_260 = vector.shape_cast %mul3A_253 : vector<16xf32> to vector<1x1x16xf32>
      tpu.vector_store %arg8[%swap3A_255, %swap3A_256, %swap3A_257], %swap3A_260 {strides = array<i32>} : memref<2x80x128xf32, #tpu.memory_space<vmem>>, vector<1x1x16xf32>,
      %get3A_261 = arith.constant 0 : i32
      %get3A_262 = arith.index_cast %get3A_261 : i32 to index
      %get3A_263 = arith.index_cast %scan3A_153 : i32 to index
      %get3A_264 = arith.constant 96 : index
      %get3A_265 = tpu.vector_load %arg8[%get3A_262, %get3A_263, %get3A_264] {strides = array<i32>} : memref<2x80x128xf32, #tpu.memory_space<vmem>>, vector<1x1x16xf32>,
      %get3A_266 = vector.shape_cast %get3A_265 : vector<1x1x16xf32> to vector<16xf32>
      %mul3A_267 = arith.mulf %get3A_266, %bitcast_convert_type3A_246 : vector<16xf32>
      %swap3A_268 = arith.constant 0 : i32
      %swap3A_269 = arith.index_cast %swap3A_268 : i32 to index
      %swap3A_270 = arith.index_cast %scan3A_153 : i32 to index
      %swap3A_271 = arith.constant 96 : index
      %swap3A_272 = tpu.vector_load %arg8[%swap3A_269, %swap3A_270, %swap3A_271] {strides = array<i32>} : memref<2x80x128xf32, #tpu.memory_space<vmem>>, vector<1x1x16xf32>,
      %swap3A_273 = vector.shape_cast %swap3A_272 : vector<1x1x16xf32> to vector<16xf32>
      %swap3A_274 = vector.shape_cast %mul3A_267 : vector<16xf32> to vector<1x1x16xf32>
      tpu.vector_store %arg8[%swap3A_269, %swap3A_270, %swap3A_271], %swap3A_274 {strides = array<i32>} : memref<2x80x128xf32, #tpu.memory_space<vmem>>, vector<1x1x16xf32>,
      %get3A_275 = arith.constant 0 : i32
      %get3A_276 = arith.index_cast %get3A_275 : i32 to index
      %get3A_277 = arith.index_cast %scan3A_153 : i32 to index
      %get3A_278 = arith.constant 48 : index
      %get3A_279 = tpu.vector_load %arg7[%get3A_276, %get3A_277, %get3A_278] {strides = array<i32>} : memref<2x80x64xi32, #tpu.memory_space<vmem>>, vector<1x1x16xi32>,
      %get3A_280 = vector.shape_cast %get3A_279 : vector<1x1x16xi32> to vector<16xi32>
      %shift_left3A_281 = arith.constant 16 : i32
      %shift_left3A_282 = vector.broadcast %shift_left3A_281 : i32 to vector<16xi32>
      %shift_left3A_283 = arith.shli %get3A_280, %shift_left3A_282 : vector<16xi32>
      %bitcast_convert_type3A_284 = tpu.bitcast %shift_left3A_283 : vector<16xi32> -> vector<16xf32>
      %and3A_285 = arith.constant -65536 : i32
      %and3A_286 = vector.broadcast %and3A_285 : i32 to vector<16xi32>
      %and3A_287 = arith.andi %get3A_280, %and3A_286 : vector<16xi32>
      %bitcast_convert_type3A_288 = tpu.bitcast %and3A_287 : vector<16xi32> -> vector<16xf32>
      %get3A_289 = arith.constant 0 : i32
      %get3A_290 = arith.index_cast %get3A_289 : i32 to index
      %get3A_291 = arith.index_cast %scan3A_153 : i32 to index
      %get3A_292 = arith.constant 48 : index
      %get3A_293 = tpu.vector_load %arg8[%get3A_290, %get3A_291, %get3A_292] {strides = array<i32>} : memref<2x80x128xf32, #tpu.memory_space<vmem>>, vector<1x1x16xf32>,
      %get3A_294 = vector.shape_cast %get3A_293 : vector<1x1x16xf32> to vector<16xf32>
      %mul3A_295 = arith.mulf %get3A_294, %bitcast_convert_type3A_284 : vector<16xf32>
      %swap3A_296 = arith.constant 0 : i32
      %swap3A_297 = arith.index_cast %swap3A_296 : i32 to index
      %swap3A_298 = arith.index_cast %scan3A_153 : i32 to index
      %swap3A_299 = arith.constant 48 : index
      %swap3A_300 = tpu.vector_load %arg8[%swap3A_297, %swap3A_298, %swap3A_299] {strides = array<i32>} : memref<2x80x128xf32, #tpu.memory_space<vmem>>, vector<1x1x16xf32>,
      %swap3A_301 = vector.shape_cast %swap3A_300 : vector<1x1x16xf32> to vector<16xf32>
      %swap3A_302 = vector.shape_cast %mul3A_295 : vector<16xf32> to vector<1x1x16xf32>
      tpu.vector_store %arg8[%swap3A_297, %swap3A_298, %swap3A_299], %swap3A_302 {strides = array<i32>} : memref<2x80x128xf32, #tpu.memory_space<vmem>>, vector<1x1x16xf32>,
      %get3A_303 = arith.constant 0 : i32
      %get3A_304 = arith.index_cast %get3A_303 : i32 to index
      %get3A_305 = arith.index_cast %scan3A_153 : i32 to index
      %get3A_306 = arith.constant 112 : index
      %get3A_307 = tpu.vector_load %arg8[%get3A_304, %get3A_305, %get3A_306] {strides = array<i32>} : memref<2x80x128xf32, #tpu.memory_space<vmem>>, vector<1x1x16xf32>,
      %get3A_308 = vector.shape_cast %get3A_307 : vector<1x1x16xf32> to vector<16xf32>
      %mul3A_309 = arith.mulf %get3A_308, %bitcast_convert_type3A_288 : vector<16xf32>
      %swap3A_310 = arith.constant 0 : i32
      %swap3A_311 = arith.index_cast %swap3A_310 : i32 to index
      %swap3A_312 = arith.index_cast %scan3A_153 : i32 to index
      %swap3A_313 = arith.constant 112 : index
      %swap3A_314 = tpu.vector_load %arg8[%swap3A_311, %swap3A_312, %swap3A_313] {strides = array<i32>} : memref<2x80x128xf32, #tpu.memory_space<vmem>>, vector<1x1x16xf32>,
      %swap3A_315 = vector.shape_cast %swap3A_314 : vector<1x1x16xf32> to vector<16xf32>
      %swap3A_316 = vector.shape_cast %mul3A_309 : vector<16xf32> to vector<1x1x16xf32>
      tpu.vector_store %arg8[%swap3A_311, %swap3A_312, %swap3A_313], %swap3A_316 {strides = array<i32>} : memref<2x80x128xf32, #tpu.memory_space<vmem>>, vector<1x1x16xf32>,
    }
    %scan3A_144 = arith.constant 80 : i32
    %run_scoped3A = arith.constant 0 : i32
    %run_scoped3A_145 = arith.constant 0 : i32
    %run_scoped3A_146 = arith.constant 1 : i32
    "tpu.region"() ({
      %run_scoped3A_153 = tpu.sem_alloc : memref<!tpu.dma_semaphore, #tpu.memory_space<semaphore_mem>>
      %dma_start3A_154 = arith.constant 0 : i32
      %dma_start3A_155 = arith.constant 0 : i32
      %dma_start3A_156 = tpu.memref_slice %arg8[%run_scoped3A, %dma_start3A_154, %dma_start3A_155] : memref<2x80x128xf32, #tpu.memory_space<vmem>> -> memref<1x80x128xf32, #tpu.memory_space<vmem>>
      %dma_start3A_157 = tpu.memref_squeeze %dma_start3A_156 : memref<1x80x128xf32, #tpu.memory_space<vmem>> -> memref<80x128xf32, #tpu.memory_space<vmem>>
      %dma_start3A_158 = arith.constant 0 : i32
      %dma_start3A_159 = tpu.memref_slice %arg6[%run_scoped3A_145, %run_scoped3A_146, %dma_start3A_158] : memref<2x2x80xi32, #tpu.memory_space<vmem>> -> memref<1x1x80xi32, #tpu.memory_space<vmem>>
      %dma_start3A_160 = tpu.memref_squeeze %dma_start3A_159 : memref<1x1x80xi32, #tpu.memory_space<vmem>> -> memref<80xi32, #tpu.memory_space<vmem>>
      %dma_start3A_161 = arith.constant 0 : i32
      %dma_start3A_162 = arith.constant 0 : i32
      %dma_start3A_163 = tpu.memref_slice %arg10[%dma_start3A_161, %dma_start3A_162] : memref<10000x128xf32, #tpu.memory_space<vmem_shared>> -> memref<10000x128xf32, #tpu.memory_space<vmem_shared>>
      tpu.enqueue_indirect_dma source(%dma_start3A_157 : memref<80x128xf32, #tpu.memory_space<vmem>>) target(%dma_start3A_163 : memref<10000x128xf32, #tpu.memory_space<vmem_shared>>) offsets(%dma_start3A_160 : memref<80xi32, #tpu.memory_space<vmem>>) semaphore(%run_scoped3A_153 : memref<!tpu.dma_semaphore, #tpu.memory_space<semaphore_mem>>) {add = true}
      %dma_wait3A_164 = arith.constant 0 : i32
      %dma_wait3A_165 = arith.constant 0 : i32
      %dma_wait3A_166 = tpu.memref_slice %arg8[%run_scoped3A, %dma_wait3A_164, %dma_wait3A_165] : memref<2x80x128xf32, #tpu.memory_space<vmem>> -> memref<1x80x128xf32, #tpu.memory_space<vmem>>
      %dma_wait3A_167 = tpu.memref_squeeze %dma_wait3A_166 : memref<1x80x128xf32, #tpu.memory_space<vmem>> -> memref<80x128xf32, #tpu.memory_space<vmem>>
      %dma_wait3A_168 = arith.constant 0 : i32
      %dma_wait3A_169 = tpu.memref_slice %arg6[%run_scoped3A_145, %run_scoped3A_146, %dma_wait3A_168] : memref<2x2x80xi32, #tpu.memory_space<vmem>> -> memref<1x1x80xi32, #tpu.memory_space<vmem>>
      %dma_wait3A_170 = tpu.memref_squeeze %dma_wait3A_169 : memref<1x1x80xi32, #tpu.memory_space<vmem>> -> memref<80xi32, #tpu.memory_space<vmem>>
      %dma_wait3A_171 = arith.constant 0 : i32
      %dma_wait3A_172 = arith.constant 0 : i32
      %dma_wait3A_173 = tpu.memref_slice %arg10[%dma_wait3A_171, %dma_wait3A_172] : memref<10000x128xf32, #tpu.memory_space<vmem_shared>> -> memref<10000x128xf32, #tpu.memory_space<vmem_shared>>
      tpu.wait_indirect_dma semaphore(%run_scoped3A_153 : memref<!tpu.dma_semaphore, #tpu.memory_space<semaphore_mem>>) src(%dma_wait3A_167 : memref<80x128xf32, #tpu.memory_space<vmem>>) dst(%dma_wait3A_173 : memref<10000x128xf32, #tpu.memory_space<vmem_shared>>)
      tpu.yield
    }) : () -> ()
    %barrier3A_147 = arith.constant 0 : index
    tpu.barrier barrier_id(%barrier3A_147)
    %lt3A_148 = arith.constant 10 : i32
    %lt3A_149 = arith.cmpi slt, %arg1, %lt3A_148 : i32
    %convert_element_type3A_150 = arith.extui %lt3A_149 : i1 to i32
    %cond3A_151 = arith.constant 0 : i32
    %cond3A_152 = arith.cmpi ne, %convert_element_type3A_150, %cond3A_151 : i32
    scf.if %cond3A_152 {
      %mul3A_153 = arith.constant 1000 : i32
      %mul3A_154 = arith.muli %arg1, %mul3A_153 : i32
      %mul3A_155 = arith.constant 1000 : i32
      %mul3A_156 = arith.muli %arg1, %mul3A_155 : i32
      "tpu.region"() ({
        %run_scoped3A_157 = tpu.sem_alloc : memref<!tpu.dma_semaphore, #tpu.memory_space<semaphore_mem>>
        %dma_start3A_158 = arith.constant 0 : i32
        %dma_start3A_159 = tpu.memref_slice %arg5[%arg0, %mul3A_156, %dma_start3A_158] : memref<2x10000x128xf32, #tpu.memory_space<hbm>> -> memref<1x1000x128xf32, #tpu.memory_space<hbm>>
        %dma_start3A_160 = tpu.memref_squeeze %dma_start3A_159 : memref<1x1000x128xf32, #tpu.memory_space<hbm>> -> memref<1000x128xf32, #tpu.memory_space<hbm>>
        %dma_start3A_161 = arith.constant 0 : i32
        %dma_start3A_162 = tpu.memref_slice %arg10[%mul3A_154, %dma_start3A_161] : memref<10000x128xf32, #tpu.memory_space<vmem_shared>> -> memref<1000x128xf32, #tpu.memory_space<vmem_shared>>
        tpu.enqueue_dma source(%dma_start3A_162 : memref<1000x128xf32, #tpu.memory_space<vmem_shared>>) target(%dma_start3A_160 : memref<1000x128xf32, #tpu.memory_space<hbm>>) target_semaphore(%run_scoped3A_157 : memref<!tpu.dma_semaphore, #tpu.memory_space<semaphore_mem>>)
        %dma_wait3A_163 = arith.constant 0 : i32
        %dma_wait3A_164 = tpu.memref_slice %arg5[%arg0, %mul3A_156, %dma_wait3A_163] : memref<2x10000x128xf32, #tpu.memory_space<hbm>> -> memref<1x1000x128xf32, #tpu.memory_space<hbm>>
        %dma_wait3A_165 = tpu.memref_squeeze %dma_wait3A_164 : memref<1x1000x128xf32, #tpu.memory_space<hbm>> -> memref<1000x128xf32, #tpu.memory_space<hbm>>
        %dma_wait3A_166 = arith.constant 0 : i32
        %dma_wait3A_167 = tpu.memref_slice %arg10[%mul3A_154, %dma_wait3A_166] : memref<10000x128xf32, #tpu.memory_space<vmem_shared>> -> memref<1000x128xf32, #tpu.memory_space<vmem_shared>>
        tpu.wait_dma2 semaphore(%run_scoped3A_157 : memref<!tpu.dma_semaphore, #tpu.memory_space<semaphore_mem>>) src(%dma_wait3A_167 : memref<1000x128xf32, #tpu.memory_space<vmem_shared>>) dst(%dma_wait3A_165 : memref<1000x128xf32, #tpu.memory_space<hbm>>)
        tpu.yield
      }) : () -> ()
    } else {
    }
    return
  }
}

module attributes {stable_mosaic.version = 14 : i64} {
  func.func @_edge_w_body(%arg0: i32, %arg1: memref<4000x8xf32, #tpu.memory_space<vmem>>, %arg2: memref<4000x1xf32, #tpu.memory_space<vmem>>, %arg3: memref<8x64xf32, #tpu.memory_space<vmem>>, %arg4: memref<64x64xf32, #tpu.memory_space<vmem>>, %arg5: memref<64x64xf32, #tpu.memory_space<vmem>>, %arg6: memref<64x128xf32, #tpu.memory_space<vmem>>, %arg7: memref<4000x64xi32, #tpu.memory_space<vmem>>) attributes {dimension_semantics = [#tpu.dimension_semantics<arbitrary>], iteration_bounds = array<i64: 80>, scalar_prefetch = 0 : i64, scratch_operands = 0 : i64, tpu.core_type = #tpu.core_type<tc>, window_params = [{transform_indices = @transform_0, window_bounds = array<i64: 4000, 8>}, {transform_indices = @transform_1, window_bounds = array<i64: 4000, 1>}, {pipeline_mode = #tpu.pipeline_mode<synchronous>, transform_indices = @transform_2, window_bounds = array<i64: 8, 64>}, {pipeline_mode = #tpu.pipeline_mode<synchronous>, transform_indices = @transform_3, window_bounds = array<i64: 64, 64>}, {pipeline_mode = #tpu.pipeline_mode<synchronous>, transform_indices = @transform_4, window_bounds = array<i64: 64, 64>}, {pipeline_mode = #tpu.pipeline_mode<synchronous>, transform_indices = @transform_5, window_bounds = array<i64: 64, 128>}, {transform_indices = @transform_6, window_bounds = array<i64: 4000, 64>}]} {
    %get3A = arith.constant 0 : index
    %get3A_0 = arith.constant 0 : index
    %get3A_1 = vector.load %arg1[%get3A, %get3A_0] : memref<4000x8xf32, #tpu.memory_space<vmem>>, vector<4000x8xf32>
    %get3A_2 = arith.constant 0 : index
    %get3A_3 = arith.constant 0 : index
    %get3A_4 = vector.load %arg3[%get3A_2, %get3A_3] : memref<8x64xf32, #tpu.memory_space<vmem>>, vector<8x64xf32>
    %dot_general3A = arith.constant dense<0.000000e+00> : vector<4000x64xf32>
    %dot_general3A_5 = tpu.matmul %get3A_1, %get3A_4, %dot_general3A {dimension_numbers = #tpu.dot_dimension_numbers<[1], [0], [0], [1], [0, 0, 1, 1], [], []>, transpose_lhs_hint = false} : vector<4000x8xf32>, vector<8x64xf32>, vector<4000x64xf32> -> vector<4000x64xf32>
    %mul3A = arith.constant 0.353553385 : f32
    %mul3A_6 = vector.broadcast %mul3A : f32 to vector<4000x64xf32>
    %mul3A_7 = arith.mulf %dot_general3A_5, %mul3A_6 : vector<4000x64xf32>
    %mul3A_8 = arith.constant 1.67532051 : f32
    %mul3A_9 = vector.broadcast %mul3A_8 : f32 to vector<4000x64xf32>
    %mul3A_10 = arith.mulf %mul3A_9, %mul3A_7 : vector<4000x64xf32>
    %mul3A_11 = arith.constant 5.000000e-01 : f32
    %mul3A_12 = vector.broadcast %mul3A_11 : f32 to vector<4000x64xf32>
    %mul3A_13 = arith.mulf %mul3A_12, %mul3A_7 : vector<4000x64xf32>
    %tanh3A = math.tanh %mul3A_13 : vector<4000x64xf32>
    %add3A = arith.constant 1.000000e+00 : f32
    %add3A_14 = vector.broadcast %add3A : f32 to vector<4000x64xf32>
    %add3A_15 = arith.addf %add3A_14, %tanh3A : vector<4000x64xf32>
    %mul3A_16 = arith.constant 5.000000e-01 : f32
    %mul3A_17 = vector.broadcast %mul3A_16 : f32 to vector<4000x64xf32>
    %mul3A_18 = arith.mulf %mul3A_17, %add3A_15 : vector<4000x64xf32>
    %mul3A_19 = arith.mulf %mul3A_10, %mul3A_18 : vector<4000x64xf32>
    %get3A_20 = arith.constant 0 : index
    %get3A_21 = arith.constant 0 : index
    %get3A_22 = vector.load %arg4[%get3A_20, %get3A_21] : memref<64x64xf32, #tpu.memory_space<vmem>>, vector<64x64xf32>
    %dot_general3A_23 = arith.constant dense<0.000000e+00> : vector<4000x64xf32>
    %dot_general3A_24 = tpu.matmul %mul3A_19, %get3A_22, %dot_general3A_23 {dimension_numbers = #tpu.dot_dimension_numbers<[1], [0], [0], [1], [0, 0, 1, 1], [], []>, transpose_lhs_hint = false} : vector<4000x64xf32>, vector<64x64xf32>, vector<4000x64xf32> -> vector<4000x64xf32>
    %mul3A_25 = arith.constant 1.250000e-01 : f32
    %mul3A_26 = vector.broadcast %mul3A_25 : f32 to vector<4000x64xf32>
    %mul3A_27 = arith.mulf %dot_general3A_24, %mul3A_26 : vector<4000x64xf32>
    %mul3A_28 = arith.constant 1.67532051 : f32
    %mul3A_29 = vector.broadcast %mul3A_28 : f32 to vector<4000x64xf32>
    %mul3A_30 = arith.mulf %mul3A_29, %mul3A_27 : vector<4000x64xf32>
    %mul3A_31 = arith.constant 5.000000e-01 : f32
    %mul3A_32 = vector.broadcast %mul3A_31 : f32 to vector<4000x64xf32>
    %mul3A_33 = arith.mulf %mul3A_32, %mul3A_27 : vector<4000x64xf32>
    %tanh3A_34 = math.tanh %mul3A_33 : vector<4000x64xf32>
    %add3A_35 = arith.constant 1.000000e+00 : f32
    %add3A_36 = vector.broadcast %add3A_35 : f32 to vector<4000x64xf32>
    %add3A_37 = arith.addf %add3A_36, %tanh3A_34 : vector<4000x64xf32>
    %mul3A_38 = arith.constant 5.000000e-01 : f32
    %mul3A_39 = vector.broadcast %mul3A_38 : f32 to vector<4000x64xf32>
    %mul3A_40 = arith.mulf %mul3A_39, %add3A_37 : vector<4000x64xf32>
    %mul3A_41 = arith.mulf %mul3A_30, %mul3A_40 : vector<4000x64xf32>
    %get3A_42 = arith.constant 0 : index
    %get3A_43 = arith.constant 0 : index
    %get3A_44 = vector.load %arg5[%get3A_42, %get3A_43] : memref<64x64xf32, #tpu.memory_space<vmem>>, vector<64x64xf32>
    %dot_general3A_45 = arith.constant dense<0.000000e+00> : vector<4000x64xf32>
    %dot_general3A_46 = tpu.matmul %mul3A_41, %get3A_44, %dot_general3A_45 {dimension_numbers = #tpu.dot_dimension_numbers<[1], [0], [0], [1], [0, 0, 1, 1], [], []>, transpose_lhs_hint = false} : vector<4000x64xf32>, vector<64x64xf32>, vector<4000x64xf32> -> vector<4000x64xf32>
    %mul3A_47 = arith.constant 1.250000e-01 : f32
    %mul3A_48 = vector.broadcast %mul3A_47 : f32 to vector<4000x64xf32>
    %mul3A_49 = arith.mulf %dot_general3A_46, %mul3A_48 : vector<4000x64xf32>
    %mul3A_50 = arith.constant 1.67532051 : f32
    %mul3A_51 = vector.broadcast %mul3A_50 : f32 to vector<4000x64xf32>
    %mul3A_52 = arith.mulf %mul3A_51, %mul3A_49 : vector<4000x64xf32>
    %mul3A_53 = arith.constant 5.000000e-01 : f32
    %mul3A_54 = vector.broadcast %mul3A_53 : f32 to vector<4000x64xf32>
    %mul3A_55 = arith.mulf %mul3A_54, %mul3A_49 : vector<4000x64xf32>
    %tanh3A_56 = math.tanh %mul3A_55 : vector<4000x64xf32>
    %add3A_57 = arith.constant 1.000000e+00 : f32
    %add3A_58 = vector.broadcast %add3A_57 : f32 to vector<4000x64xf32>
    %add3A_59 = arith.addf %add3A_58, %tanh3A_56 : vector<4000x64xf32>
    %mul3A_60 = arith.constant 5.000000e-01 : f32
    %mul3A_61 = vector.broadcast %mul3A_60 : f32 to vector<4000x64xf32>
    %mul3A_62 = arith.mulf %mul3A_61, %add3A_59 : vector<4000x64xf32>
    %mul3A_63 = arith.mulf %mul3A_52, %mul3A_62 : vector<4000x64xf32>
    %get3A_64 = arith.constant 0 : index
    %get3A_65 = arith.constant 0 : index
    %get3A_66 = vector.load %arg6[%get3A_64, %get3A_65] : memref<64x128xf32, #tpu.memory_space<vmem>>, vector<64x128xf32>
    %dot_general3A_67 = arith.constant dense<0.000000e+00> : vector<4000x128xf32>
    %dot_general3A_68 = tpu.matmul %mul3A_63, %get3A_66, %dot_general3A_67 {dimension_numbers = #tpu.dot_dimension_numbers<[1], [0], [0], [1], [0, 0, 1, 1], [], []>, transpose_lhs_hint = false} : vector<4000x64xf32>, vector<64x128xf32>, vector<4000x128xf32> -> vector<4000x128xf32>
    %mul3A_69 = arith.constant 1.250000e-01 : f32
    %mul3A_70 = vector.broadcast %mul3A_69 : f32 to vector<4000x128xf32>
    %mul3A_71 = arith.mulf %dot_general3A_68, %mul3A_70 : vector<4000x128xf32>
    %get3A_72 = arith.constant 0 : index
    %get3A_73 = arith.constant 0 : index
    %get3A_74 = vector.load %arg2[%get3A_72, %get3A_73] : memref<4000x1xf32, #tpu.memory_space<vmem>>, vector<4000x1xf32>
    %mul3A_75 = vector.broadcast %get3A_74 : vector<4000x1xf32> to vector<4000x128xf32>
    %mul3A_76 = arith.mulf %mul3A_71, %mul3A_75 : vector<4000x128xf32>
    %convert_element_type3A = arith.truncf %mul3A_76 : vector<4000x128xf32> to vector<4000x128xbf16>
    %slice3A = vector.extract_strided_slice %convert_element_type3A {offsets = [0, 0], sizes = [4000, 64], strides = [1, 1]} : vector<4000x128xbf16> to vector<4000x64xbf16>
    %bitcast_convert_type3A = tpu.bitcast %slice3A : vector<4000x64xbf16> -> vector<4000x64xi16>
    %convert_element_type3A_77 = arith.extui %bitcast_convert_type3A : vector<4000x64xi16> to vector<4000x64xi32>
    %slice3A_78 = vector.extract_strided_slice %convert_element_type3A {offsets = [0, 64], sizes = [4000, 64], strides = [1, 1]} : vector<4000x128xbf16> to vector<4000x64xbf16>
    %bitcast_convert_type3A_79 = tpu.bitcast %slice3A_78 : vector<4000x64xbf16> -> vector<4000x64xi16>
    %convert_element_type3A_80 = arith.extui %bitcast_convert_type3A_79 : vector<4000x64xi16> to vector<4000x64xi32>
    %shift_left3A = arith.constant 16 : i32
    %shift_left3A_81 = vector.broadcast %shift_left3A : i32 to vector<4000x64xi32>
    %shift_left3A_82 = arith.shli %convert_element_type3A_80, %shift_left3A_81 : vector<4000x64xi32>
    %or3A = arith.ori %shift_left3A_82, %convert_element_type3A_77 : vector<4000x64xi32>
    %bitcast_convert_type3A_83 = tpu.bitcast %or3A : vector<4000x64xi32> -> vector<4000x64xi32>
    %swap3A = arith.constant 0 : index
    %swap3A_84 = arith.constant 0 : index
    %swap3A_85 = vector.load %arg7[%swap3A, %swap3A_84] : memref<4000x64xi32, #tpu.memory_space<vmem>>, vector<4000x64xi32>
    tpu.vector_store %arg7[%swap3A, %swap3A_84], %bitcast_convert_type3A_83 {strides = array<i32>} : memref<4000x64xi32, #tpu.memory_space<vmem>>, vector<4000x64xi32>,
    return
  }
  func.func @transform_0(%arg0: i32) -> (i32, i32) {
    %c0_i32 = arith.constant 0 : i32
    %c0_i32_0 = arith.constant 0 : i32
    return %arg0, %c0_i32 : i32, i32
  }
  func.func @transform_1(%arg0: i32) -> (i32, i32) {
    %c0_i32 = arith.constant 0 : i32
    %c0_i32_0 = arith.constant 0 : i32
    return %arg0, %c0_i32 : i32, i32
  }
  func.func @transform_2(%arg0: i32) -> (i32, i32) {
    %c0_i32 = arith.constant 0 : i32
    %c0_i32_0 = arith.constant 0 : i32
    %c0_i32_1 = arith.constant 0 : i32
    return %c0_i32, %c0_i32_0 : i32, i32
  }
  func.func @transform_3(%arg0: i32) -> (i32, i32) {
    %c0_i32 = arith.constant 0 : i32
    %c0_i32_0 = arith.constant 0 : i32
    %c0_i32_1 = arith.constant 0 : i32
    return %c0_i32, %c0_i32_0 : i32, i32
  }
  func.func @transform_4(%arg0: i32) -> (i32, i32) {
    %c0_i32 = arith.constant 0 : i32
    %c0_i32_0 = arith.constant 0 : i32
    %c0_i32_1 = arith.constant 0 : i32
    return %c0_i32, %c0_i32_0 : i32, i32
  }
  func.func @transform_5(%arg0: i32) -> (i32, i32) {
    %c0_i32 = arith.constant 0 : i32
    %c0_i32_0 = arith.constant 0 : i32
    %c0_i32_1 = arith.constant 0 : i32
    return %c0_i32, %c0_i32_0 : i32, i32
  }
  func.func @transform_6(%arg0: i32) -> (i32, i32) {
    %c0_i32 = arith.constant 0 : i32
    %c0_i32_0 = arith.constant 0 : i32
    return %arg0, %c0_i32 : i32, i32
  }
}

module attributes {stable_mosaic.version = 14 : i64} {
  func.func @_linear_up_body(%arg0: memref<10000x128xf32, #tpu.memory_space<vmem>>, %arg1: memref<128x128xf32, #tpu.memory_space<vmem>>, %arg2: memref<10000x128xf32, #tpu.memory_space<vmem>>) attributes {dimension_semantics = [], scalar_prefetch = 0 : i64, scratch_operands = 0 : i64, tpu.core_type = #tpu.core_type<tc>} {
    %get3A = arith.constant 0 : index
    %get3A_0 = arith.constant 0 : index
    %get3A_1 = vector.load %arg0[%get3A, %get3A_0] : memref<10000x128xf32, #tpu.memory_space<vmem>>, vector<10000x128xf32>
    %get3A_2 = arith.constant 0 : index
    %get3A_3 = arith.constant 0 : index
    %get3A_4 = vector.load %arg1[%get3A_2, %get3A_3] : memref<128x128xf32, #tpu.memory_space<vmem>>, vector<128x128xf32>
    %dot_general3A = arith.constant dense<0.000000e+00> : vector<10000x128xf32>
    %dot_general3A_5 = tpu.matmul %get3A_1, %get3A_4, %dot_general3A {dimension_numbers = #tpu.dot_dimension_numbers<[1], [0], [0], [1], [0, 0, 1, 1], [], []>, transpose_lhs_hint = false} : vector<10000x128xf32>, vector<128x128xf32>, vector<10000x128xf32> -> vector<10000x128xf32>
    %mul3A = arith.constant 0.0883883461 : f32
    %mul3A_6 = vector.broadcast %mul3A : f32 to vector<10000x128xf32>
    %mul3A_7 = arith.mulf %dot_general3A_5, %mul3A_6 : vector<10000x128xf32>
    %swap3A = arith.constant 0 : index
    %swap3A_8 = arith.constant 0 : index
    %swap3A_9 = vector.load %arg2[%swap3A, %swap3A_8] : memref<10000x128xf32, #tpu.memory_space<vmem>>, vector<10000x128xf32>
    tpu.vector_store %arg2[%swap3A, %swap3A_8], %mul3A_7 {strides = array<i32>} : memref<10000x128xf32, #tpu.memory_space<vmem>>, vector<10000x128xf32>,
    return
  }
}

module attributes {stable_mosaic.version = 14 : i64} {
  func.func @_skip_body(%arg0: i32, %arg1: memref<2000x128xf32, #tpu.memory_space<vmem>>, %arg2: memref<2000x16xf32, #tpu.memory_space<vmem>>, %arg3: memref<16x128x128xf32, #tpu.memory_space<vmem>>, %arg4: memref<2000x128xf32, #tpu.memory_space<vmem>>) attributes {dimension_semantics = [#tpu.dimension_semantics<arbitrary>], iteration_bounds = array<i64: 5>, scalar_prefetch = 0 : i64, scratch_operands = 0 : i64, tpu.core_type = #tpu.core_type<tc>, window_params = [{transform_indices = @transform_0, window_bounds = array<i64: 2000, 128>}, {transform_indices = @transform_1, window_bounds = array<i64: 2000, 16>}, {pipeline_mode = #tpu.pipeline_mode<synchronous>, transform_indices = @transform_2, window_bounds = array<i64: 16, 128, 128>}, {transform_indices = @transform_3, window_bounds = array<i64: 2000, 128>}]} {
    %get3A = arith.constant 0 : index
    %get3A_0 = arith.constant 0 : index
    %get3A_1 = vector.load %arg1[%get3A, %get3A_0] : memref<2000x128xf32, #tpu.memory_space<vmem>>, vector<2000x128xf32>
    %broadcast_in_dim3A = arith.constant 0.000000e+00 : f32
    %broadcast_in_dim3A_2 = vector.broadcast %broadcast_in_dim3A : f32 to vector<2000x128xf32>
    %get3A_3 = arith.constant 0 : index
    %get3A_4 = arith.constant 0 : index
    %get3A_5 = vector.load %arg2[%get3A_3, %get3A_4] : memref<2000x16xf32, #tpu.memory_space<vmem>>, vector<2000x1xf32>
    %get3A_6 = arith.constant 0 : index
    %get3A_7 = arith.constant 0 : index
    %get3A_8 = arith.constant 0 : index
    %get3A_9 = vector.load %arg3[%get3A_6, %get3A_7, %get3A_8] : memref<16x128x128xf32, #tpu.memory_space<vmem>>, vector<1x128x128xf32>
    %get3A_10 = vector.shape_cast %get3A_9 : vector<1x128x128xf32> to vector<128x128xf32>
    %dot_general3A = arith.constant dense<0.000000e+00> : vector<2000x128xf32>
    %dot_general3A_11 = tpu.matmul %get3A_1, %get3A_10, %dot_general3A {dimension_numbers = #tpu.dot_dimension_numbers<[1], [0], [0], [1], [0, 0, 1, 1], [], []>, transpose_lhs_hint = false} : vector<2000x128xf32>, vector<128x128xf32>, vector<2000x128xf32> -> vector<2000x128xf32>
    %mul3A = vector.broadcast %get3A_5 : vector<2000x1xf32> to vector<2000x128xf32>
    %mul3A_12 = arith.mulf %mul3A, %dot_general3A_11 : vector<2000x128xf32>
    %add3A = arith.addf %broadcast_in_dim3A_2, %mul3A_12 : vector<2000x128xf32>
    %get3A_13 = arith.constant 0 : index
    %get3A_14 = arith.constant 1 : index
    %get3A_15 = vector.load %arg2[%get3A_13, %get3A_14] : memref<2000x16xf32, #tpu.memory_space<vmem>>, vector<2000x1xf32>
    %get3A_16 = arith.constant 1 : index
    %get3A_17 = arith.constant 0 : index
    %get3A_18 = arith.constant 0 : index
    %get3A_19 = vector.load %arg3[%get3A_16, %get3A_17, %get3A_18] : memref<16x128x128xf32, #tpu.memory_space<vmem>>, vector<1x128x128xf32>
    %get3A_20 = vector.shape_cast %get3A_19 : vector<1x128x128xf32> to vector<128x128xf32>
    %dot_general3A_21 = arith.constant dense<0.000000e+00> : vector<2000x128xf32>
    %dot_general3A_22 = tpu.matmul %get3A_1, %get3A_20, %dot_general3A_21 {dimension_numbers = #tpu.dot_dimension_numbers<[1], [0], [0], [1], [0, 0, 1, 1], [], []>, transpose_lhs_hint = false} : vector<2000x128xf32>, vector<128x128xf32>, vector<2000x128xf32> -> vector<2000x128xf32>
    %mul3A_23 = vector.broadcast %get3A_15 : vector<2000x1xf32> to vector<2000x128xf32>
    %mul3A_24 = arith.mulf %mul3A_23, %dot_general3A_22 : vector<2000x128xf32>
    %add3A_25 = arith.addf %add3A, %mul3A_24 : vector<2000x128xf32>
    %get3A_26 = arith.constant 0 : index
    %get3A_27 = arith.constant 2 : index
    %get3A_28 = vector.load %arg2[%get3A_26, %get3A_27] : memref<2000x16xf32, #tpu.memory_space<vmem>>, vector<2000x1xf32>
    %get3A_29 = arith.constant 2 : index
    %get3A_30 = arith.constant 0 : index
    %get3A_31 = arith.constant 0 : index
    %get3A_32 = vector.load %arg3[%get3A_29, %get3A_30, %get3A_31] : memref<16x128x128xf32, #tpu.memory_space<vmem>>, vector<1x128x128xf32>
    %get3A_33 = vector.shape_cast %get3A_32 : vector<1x128x128xf32> to vector<128x128xf32>
    %dot_general3A_34 = arith.constant dense<0.000000e+00> : vector<2000x128xf32>
    %dot_general3A_35 = tpu.matmul %get3A_1, %get3A_33, %dot_general3A_34 {dimension_numbers = #tpu.dot_dimension_numbers<[1], [0], [0], [1], [0, 0, 1, 1], [], []>, transpose_lhs_hint = false} : vector<2000x128xf32>, vector<128x128xf32>, vector<2000x128xf32> -> vector<2000x128xf32>
    %mul3A_36 = vector.broadcast %get3A_28 : vector<2000x1xf32> to vector<2000x128xf32>
    %mul3A_37 = arith.mulf %mul3A_36, %dot_general3A_35 : vector<2000x128xf32>
    %add3A_38 = arith.addf %add3A_25, %mul3A_37 : vector<2000x128xf32>
    %get3A_39 = arith.constant 0 : index
    %get3A_40 = arith.constant 3 : index
    %get3A_41 = vector.load %arg2[%get3A_39, %get3A_40] : memref<2000x16xf32, #tpu.memory_space<vmem>>, vector<2000x1xf32>
    %get3A_42 = arith.constant 3 : index
    %get3A_43 = arith.constant 0 : index
    %get3A_44 = arith.constant 0 : index
    %get3A_45 = vector.load %arg3[%get3A_42, %get3A_43, %get3A_44] : memref<16x128x128xf32, #tpu.memory_space<vmem>>, vector<1x128x128xf32>
    %get3A_46 = vector.shape_cast %get3A_45 : vector<1x128x128xf32> to vector<128x128xf32>
    %dot_general3A_47 = arith.constant dense<0.000000e+00> : vector<2000x128xf32>
    %dot_general3A_48 = tpu.matmul %get3A_1, %get3A_46, %dot_general3A_47 {dimension_numbers = #tpu.dot_dimension_numbers<[1], [0], [0], [1], [0, 0, 1, 1], [], []>, transpose_lhs_hint = false} : vector<2000x128xf32>, vector<128x128xf32>, vector<2000x128xf32> -> vector<2000x128xf32>
    %mul3A_49 = vector.broadcast %get3A_41 : vector<2000x1xf32> to vector<2000x128xf32>
    %mul3A_50 = arith.mulf %mul3A_49, %dot_general3A_48 : vector<2000x128xf32>
    %add3A_51 = arith.addf %add3A_38, %mul3A_50 : vector<2000x128xf32>
    %get3A_52 = arith.constant 0 : index
    %get3A_53 = arith.constant 4 : index
    %get3A_54 = vector.load %arg2[%get3A_52, %get3A_53] : memref<2000x16xf32, #tpu.memory_space<vmem>>, vector<2000x1xf32>
    %get3A_55 = arith.constant 4 : index
    %get3A_56 = arith.constant 0 : index
    %get3A_57 = arith.constant 0 : index
    %get3A_58 = vector.load %arg3[%get3A_55, %get3A_56, %get3A_57] : memref<16x128x128xf32, #tpu.memory_space<vmem>>, vector<1x128x128xf32>
    %get3A_59 = vector.shape_cast %get3A_58 : vector<1x128x128xf32> to vector<128x128xf32>
    %dot_general3A_60 = arith.constant dense<0.000000e+00> : vector<2000x128xf32>
    %dot_general3A_61 = tpu.matmul %get3A_1, %get3A_59, %dot_general3A_60 {dimension_numbers = #tpu.dot_dimension_numbers<[1], [0], [0], [1], [0, 0, 1, 1], [], []>, transpose_lhs_hint = false} : vector<2000x128xf32>, vector<128x128xf32>, vector<2000x128xf32> -> vector<2000x128xf32>
    %mul3A_62 = vector.broadcast %get3A_54 : vector<2000x1xf32> to vector<2000x128xf32>
    %mul3A_63 = arith.mulf %mul3A_62, %dot_general3A_61 : vector<2000x128xf32>
    %add3A_64 = arith.addf %add3A_51, %mul3A_63 : vector<2000x128xf32>
    %get3A_65 = arith.constant 0 : index
    %get3A_66 = arith.constant 5 : index
    %get3A_67 = vector.load %arg2[%get3A_65, %get3A_66] : memref<2000x16xf32, #tpu.memory_space<vmem>>, vector<2000x1xf32>
    %get3A_68 = arith.constant 5 : index
    %get3A_69 = arith.constant 0 : index
    %get3A_70 = arith.constant 0 : index
    %get3A_71 = vector.load %arg3[%get3A_68, %get3A_69, %get3A_70] : memref<16x128x128xf32, #tpu.memory_space<vmem>>, vector<1x128x128xf32>
    %get3A_72 = vector.shape_cast %get3A_71 : vector<1x128x128xf32> to vector<128x128xf32>
    %dot_general3A_73 = arith.constant dense<0.000000e+00> : vector<2000x128xf32>
    %dot_general3A_74 = tpu.matmul %get3A_1, %get3A_72, %dot_general3A_73 {dimension_numbers = #tpu.dot_dimension_numbers<[1], [0], [0], [1], [0, 0, 1, 1], [], []>, transpose_lhs_hint = false} : vector<2000x128xf32>, vector<128x128xf32>, vector<2000x128xf32> -> vector<2000x128xf32>
    %mul3A_75 = vector.broadcast %get3A_67 : vector<2000x1xf32> to vector<2000x128xf32>
    %mul3A_76 = arith.mulf %mul3A_75, %dot_general3A_74 : vector<2000x128xf32>
    %add3A_77 = arith.addf %add3A_64, %mul3A_76 : vector<2000x128xf32>
    %get3A_78 = arith.constant 0 : index
    %get3A_79 = arith.constant 6 : index
    %get3A_80 = vector.load %arg2[%get3A_78, %get3A_79] : memref<2000x16xf32, #tpu.memory_space<vmem>>, vector<2000x1xf32>
    %get3A_81 = arith.constant 6 : index
    %get3A_82 = arith.constant 0 : index
    %get3A_83 = arith.constant 0 : index
    %get3A_84 = vector.load %arg3[%get3A_81, %get3A_82, %get3A_83] : memref<16x128x128xf32, #tpu.memory_space<vmem>>, vector<1x128x128xf32>
    %get3A_85 = vector.shape_cast %get3A_84 : vector<1x128x128xf32> to vector<128x128xf32>
    %dot_general3A_86 = arith.constant dense<0.000000e+00> : vector<2000x128xf32>
    %dot_general3A_87 = tpu.matmul %get3A_1, %get3A_85, %dot_general3A_86 {dimension_numbers = #tpu.dot_dimension_numbers<[1], [0], [0], [1], [0, 0, 1, 1], [], []>, transpose_lhs_hint = false} : vector<2000x128xf32>, vector<128x128xf32>, vector<2000x128xf32> -> vector<2000x128xf32>
    %mul3A_88 = vector.broadcast %get3A_80 : vector<2000x1xf32> to vector<2000x128xf32>
    %mul3A_89 = arith.mulf %mul3A_88, %dot_general3A_87 : vector<2000x128xf32>
    %add3A_90 = arith.addf %add3A_77, %mul3A_89 : vector<2000x128xf32>
    %get3A_91 = arith.constant 0 : index
    %get3A_92 = arith.constant 7 : index
    %get3A_93 = vector.load %arg2[%get3A_91, %get3A_92] : memref<2000x16xf32, #tpu.memory_space<vmem>>, vector<2000x1xf32>
    %get3A_94 = arith.constant 7 : index
    %get3A_95 = arith.constant 0 : index
    %get3A_96 = arith.constant 0 : index
    %get3A_97 = vector.load %arg3[%get3A_94, %get3A_95, %get3A_96] : memref<16x128x128xf32, #tpu.memory_space<vmem>>, vector<1x128x128xf32>
    %get3A_98 = vector.shape_cast %get3A_97 : vector<1x128x128xf32> to vector<128x128xf32>
    %dot_general3A_99 = arith.constant dense<0.000000e+00> : vector<2000x128xf32>
    %dot_general3A_100 = tpu.matmul %get3A_1, %get3A_98, %dot_general3A_99 {dimension_numbers = #tpu.dot_dimension_numbers<[1], [0], [0], [1], [0, 0, 1, 1], [], []>, transpose_lhs_hint = false} : vector<2000x128xf32>, vector<128x128xf32>, vector<2000x128xf32> -> vector<2000x128xf32>
    %mul3A_101 = vector.broadcast %get3A_93 : vector<2000x1xf32> to vector<2000x128xf32>
    %mul3A_102 = arith.mulf %mul3A_101, %dot_general3A_100 : vector<2000x128xf32>
    %add3A_103 = arith.addf %add3A_90, %mul3A_102 : vector<2000x128xf32>
    %get3A_104 = arith.constant 0 : index
    %get3A_105 = arith.constant 8 : index
    %get3A_106 = vector.load %arg2[%get3A_104, %get3A_105] : memref<2000x16xf32, #tpu.memory_space<vmem>>, vector<2000x1xf32>
    %get3A_107 = arith.constant 8 : index
    %get3A_108 = arith.constant 0 : index
    %get3A_109 = arith.constant 0 : index
    %get3A_110 = vector.load %arg3[%get3A_107, %get3A_108, %get3A_109] : memref<16x128x128xf32, #tpu.memory_space<vmem>>, vector<1x128x128xf32>
    %get3A_111 = vector.shape_cast %get3A_110 : vector<1x128x128xf32> to vector<128x128xf32>
    %dot_general3A_112 = arith.constant dense<0.000000e+00> : vector<2000x128xf32>
    %dot_general3A_113 = tpu.matmul %get3A_1, %get3A_111, %dot_general3A_112 {dimension_numbers = #tpu.dot_dimension_numbers<[1], [0], [0], [1], [0, 0, 1, 1], [], []>, transpose_lhs_hint = false} : vector<2000x128xf32>, vector<128x128xf32>, vector<2000x128xf32> -> vector<2000x128xf32>
    %mul3A_114 = vector.broadcast %get3A_106 : vector<2000x1xf32> to vector<2000x128xf32>
    %mul3A_115 = arith.mulf %mul3A_114, %dot_general3A_113 : vector<2000x128xf32>
    %add3A_116 = arith.addf %add3A_103, %mul3A_115 : vector<2000x128xf32>
    %get3A_117 = arith.constant 0 : index
    %get3A_118 = arith.constant 9 : index
    %get3A_119 = vector.load %arg2[%get3A_117, %get3A_118] : memref<2000x16xf32, #tpu.memory_space<vmem>>, vector<2000x1xf32>
    %get3A_120 = arith.constant 9 : index
    %get3A_121 = arith.constant 0 : index
    %get3A_122 = arith.constant 0 : index
    %get3A_123 = vector.load %arg3[%get3A_120, %get3A_121, %get3A_122] : memref<16x128x128xf32, #tpu.memory_space<vmem>>, vector<1x128x128xf32>
    %get3A_124 = vector.shape_cast %get3A_123 : vector<1x128x128xf32> to vector<128x128xf32>
    %dot_general3A_125 = arith.constant dense<0.000000e+00> : vector<2000x128xf32>
    %dot_general3A_126 = tpu.matmul %get3A_1, %get3A_124, %dot_general3A_125 {dimension_numbers = #tpu.dot_dimension_numbers<[1], [0], [0], [1], [0, 0, 1, 1], [], []>, transpose_lhs_hint = false} : vector<2000x128xf32>, vector<128x128xf32>, vector<2000x128xf32> -> vector<2000x128xf32>
    %mul3A_127 = vector.broadcast %get3A_119 : vector<2000x1xf32> to vector<2000x128xf32>
    %mul3A_128 = arith.mulf %mul3A_127, %dot_general3A_126 : vector<2000x128xf32>
    %add3A_129 = arith.addf %add3A_116, %mul3A_128 : vector<2000x128xf32>
    %get3A_130 = arith.constant 0 : index
    %get3A_131 = arith.constant 10 : index
    %get3A_132 = vector.load %arg2[%get3A_130, %get3A_131] : memref<2000x16xf32, #tpu.memory_space<vmem>>, vector<2000x1xf32>
    %get3A_133 = arith.constant 10 : index
    %get3A_134 = arith.constant 0 : index
    %get3A_135 = arith.constant 0 : index
    %get3A_136 = vector.load %arg3[%get3A_133, %get3A_134, %get3A_135] : memref<16x128x128xf32, #tpu.memory_space<vmem>>, vector<1x128x128xf32>
    %get3A_137 = vector.shape_cast %get3A_136 : vector<1x128x128xf32> to vector<128x128xf32>
    %dot_general3A_138 = arith.constant dense<0.000000e+00> : vector<2000x128xf32>
    %dot_general3A_139 = tpu.matmul %get3A_1, %get3A_137, %dot_general3A_138 {dimension_numbers = #tpu.dot_dimension_numbers<[1], [0], [0], [1], [0, 0, 1, 1], [], []>, transpose_lhs_hint = false} : vector<2000x128xf32>, vector<128x128xf32>, vector<2000x128xf32> -> vector<2000x128xf32>
    %mul3A_140 = vector.broadcast %get3A_132 : vector<2000x1xf32> to vector<2000x128xf32>
    %mul3A_141 = arith.mulf %mul3A_140, %dot_general3A_139 : vector<2000x128xf32>
    %add3A_142 = arith.addf %add3A_129, %mul3A_141 : vector<2000x128xf32>
    %get3A_143 = arith.constant 0 : index
    %get3A_144 = arith.constant 11 : index
    %get3A_145 = vector.load %arg2[%get3A_143, %get3A_144] : memref<2000x16xf32, #tpu.memory_space<vmem>>, vector<2000x1xf32>
    %get3A_146 = arith.constant 11 : index
    %get3A_147 = arith.constant 0 : index
    %get3A_148 = arith.constant 0 : index
    %get3A_149 = vector.load %arg3[%get3A_146, %get3A_147, %get3A_148] : memref<16x128x128xf32, #tpu.memory_space<vmem>>, vector<1x128x128xf32>
    %get3A_150 = vector.shape_cast %get3A_149 : vector<1x128x128xf32> to vector<128x128xf32>
    %dot_general3A_151 = arith.constant dense<0.000000e+00> : vector<2000x128xf32>
    %dot_general3A_152 = tpu.matmul %get3A_1, %get3A_150, %dot_general3A_151 {dimension_numbers = #tpu.dot_dimension_numbers<[1], [0], [0], [1], [0, 0, 1, 1], [], []>, transpose_lhs_hint = false} : vector<2000x128xf32>, vector<128x128xf32>, vector<2000x128xf32> -> vector<2000x128xf32>
    %mul3A_153 = vector.broadcast %get3A_145 : vector<2000x1xf32> to vector<2000x128xf32>
    %mul3A_154 = arith.mulf %mul3A_153, %dot_general3A_152 : vector<2000x128xf32>
    %add3A_155 = arith.addf %add3A_142, %mul3A_154 : vector<2000x128xf32>
    %get3A_156 = arith.constant 0 : index
    %get3A_157 = arith.constant 12 : index
    %get3A_158 = vector.load %arg2[%get3A_156, %get3A_157] : memref<2000x16xf32, #tpu.memory_space<vmem>>, vector<2000x1xf32>
    %get3A_159 = arith.constant 12 : index
    %get3A_160 = arith.constant 0 : index
    %get3A_161 = arith.constant 0 : index
    %get3A_162 = vector.load %arg3[%get3A_159, %get3A_160, %get3A_161] : memref<16x128x128xf32, #tpu.memory_space<vmem>>, vector<1x128x128xf32>
    %get3A_163 = vector.shape_cast %get3A_162 : vector<1x128x128xf32> to vector<128x128xf32>
    %dot_general3A_164 = arith.constant dense<0.000000e+00> : vector<2000x128xf32>
    %dot_general3A_165 = tpu.matmul %get3A_1, %get3A_163, %dot_general3A_164 {dimension_numbers = #tpu.dot_dimension_numbers<[1], [0], [0], [1], [0, 0, 1, 1], [], []>, transpose_lhs_hint = false} : vector<2000x128xf32>, vector<128x128xf32>, vector<2000x128xf32> -> vector<2000x128xf32>
    %mul3A_166 = vector.broadcast %get3A_158 : vector<2000x1xf32> to vector<2000x128xf32>
    %mul3A_167 = arith.mulf %mul3A_166, %dot_general3A_165 : vector<2000x128xf32>
    %add3A_168 = arith.addf %add3A_155, %mul3A_167 : vector<2000x128xf32>
    %get3A_169 = arith.constant 0 : index
    %get3A_170 = arith.constant 13 : index
    %get3A_171 = vector.load %arg2[%get3A_169, %get3A_170] : memref<2000x16xf32, #tpu.memory_space<vmem>>, vector<2000x1xf32>
    %get3A_172 = arith.constant 13 : index
    %get3A_173 = arith.constant 0 : index
    %get3A_174 = arith.constant 0 : index
    %get3A_175 = vector.load %arg3[%get3A_172, %get3A_173, %get3A_174] : memref<16x128x128xf32, #tpu.memory_space<vmem>>, vector<1x128x128xf32>
    %get3A_176 = vector.shape_cast %get3A_175 : vector<1x128x128xf32> to vector<128x128xf32>
    %dot_general3A_177 = arith.constant dense<0.000000e+00> : vector<2000x128xf32>
    %dot_general3A_178 = tpu.matmul %get3A_1, %get3A_176, %dot_general3A_177 {dimension_numbers = #tpu.dot_dimension_numbers<[1], [0], [0], [1], [0, 0, 1, 1], [], []>, transpose_lhs_hint = false} : vector<2000x128xf32>, vector<128x128xf32>, vector<2000x128xf32> -> vector<2000x128xf32>
    %mul3A_179 = vector.broadcast %get3A_171 : vector<2000x1xf32> to vector<2000x128xf32>
    %mul3A_180 = arith.mulf %mul3A_179, %dot_general3A_178 : vector<2000x128xf32>
    %add3A_181 = arith.addf %add3A_168, %mul3A_180 : vector<2000x128xf32>
    %get3A_182 = arith.constant 0 : index
    %get3A_183 = arith.constant 14 : index
    %get3A_184 = vector.load %arg2[%get3A_182, %get3A_183] : memref<2000x16xf32, #tpu.memory_space<vmem>>, vector<2000x1xf32>
    %get3A_185 = arith.constant 14 : index
    %get3A_186 = arith.constant 0 : index
    %get3A_187 = arith.constant 0 : index
    %get3A_188 = vector.load %arg3[%get3A_185, %get3A_186, %get3A_187] : memref<16x128x128xf32, #tpu.memory_space<vmem>>, vector<1x128x128xf32>
    %get3A_189 = vector.shape_cast %get3A_188 : vector<1x128x128xf32> to vector<128x128xf32>
    %dot_general3A_190 = arith.constant dense<0.000000e+00> : vector<2000x128xf32>
    %dot_general3A_191 = tpu.matmul %get3A_1, %get3A_189, %dot_general3A_190 {dimension_numbers = #tpu.dot_dimension_numbers<[1], [0], [0], [1], [0, 0, 1, 1], [], []>, transpose_lhs_hint = false} : vector<2000x128xf32>, vector<128x128xf32>, vector<2000x128xf32> -> vector<2000x128xf32>
    %mul3A_192 = vector.broadcast %get3A_184 : vector<2000x1xf32> to vector<2000x128xf32>
    %mul3A_193 = arith.mulf %mul3A_192, %dot_general3A_191 : vector<2000x128xf32>
    %add3A_194 = arith.addf %add3A_181, %mul3A_193 : vector<2000x128xf32>
    %get3A_195 = arith.constant 0 : index
    %get3A_196 = arith.constant 15 : index
    %get3A_197 = vector.load %arg2[%get3A_195, %get3A_196] : memref<2000x16xf32, #tpu.memory_space<vmem>>, vector<2000x1xf32>
    %get3A_198 = arith.constant 15 : index
    %get3A_199 = arith.constant 0 : index
    %get3A_200 = arith.constant 0 : index
    %get3A_201 = vector.load %arg3[%get3A_198, %get3A_199, %get3A_200] : memref<16x128x128xf32, #tpu.memory_space<vmem>>, vector<1x128x128xf32>
    %get3A_202 = vector.shape_cast %get3A_201 : vector<1x128x128xf32> to vector<128x128xf32>
    %dot_general3A_203 = arith.constant dense<0.000000e+00> : vector<2000x128xf32>
    %dot_general3A_204 = tpu.matmul %get3A_1, %get3A_202, %dot_general3A_203 {dimension_numbers = #tpu.dot_dimension_numbers<[1], [0], [0], [1], [0, 0, 1, 1], [], []>, transpose_lhs_hint = false} : vector<2000x128xf32>, vector<128x128xf32>, vector<2000x128xf32> -> vector<2000x128xf32>
    %mul3A_205 = vector.broadcast %get3A_197 : vector<2000x1xf32> to vector<2000x128xf32>
    %mul3A_206 = arith.mulf %mul3A_205, %dot_general3A_204 : vector<2000x128xf32>
    %add3A_207 = arith.addf %add3A_194, %mul3A_206 : vector<2000x128xf32>
    %mul3A_208 = arith.constant 0.0220970865 : f32
    %mul3A_209 = vector.broadcast %mul3A_208 : f32 to vector<2000x128xf32>
    %mul3A_210 = arith.mulf %add3A_207, %mul3A_209 : vector<2000x128xf32>
    %swap3A = arith.constant 0 : index
    %swap3A_211 = arith.constant 0 : index
    %swap3A_212 = vector.load %arg4[%swap3A, %swap3A_211] : memref<2000x128xf32, #tpu.memory_space<vmem>>, vector<2000x128xf32>
    tpu.vector_store %arg4[%swap3A, %swap3A_211], %mul3A_210 {strides = array<i32>} : memref<2000x128xf32, #tpu.memory_space<vmem>>, vector<2000x128xf32>,
    return
  }
  func.func @transform_0(%arg0: i32) -> (i32, i32) {
    %c0_i32 = arith.constant 0 : i32
    %c0_i32_0 = arith.constant 0 : i32
    return %arg0, %c0_i32 : i32, i32
  }
  func.func @transform_1(%arg0: i32) -> (i32, i32) {
    %c0_i32 = arith.constant 0 : i32
    %c0_i32_0 = arith.constant 0 : i32
    return %arg0, %c0_i32 : i32, i32
  }
  func.func @transform_2(%arg0: i32) -> (i32, i32, i32) {
    %c0_i32 = arith.constant 0 : i32
    %c0_i32_0 = arith.constant 0 : i32
    %c0_i32_1 = arith.constant 0 : i32
    %c0_i32_2 = arith.constant 0 : i32
    return %c0_i32, %c0_i32_0, %c0_i32_1 : i32, i32, i32
  }
  func.func @transform_3(%arg0: i32) -> (i32, i32) {
    %c0_i32 = arith.constant 0 : i32
    %c0_i32_0 = arith.constant 0 : i32
    return %arg0, %c0_i32 : i32, i32
  }
}

module attributes {stable_mosaic.version = 14 : i64} {
  func.func @_final_body(%arg0: memref<2x10000x128xf32, #tpu.memory_space<vmem>>, %arg1: memref<128x128xf32, #tpu.memory_space<vmem>>, %arg2: memref<10000x128xf32, #tpu.memory_space<vmem>>) attributes {dimension_semantics = [], scalar_prefetch = 0 : i64, scratch_operands = 0 : i64, tpu.core_type = #tpu.core_type<tc>} {
    %get3A = arith.constant 0 : index
    %get3A_0 = arith.constant 0 : index
    %get3A_1 = arith.constant 0 : index
    %get3A_2 = vector.load %arg0[%get3A, %get3A_0, %get3A_1] : memref<2x10000x128xf32, #tpu.memory_space<vmem>>, vector<1x10000x128xf32>
    %get3A_3 = vector.shape_cast %get3A_2 : vector<1x10000x128xf32> to vector<10000x128xf32>
    %get3A_4 = arith.constant 1 : index
    %get3A_5 = arith.constant 0 : index
    %get3A_6 = arith.constant 0 : index
    %get3A_7 = vector.load %arg0[%get3A_4, %get3A_5, %get3A_6] : memref<2x10000x128xf32, #tpu.memory_space<vmem>>, vector<1x10000x128xf32>
    %get3A_8 = vector.shape_cast %get3A_7 : vector<1x10000x128xf32> to vector<10000x128xf32>
    %add3A = arith.addf %get3A_3, %get3A_8 : vector<10000x128xf32>
    %get3A_9 = arith.constant 0 : index
    %get3A_10 = arith.constant 0 : index
    %get3A_11 = vector.load %arg1[%get3A_9, %get3A_10] : memref<128x128xf32, #tpu.memory_space<vmem>>, vector<128x128xf32>
    %dot_general3A = arith.constant dense<0.000000e+00> : vector<10000x128xf32>
    %dot_general3A_12 = tpu.matmul %add3A, %get3A_11, %dot_general3A {dimension_numbers = #tpu.dot_dimension_numbers<[1], [0], [0], [1], [0, 0, 1, 1], [], []>, transpose_lhs_hint = false} : vector<10000x128xf32>, vector<128x128xf32>, vector<10000x128xf32> -> vector<10000x128xf32>
    %mul3A = arith.constant 0.00276213582 : f32
    %mul3A_13 = vector.broadcast %mul3A : f32 to vector<10000x128xf32>
    %mul3A_14 = arith.mulf %dot_general3A_12, %mul3A_13 : vector<10000x128xf32>
    %swap3A = arith.constant 0 : index
    %swap3A_15 = arith.constant 0 : index
    %swap3A_16 = vector.load %arg2[%swap3A, %swap3A_15] : memref<10000x128xf32, #tpu.memory_space<vmem>>, vector<10000x128xf32>
    tpu.vector_store %arg2[%swap3A, %swap3A_15], %mul3A_14 {strides = array<i32>} : memref<10000x128xf32, #tpu.memory_space<vmem>>, vector<10000x128xf32>,
    return
  }
}

</mosaic_0001>

<sc_bundles>
// kernel: kernel.7.cloned.1.call-start
scs
__scs_entry_jumppad:
0x0: {  	(pc) =	sbr.rel $0x88, $3  }
0x1: {  	(tag) =	ssettag $0x0;
	lr =	simm.s32 $0x1  }
0x2: {  	[smem:$0x3F95] =	sst lr;
	_ =	strace $0xD0000000  }
0x3: {  	_ = 	snop  }
0x4: {  	_ = 	snop  }
0x5: {  	_ = 	snop  }
0x6: {  	_ = 	snop  }
0x7: {  	_ = 	snop  }
__scs_overlays_trampoline_lowered:
0x8: {  	[smem:$0x3FA4] =	sst s0  }
0x9: {  	[smem:$0x3FA5] =	sst s1  }
0xa: {  	[smem:$0x3FA6] =	sst s2  }
0xb: {  	[smem:$0x3FA7] =	sst s3  }
0xc: {  	[smem:$0x3FA8] =	sst s4  }
0xd: {  	[smem:$0x3FA9] =	sst s5  }
0xe: {  	[smem:$0x3FAA] =	sst s6  }
0xf: {  	[smem:$0x3FAB] =	sst s7  }
0x10: {  	[smem:$0x3FAC] =	sst s8  }
0x11: {  	[smem:$0x3FAD] =	sst s9;
	s0 =	simm.s32 @!p0 $0x0  }
0x12: {  	s1 =	sld [smem:$0x3F93];
	s0 =	simm.s32 @p0 $0x1  }
0x13: {  	[smem:$0x3FAE] =	sst s0;
	s0 =	simm.s32 @!p1 $0x0  }
0x14: {  	s2 =	sld [smem:$0x3F92];
	s0 =	simm.s32 @p1 $0x1  }
0x15: {  	[smem:$0x3FAF] =	sst s0;
	s0 =	simm.s32 @!p2 $0x0  }
0x16: {  	s3 =	sld [smem:$0x3FDB];
	s0 =	simm.s32 @p2 $0x1  }
0x17: {  	s4 =	simm.s32 $0x1BF5;
	[smem:$0x3FB1] =	sst s0  }
0x18: {  	s0 =	sld [smem:$0x3F94];
	_ =	swait.ge [sflag:s4], $0x0  }
0x19: {  	s7 =	sld [smem:$0x3F95]  }
0x1a: {  	s8 =	sadd.s32 $0xFFFFE003, lr  }
0x1b: {  	s9 =	sadd.s32 $0xFFFFFEF7, lr;
	s5 =	simm.s32 $0xFFFFFFFF;
	p2 =	slt.u32 s8, $0xFFFFF086  }
0x1c: {  	p1 =	slt.u32 s9, $0xF7A;
	s5 =	simm.s32 @!p2 $0x0  }
0x1d: {  	s5 =	simm.s32 @p1 $0x1;
	p0 =	seq.s32 s7, s2  }
0x1e: {  	s7 =	smul.u32 @!p0 $0xF7A, s2;
	p2 =	seq.s32 @!p0 s5, $0x0  }
0x1f: {  	s9 =	smul.u32 $0xF7A, s1;
	s8 =	simm.s32 @!p0 $0x1BF5;
	p2 =	por !p2, p0  }
0x20: {  	[sflag:s8] =	ssyncset.s32 @!p0 $0xFFFFF086;
	s6 =	sadd.s32 @!p0 s3, s7;
	s7 =	simm.s32 @!p0 $0x108  }
0x21: {  	s3 =	sadd.s32 s3, s9;
	s6 =	sadd.s32 @!p0 $0x88, s6;
	s7 =	simm.s32 @p2 $0x1082  }
0x22: {  	[simem:s7], [sflag:s8] =	dma.local @!p0 [hbm:s6], $0xF7A  }
0x23: {  	s9 =	sor.u32 $0xD0000000, s2;
	s6 =	simm.s32 $0x108;
	_ =	swait.ge @!p0 [sflag:s8], $0x0  }
0x24: {  	s3 =	sadd.s32 $0x88, s3;
	s6 =	simm.s32 @!p1 $0x1082;
	[sflag:s4] =	ssyncset.s32 $0xFFFFF086  }
0x25: {  	[simem:s6], [sflag:s4] =	dma.local [hbm:s3], $0xF7A  }
0x26: {  	[smem:$0x3F95] =	sst s1;
	(tag) =	ssettag s2;
	_ =	strace s9  }
0x27: {  	s1 =	sld [smem:$0x3FA5]  }
0x28: {  	s2 =	sld [smem:$0x3FA6]  }
0x29: {  	s4 =	sld [smem:$0x3FA8]  }
0x2a: {  	p0 =	seq.s32 s5, $0x0;
	s5 =	sld [smem:$0x3FA9]  }
0x2b: {  	s6 =	sld [smem:$0x3FAA]  }
0x2c: {  	s7 =	sld [smem:$0x3FAB]  }
0x2d: {  	s3 =	simm.s32 $0x108;
	s8 =	sld [smem:$0x3FAC]  }
0x2e: {  	s3 =	simm.s32 @!p0 $0x1082;
	s9 =	sld [smem:$0x3FAD]  }
0x2f: {  	lr =	sadd.s32 s0, s3;
	s0 =	sld [smem:$0x3FA4]  }
0x30: {  	s3 =	sld [smem:$0x3FA7]  }
0x31: {  	[smem:$0x3FB0] =	sst s10  }
0x32: {  	s10 =	sld [smem:$0x3FAE];
	_ =	sdelay $0x3  }
0x33: {  	p0 =	seq.s32 s10, $0x1;
	s10 =	sld [smem:$0x3FB0];
	_ =	sdelay $0x3  }
0x34: {  	[smem:$0x3FB0] =	sst s10  }
0x35: {  	s10 =	sld [smem:$0x3FAF];
	_ =	sdelay $0x3  }
0x36: {  	p1 =	seq.s32 s10, $0x1;
	s10 =	sld [smem:$0x3FB0];
	_ =	sdelay $0x3  }
0x37: {  	[smem:$0x3FB0] =	sst s10  }
0x38: {  	s10 =	sld [smem:$0x3FB1]  }
0x39: {  	_ = 	snop;
	(pc) =	sbr.ind lr, $3  }
0x3a: {  	_ = 	snop  }
0x3b: {  	_ = 	snop  }
0x3c: {  	p2 =	seq.s32 s10, $0x1;
	s10 =	sld [smem:$0x3FB0]  }
0x3d: {  	_ =	shalt  }
0x3e: {  	_ =	shalt  }
0x3f: {  	_ =	shalt  }
0x40: {  	_ =	shalt  }
0x41: {  	_ =	shalt  }
0x42: {  	_ =	shalt  }
0x43: {  	_ =	shalt  }
0x44: {  	_ =	shalt  }
0x45: {  	_ =	shalt  }
0x46: {  	_ =	shalt  }
0x47: {  	_ =	shalt  }
0x48: {  	_ =	shalt  }
0x49: {  	_ =	shalt  }
0x4a: {  	_ =	shalt  }
0x4b: {  	_ =	shalt  }
0x4c: {  	_ =	shalt  }
0x4d: {  	_ =	shalt  }
0x4e: {  	_ =	shalt  }
0x4f: {  	_ =	shalt  }
0x50: {  	_ =	shalt  }
0x51: {  	_ =	shalt  }
0x52: {  	_ =	shalt  }
0x53: {  	_ =	shalt  }
0x54: {  	_ =	shalt  }
0x55: {  	_ =	shalt  }
0x56: {  	_ =	shalt  }
0x57: {  	_ =	shalt  }
0x58: {  	_ =	shalt  }
0x59: {  	_ =	shalt  }
0x5a: {  	_ =	shalt  }
0x5b: {  	_ =	shalt  }
0x5c: {  	_ =	shalt  }
0x5d: {  	_ =	shalt  }
0x5e: {  	_ =	shalt  }
0x5f: {  	_ =	shalt  }
0x60: {  	_ =	shalt  }
0x61: {  	_ =	shalt  }
0x62: {  	_ =	shalt  }
0x63: {  	_ =	shalt  }
0x64: {  	_ =	shalt  }
0x65: {  	_ =	shalt  }
0x66: {  	_ =	shalt  }
0x67: {  	_ =	shalt  }
0x68: {  	_ =	shalt  }
0x69: {  	_ =	shalt  }
0x6a: {  	_ =	shalt  }
0x6b: {  	_ =	shalt  }
0x6c: {  	_ =	shalt  }
0x6d: {  	_ =	shalt  }
0x6e: {  	_ =	shalt  }
0x6f: {  	_ =	shalt  }
0x70: {  	_ =	shalt  }
0x71: {  	_ =	shalt  }
0x72: {  	_ =	shalt  }
0x73: {  	_ =	shalt  }
0x74: {  	_ =	shalt  }
0x75: {  	_ =	shalt  }
0x76: {  	_ =	shalt  }
0x77: {  	_ =	shalt  }
0x78: {  	_ =	shalt  }
0x79: {  	_ =	shalt  }
0x7a: {  	_ =	shalt  }
0x7b: {  	_ =	shalt  }
0x7c: {  	_ =	shalt  }
0x7d: {  	_ =	shalt  }
0x7e: {  	_ =	shalt  }
0x7f: {  	_ =	shalt  }
0x80: {  	_ =	shalt  }
0x81: {  	_ =	shalt  }
0x82: {  	_ =	shalt  }
0x83: {  	_ =	shalt  }
0x84: {  	_ =	shalt  }
0x85: {  	_ =	shalt  }
0x86: {  	_ =	shalt  }
0x87: {  	_ =	shalt  }
.Lfunc_end0:
.L_simem_size_0:
called_computation_lowered:
.L_overlay_start_0:
0x88: {  	s2 =	sld [smem:$0x3FD9]  }
0x89: {  	s3 =	sld [smem:$0x3FFE];
	_ =	sdelay $0x1  }
0x8a: {  	s1 =	srdreg.scid  }
0x8b: {  	s0 =	sand.u32 $0x1, s1  }
0x8c: {  	s14 =	sshll.u32 s0, $0xA;
	s2 =	sadd.s32 s3, s2  }
0x8d: {  	s2 =	sadd.s32 s2, s14  }
0x8e: {  	[smem:$0x3FBC] =	sst s2  }
0x8f: {  	_ = 	snop  }
0x90: {  	s2 =	sld [smem:$0x3FD0];
	_ =	sdelay $0x2  }
0x91: {  	s15 =	simm.s32 $0xA;
	s4 =	simm.s32 $0x10  }
0x92: {  	[smem:s4], [sflag:s15] =	dma.local [hbm:s2], $0x1  }
0x93: {  	_ =	swait.eq [sflag:s15], $0x1  }
0x94: {  	[sflag:s15] =	ssyncset.done $0x0  }
0x95: {  	[sflag:s15] =	ssyncadd.s32 $0xFFFFFFFF  }
0x96: {  	s16 =	sld [smem:$0x10];
	(tm) =	ssettm $0x1  }
0x97: {  	s17 =	sld [smem:$0x3FFB];
	_ =	sdelay $0x3  }
0x98: {  	_ =	strace s17  }
0x99: {  	s3 =	sld [smem:$0x3FFC];
	_ =	sdelay $0x3  }
0x9a: {  	_ =	strace s3  }
0x9b: {  	s3 =	sld [smem:$0x3FFD];
	_ =	sdelay $0x3  }
0x9c: {  	_ =	strace s3  }
0x9d: {  	_ =	strace $0x8FFFFFFF  }
0x9e: {  	s18 =	sld [smem:$0x3FDB];
	_ =	sdelay $0x1  }
0x9f: {  	s19 =	simm.s32 $_scs_section_size  }
0xa0: {  	s5 =	simm.s32 $_size__tile_overlayer_lowered;
	s6 =	simm.s32 $_tile_overlayer_lowered  }
0xa1: {  	s22 =	simm.s32 $0x1BFF;
	s21 =	sshll.u32 s6, $0x1;
	s3 =	sadd.s32 s19, s18  }
0xa2: {  	s7 =	simm.s32 $0x0;
	s20 =	sshll.u32 s5, $0x1;
	s5 =	sadd.s32 s21, s3  }
0xa3: {  	[timem:s7], [sflag:s22] =	dma.local [hbm:s5], s20  }
0xa4: {  	_ =	swait.ge [sflag:s22], s20  }
0xa5: {  	s4 =	ssub.s32 $0x0, s20;
	[sflag:s22] =	ssyncset.done $0x0  }
0xa6: {  	[sflag:s22] =	ssyncadd.s32 s4;
	_ =	sdelay $0x1  }
0xa7: {  	s23 =	simm.s32 $0x1B8B  }
0xa8: {  	_ =	swait.ge [sflag:s23], $0x1  }
0xa9: {  	[sflag:s23] =	ssyncset.done $0x0  }
0xaa: {  	s25 =	simm.s32 $0x1B8E;
	s24 =	sld [smem:$0x3FFE];
	[sflag:s23] =	ssyncadd.s32 $0xFFFFFFFF  }
0xab: {  	s26 =	simm.s32 $execute0_lowered;
	[smem:$0x3FD2] =	sst s25  }
0xac: {  	s5 =	sshll.u32 s26, $0x1;
	_ =	strace $0x80000046;
	[dreg:$0x1] =	wrdreg $0xFFFFFFFF  }
0xad: {  	s28 =	simm.s32 $_size_execute0_lowered;
	s3 =	sadd.s32 s3, s5;
	[dreg:$0x0] =	wrdreg $0x0  }
0xae: {  	s5 =	sshll.u32 s28, $0x1;
	[dreg:$0x2] =	wrdreg s3  }
0xaf: {  	[dreg:$0x3] =	wrdreg s5  }
0xb0: {  	[dreg:$0x4] =	wrdreg $0xC0  }
0xb1: {  	_ =	task [dreg:s7], $0x5FFFF  }
0xb2: {  	[dreg:$0x1] =	wrdreg $0xFFFFFFFF  }
0xb3: {  	[dreg:$0x0] =	wrdreg $0x60  }
0xb4: {  	[dreg:$0x2] =	wrdreg s16  }
0xb5: {  	[dreg:$0x3] =	wrdreg s24  }
0xb6: {  	[dreg:$0x4] =	wrdreg $0xA6000  }
0xb7: {  	[dreg:$0x5] =	wrdreg $0x9  }
0xb8: {  	_ =	task.clear_ibuf [dreg:s7], $0x6FFFF;
	_ =	strace $0x90000046  }
0xb9: {  	s29 =	simm.s32 $0x9;
	_ =	strace $0x80000048  }
0xba: {  	_ =	swait.ge [sflag:s29], $0x1  }
0xbb: {  	[sflag:s29] =	ssyncadd.s32 $0xFFFFFFFF  }
0xbc: {  	_ =	strace $0x90000048  }
0xbd: {  	_ =	sfence  }
0xbe: {  	s30 =	sld [smem:$0x0];
	_ =	sdelay $0x2  }
0xbf: {  	s31 =	sshll.u32 s1, $0xD;
	s1 =	sshrl.u32 s1, $0x2  }
0xc0: {  	s3 =	sand.u32 $0x4000, s31;
	s1 =	sadd.s32 s1, s30  }
0xc1: {  	s0 =	sor.u32 s3, s0;
	s1 =	sshll.u32 s1, $0x11  }
0xc2: {  	s0 =	sor.u32 s1, s0  }
0xc3: {  	s0 =	sadd.s32 $0x8F2B, s0  }
0xc4: {  	[sflag:s0] =	ssyncadd.remote.s32 $0x1  }
0xc5: {  	_ =	sfence.sel $0xFFFF  }
0xc6: {  	[dreg:$0x0] =	wrdreg $0xFFFFFFFF;
	(pc) =	sbr.abs _section_cstart, $3  }
0xc7: {  	[dreg:$0x1] =	wrdreg $0xFFFFFFFF  }
0xc8: {  	_ =	task.clear_ibuf [dreg:s7], $0x2FFFF;
	_ =	strace $0x9FFFFFFF  }
0xc9: {  	(tm) =	ssettm $0x7FFFFFFF  }
tec
execute0_lowered:
.L_overlay_start_1:
0x0: {  	(tag) =	ssettag $0x1  }
0x1: {  	s1 =	rddreg [dreg:$0x0]  }
0x2: {  	s0 =	rddreg [dreg:$0x1]  }
0x3: {  	s2 =	rddreg [dreg:$0x2];
	s14 =	stileid.u32  }
0x4: {  	s3 =	srdreg.scid;
	s8 =	smul.u32 $0x1F400, s14  }
0x5: {  	s3 =	sand.u32 $0x1, s3;
	s6 =	sshll.u32 s14, $0x1;
	s12 =	smul.u32 $0x7D000, s14  }
0x6: {  	s4 =	simm.s32 $0x0;
	s7 =	smul.u32 $0x138800, s3;
	s10 =	sor.u32 s3, s6  }
0x7: {  	[smem:$0x7FF] =	sst s4;
	s11 =	smul.u32 $0x138800, s10  }
0x8: {  	s5 =	sadd.s32 $0x9E5800, s0;
	s8 =	sadd.s32 s8, s7;
	s7 =	smul.u32 $0x2710, s10  }
0x9: {  	_ =	strace $0x80000047;
	s9 =	sshrl.u32 s8, $0x3;
	s8 =	smul.u32 $0x7D00, s10  }
0xa: {  	s6 =	sadd.s32 $0x9C6400, s0;
	s3 =	ssub.s32 $0x2, s3;
	s10 =	smul.u32 $0x27100, s10  }
0xb: {  	s15 =	sshrl.u32 s3, $0x1;
	s12 =	sshrl.u32 s12, $0x2;
	s11 =	sshrl.u32 s11, $0x3  }
0xc: {  	s0 =	sadd.s32 s9, s0;
	s11 =	sadd.s32 s5, s11;
	s10 =	sadd.s32 s5, s10  }
0xd: {  	s16 =	sshrl.u32 s8, $0x3;
	s17 =	sadd.s32 $0x500, s11;
	[dreg:$0x5] =	wrdreg s10  }
0xe: {  	s0 =	sadd.s32 $0x2400, s0;
	s9 =	sadd.s32 s6, s16;
	[dreg:$0x6] =	wrdreg s17  }
0xf: {  	s3 =	ssub.s32 s3, s15;
	[dreg:$0x11] =	wrdreg s0;
	s13 =	sadd.s32 $0x20, s9  }
0x10: {  	[dreg:$0x4] =	wrdreg s13;
	s13 =	sadd.s32 s12, s2;
	s12 =	smax.u32 s3, $0x1  }
0x11: {  	s18 =	sadd.s32 $0x400, s13;
	[dreg:$0x12] =	wrdreg s12  }
0x12: {  	s19 =	sadd.s32 $0x800, s13;
	[dreg:$0x7] =	wrdreg s18  }
0x13: {  	s20 =	sadd.s32 $0xC00, s13;
	[dreg:$0x8] =	wrdreg s19  }
0x14: {  	s21 =	sadd.s32 $0x1000, s13;
	[dreg:$0x9] =	wrdreg s20  }
0x15: {  	s22 =	sadd.s32 $0x1400, s13;
	[dreg:$0xa] =	wrdreg s21  }
0x16: {  	s23 =	sadd.s32 $0x1800, s13;
	[dreg:$0xb] =	wrdreg s22  }
0x17: {  	s24 =	sadd.s32 $0x1C00, s13;
	[dreg:$0xc] =	wrdreg s23  }
0x18: {  	s25 =	sadd.s32 $0x2000, s13;
	[dreg:$0xd] =	wrdreg s24  }
0x19: {  	s26 =	sadd.s32 $0x2400, s13;
	[dreg:$0xe] =	wrdreg s25  }
0x1a: {  	s11 =	sadd.s32 $0x2800, s13;
	[dreg:$0xf] =	wrdreg s26  }
0x1b: {  	s15 =	sadd.s32 $0x2C00, s13;
	[dreg:$0x10] =	wrdreg s11  }
0x1c: {  	s16 =	sadd.s32 $0x3000, s13;
	[dreg:$0x13] =	wrdreg s15  }
0x1d: {  	s17 =	sadd.s32 $0x3400, s13;
	[dreg:$0x14] =	wrdreg s16  }
0x1e: {  	s3 =	sadd.s32 $0x5C00, s13;
	[dreg:$0x15] =	wrdreg s17  }
0x1f: {  	s10 =	sadd.s32 $0x6000, s13;
	[dreg:$0x1f] =	wrdreg s3  }
0x20: {  	s12 =	sadd.s32 $0x6800, s13;
	[smem:$0x799] =	sst s10  }
0x21: {  	p0 =	sgt.u32 s14, $0x9;
	s14 =	sadd.s32 $0x6C00, s13;
	[smem:$0x79B] =	sst s12  }
0x22: {  	s18 =	sadd.s32 $0x3800, s13;
	[smem:$0x79C] =	sst s14  }
0x23: {  	s19 =	sadd.s32 $0x3C00, s13;
	[dreg:$0x16] =	wrdreg s18  }
0x24: {  	s20 =	sadd.s32 $0x4000, s13;
	[dreg:$0x17] =	wrdreg s19  }
0x25: {  	s21 =	sadd.s32 $0x4400, s13;
	[dreg:$0x18] =	wrdreg s20  }
0x26: {  	s22 =	sadd.s32 $0x4800, s13;
	[dreg:$0x19] =	wrdreg s21  }
0x27: {  	s23 =	sadd.s32 $0x4C00, s13;
	[dreg:$0x1a] =	wrdreg s22  }
0x28: {  	s24 =	sadd.s32 $0x5000, s13;
	[dreg:$0x1b] =	wrdreg s23  }
0x29: {  	s25 =	sadd.s32 $0x5400, s13;
	[dreg:$0x1c] =	wrdreg s24  }
0x2a: {  	s26 =	sadd.s32 $0x5800, s13;
	[dreg:$0x1d] =	wrdreg s25  }
0x2b: {  	s11 =	sadd.s32 $0x6400, s13;
	[dreg:$0x1e] =	wrdreg s26  }
0x2c: {  	s15 =	sadd.s32 $0x7000, s13;
	[smem:$0x79A] =	sst s11  }
0x2d: {  	s16 =	sadd.s32 $0x7400, s13;
	[smem:$0x79D] =	sst s15  }
0x2e: {  	s17 =	sadd.s32 $0x7800, s13;
	[smem:$0x79E] =	sst s16  }
0x2f: {  	s3 =	sadd.s32 $0xA000, s13;
	[smem:$0x79F] =	sst s17  }
0x30: {  	s10 =	sadd.s32 $0xA400, s13;
	[smem:$0x7A9] =	sst s3  }
0x31: {  	s12 =	sadd.s32 $0xAC00, s13;
	[smem:$0x7AA] =	sst s10  }
0x32: {  	s14 =	sadd.s32 $0xB000, s13;
	[smem:$0x7AC] =	sst s12  }
0x33: {  	s18 =	sadd.s32 $0x7C00, s13;
	[smem:$0x7AD] =	sst s14  }
0x34: {  	s19 =	sadd.s32 $0x8000, s13;
	[smem:$0x7A0] =	sst s18  }
0x35: {  	s20 =	sadd.s32 $0x8400, s13;
	[smem:$0x7A1] =	sst s19  }
0x36: {  	s21 =	sadd.s32 $0x8800, s13;
	[smem:$0x7A2] =	sst s20  }
0x37: {  	s22 =	sadd.s32 $0x8C00, s13;
	[smem:$0x7A3] =	sst s21  }
0x38: {  	s23 =	sadd.s32 $0x9000, s13;
	[smem:$0x7A4] =	sst s22  }
0x39: {  	s24 =	sadd.s32 $0x9400, s13;
	[smem:$0x7A5] =	sst s23  }
0x3a: {  	s25 =	sadd.s32 $0x9800, s13;
	[smem:$0x7A6] =	sst s24  }
0x3b: {  	s26 =	sadd.s32 $0x9C00, s13;
	[smem:$0x7A7] =	sst s25  }
0x3c: {  	s11 =	sadd.s32 $0xA800, s13;
	[smem:$0x7A8] =	sst s26  }
0x3d: {  	s15 =	sadd.s32 $0xB400, s13;
	[smem:$0x7AB] =	sst s11  }
0x3e: {  	s16 =	sadd.s32 $0xB800, s13;
	[smem:$0x7AE] =	sst s15  }
0x3f: {  	s17 =	sadd.s32 $0xBC00, s13;
	[smem:$0x7AF] =	sst s16  }
0x40: {  	s3 =	sadd.s32 $0xE400, s13;
	[smem:$0x7B0] =	sst s17  }
0x41: {  	s10 =	sadd.s32 $0xE800, s13;
	[smem:$0x7BA] =	sst s3  }
0x42: {  	s12 =	sadd.s32 $0xF000, s13;
	[smem:$0x7BB] =	sst s10  }
0x43: {  	s14 =	sadd.s32 $0xF400, s13;
	[smem:$0x7BD] =	sst s12  }
0x44: {  	s18 =	sadd.s32 $0xC000, s13;
	[smem:$0x7BE] =	sst s14  }
0x45: {  	s19 =	sadd.s32 $0xC400, s13;
	[smem:$0x7B1] =	sst s18  }
0x46: {  	s20 =	sadd.s32 $0xC800, s13;
	[smem:$0x7B2] =	sst s19  }
0x47: {  	s21 =	sadd.s32 $0xCC00, s13;
	[smem:$0x7B3] =	sst s20  }
0x48: {  	s22 =	sadd.s32 $0xD000, s13;
	[smem:$0x7B4] =	sst s21  }
0x49: {  	s23 =	sadd.s32 $0xD400, s13;
	[smem:$0x7B5] =	sst s22  }
0x4a: {  	s24 =	sadd.s32 $0xD800, s13;
	[smem:$0x7B6] =	sst s23  }
0x4b: {  	s25 =	sadd.s32 $0xDC00, s13;
	[smem:$0x7B7] =	sst s24  }
0x4c: {  	s26 =	sadd.s32 $0xE000, s13;
	[smem:$0x7B8] =	sst s25  }
0x4d: {  	s11 =	sadd.s32 $0xEC00, s13;
	[smem:$0x7B9] =	sst s26  }
0x4e: {  	s15 =	sadd.s32 $0xF800, s13;
	[smem:$0x7BC] =	sst s11  }
0x4f: {  	s16 =	sadd.s32 $0xFC00, s13;
	[smem:$0x7BF] =	sst s15  }
0x50: {  	s17 =	sadd.s32 $0x10000, s13;
	[smem:$0x7C0] =	sst s16  }
0x51: {  	s3 =	sadd.s32 $0x12800, s13;
	[smem:$0x7C1] =	sst s17  }
0x52: {  	s10 =	sadd.s32 $0x12C00, s13;
	[smem:$0x7CB] =	sst s3  }
0x53: {  	s12 =	sadd.s32 $0x13400, s13;
	[smem:$0x7CC] =	sst s10  }
0x54: {  	s14 =	sadd.s32 $0x13800, s13;
	[smem:$0x7CE] =	sst s12  }
0x55: {  	s18 =	sadd.s32 $0x10400, s13;
	[smem:$0x7CF] =	sst s14  }
0x56: {  	s19 =	sadd.s32 $0x10800, s13;
	[smem:$0x7C2] =	sst s18  }
0x57: {  	s20 =	sadd.s32 $0x10C00, s13;
	[smem:$0x7C3] =	sst s19  }
0x58: {  	s21 =	sadd.s32 $0x11000, s13;
	[smem:$0x7C4] =	sst s20  }
0x59: {  	s22 =	sadd.s32 $0x11400, s13;
	[smem:$0x7C5] =	sst s21  }
0x5a: {  	s23 =	sadd.s32 $0x11800, s13;
	[smem:$0x7C6] =	sst s22  }
0x5b: {  	s24 =	sadd.s32 $0x11C00, s13;
	[smem:$0x7C7] =	sst s23  }
0x5c: {  	s25 =	sadd.s32 $0x12000, s13;
	[smem:$0x7C8] =	sst s24  }
0x5d: {  	s26 =	sadd.s32 $0x12400, s13;
	[smem:$0x7C9] =	sst s25  }
0x5e: {  	s11 =	sadd.s32 $0x13000, s13;
	[smem:$0x7CA] =	sst s26  }
0x5f: {  	s15 =	sadd.s32 $0x13C00, s13;
	[smem:$0x7CD] =	sst s11  }
0x60: {  	s16 =	sadd.s32 $0x14000, s13;
	[smem:$0x7D0] =	sst s15  }
0x61: {  	s17 =	sadd.s32 $0x14400, s13;
	[smem:$0x7D1] =	sst s16  }
0x62: {  	s3 =	sadd.s32 $0x16C00, s13;
	[smem:$0x7D2] =	sst s17  }
0x63: {  	s10 =	sadd.s32 $0x17000, s13;
	[smem:$0x7DC] =	sst s3  }
0x64: {  	s12 =	sadd.s32 $0x17800, s13;
	[smem:$0x7DD] =	sst s10  }
0x65: {  	s14 =	sadd.s32 $0x17C00, s13;
	[smem:$0x7DF] =	sst s12  }
0x66: {  	s18 =	sadd.s32 $0x14800, s13;
	[smem:$0x7E0] =	sst s14  }
0x67: {  	s19 =	sadd.s32 $0x14C00, s13;
	[smem:$0x7D3] =	sst s18  }
0x68: {  	s20 =	sadd.s32 $0x15000, s13;
	[smem:$0x7D4] =	sst s19  }
0x69: {  	s21 =	sadd.s32 $0x15400, s13;
	[smem:$0x7D5] =	sst s20  }
0x6a: {  	s22 =	sadd.s32 $0x15800, s13;
	[smem:$0x7D6] =	sst s21  }
0x6b: {  	s23 =	sadd.s32 $0x15C00, s13;
	[smem:$0x7D7] =	sst s22  }
0x6c: {  	s24 =	sadd.s32 $0x16000, s13;
	[smem:$0x7D8] =	sst s23  }
0x6d: {  	s25 =	sadd.s32 $0x16400, s13;
	[smem:$0x7D9] =	sst s24  }
0x6e: {  	s26 =	sadd.s32 $0x16800, s13;
	[smem:$0x7DA] =	sst s25  }
0x6f: {  	s11 =	sadd.s32 $0x17400, s13;
	[smem:$0x7DB] =	sst s26  }
0x70: {  	s15 =	sadd.s32 $0x18000, s13;
	[smem:$0x7DE] =	sst s11  }
0x71: {  	s16 =	sadd.s32 $0x18400, s13;
	[smem:$0x7E1] =	sst s15  }
0x72: {  	s17 =	sadd.s32 $0x18800, s13;
	[smem:$0x7E2] =	sst s16  }
0x73: {  	s3 =	sadd.s32 $0x1B000, s13;
	[smem:$0x7E3] =	sst s17  }
0x74: {  	s10 =	sadd.s32 $0x1B400, s13;
	[smem:$0x7ED] =	sst s3  }
0x75: {  	s12 =	sadd.s32 $0x1BC00, s13;
	[smem:$0x7EE] =	sst s10  }
0x76: {  	s14 =	sadd.s32 $0x1C000, s13;
	[smem:$0x7F0] =	sst s12  }
0x77: {  	s18 =	sadd.s32 $0x18C00, s13;
	[smem:$0x7F1] =	sst s14  }
0x78: {  	s19 =	sadd.s32 $0x19000, s13;
	[smem:$0x7E4] =	sst s18  }
0x79: {  	s20 =	sadd.s32 $0x19400, s13;
	[smem:$0x7E5] =	sst s19  }
0x7a: {  	s21 =	sadd.s32 $0x19800, s13;
	[smem:$0x7E6] =	sst s20  }
0x7b: {  	s22 =	sadd.s32 $0x19C00, s13;
	[smem:$0x7E7] =	sst s21  }
0x7c: {  	s23 =	sadd.s32 $0x1A000, s13;
	[smem:$0x7E8] =	sst s22  }
0x7d: {  	s24 =	sadd.s32 $0x1A400, s13;
	[smem:$0x7E9] =	sst s23  }
0x7e: {  	s25 =	sadd.s32 $0x1A800, s13;
	[smem:$0x7EA] =	sst s24  }
0x7f: {  	s26 =	sadd.s32 $0x1AC00, s13;
	[smem:$0x7EB] =	sst s25  }
0x80: {  	s11 =	sadd.s32 $0x1B800, s13;
	[smem:$0x7EC] =	sst s26  }
0x81: {  	s15 =	sadd.s32 $0x1C400, s13;
	[smem:$0x7EF] =	sst s11  }
0x82: {  	s16 =	sadd.s32 $0x1C800, s13;
	[smem:$0x7F2] =	sst s15  }
0x83: {  	s17 =	sadd.s32 $0x1CC00, s13;
	[smem:$0x7F3] =	sst s16  }
0x84: {  	s28 =	simm.s32 $0x200;
	[smem:$0x7F4] =	sst s17;
	s18 =	sadd.s32 $0x1D000, s13  }
0x85: {  	s29 =	simm.s32 $0x2A00;
	s19 =	sadd.s32 $0x1D400, s13;
	[smem:$0x7F5] =	sst s18  }
0x86: {  	s30 =	simm.s32 $0x1;
	s20 =	sadd.s32 $0x1D800, s13;
	[smem:$0x7F6] =	sst s19  }
0x87: {  	s31 =	simm.s32 $0x50;
	s21 =	sadd.s32 $0x1DC00, s13;
	[smem:$0x7F7] =	sst s20  }
0x88: {  	s0 =	simm.s32 $0x5200;
	s22 =	sadd.s32 $0x1E000, s13;
	[smem:$0x7F8] =	sst s21  }
0x89: {  	s14 =	simm.s32 $0xA200;
	s23 =	sadd.s32 $0x1E400, s13;
	[smem:$0x7F9] =	sst s22  }
0x8a: {  	s3 =	simm.s32 $0x5;
	s24 =	sadd.s32 $0x1E800, s13;
	[smem:$0x7FA] =	sst s23  }
0x8b: {  	s25 =	sadd.s32 $0x1EC00, s13;
	s26 =	sadd.s32 $0x1F000, s13;
	[smem:$0x7FB] =	sst s24  }
0x8c: {  	s15 =	simm.s32 $0x7;
	s16 =	simm.s32 $0x2;
	[smem:$0x7FC] =	sst s25  }
0x8d: {  	s17 =	simm.s32 $0x7A00;
	[smem:$0x7FD] =	sst s26;
	s26 =	simm.s32 $0x100  }
0x8e: {  	s18 =	simm.s32 $0x3;
	s19 =	simm.s32 $0x80;
	s20 =	simm.s32 $0x4  }
0x8f: {  	v0 =	vimm.f32 $0.0e+00;
	s21 =	simm.s32 $0x6;
	s22 =	simm.s32 $0x180;
	s23 =	simm.s32 $0x0  }
.LBB2_1:
0x90: {  	[tilespmem:s4], [sflag:$0x1] =	stream.linear.gather [hbm4b:s9+s4], $0x100, $0x38;
	[tilespmem:$0x1DE80] =	vst v63  }
0x91: {  	s10 =	rddreg [dreg:$0x4]  }
0x92: {  	[tilespmem:s26], [sflag:$0x2] =	stream.linear.gather [hbm4b:s10+s4], $0x100, $0x38;
	[tilespmem:$0x1DE80] =	vst v63  }
0x93: {  	s24 =	rddreg [dreg:$0x5]  }
0x94: {  	[tilespmem:s28], [sflag:$0x3] =	stream.linear.gather [hbm4b:s24+s4], $0x2800, $0x38;
	[tilespmem:$0x1DE80] =	vst v63  }
0x95: {  	s25 =	rddreg [dreg:$0x6]  }
0x96: {  	[tilespmem:s29], [sflag:$0x4] =	stream.linear.gather [hbm4b:s25+s4], $0x2800, $0x38;
	[tilespmem:$0x1DE80] =	vst v63  }
0x97: {  	_ =	swait.ge [sflag:s30], $0x100  }
0x98: {  	[sflag:s30] =	ssyncset.done $0x0  }
0x99: {  	[sflag:s30] =	ssyncadd.s32 $0xFFFFFF00  }
0x9a: {  	[tilespmem:s0], [sflag:$0x5] =	stream.indirect.gather [hbm4b:s1+s31], $0x80, s4, s31, $0xb8;
	[tilespmem:$0x1DE80] =	vst v63  }
0x9b: {  	[tilespmem:$0xA200] =	vst v0  }
0x9c: {  	[tilespmem:$0xA210] =	vst v0  }
0x9d: {  	[tilespmem:$0xA220] =	vst v0  }
0x9e: {  	[tilespmem:$0xA230] =	vst v0  }
0x9f: {  	[tilespmem:$0xA240] =	vst v0  }
0xa0: {  	[tilespmem:$0xA250] =	vst v0  }
0xa1: {  	[tilespmem:$0xA260] =	vst v0  }
0xa2: {  	[tilespmem:$0xA270] =	vst v0  }
0xa3: {  	[tilespmem:$0xA280] =	vst v0  }
0xa4: {  	[tilespmem:$0xA290] =	vst v0  }
0xa5: {  	[tilespmem:$0xA2A0] =	vst v0  }
0xa6: {  	[tilespmem:$0xA2B0] =	vst v0  }
0xa7: {  	[tilespmem:$0xA2C0] =	vst v0  }
0xa8: {  	[tilespmem:$0xA2D0] =	vst v0  }
0xa9: {  	[tilespmem:$0xA2E0] =	vst v0  }
0xaa: {  	[tilespmem:$0xA2F0] =	vst v0  }
0xab: {  	[tilespmem:$0xA300] =	vst v0  }
0xac: {  	[tilespmem:$0xA310] =	vst v0  }
0xad: {  	[tilespmem:$0xA320] =	vst v0  }
0xae: {  	[tilespmem:$0xA330] =	vst v0  }
0xaf: {  	[tilespmem:$0xA340] =	vst v0  }
0xb0: {  	[tilespmem:$0xA350] =	vst v0  }
0xb1: {  	[tilespmem:$0xA360] =	vst v0  }
0xb2: {  	[tilespmem:$0xA370] =	vst v0  }
0xb3: {  	[tilespmem:$0xA380] =	vst v0  }
0xb4: {  	[tilespmem:$0xA390] =	vst v0  }
0xb5: {  	[tilespmem:$0xA3A0] =	vst v0  }
0xb6: {  	[tilespmem:$0xA3B0] =	vst v0  }
0xb7: {  	[tilespmem:$0xA3C0] =	vst v0  }
0xb8: {  	[tilespmem:$0xA3D0] =	vst v0  }
0xb9: {  	[tilespmem:$0xA3E0] =	vst v0  }
0xba: {  	[tilespmem:$0xA3F0] =	vst v0  }
0xbb: {  	[tilespmem:$0xA400] =	vst v0  }
0xbc: {  	[tilespmem:$0xA410] =	vst v0  }
0xbd: {  	[tilespmem:$0xA420] =	vst v0  }
0xbe: {  	[tilespmem:$0xA430] =	vst v0  }
0xbf: {  	[tilespmem:$0xA440] =	vst v0  }
0xc0: {  	[tilespmem:$0xA450] =	vst v0  }
0xc1: {  	[tilespmem:$0xA460] =	vst v0  }
0xc2: {  	[tilespmem:$0xA470] =	vst v0  }
0xc3: {  	[tilespmem:$0xA480] =	vst v0  }
0xc4: {  	[tilespmem:$0xA490] =	vst v0  }
0xc5: {  	[tilespmem:$0xA4A0] =	vst v0  }
0xc6: {  	[tilespmem:$0xA4B0] =	vst v0  }
0xc7: {  	[tilespmem:$0xA4C0] =	vst v0  }
0xc8: {  	[tilespmem:$0xA4D0] =	vst v0  }
0xc9: {  	[tilespmem:$0xA4E0] =	vst v0  }
0xca: {  	[tilespmem:$0xA4F0] =	vst v0  }
0xcb: {  	[tilespmem:$0xA500] =	vst v0  }
0xcc: {  	[tilespmem:$0xA510] =	vst v0  }
0xcd: {  	[tilespmem:$0xA520] =	vst v0  }
0xce: {  	[tilespmem:$0xA530] =	vst v0  }
0xcf: {  	[tilespmem:$0xA540] =	vst v0  }
0xd0: {  	[tilespmem:$0xA550] =	vst v0  }
0xd1: {  	[tilespmem:$0xA560] =	vst v0  }
0xd2: {  	[tilespmem:$0xA570] =	vst v0  }
0xd3: {  	[tilespmem:$0xA580] =	vst v0  }
0xd4: {  	[tilespmem:$0xA590] =	vst v0  }
0xd5: {  	[tilespmem:$0xA5A0] =	vst v0  }
.Ltmp0:
0xd6: {  	[tilespmem:$0xA5B0] =	vst v0;
	(pc) =	sbr.rel @p0 .LBB2_3-.Ltmp0, $4  }
0xd7: {  	[tilespmem:$0xA5C0] =	vst v0  }
0xd8: {  	[tilespmem:$0xA5D0] =	vst v0  }
0xd9: {  	[tilespmem:$0xA5E0] =	vst v0  }
0xda: {  	[tilespmem:$0xA5F0] =	vst v0  }
0xdb: {  	[spmem:s13] =	stream.linear.scatter [tilespmem:s14], [sflag:$0x7], $0x400, $0x38;
	[tilespmem:$0x1DE80] =	vst v63  }
0xdc: {  	_ =	swait.ge [sflag:s15], $0x400  }
0xdd: {  	[sflag:s15] =	ssyncset.done $0x0  }
0xde: {  	s10 =	rddreg [dreg:$0x7];
	[sflag:s15] =	ssyncadd.s32 $0xFFFFFC00  }
0xdf: {  	[spmem:s10] =	stream.linear.scatter [tilespmem:s14], [sflag:$0x7], $0x400, $0x38;
	[tilespmem:$0x1DE80] =	vst v63  }
0xe0: {  	_ =	swait.ge [sflag:s15], $0x400  }
0xe1: {  	[sflag:s15] =	ssyncset.done $0x0  }
0xe2: {  	s12 =	rddreg [dreg:$0x8];
	[sflag:s15] =	ssyncadd.s32 $0xFFFFFC00  }
0xe3: {  	[spmem:s12] =	stream.linear.scatter [tilespmem:s14], [sflag:$0x7], $0x400, $0x38;
	[tilespmem:$0x1DE80] =	vst v63  }
0xe4: {  	_ =	swait.ge [sflag:s15], $0x400  }
0xe5: {  	[sflag:s15] =	ssyncset.done $0x0  }
0xe6: {  	s24 =	rddreg [dreg:$0x9];
	[sflag:s15] =	ssyncadd.s32 $0xFFFFFC00  }
0xe7: {  	[spmem:s24] =	stream.linear.scatter [tilespmem:s14], [sflag:$0x7], $0x400, $0x38;
	[tilespmem:$0x1DE80] =	vst v63  }
0xe8: {  	_ =	swait.ge [sflag:s15], $0x400  }
0xe9: {  	[sflag:s15] =	ssyncset.done $0x0  }
0xea: {  	s25 =	rddreg [dreg:$0xa];
	[sflag:s15] =	ssyncadd.s32 $0xFFFFFC00  }
0xeb: {  	[spmem:s25] =	stream.linear.scatter [tilespmem:s14], [sflag:$0x7], $0x400, $0x38;
	[tilespmem:$0x1DE80] =	vst v63  }
0xec: {  	_ =	swait.ge [sflag:s15], $0x400  }
0xed: {  	[sflag:s15] =	ssyncset.done $0x0  }
0xee: {  	s11 =	rddreg [dreg:$0xb];
	[sflag:s15] =	ssyncadd.s32 $0xFFFFFC00  }
0xef: {  	[spmem:s11] =	stream.linear.scatter [tilespmem:s14], [sflag:$0x7], $0x400, $0x38;
	[tilespmem:$0x1DE80] =	vst v63  }
0xf0: {  	_ =	swait.ge [sflag:s15], $0x400  }
0xf1: {  	[sflag:s15] =	ssyncset.done $0x0  }
0xf2: {  	s12 =	rddreg [dreg:$0xc];
	[sflag:s15] =	ssyncadd.s32 $0xFFFFFC00  }
0xf3: {  	[spmem:s12] =	stream.linear.scatter [tilespmem:s14], [sflag:$0x7], $0x400, $0x38;
	[tilespmem:$0x1DE80] =	vst v63  }
0xf4: {  	_ =	swait.ge [sflag:s15], $0x400  }
0xf5: {  	[sflag:s15] =	ssyncset.done $0x0  }
0xf6: {  	s24 =	rddreg [dreg:$0xd];
	[sflag:s15] =	ssyncadd.s32 $0xFFFFFC00  }
0xf7: {  	[spmem:s24] =	stream.linear.scatter [tilespmem:s14], [sflag:$0x7], $0x400, $0x38;
	[tilespmem:$0x1DE80] =	vst v63  }
0xf8: {  	_ =	swait.ge [sflag:s15], $0x400  }
0xf9: {  	[sflag:s15] =	ssyncset.done $0x0  }
0xfa: {  	s25 =	rddreg [dreg:$0xe];
	[sflag:s15] =	ssyncadd.s32 $0xFFFFFC00  }
0xfb: {  	[spmem:s25] =	stream.linear.scatter [tilespmem:s14], [sflag:$0x7], $0x400, $0x38;
	[tilespmem:$0x1DE80] =	vst v63  }
0xfc: {  	_ =	swait.ge [sflag:s15], $0x400  }
0xfd: {  	[sflag:s15] =	ssyncset.done $0x0  }
0xfe: {  	s11 =	rddreg [dreg:$0xf];
	[sflag:s15] =	ssyncadd.s32 $0xFFFFFC00  }
0xff: {  	[spmem:s11] =	stream.linear.scatter [tilespmem:s14], [sflag:$0x7], $0x400, $0x38;
	[tilespmem:$0x1DE80] =	vst v63  }
0x100: {  	_ =	swait.ge [sflag:s15], $0x400  }
0x101: {  	[sflag:s15] =	ssyncset.done $0x0  }
0x102: {  	s12 =	rddreg [dreg:$0x10];
	[sflag:s15] =	ssyncadd.s32 $0xFFFFFC00  }
0x103: {  	[spmem:s12] =	stream.linear.scatter [tilespmem:s14], [sflag:$0x7], $0x400, $0x38;
	[tilespmem:$0x1DE80] =	vst v63  }
0x104: {  	_ =	swait.ge [sflag:s15], $0x400  }
0x105: {  	[sflag:s15] =	ssyncset.done $0x0  }
0x106: {  	s24 =	rddreg [dreg:$0x13];
	[sflag:s15] =	ssyncadd.s32 $0xFFFFFC00  }
0x107: {  	[spmem:s24] =	stream.linear.scatter [tilespmem:s14], [sflag:$0x7], $0x400, $0x38;
	[tilespmem:$0x1DE80] =	vst v63  }
0x108: {  	_ =	swait.ge [sflag:s15], $0x400  }
0x109: {  	[sflag:s15] =	ssyncset.done $0x0  }
0x10a: {  	s25 =	rddreg [dreg:$0x14];
	[sflag:s15] =	ssyncadd.s32 $0xFFFFFC00  }
0x10b: {  	[spmem:s25] =	stream.linear.scatter [tilespmem:s14], [sflag:$0x7], $0x400, $0x38;
	[tilespmem:$0x1DE80] =	vst v63  }
0x10c: {  	_ =	swait.ge [sflag:s15], $0x400  }
0x10d: {  	[sflag:s15] =	ssyncset.done $0x0  }
0x10e: {  	s11 =	rddreg [dreg:$0x15];
	[sflag:s15] =	ssyncadd.s32 $0xFFFFFC00  }
0x10f: {  	[spmem:s11] =	stream.linear.scatter [tilespmem:s14], [sflag:$0x7], $0x400, $0x38;
	[tilespmem:$0x1DE80] =	vst v63  }
0x110: {  	_ =	swait.ge [sflag:s15], $0x400  }
0x111: {  	[sflag:s15] =	ssyncset.done $0x0  }
0x112: {  	s12 =	rddreg [dreg:$0x16];
	[sflag:s15] =	ssyncadd.s32 $0xFFFFFC00  }
0x113: {  	[spmem:s12] =	stream.linear.scatter [tilespmem:s14], [sflag:$0x7], $0x400, $0x38;
	[tilespmem:$0x1DE80] =	vst v63  }
0x114: {  	_ =	swait.ge [sflag:s15], $0x400  }
0x115: {  	[sflag:s15] =	ssyncset.done $0x0  }
0x116: {  	s24 =	rddreg [dreg:$0x17];
	[sflag:s15] =	ssyncadd.s32 $0xFFFFFC00  }
0x117: {  	[spmem:s24] =	stream.linear.scatter [tilespmem:s14], [sflag:$0x7], $0x400, $0x38;
	[tilespmem:$0x1DE80] =	vst v63  }
0x118: {  	_ =	swait.ge [sflag:s15], $0x400  }
0x119: {  	[sflag:s15] =	ssyncset.done $0x0  }
0x11a: {  	s25 =	rddreg [dreg:$0x18];
	[sflag:s15] =	ssyncadd.s32 $0xFFFFFC00  }
0x11b: {  	[spmem:s25] =	stream.linear.scatter [tilespmem:s14], [sflag:$0x7], $0x400, $0x38;
	[tilespmem:$0x1DE80] =	vst v63  }
0x11c: {  	_ =	swait.ge [sflag:s15], $0x400  }
0x11d: {  	[sflag:s15] =	ssyncset.done $0x0  }
0x11e: {  	s11 =	rddreg [dreg:$0x19];
	[sflag:s15] =	ssyncadd.s32 $0xFFFFFC00  }
0x11f: {  	[spmem:s11] =	stream.linear.scatter [tilespmem:s14], [sflag:$0x7], $0x400, $0x38;
	[tilespmem:$0x1DE80] =	vst v63  }
0x120: {  	_ =	swait.ge [sflag:s15], $0x400  }
0x121: {  	[sflag:s15] =	ssyncset.done $0x0  }
0x122: {  	s12 =	rddreg [dreg:$0x1a];
	[sflag:s15] =	ssyncadd.s32 $0xFFFFFC00  }
0x123: {  	[spmem:s12] =	stream.linear.scatter [tilespmem:s14], [sflag:$0x7], $0x400, $0x38;
	[tilespmem:$0x1DE80] =	vst v63  }
0x124: {  	_ =	swait.ge [sflag:s15], $0x400  }
0x125: {  	[sflag:s15] =	ssyncset.done $0x0  }
0x126: {  	s24 =	rddreg [dreg:$0x1b];
	[sflag:s15] =	ssyncadd.s32 $0xFFFFFC00  }
0x127: {  	[spmem:s24] =	stream.linear.scatter [tilespmem:s14], [sflag:$0x7], $0x400, $0x38;
	[tilespmem:$0x1DE80] =	vst v63  }
0x128: {  	_ =	swait.ge [sflag:s15], $0x400  }
0x129: {  	[sflag:s15] =	ssyncset.done $0x0  }
0x12a: {  	s25 =	rddreg [dreg:$0x1c];
	[sflag:s15] =	ssyncadd.s32 $0xFFFFFC00  }
0x12b: {  	[spmem:s25] =	stream.linear.scatter [tilespmem:s14], [sflag:$0x7], $0x400, $0x38;
	[tilespmem:$0x1DE80] =	vst v63  }
0x12c: {  	_ =	swait.ge [sflag:s15], $0x400  }
0x12d: {  	[sflag:s15] =	ssyncset.done $0x0  }
0x12e: {  	s11 =	rddreg [dreg:$0x1d];
	[sflag:s15] =	ssyncadd.s32 $0xFFFFFC00  }
0x12f: {  	[spmem:s11] =	stream.linear.scatter [tilespmem:s14], [sflag:$0x7], $0x400, $0x38;
	[tilespmem:$0x1DE80] =	vst v63  }
0x130: {  	_ =	swait.ge [sflag:s15], $0x400  }
0x131: {  	[sflag:s15] =	ssyncset.done $0x0  }
0x132: {  	s12 =	rddreg [dreg:$0x1e];
	[sflag:s15] =	ssyncadd.s32 $0xFFFFFC00  }
0x133: {  	[spmem:s12] =	stream.linear.scatter [tilespmem:s14], [sflag:$0x7], $0x400, $0x38;
	[tilespmem:$0x1DE80] =	vst v63  }
0x134: {  	_ =	swait.ge [sflag:s15], $0x400  }
0x135: {  	[sflag:s15] =	ssyncset.done $0x0  }
0x136: {  	s24 =	rddreg [dreg:$0x1f];
	[sflag:s15] =	ssyncadd.s32 $0xFFFFFC00  }
0x137: {  	[spmem:s24] =	stream.linear.scatter [tilespmem:s14], [sflag:$0x7], $0x400, $0x38;
	[tilespmem:$0x1DE80] =	vst v63  }
0x138: {  	_ =	swait.ge [sflag:s15], $0x400  }
0x139: {  	s25 =	sld [smem:$0x799]  }
0x13a: {  	[sflag:s15] =	ssyncset.done $0x0  }
0x13b: {  	[sflag:s15] =	ssyncadd.s32 $0xFFFFFC00  }
0x13c: {  	[spmem:s25] =	stream.linear.scatter [tilespmem:s14], [sflag:$0x7], $0x400, $0x38;
	[tilespmem:$0x1DE80] =	vst v63  }
0x13d: {  	_ =	swait.ge [sflag:s15], $0x400  }
0x13e: {  	s11 =	sld [smem:$0x79A]  }
0x13f: {  	[sflag:s15] =	ssyncset.done $0x0  }
0x140: {  	[sflag:s15] =	ssyncadd.s32 $0xFFFFFC00  }
0x141: {  	[spmem:s11] =	stream.linear.scatter [tilespmem:s14], [sflag:$0x7], $0x400, $0x38;
	[tilespmem:$0x1DE80] =	vst v63  }
0x142: {  	_ =	swait.ge [sflag:s15], $0x400  }
0x143: {  	s12 =	sld [smem:$0x79B]  }
0x144: {  	[sflag:s15] =	ssyncset.done $0x0  }
0x145: {  	[sflag:s15] =	ssyncadd.s32 $0xFFFFFC00  }
0x146: {  	[spmem:s12] =	stream.linear.scatter [tilespmem:s14], [sflag:$0x7], $0x400, $0x38;
	[tilespmem:$0x1DE80] =	vst v63  }
0x147: {  	_ =	swait.ge [sflag:s15], $0x400  }
0x148: {  	s24 =	sld [smem:$0x79C]  }
0x149: {  	[sflag:s15] =	ssyncset.done $0x0  }
0x14a: {  	[sflag:s15] =	ssyncadd.s32 $0xFFFFFC00  }
0x14b: {  	[spmem:s24] =	stream.linear.scatter [tilespmem:s14], [sflag:$0x7], $0x400, $0x38;
	[tilespmem:$0x1DE80] =	vst v63  }
0x14c: {  	_ =	swait.ge [sflag:s15], $0x400  }
0x14d: {  	s25 =	sld [smem:$0x79D]  }
0x14e: {  	[sflag:s15] =	ssyncset.done $0x0  }
0x14f: {  	[sflag:s15] =	ssyncadd.s32 $0xFFFFFC00  }
0x150: {  	[spmem:s25] =	stream.linear.scatter [tilespmem:s14], [sflag:$0x7], $0x400, $0x38;
	[tilespmem:$0x1DE80] =	vst v63  }
0x151: {  	_ =	swait.ge [sflag:s15], $0x400  }
0x152: {  	s11 =	sld [smem:$0x79E]  }
0x153: {  	[sflag:s15] =	ssyncset.done $0x0  }
0x154: {  	[sflag:s15] =	ssyncadd.s32 $0xFFFFFC00  }
0x155: {  	[spmem:s11] =	stream.linear.scatter [tilespmem:s14], [sflag:$0x7], $0x400, $0x38;
	[tilespmem:$0x1DE80] =	vst v63  }
0x156: {  	_ =	swait.ge [sflag:s15], $0x400  }
0x157: {  	s12 =	sld [smem:$0x79F]  }
0x158: {  	[sflag:s15] =	ssyncset.done $0x0  }
0x159: {  	[sflag:s15] =	ssyncadd.s32 $0xFFFFFC00  }
0x15a: {  	[spmem:s12] =	stream.linear.scatter [tilespmem:s14], [sflag:$0x7], $0x400, $0x38;
	[tilespmem:$0x1DE80] =	vst v63  }
0x15b: {  	_ =	swait.ge [sflag:s15], $0x400  }
0x15c: {  	s24 =	sld [smem:$0x7A0]  }
0x15d: {  	[sflag:s15] =	ssyncset.done $0x0  }
0x15e: {  	[sflag:s15] =	ssyncadd.s32 $0xFFFFFC00  }
0x15f: {  	[spmem:s24] =	stream.linear.scatter [tilespmem:s14], [sflag:$0x7], $0x400, $0x38;
	[tilespmem:$0x1DE80] =	vst v63  }
0x160: {  	_ =	swait.ge [sflag:s15], $0x400  }
0x161: {  	s25 =	sld [smem:$0x7A1]  }
0x162: {  	[sflag:s15] =	ssyncset.done $0x0  }
0x163: {  	[sflag:s15] =	ssyncadd.s32 $0xFFFFFC00  }
0x164: {  	[spmem:s25] =	stream.linear.scatter [tilespmem:s14], [sflag:$0x7], $0x400, $0x38;
	[tilespmem:$0x1DE80] =	vst v63  }
0x165: {  	_ =	swait.ge [sflag:s15], $0x400  }
0x166: {  	s11 =	sld [smem:$0x7A2]  }
0x167: {  	[sflag:s15] =	ssyncset.done $0x0  }
0x168: {  	[sflag:s15] =	ssyncadd.s32 $0xFFFFFC00  }
0x169: {  	[spmem:s11] =	stream.linear.scatter [tilespmem:s14], [sflag:$0x7], $0x400, $0x38;
	[tilespmem:$0x1DE80] =	vst v63  }
0x16a: {  	_ =	swait.ge [sflag:s15], $0x400  }
0x16b: {  	s12 =	sld [smem:$0x7A3]  }
0x16c: {  	[sflag:s15] =	ssyncset.done $0x0  }
0x16d: {  	[sflag:s15] =	ssyncadd.s32 $0xFFFFFC00  }
0x16e: {  	[spmem:s12] =	stream.linear.scatter [tilespmem:s14], [sflag:$0x7], $0x400, $0x38;
	[tilespmem:$0x1DE80] =	vst v63  }
0x16f: {  	_ =	swait.ge [sflag:s15], $0x400  }
0x170: {  	s24 =	sld [smem:$0x7A4]  }
0x171: {  	[sflag:s15] =	ssyncset.done $0x0  }
0x172: {  	[sflag:s15] =	ssyncadd.s32 $0xFFFFFC00  }
0x173: {  	[spmem:s24] =	stream.linear.scatter [tilespmem:s14], [sflag:$0x7], $0x400, $0x38;
	[tilespmem:$0x1DE80] =	vst v63  }
0x174: {  	_ =	swait.ge [sflag:s15], $0x400  }
0x175: {  	s25 =	sld [smem:$0x7A5]  }
0x176: {  	[sflag:s15] =	ssyncset.done $0x0  }
0x177: {  	[sflag:s15] =	ssyncadd.s32 $0xFFFFFC00  }
0x178: {  	[spmem:s25] =	stream.linear.scatter [tilespmem:s14], [sflag:$0x7], $0x400, $0x38;
	[tilespmem:$0x1DE80] =	vst v63  }
0x179: {  	_ =	swait.ge [sflag:s15], $0x400  }
0x17a: {  	s11 =	sld [smem:$0x7A6]  }
0x17b: {  	[sflag:s15] =	ssyncset.done $0x0  }
0x17c: {  	[sflag:s15] =	ssyncadd.s32 $0xFFFFFC00  }
0x17d: {  	[spmem:s11] =	stream.linear.scatter [tilespmem:s14], [sflag:$0x7], $0x400, $0x38;
	[tilespmem:$0x1DE80] =	vst v63  }
0x17e: {  	_ =	swait.ge [sflag:s15], $0x400  }
0x17f: {  	s12 =	sld [smem:$0x7A7]  }
0x180: {  	[sflag:s15] =	ssyncset.done $0x0  }
0x181: {  	[sflag:s15] =	ssyncadd.s32 $0xFFFFFC00  }
0x182: {  	[spmem:s12] =	stream.linear.scatter [tilespmem:s14], [sflag:$0x7], $0x400, $0x38;
	[tilespmem:$0x1DE80] =	vst v63  }
0x183: {  	_ =	swait.ge [sflag:s15], $0x400  }
0x184: {  	s24 =	sld [smem:$0x7A8]  }
0x185: {  	[sflag:s15] =	ssyncset.done $0x0  }
0x186: {  	[sflag:s15] =	ssyncadd.s32 $0xFFFFFC00  }
0x187: {  	[spmem:s24] =	stream.linear.scatter [tilespmem:s14], [sflag:$0x7], $0x400, $0x38;
	[tilespmem:$0x1DE80] =	vst v63  }
0x188: {  	_ =	swait.ge [sflag:s15], $0x400  }
0x189: {  	s25 =	sld [smem:$0x7A9]  }
0x18a: {  	[sflag:s15] =	ssyncset.done $0x0  }
0x18b: {  	[sflag:s15] =	ssyncadd.s32 $0xFFFFFC00  }
0x18c: {  	[spmem:s25] =	stream.linear.scatter [tilespmem:s14], [sflag:$0x7], $0x400, $0x38;
	[tilespmem:$0x1DE80] =	vst v63  }
0x18d: {  	_ =	swait.ge [sflag:s15], $0x400  }
0x18e: {  	s11 =	sld [smem:$0x7AA]  }
0x18f: {  	[sflag:s15] =	ssyncset.done $0x0  }
0x190: {  	[sflag:s15] =	ssyncadd.s32 $0xFFFFFC00  }
0x191: {  	[spmem:s11] =	stream.linear.scatter [tilespmem:s14], [sflag:$0x7], $0x400, $0x38;
	[tilespmem:$0x1DE80] =	vst v63  }
0x192: {  	_ =	swait.ge [sflag:s15], $0x400  }
0x193: {  	s12 =	sld [smem:$0x7AB]  }
0x194: {  	[sflag:s15] =	ssyncset.done $0x0  }
0x195: {  	[sflag:s15] =	ssyncadd.s32 $0xFFFFFC00  }
0x196: {  	[spmem:s12] =	stream.linear.scatter [tilespmem:s14], [sflag:$0x7], $0x400, $0x38;
	[tilespmem:$0x1DE80] =	vst v63  }
0x197: {  	_ =	swait.ge [sflag:s15], $0x400  }
0x198: {  	s24 =	sld [smem:$0x7AC]  }
0x199: {  	[sflag:s15] =	ssyncset.done $0x0  }
0x19a: {  	[sflag:s15] =	ssyncadd.s32 $0xFFFFFC00  }
0x19b: {  	[spmem:s24] =	stream.linear.scatter [tilespmem:s14], [sflag:$0x7], $0x400, $0x38;
	[tilespmem:$0x1DE80] =	vst v63  }
0x19c: {  	_ =	swait.ge [sflag:s15], $0x400  }
0x19d: {  	s25 =	sld [smem:$0x7AD]  }
0x19e: {  	[sflag:s15] =	ssyncset.done $0x0  }
0x19f: {  	[sflag:s15] =	ssyncadd.s32 $0xFFFFFC00  }
0x1a0: {  	[spmem:s25] =	stream.linear.scatter [tilespmem:s14], [sflag:$0x7], $0x400, $0x38;
	[tilespmem:$0x1DE80] =	vst v63  }
0x1a1: {  	_ =	swait.ge [sflag:s15], $0x400  }
0x1a2: {  	s11 =	sld [smem:$0x7AE]  }
0x1a3: {  	[sflag:s15] =	ssyncset.done $0x0  }
0x1a4: {  	[sflag:s15] =	ssyncadd.s32 $0xFFFFFC00  }
0x1a5: {  	[spmem:s11] =	stream.linear.scatter [tilespmem:s14], [sflag:$0x7], $0x400, $0x38;
	[tilespmem:$0x1DE80] =	vst v63  }
0x1a6: {  	_ =	swait.ge [sflag:s15], $0x400  }
0x1a7: {  	s12 =	sld [smem:$0x7AF]  }
0x1a8: {  	[sflag:s15] =	ssyncset.done $0x0  }
0x1a9: {  	[sflag:s15] =	ssyncadd.s32 $0xFFFFFC00  }
0x1aa: {  	[spmem:s12] =	stream.linear.scatter [tilespmem:s14], [sflag:$0x7], $0x400, $0x38;
	[tilespmem:$0x1DE80] =	vst v63  }
0x1ab: {  	_ =	swait.ge [sflag:s15], $0x400  }
0x1ac: {  	s24 =	sld [smem:$0x7B0]  }
0x1ad: {  	[sflag:s15] =	ssyncset.done $0x0  }
0x1ae: {  	[sflag:s15] =	ssyncadd.s32 $0xFFFFFC00  }
0x1af: {  	[spmem:s24] =	stream.linear.scatter [tilespmem:s14], [sflag:$0x7], $0x400, $0x38;
	[tilespmem:$0x1DE80] =	vst v63  }
0x1b0: {  	_ =	swait.ge [sflag:s15], $0x400  }
0x1b1: {  	s25 =	sld [smem:$0x7B1]  }
0x1b2: {  	[sflag:s15] =	ssyncset.done $0x0  }
0x1b3: {  	[sflag:s15] =	ssyncadd.s32 $0xFFFFFC00  }
0x1b4: {  	[spmem:s25] =	stream.linear.scatter [tilespmem:s14], [sflag:$0x7], $0x400, $0x38;
	[tilespmem:$0x1DE80] =	vst v63  }
0x1b5: {  	_ =	swait.ge [sflag:s15], $0x400  }
0x1b6: {  	s11 =	sld [smem:$0x7B2]  }
0x1b7: {  	[sflag:s15] =	ssyncset.done $0x0  }
0x1b8: {  	[sflag:s15] =	ssyncadd.s32 $0xFFFFFC00  }
0x1b9: {  	[spmem:s11] =	stream.linear.scatter [tilespmem:s14], [sflag:$0x7], $0x400, $0x38;
	[tilespmem:$0x1DE80] =	vst v63  }
0x1ba: {  	_ =	swait.ge [sflag:s15], $0x400  }
0x1bb: {  	s12 =	sld [smem:$0x7B3]  }
0x1bc: {  	[sflag:s15] =	ssyncset.done $0x0  }
0x1bd: {  	[sflag:s15] =	ssyncadd.s32 $0xFFFFFC00  }
0x1be: {  	[spmem:s12] =	stream.linear.scatter [tilespmem:s14], [sflag:$0x7], $0x400, $0x38;
	[tilespmem:$0x1DE80] =	vst v63  }
0x1bf: {  	_ =	swait.ge [sflag:s15], $0x400  }
0x1c0: {  	s24 =	sld [smem:$0x7B4]  }
0x1c1: {  	[sflag:s15] =	ssyncset.done $0x0  }
0x1c2: {  	[sflag:s15] =	ssyncadd.s32 $0xFFFFFC00  }
0x1c3: {  	[spmem:s24] =	stream.linear.scatter [tilespmem:s14], [sflag:$0x7], $0x400, $0x38;
	[tilespmem:$0x1DE80] =	vst v63  }
0x1c4: {  	_ =	swait.ge [sflag:s15], $0x400  }
0x1c5: {  	s25 =	sld [smem:$0x7B5]  }
0x1c6: {  	[sflag:s15] =	ssyncset.done $0x0  }
0x1c7: {  	[sflag:s15] =	ssyncadd.s32 $0xFFFFFC00  }
0x1c8: {  	[spmem:s25] =	stream.linear.scatter [tilespmem:s14], [sflag:$0x7], $0x400, $0x38;
	[tilespmem:$0x1DE80] =	vst v63  }
0x1c9: {  	_ =	swait.ge [sflag:s15], $0x400  }
0x1ca: {  	s11 =	sld [smem:$0x7B6]  }
0x1cb: {  	[sflag:s15] =	ssyncset.done $0x0  }
0x1cc: {  	[sflag:s15] =	ssyncadd.s32 $0xFFFFFC00  }
0x1cd: {  	[spmem:s11] =	stream.linear.scatter [tilespmem:s14], [sflag:$0x7], $0x400, $0x38;
	[tilespmem:$0x1DE80] =	vst v63  }
0x1ce: {  	_ =	swait.ge [sflag:s15], $0x400  }
0x1cf: {  	s12 =	sld [smem:$0x7B7]  }
0x1d0: {  	[sflag:s15] =	ssyncset.done $0x0  }
0x1d1: {  	[sflag:s15] =	ssyncadd.s32 $0xFFFFFC00  }
0x1d2: {  	[spmem:s12] =	stream.linear.scatter [tilespmem:s14], [sflag:$0x7], $0x400, $0x38;
	[tilespmem:$0x1DE80] =	vst v63  }
0x1d3: {  	_ =	swait.ge [sflag:s15], $0x400  }
0x1d4: {  	s24 =	sld [smem:$0x7B8]  }
0x1d5: {  	[sflag:s15] =	ssyncset.done $0x0  }
0x1d6: {  	[sflag:s15] =	ssyncadd.s32 $0xFFFFFC00  }
0x1d7: {  	[spmem:s24] =	stream.linear.scatter [tilespmem:s14], [sflag:$0x7], $0x400, $0x38;
	[tilespmem:$0x1DE80] =	vst v63  }
0x1d8: {  	_ =	swait.ge [sflag:s15], $0x400  }
0x1d9: {  	s25 =	sld [smem:$0x7B9]  }
0x1da: {  	[sflag:s15] =	ssyncset.done $0x0  }
0x1db: {  	[sflag:s15] =	ssyncadd.s32 $0xFFFFFC00  }
0x1dc: {  	[spmem:s25] =	stream.linear.scatter [tilespmem:s14], [sflag:$0x7], $0x400, $0x38;
	[tilespmem:$0x1DE80] =	vst v63  }
0x1dd: {  	_ =	swait.ge [sflag:s15], $0x400  }
0x1de: {  	s11 =	sld [smem:$0x7BA]  }
0x1df: {  	[sflag:s15] =	ssyncset.done $0x0  }
0x1e0: {  	[sflag:s15] =	ssyncadd.s32 $0xFFFFFC00  }
0x1e1: {  	[spmem:s11] =	stream.linear.scatter [tilespmem:s14], [sflag:$0x7], $0x400, $0x38;
	[tilespmem:$0x1DE80] =	vst v63  }
0x1e2: {  	_ =	swait.ge [sflag:s15], $0x400  }
0x1e3: {  	s12 =	sld [smem:$0x7BB]  }
0x1e4: {  	[sflag:s15] =	ssyncset.done $0x0  }
0x1e5: {  	[sflag:s15] =	ssyncadd.s32 $0xFFFFFC00  }
0x1e6: {  	[spmem:s12] =	stream.linear.scatter [tilespmem:s14], [sflag:$0x7], $0x400, $0x38;
	[tilespmem:$0x1DE80] =	vst v63  }
0x1e7: {  	_ =	swait.ge [sflag:s15], $0x400  }
0x1e8: {  	s24 =	sld [smem:$0x7BC]  }
0x1e9: {  	[sflag:s15] =	ssyncset.done $0x0  }
0x1ea: {  	[sflag:s15] =	ssyncadd.s32 $0xFFFFFC00  }
0x1eb: {  	[spmem:s24] =	stream.linear.scatter [tilespmem:s14], [sflag:$0x7], $0x400, $0x38;
	[tilespmem:$0x1DE80] =	vst v63  }
0x1ec: {  	_ =	swait.ge [sflag:s15], $0x400  }
0x1ed: {  	s25 =	sld [smem:$0x7BD]  }
0x1ee: {  	[sflag:s15] =	ssyncset.done $0x0  }
0x1ef: {  	[sflag:s15] =	ssyncadd.s32 $0xFFFFFC00  }
0x1f0: {  	[spmem:s25] =	stream.linear.scatter [tilespmem:s14], [sflag:$0x7], $0x400, $0x38;
	[tilespmem:$0x1DE80] =	vst v63  }
0x1f1: {  	_ =	swait.ge [sflag:s15], $0x400  }
0x1f2: {  	s11 =	sld [smem:$0x7BE]  }
0x1f3: {  	[sflag:s15] =	ssyncset.done $0x0  }
0x1f4: {  	[sflag:s15] =	ssyncadd.s32 $0xFFFFFC00  }
0x1f5: {  	[spmem:s11] =	stream.linear.scatter [tilespmem:s14], [sflag:$0x7], $0x400, $0x38;
	[tilespmem:$0x1DE80] =	vst v63  }
0x1f6: {  	_ =	swait.ge [sflag:s15], $0x400  }
0x1f7: {  	s12 =	sld [smem:$0x7BF]  }
0x1f8: {  	[sflag:s15] =	ssyncset.done $0x0  }
0x1f9: {  	[sflag:s15] =	ssyncadd.s32 $0xFFFFFC00  }
0x1fa: {  	[spmem:s12] =	stream.linear.scatter [tilespmem:s14], [sflag:$0x7], $0x400, $0x38;
	[tilespmem:$0x1DE80] =	vst v63  }
0x1fb: {  	_ =	swait.ge [sflag:s15], $0x400  }
0x1fc: {  	s24 =	sld [smem:$0x7C0]  }
0x1fd: {  	[sflag:s15] =	ssyncset.done $0x0  }
0x1fe: {  	[sflag:s15] =	ssyncadd.s32 $0xFFFFFC00  }
0x1ff: {  	[spmem:s24] =	stream.linear.scatter [tilespmem:s14], [sflag:$0x7], $0x400, $0x38;
	[tilespmem:$0x1DE80] =	vst v63  }
0x200: {  	_ =	swait.ge [sflag:s15], $0x400  }
0x201: {  	s25 =	sld [smem:$0x7C1]  }
0x202: {  	[sflag:s15] =	ssyncset.done $0x0  }
0x203: {  	[sflag:s15] =	ssyncadd.s32 $0xFFFFFC00  }
0x204: {  	[spmem:s25] =	stream.linear.scatter [tilespmem:s14], [sflag:$0x7], $0x400, $0x38;
	[tilespmem:$0x1DE80] =	vst v63  }
0x205: {  	_ =	swait.ge [sflag:s15], $0x400  }
0x206: {  	s11 =	sld [smem:$0x7C2]  }
0x207: {  	[sflag:s15] =	ssyncset.done $0x0  }
0x208: {  	[sflag:s15] =	ssyncadd.s32 $0xFFFFFC00  }
0x209: {  	[spmem:s11] =	stream.linear.scatter [tilespmem:s14], [sflag:$0x7], $0x400, $0x38;
	[tilespmem:$0x1DE80] =	vst v63  }
0x20a: {  	_ =	swait.ge [sflag:s15], $0x400  }
0x20b: {  	s12 =	sld [smem:$0x7C3]  }
0x20c: {  	[sflag:s15] =	ssyncset.done $0x0  }
0x20d: {  	[sflag:s15] =	ssyncadd.s32 $0xFFFFFC00  }
0x20e: {  	[spmem:s12] =	stream.linear.scatter [tilespmem:s14], [sflag:$0x7], $0x400, $0x38;
	[tilespmem:$0x1DE80] =	vst v63  }
0x20f: {  	_ =	swait.ge [sflag:s15], $0x400  }
0x210: {  	s24 =	sld [smem:$0x7C4]  }
0x211: {  	[sflag:s15] =	ssyncset.done $0x0  }
0x212: {  	[sflag:s15] =	ssyncadd.s32 $0xFFFFFC00  }
0x213: {  	[spmem:s24] =	stream.linear.scatter [tilespmem:s14], [sflag:$0x7], $0x400, $0x38;
	[tilespmem:$0x1DE80] =	vst v63  }
0x214: {  	_ =	swait.ge [sflag:s15], $0x400  }
0x215: {  	s25 =	sld [smem:$0x7C5]  }
0x216: {  	[sflag:s15] =	ssyncset.done $0x0  }
0x217: {  	[sflag:s15] =	ssyncadd.s32 $0xFFFFFC00  }
0x218: {  	[spmem:s25] =	stream.linear.scatter [tilespmem:s14], [sflag:$0x7], $0x400, $0x38;
	[tilespmem:$0x1DE80] =	vst v63  }
0x219: {  	_ =	swait.ge [sflag:s15], $0x400  }
0x21a: {  	s11 =	sld [smem:$0x7C6]  }
0x21b: {  	[sflag:s15] =	ssyncset.done $0x0  }
0x21c: {  	[sflag:s15] =	ssyncadd.s32 $0xFFFFFC00  }
0x21d: {  	[spmem:s11] =	stream.linear.scatter [tilespmem:s14], [sflag:$0x7], $0x400, $0x38;
	[tilespmem:$0x1DE80] =	vst v63  }
0x21e: {  	_ =	swait.ge [sflag:s15], $0x400  }
0x21f: {  	s12 =	sld [smem:$0x7C7]  }
0x220: {  	[sflag:s15] =	ssyncset.done $0x0  }
0x221: {  	[sflag:s15] =	ssyncadd.s32 $0xFFFFFC00  }
0x222: {  	[spmem:s12] =	stream.linear.scatter [tilespmem:s14], [sflag:$0x7], $0x400, $0x38;
	[tilespmem:$0x1DE80] =	vst v63  }
0x223: {  	_ =	swait.ge [sflag:s15], $0x400  }
0x224: {  	s24 =	sld [smem:$0x7C8]  }
0x225: {  	[sflag:s15] =	ssyncset.done $0x0  }
0x226: {  	[sflag:s15] =	ssyncadd.s32 $0xFFFFFC00  }
0x227: {  	[spmem:s24] =	stream.linear.scatter [tilespmem:s14], [sflag:$0x7], $0x400, $0x38;
	[tilespmem:$0x1DE80] =	vst v63  }
0x228: {  	_ =	swait.ge [sflag:s15], $0x400  }
0x229: {  	s25 =	sld [smem:$0x7C9]  }
0x22a: {  	[sflag:s15] =	ssyncset.done $0x0  }
0x22b: {  	[sflag:s15] =	ssyncadd.s32 $0xFFFFFC00  }
0x22c: {  	[spmem:s25] =	stream.linear.scatter [tilespmem:s14], [sflag:$0x7], $0x400, $0x38;
	[tilespmem:$0x1DE80] =	vst v63  }
0x22d: {  	_ =	swait.ge [sflag:s15], $0x400  }
0x22e: {  	s11 =	sld [smem:$0x7CA]  }
0x22f: {  	[sflag:s15] =	ssyncset.done $0x0  }
0x230: {  	[sflag:s15] =	ssyncadd.s32 $0xFFFFFC00  }
0x231: {  	[spmem:s11] =	stream.linear.scatter [tilespmem:s14], [sflag:$0x7], $0x400, $0x38;
	[tilespmem:$0x1DE80] =	vst v63  }
0x232: {  	_ =	swait.ge [sflag:s15], $0x400  }
0x233: {  	s12 =	sld [smem:$0x7CB]  }
0x234: {  	[sflag:s15] =	ssyncset.done $0x0  }
0x235: {  	[sflag:s15] =	ssyncadd.s32 $0xFFFFFC00  }
0x236: {  	[spmem:s12] =	stream.linear.scatter [tilespmem:s14], [sflag:$0x7], $0x400, $0x38;
	[tilespmem:$0x1DE80] =	vst v63  }
0x237: {  	_ =	swait.ge [sflag:s15], $0x400  }
0x238: {  	s24 =	sld [smem:$0x7CC]  }
0x239: {  	[sflag:s15] =	ssyncset.done $0x0  }
0x23a: {  	[sflag:s15] =	ssyncadd.s32 $0xFFFFFC00  }
0x23b: {  	[spmem:s24] =	stream.linear.scatter [tilespmem:s14], [sflag:$0x7], $0x400, $0x38;
	[tilespmem:$0x1DE80] =	vst v63  }
0x23c: {  	_ =	swait.ge [sflag:s15], $0x400  }
0x23d: {  	s25 =	sld [smem:$0x7CD]  }
0x23e: {  	[sflag:s15] =	ssyncset.done $0x0  }
0x23f: {  	[sflag:s15] =	ssyncadd.s32 $0xFFFFFC00  }
0x240: {  	[spmem:s25] =	stream.linear.scatter [tilespmem:s14], [sflag:$0x7], $0x400, $0x38;
	[tilespmem:$0x1DE80] =	vst v63  }
0x241: {  	_ =	swait.ge [sflag:s15], $0x400  }
0x242: {  	s11 =	sld [smem:$0x7CE]  }
0x243: {  	[sflag:s15] =	ssyncset.done $0x0  }
0x244: {  	[sflag:s15] =	ssyncadd.s32 $0xFFFFFC00  }
0x245: {  	[spmem:s11] =	stream.linear.scatter [tilespmem:s14], [sflag:$0x7], $0x400, $0x38;
	[tilespmem:$0x1DE80] =	vst v63  }
0x246: {  	_ =	swait.ge [sflag:s15], $0x400  }
0x247: {  	s12 =	sld [smem:$0x7CF]  }
0x248: {  	[sflag:s15] =	ssyncset.done $0x0  }
0x249: {  	[sflag:s15] =	ssyncadd.s32 $0xFFFFFC00  }
0x24a: {  	[spmem:s12] =	stream.linear.scatter [tilespmem:s14], [sflag:$0x7], $0x400, $0x38;
	[tilespmem:$0x1DE80] =	vst v63  }
0x24b: {  	_ =	swait.ge [sflag:s15], $0x400  }
0x24c: {  	s24 =	sld [smem:$0x7D0]  }
0x24d: {  	[sflag:s15] =	ssyncset.done $0x0  }
0x24e: {  	[sflag:s15] =	ssyncadd.s32 $0xFFFFFC00  }
0x24f: {  	[spmem:s24] =	stream.linear.scatter [tilespmem:s14], [sflag:$0x7], $0x400, $0x38;
	[tilespmem:$0x1DE80] =	vst v63  }
0x250: {  	_ =	swait.ge [sflag:s15], $0x400  }
0x251: {  	s25 =	sld [smem:$0x7D1]  }
0x252: {  	[sflag:s15] =	ssyncset.done $0x0  }
0x253: {  	[sflag:s15] =	ssyncadd.s32 $0xFFFFFC00  }
0x254: {  	[spmem:s25] =	stream.linear.scatter [tilespmem:s14], [sflag:$0x7], $0x400, $0x38;
	[tilespmem:$0x1DE80] =	vst v63  }
0x255: {  	_ =	swait.ge [sflag:s15], $0x400  }
0x256: {  	s11 =	sld [smem:$0x7D2]  }
0x257: {  	[sflag:s15] =	ssyncset.done $0x0  }
0x258: {  	[sflag:s15] =	ssyncadd.s32 $0xFFFFFC00  }
0x259: {  	[spmem:s11] =	stream.linear.scatter [tilespmem:s14], [sflag:$0x7], $0x400, $0x38;
	[tilespmem:$0x1DE80] =	vst v63  }
0x25a: {  	_ =	swait.ge [sflag:s15], $0x400  }
0x25b: {  	s12 =	sld [smem:$0x7D3]  }
0x25c: {  	[sflag:s15] =	ssyncset.done $0x0  }
0x25d: {  	[sflag:s15] =	ssyncadd.s32 $0xFFFFFC00  }
0x25e: {  	[spmem:s12] =	stream.linear.scatter [tilespmem:s14], [sflag:$0x7], $0x400, $0x38;
	[tilespmem:$0x1DE80] =	vst v63  }
0x25f: {  	_ =	swait.ge [sflag:s15], $0x400  }
0x260: {  	s24 =	sld [smem:$0x7D4]  }
0x261: {  	[sflag:s15] =	ssyncset.done $0x0  }
0x262: {  	[sflag:s15] =	ssyncadd.s32 $0xFFFFFC00  }
0x263: {  	[spmem:s24] =	stream.linear.scatter [tilespmem:s14], [sflag:$0x7], $0x400, $0x38;
	[tilespmem:$0x1DE80] =	vst v63  }
0x264: {  	_ =	swait.ge [sflag:s15], $0x400  }
0x265: {  	s25 =	sld [smem:$0x7D5]  }
0x266: {  	[sflag:s15] =	ssyncset.done $0x0  }
0x267: {  	[sflag:s15] =	ssyncadd.s32 $0xFFFFFC00  }
0x268: {  	[spmem:s25] =	stream.linear.scatter [tilespmem:s14], [sflag:$0x7], $0x400, $0x38;
	[tilespmem:$0x1DE80] =	vst v63  }
0x269: {  	_ =	swait.ge [sflag:s15], $0x400  }
0x26a: {  	s11 =	sld [smem:$0x7D6]  }
0x26b: {  	[sflag:s15] =	ssyncset.done $0x0  }
0x26c: {  	[sflag:s15] =	ssyncadd.s32 $0xFFFFFC00  }
0x26d: {  	[spmem:s11] =	stream.linear.scatter [tilespmem:s14], [sflag:$0x7], $0x400, $0x38;
	[tilespmem:$0x1DE80] =	vst v63  }
0x26e: {  	_ =	swait.ge [sflag:s15], $0x400  }
0x26f: {  	s12 =	sld [smem:$0x7D7]  }
0x270: {  	[sflag:s15] =	ssyncset.done $0x0  }
0x271: {  	[sflag:s15] =	ssyncadd.s32 $0xFFFFFC00  }
0x272: {  	[spmem:s12] =	stream.linear.scatter [tilespmem:s14], [sflag:$0x7], $0x400, $0x38;
	[tilespmem:$0x1DE80] =	vst v63  }
0x273: {  	_ =	swait.ge [sflag:s15], $0x400  }
0x274: {  	s24 =	sld [smem:$0x7D8]  }
0x275: {  	[sflag:s15] =	ssyncset.done $0x0  }
0x276: {  	[sflag:s15] =	ssyncadd.s32 $0xFFFFFC00  }
0x277: {  	[spmem:s24] =	stream.linear.scatter [tilespmem:s14], [sflag:$0x7], $0x400, $0x38;
	[tilespmem:$0x1DE80] =	vst v63  }
0x278: {  	_ =	swait.ge [sflag:s15], $0x400  }
0x279: {  	s25 =	sld [smem:$0x7D9]  }
0x27a: {  	[sflag:s15] =	ssyncset.done $0x0  }
0x27b: {  	[sflag:s15] =	ssyncadd.s32 $0xFFFFFC00  }
0x27c: {  	[spmem:s25] =	stream.linear.scatter [tilespmem:s14], [sflag:$0x7], $0x400, $0x38;
	[tilespmem:$0x1DE80] =	vst v63  }
0x27d: {  	_ =	swait.ge [sflag:s15], $0x400  }
0x27e: {  	s11 =	sld [smem:$0x7DA]  }
0x27f: {  	[sflag:s15] =	ssyncset.done $0x0  }
0x280: {  	[sflag:s15] =	ssyncadd.s32 $0xFFFFFC00  }
0x281: {  	[spmem:s11] =	stream.linear.scatter [tilespmem:s14], [sflag:$0x7], $0x400, $0x38;
	[tilespmem:$0x1DE80] =	vst v63  }
0x282: {  	_ =	swait.ge [sflag:s15], $0x400  }
0x283: {  	s12 =	sld [smem:$0x7DB]  }
0x284: {  	[sflag:s15] =	ssyncset.done $0x0  }
0x285: {  	[sflag:s15] =	ssyncadd.s32 $0xFFFFFC00  }
0x286: {  	[spmem:s12] =	stream.linear.scatter [tilespmem:s14], [sflag:$0x7], $0x400, $0x38;
	[tilespmem:$0x1DE80] =	vst v63  }
0x287: {  	_ =	swait.ge [sflag:s15], $0x400  }
0x288: {  	s24 =	sld [smem:$0x7DC]  }
0x289: {  	[sflag:s15] =	ssyncset.done $0x0  }
0x28a: {  	[sflag:s15] =	ssyncadd.s32 $0xFFFFFC00  }
0x28b: {  	[spmem:s24] =	stream.linear.scatter [tilespmem:s14], [sflag:$0x7], $0x400, $0x38;
	[tilespmem:$0x1DE80] =	vst v63  }
0x28c: {  	_ =	swait.ge [sflag:s15], $0x400  }
0x28d: {  	s25 =	sld [smem:$0x7DD]  }
0x28e: {  	[sflag:s15] =	ssyncset.done $0x0  }
0x28f: {  	[sflag:s15] =	ssyncadd.s32 $0xFFFFFC00  }
0x290: {  	[spmem:s25] =	stream.linear.scatter [tilespmem:s14], [sflag:$0x7], $0x400, $0x38;
	[tilespmem:$0x1DE80] =	vst v63  }
0x291: {  	_ =	swait.ge [sflag:s15], $0x400  }
0x292: {  	s11 =	sld [smem:$0x7DE]  }
0x293: {  	[sflag:s15] =	ssyncset.done $0x0  }
0x294: {  	[sflag:s15] =	ssyncadd.s32 $0xFFFFFC00  }
0x295: {  	[spmem:s11] =	stream.linear.scatter [tilespmem:s14], [sflag:$0x7], $0x400, $0x38;
	[tilespmem:$0x1DE80] =	vst v63  }
0x296: {  	_ =	swait.ge [sflag:s15], $0x400  }
0x297: {  	s12 =	sld [smem:$0x7DF]  }
0x298: {  	[sflag:s15] =	ssyncset.done $0x0  }
0x299: {  	[sflag:s15] =	ssyncadd.s32 $0xFFFFFC00  }
0x29a: {  	[spmem:s12] =	stream.linear.scatter [tilespmem:s14], [sflag:$0x7], $0x400, $0x38;
	[tilespmem:$0x1DE80] =	vst v63  }
0x29b: {  	_ =	swait.ge [sflag:s15], $0x400  }
0x29c: {  	s24 =	sld [smem:$0x7E0]  }
0x29d: {  	[sflag:s15] =	ssyncset.done $0x0  }
0x29e: {  	[sflag:s15] =	ssyncadd.s32 $0xFFFFFC00  }
0x29f: {  	[spmem:s24] =	stream.linear.scatter [tilespmem:s14], [sflag:$0x7], $0x400, $0x38;
	[tilespmem:$0x1DE80] =	vst v63  }
0x2a0: {  	_ =	swait.ge [sflag:s15], $0x400  }
0x2a1: {  	s25 =	sld [smem:$0x7E1]  }
0x2a2: {  	[sflag:s15] =	ssyncset.done $0x0  }
0x2a3: {  	[sflag:s15] =	ssyncadd.s32 $0xFFFFFC00  }
0x2a4: {  	[spmem:s25] =	stream.linear.scatter [tilespmem:s14], [sflag:$0x7], $0x400, $0x38;
	[tilespmem:$0x1DE80] =	vst v63  }
0x2a5: {  	_ =	swait.ge [sflag:s15], $0x400  }
0x2a6: {  	s11 =	sld [smem:$0x7E2]  }
0x2a7: {  	[sflag:s15] =	ssyncset.done $0x0  }
0x2a8: {  	[sflag:s15] =	ssyncadd.s32 $0xFFFFFC00  }
0x2a9: {  	[spmem:s11] =	stream.linear.scatter [tilespmem:s14], [sflag:$0x7], $0x400, $0x38;
	[tilespmem:$0x1DE80] =	vst v63  }
0x2aa: {  	_ =	swait.ge [sflag:s15], $0x400  }
0x2ab: {  	s12 =	sld [smem:$0x7E3]  }
0x2ac: {  	[sflag:s15] =	ssyncset.done $0x0  }
0x2ad: {  	[sflag:s15] =	ssyncadd.s32 $0xFFFFFC00  }
0x2ae: {  	[spmem:s12] =	stream.linear.scatter [tilespmem:s14], [sflag:$0x7], $0x400, $0x38;
	[tilespmem:$0x1DE80] =	vst v63  }
0x2af: {  	_ =	swait.ge [sflag:s15], $0x400  }
0x2b0: {  	s24 =	sld [smem:$0x7E4]  }
0x2b1: {  	[sflag:s15] =	ssyncset.done $0x0  }
0x2b2: {  	[sflag:s15] =	ssyncadd.s32 $0xFFFFFC00  }
0x2b3: {  	[spmem:s24] =	stream.linear.scatter [tilespmem:s14], [sflag:$0x7], $0x400, $0x38;
	[tilespmem:$0x1DE80] =	vst v63  }
0x2b4: {  	_ =	swait.ge [sflag:s15], $0x400  }
0x2b5: {  	s25 =	sld [smem:$0x7E5]  }
0x2b6: {  	[sflag:s15] =	ssyncset.done $0x0  }
0x2b7: {  	[sflag:s15] =	ssyncadd.s32 $0xFFFFFC00  }
0x2b8: {  	[spmem:s25] =	stream.linear.scatter [tilespmem:s14], [sflag:$0x7], $0x400, $0x38;
	[tilespmem:$0x1DE80] =	vst v63  }
0x2b9: {  	_ =	swait.ge [sflag:s15], $0x400  }
0x2ba: {  	s11 =	sld [smem:$0x7E6]  }
0x2bb: {  	[sflag:s15] =	ssyncset.done $0x0  }
0x2bc: {  	[sflag:s15] =	ssyncadd.s32 $0xFFFFFC00  }
0x2bd: {  	[spmem:s11] =	stream.linear.scatter [tilespmem:s14], [sflag:$0x7], $0x400, $0x38;
	[tilespmem:$0x1DE80] =	vst v63  }
0x2be: {  	_ =	swait.ge [sflag:s15], $0x400  }
0x2bf: {  	s12 =	sld [smem:$0x7E7]  }
0x2c0: {  	[sflag:s15] =	ssyncset.done $0x0  }
0x2c1: {  	[sflag:s15] =	ssyncadd.s32 $0xFFFFFC00  }
0x2c2: {  	[spmem:s12] =	stream.linear.scatter [tilespmem:s14], [sflag:$0x7], $0x400, $0x38;
	[tilespmem:$0x1DE80] =	vst v63  }
0x2c3: {  	_ =	swait.ge [sflag:s15], $0x400  }
0x2c4: {  	s24 =	sld [smem:$0x7E8]  }
0x2c5: {  	[sflag:s15] =	ssyncset.done $0x0  }
0x2c6: {  	[sflag:s15] =	ssyncadd.s32 $0xFFFFFC00  }
0x2c7: {  	[spmem:s24] =	stream.linear.scatter [tilespmem:s14], [sflag:$0x7], $0x400, $0x38;
	[tilespmem:$0x1DE80] =	vst v63  }
0x2c8: {  	_ =	swait.ge [sflag:s15], $0x400  }
0x2c9: {  	s25 =	sld [smem:$0x7E9]  }
0x2ca: {  	[sflag:s15] =	ssyncset.done $0x0  }
0x2cb: {  	[sflag:s15] =	ssyncadd.s32 $0xFFFFFC00  }
0x2cc: {  	[spmem:s25] =	stream.linear.scatter [tilespmem:s14], [sflag:$0x7], $0x400, $0x38;
	[tilespmem:$0x1DE80] =	vst v63  }
0x2cd: {  	_ =	swait.ge [sflag:s15], $0x400  }
0x2ce: {  	s11 =	sld [smem:$0x7EA]  }
0x2cf: {  	[sflag:s15] =	ssyncset.done $0x0  }
0x2d0: {  	[sflag:s15] =	ssyncadd.s32 $0xFFFFFC00  }
0x2d1: {  	[spmem:s11] =	stream.linear.scatter [tilespmem:s14], [sflag:$0x7], $0x400, $0x38;
	[tilespmem:$0x1DE80] =	vst v63  }
0x2d2: {  	_ =	swait.ge [sflag:s15], $0x400  }
0x2d3: {  	s12 =	sld [smem:$0x7EB]  }
0x2d4: {  	[sflag:s15] =	ssyncset.done $0x0  }
0x2d5: {  	[sflag:s15] =	ssyncadd.s32 $0xFFFFFC00  }
0x2d6: {  	[spmem:s12] =	stream.linear.scatter [tilespmem:s14], [sflag:$0x7], $0x400, $0x38;
	[tilespmem:$0x1DE80] =	vst v63  }
0x2d7: {  	_ =	swait.ge [sflag:s15], $0x400  }
0x2d8: {  	s24 =	sld [smem:$0x7EC]  }
0x2d9: {  	[sflag:s15] =	ssyncset.done $0x0  }
0x2da: {  	[sflag:s15] =	ssyncadd.s32 $0xFFFFFC00  }
0x2db: {  	[spmem:s24] =	stream.linear.scatter [tilespmem:s14], [sflag:$0x7], $0x400, $0x38;
	[tilespmem:$0x1DE80] =	vst v63  }
0x2dc: {  	_ =	swait.ge [sflag:s15], $0x400  }
0x2dd: {  	s25 =	sld [smem:$0x7ED]  }
0x2de: {  	[sflag:s15] =	ssyncset.done $0x0  }
0x2df: {  	[sflag:s15] =	ssyncadd.s32 $0xFFFFFC00  }
0x2e0: {  	[spmem:s25] =	stream.linear.scatter [tilespmem:s14], [sflag:$0x7], $0x400, $0x38;
	[tilespmem:$0x1DE80] =	vst v63  }
0x2e1: {  	_ =	swait.ge [sflag:s15], $0x400  }
0x2e2: {  	s11 =	sld [smem:$0x7EE]  }
0x2e3: {  	[sflag:s15] =	ssyncset.done $0x0  }
0x2e4: {  	[sflag:s15] =	ssyncadd.s32 $0xFFFFFC00  }
0x2e5: {  	[spmem:s11] =	stream.linear.scatter [tilespmem:s14], [sflag:$0x7], $0x400, $0x38;
	[tilespmem:$0x1DE80] =	vst v63  }
0x2e6: {  	_ =	swait.ge [sflag:s15], $0x400  }
0x2e7: {  	s12 =	sld [smem:$0x7EF]  }
0x2e8: {  	[sflag:s15] =	ssyncset.done $0x0  }
0x2e9: {  	[sflag:s15] =	ssyncadd.s32 $0xFFFFFC00  }
0x2ea: {  	[spmem:s12] =	stream.linear.scatter [tilespmem:s14], [sflag:$0x7], $0x400, $0x38;
	[tilespmem:$0x1DE80] =	vst v63  }
0x2eb: {  	_ =	swait.ge [sflag:s15], $0x400  }
0x2ec: {  	s24 =	sld [smem:$0x7F0]  }
0x2ed: {  	[sflag:s15] =	ssyncset.done $0x0  }
0x2ee: {  	[sflag:s15] =	ssyncadd.s32 $0xFFFFFC00  }
0x2ef: {  	[spmem:s24] =	stream.linear.scatter [tilespmem:s14], [sflag:$0x7], $0x400, $0x38;
	[tilespmem:$0x1DE80] =	vst v63  }
0x2f0: {  	_ =	swait.ge [sflag:s15], $0x400  }
0x2f1: {  	s25 =	sld [smem:$0x7F1]  }
0x2f2: {  	[sflag:s15] =	ssyncset.done $0x0  }
0x2f3: {  	[sflag:s15] =	ssyncadd.s32 $0xFFFFFC00  }
0x2f4: {  	[spmem:s25] =	stream.linear.scatter [tilespmem:s14], [sflag:$0x7], $0x400, $0x38;
	[tilespmem:$0x1DE80] =	vst v63  }
0x2f5: {  	_ =	swait.ge [sflag:s15], $0x400  }
0x2f6: {  	s11 =	sld [smem:$0x7F2]  }
0x2f7: {  	[sflag:s15] =	ssyncset.done $0x0  }
0x2f8: {  	[sflag:s15] =	ssyncadd.s32 $0xFFFFFC00  }
0x2f9: {  	[spmem:s11] =	stream.linear.scatter [tilespmem:s14], [sflag:$0x7], $0x400, $0x38;
	[tilespmem:$0x1DE80] =	vst v63  }
0x2fa: {  	_ =	swait.ge [sflag:s15], $0x400  }
0x2fb: {  	s12 =	sld [smem:$0x7F3]  }
0x2fc: {  	[sflag:s15] =	ssyncset.done $0x0  }
0x2fd: {  	[sflag:s15] =	ssyncadd.s32 $0xFFFFFC00  }
0x2fe: {  	[spmem:s12] =	stream.linear.scatter [tilespmem:s14], [sflag:$0x7], $0x400, $0x38;
	[tilespmem:$0x1DE80] =	vst v63  }
0x2ff: {  	_ =	swait.ge [sflag:s15], $0x400  }
0x300: {  	s24 =	sld [smem:$0x7F4]  }
0x301: {  	[sflag:s15] =	ssyncset.done $0x0  }
0x302: {  	[sflag:s15] =	ssyncadd.s32 $0xFFFFFC00  }
0x303: {  	[spmem:s24] =	stream.linear.scatter [tilespmem:s14], [sflag:$0x7], $0x400, $0x38;
	[tilespmem:$0x1DE80] =	vst v63  }
0x304: {  	_ =	swait.ge [sflag:s15], $0x400  }
0x305: {  	s25 =	sld [smem:$0x7F5]  }
0x306: {  	[sflag:s15] =	ssyncset.done $0x0  }
0x307: {  	[sflag:s15] =	ssyncadd.s32 $0xFFFFFC00  }
0x308: {  	[spmem:s25] =	stream.linear.scatter [tilespmem:s14], [sflag:$0x7], $0x400, $0x38;
	[tilespmem:$0x1DE80] =	vst v63  }
0x309: {  	_ =	swait.ge [sflag:s15], $0x400  }
0x30a: {  	s11 =	sld [smem:$0x7F6]  }
0x30b: {  	[sflag:s15] =	ssyncset.done $0x0  }
0x30c: {  	[sflag:s15] =	ssyncadd.s32 $0xFFFFFC00  }
0x30d: {  	[spmem:s11] =	stream.linear.scatter [tilespmem:s14], [sflag:$0x7], $0x400, $0x38;
	[tilespmem:$0x1DE80] =	vst v63  }
0x30e: {  	_ =	swait.ge [sflag:s15], $0x400  }
0x30f: {  	s12 =	sld [smem:$0x7F7]  }
0x310: {  	[sflag:s15] =	ssyncset.done $0x0  }
0x311: {  	[sflag:s15] =	ssyncadd.s32 $0xFFFFFC00  }
0x312: {  	[spmem:s12] =	stream.linear.scatter [tilespmem:s14], [sflag:$0x7], $0x400, $0x38;
	[tilespmem:$0x1DE80] =	vst v63  }
0x313: {  	_ =	swait.ge [sflag:s15], $0x400  }
0x314: {  	s24 =	sld [smem:$0x7F8]  }
0x315: {  	[sflag:s15] =	ssyncset.done $0x0  }
0x316: {  	[sflag:s15] =	ssyncadd.s32 $0xFFFFFC00  }
0x317: {  	[spmem:s24] =	stream.linear.scatter [tilespmem:s14], [sflag:$0x7], $0x400, $0x38;
	[tilespmem:$0x1DE80] =	vst v63  }
0x318: {  	_ =	swait.ge [sflag:s15], $0x400  }
0x319: {  	s25 =	sld [smem:$0x7F9]  }
0x31a: {  	[sflag:s15] =	ssyncset.done $0x0  }
0x31b: {  	[sflag:s15] =	ssyncadd.s32 $0xFFFFFC00  }
0x31c: {  	[spmem:s25] =	stream.linear.scatter [tilespmem:s14], [sflag:$0x7], $0x400, $0x38;
	[tilespmem:$0x1DE80] =	vst v63  }
0x31d: {  	_ =	swait.ge [sflag:s15], $0x400  }
0x31e: {  	s11 =	sld [smem:$0x7FA]  }
0x31f: {  	[sflag:s15] =	ssyncset.done $0x0  }
0x320: {  	[sflag:s15] =	ssyncadd.s32 $0xFFFFFC00  }
0x321: {  	[spmem:s11] =	stream.linear.scatter [tilespmem:s14], [sflag:$0x7], $0x400, $0x38;
	[tilespmem:$0x1DE80] =	vst v63  }
0x322: {  	_ =	swait.ge [sflag:s15], $0x400  }
0x323: {  	s12 =	sld [smem:$0x7FB]  }
0x324: {  	[sflag:s15] =	ssyncset.done $0x0  }
0x325: {  	[sflag:s15] =	ssyncadd.s32 $0xFFFFFC00  }
0x326: {  	[spmem:s12] =	stream.linear.scatter [tilespmem:s14], [sflag:$0x7], $0x400, $0x38;
	[tilespmem:$0x1DE80] =	vst v63  }
0x327: {  	_ =	swait.ge [sflag:s15], $0x400  }
0x328: {  	s24 =	sld [smem:$0x7FC]  }
0x329: {  	[sflag:s15] =	ssyncset.done $0x0  }
0x32a: {  	[sflag:s15] =	ssyncadd.s32 $0xFFFFFC00  }
0x32b: {  	[spmem:s24] =	stream.linear.scatter [tilespmem:s14], [sflag:$0x7], $0x400, $0x38;
	[tilespmem:$0x1DE80] =	vst v63  }
0x32c: {  	_ =	swait.ge [sflag:s15], $0x400  }
0x32d: {  	s25 =	sld [smem:$0x7FD]  }
0x32e: {  	[sflag:s15] =	ssyncset.done $0x0  }
0x32f: {  	[sflag:s15] =	ssyncadd.s32 $0xFFFFFC00  }
0x330: {  	[spmem:s25] =	stream.linear.scatter [tilespmem:s14], [sflag:$0x7], $0x400, $0x38;
	[tilespmem:$0x1DE80] =	vst v63  }
0x331: {  	_ =	swait.ge [sflag:s15], $0x400  }
0x332: {  	[sflag:s15] =	ssyncset.done $0x0  }
0x333: {  	[sflag:s15] =	ssyncadd.s32 $0xFFFFFC00  }
.LBB2_3:
0x334: {  	[bflag:$0x0] =	sbarrier.arrive $0xFFFF;
	s10 =	simm.s32 $0x0  }
.LBB2_4:
0x335: {  	_ =	swait.ge [sflag:s16], $0x100  }
0x336: {  	[sflag:s16] =	ssyncset.done $0x0  }
0x337: {  	[sflag:s16] =	ssyncadd.s32 $0xFFFFFF00  }
0x338: {  	[tilespmem:s17], [sflag:$0x6] =	stream.indirect.gather [hbm4b:s1+s31], $0x80, s26, s31, $0xb8;
	[tilespmem:$0x1DE80] =	vst v63  }
0x339: {  	_ =	swait.ge [sflag:s18], $0x2800  }
0x33a: {  	[sflag:s18] =	ssyncset.done $0x0  }
0x33b: {  	[sflag:s18] =	ssyncadd.s32 $0xFFFFD800  }
0x33c: {  	_ =	swait.ge [sflag:s3], $0x2800  }
0x33d: {  	[sflag:s3] =	ssyncset.done $0x0  }
0x33e: {  	s11 =	simm.s32 $0x0;
	[sflag:s3] =	ssyncadd.s32 $0xFFFFD800  }
0x33f: {  	v5 =	vld [tilespmem:s11+$0x200]  }
0x340: {  	v3 =	vld [tilespmem:s11+$0x210]  }
0x341: {  	v2 =	vld [tilespmem:s11+$0x220]  }
0x342: {  	v1 =	vld [tilespmem:s11+$0x230]  }
0x343: {  	v9 =	vld [tilespmem:s11+$0x5200]  }
0x344: {  	v8 =	vld [tilespmem:s11+$0x5240]  }
0x345: {  	v7 =	vld [tilespmem:s11+$0x5210]  }
0x346: {  	v6 =	vld [tilespmem:s11+$0x5250]  }
0x347: {  	v4 =	vld [tilespmem:s11+$0x5220];
	v11 =	vshll.u32 v5, $0x10  }
0x348: {  	s12 =	simm.s32 $0x200;
	v10 =	vand.u32 $0xFFFF0000, v5;
	v5 =	vld [tilespmem:s11+$0x5260];
	v9 =	vmul.f32 v11, v9  }
.LBB2_5:
0x349: {  	p1 =	sne.s32 s12, $0x9E00;
	v8 =	vmul.f32 v10, v8;
	v10 =	vshll.u32 v3, $0x10;
	v11 =	vld [tilespmem:s11+$0x5230]  }
0x34a: {  	s24 =	sshra.s32 s12, $0x2;
	v3 =	vand.u32 $0xFFFF0000, v3;
	[tilespmem:s11+$0x5200] =	vst v9;
	v7 =	vmul.f32 v10, v7;
	v9 =	vld [tilespmem:s11+$0x5270]  }
0x34b: {  	v10 =	vld [tilespmem:s24+$0x200];
	[tilespmem:s11+$0x5240] =	vst v8;
	v6 =	vmul.f32 v3, v6;
	v8 =	vshll.u32 v2, $0x10  }
0x34c: {  	v3 =	vld [tilespmem:s24+$0x210];
	[tilespmem:s11+$0x5210] =	vst v7;
	v7 =	vand.u32 $0xFFFF0000, v2;
	v4 =	vmul.f32 v8, v4  }
0x34d: {  	v2 =	vld [tilespmem:s24+$0x220];
	[tilespmem:s11+$0x5250] =	vst v6;
	v5 =	vmul.f32 v7, v5;
	v6 =	vshll.u32 v1, $0x10  }
0x34e: {  	[tilespmem:s11+$0x5220] =	vst v4;
	v4 =	vand.u32 $0xFFFF0000, v1;
	v1 =	vld [tilespmem:s24+$0x230];
	v6 =	vmul.f32 v6, v11  }
0x34f: {  	v11 =	vld [tilespmem:s24+$0x5200];
	[tilespmem:s11+$0x5260] =	vst v5;
	v4 =	vmul.f32 v4, v9  }
.Ltmp1:
0x350: {  	v8 =	vld [tilespmem:s24+$0x5240];
	[tilespmem:s11+$0x5230] =	vst v6;
	(pc) =	sbr.rel @p1 .LBB2_5-.Ltmp1, $4  }
0x351: {  	v7 =	vld [tilespmem:s24+$0x5210];
	[tilespmem:s11+$0x5270] =	vst v4;
	s11 =	smov.u32 s24  }
0x352: {  	v6 =	vld [tilespmem:s11+$0x5250]  }
0x353: {  	v5 =	vshll.u32 v10, $0x10;
	v4 =	vld [tilespmem:s11+$0x5220]  }
0x354: {  	s12 =	sadd.s32 $0x200, s12;
	v10 =	vand.u32 $0xFFFF0000, v10;
	v9 =	vmul.f32 v5, v11;
	v5 =	vld [tilespmem:s11+$0x5260]  }
0x355: {  	v11 =	vld [tilespmem:s11+$0x5230];
	v8 =	vmul.f32 v10, v8;
	v10 =	vshll.u32 v3, $0x10  }
0x356: {  	v3 =	vand.u32 $0xFFFF0000, v3;
	[tilespmem:s11+$0x5200] =	vst v9;
	v7 =	vmul.f32 v10, v7;
	v9 =	vld [tilespmem:s11+$0x5270]  }
0x357: {  	[tilespmem:s11+$0x5240] =	vst v8;
	v3 =	vmul.f32 v3, v6;
	v6 =	vshll.u32 v2, $0x10  }
0x358: {  	v2 =	vand.u32 $0xFFFF0000, v2;
	[tilespmem:s11+$0x5210] =	vst v7;
	v4 =	vmul.f32 v6, v4  }
0x359: {  	[tilespmem:s11+$0x5250] =	vst v3;
	v2 =	vmul.f32 v2, v5;
	v3 =	vshll.u32 v1, $0x10  }
0x35a: {  	v1 =	vand.u32 $0xFFFF0000, v1;
	[tilespmem:s11+$0x5220] =	vst v4;
	v3 =	vmul.f32 v3, v11  }
0x35b: {  	[tilespmem:s11+$0x5260] =	vst v2;
	v1 =	vmul.f32 v1, v9  }
0x35c: {  	[tilespmem:s11+$0x5230] =	vst v3  }
0x35d: {  	[tilespmem:s11+$0x5270] =	vst v1;
	s11 =	sshll.u32 s10, $0x1  }
0x35e: {  	[spmem:s2] =	stream.indirect.scatter.add.f32 [tilespmem:s0], [sflag:$0x7], $0x80, s19, s31, $0xb8;
	[tilespmem:$0x1DE80] =	vst v63  }
0x35f: {  	s12 =	sadd.s32 $0x2, s11  }
0x360: {  	s24 =	sshll.u32 s12, $0x8;
	s12 =	smul.u32 $0x50, s12  }
0x361: {  	s25 =	simm.s32 $0x0;
	_ =	swait.ge [sflag:s15], $0x2800;
	s24 =	sadd.s32 s8, s24  }
0x362: {  	[sflag:s15] =	ssyncset.done $0x0;
	s24 =	sshrl.u32 s24, $0x3;
	s12 =	sadd.s32 s7, s12  }
0x363: {  	[sflag:s15] =	ssyncadd.s32 $0xFFFFD800;
	s24 =	sadd.s32 s6, s24;
	s12 =	sshll.u32 s12, $0x4  }
0x364: {  	[tilespmem:s25], [sflag:$0x1] =	stream.linear.gather [hbm4b:s24+s25], $0x100, $0x38;
	[tilespmem:$0x1DE80] =	vst v63  }
0x365: {  	s12 =	sadd.s32 s5, s12  }
0x366: {  	[tilespmem:s28], [sflag:$0x3] =	stream.linear.gather [hbm4b:s12+s25], $0x2800, $0x38;
	[tilespmem:$0x1DE80] =	vst v63  }
0x367: {  	_ =	swait.ge [sflag:s30], $0x100  }
0x368: {  	[sflag:s30] =	ssyncset.done $0x0  }
0x369: {  	[sflag:s30] =	ssyncadd.s32 $0xFFFFFF00  }
0x36a: {  	[tilespmem:s0], [sflag:$0x5] =	stream.indirect.gather [hbm4b:s1+s31], $0x80, s25, s31, $0xb8;
	[tilespmem:$0x1DE80] =	vst v63  }
0x36b: {  	_ =	swait.ge [sflag:s20], $0x2800  }
0x36c: {  	[sflag:s20] =	ssyncset.done $0x0  }
0x36d: {  	[sflag:s20] =	ssyncadd.s32 $0xFFFFD800  }
0x36e: {  	_ =	swait.ge [sflag:s21], $0x2800  }
0x36f: {  	[sflag:s21] =	ssyncset.done $0x0  }
0x370: {  	s12 =	simm.s32 $0x0;
	[sflag:s21] =	ssyncadd.s32 $0xFFFFD800  }
0x371: {  	v5 =	vld [tilespmem:s12+$0x2A00]  }
0x372: {  	v3 =	vld [tilespmem:s12+$0x2A10]  }
0x373: {  	v2 =	vld [tilespmem:s12+$0x2A20]  }
0x374: {  	v1 =	vld [tilespmem:s12+$0x2A30]  }
0x375: {  	v9 =	vld [tilespmem:s12+$0x7A00]  }
0x376: {  	v8 =	vld [tilespmem:s12+$0x7A40]  }
0x377: {  	v7 =	vld [tilespmem:s12+$0x7A10]  }
0x378: {  	v6 =	vld [tilespmem:s12+$0x7A50]  }
0x379: {  	v4 =	vld [tilespmem:s12+$0x7A20];
	v11 =	vshll.u32 v5, $0x10  }
0x37a: {  	s24 =	simm.s32 $0x200;
	v10 =	vand.u32 $0xFFFF0000, v5;
	v5 =	vld [tilespmem:s12+$0x7A60];
	v9 =	vmul.f32 v11, v9  }
.LBB2_7:
0x37b: {  	p1 =	sne.s32 s24, $0x9E00;
	v8 =	vmul.f32 v10, v8;
	v10 =	vshll.u32 v3, $0x10;
	v11 =	vld [tilespmem:s12+$0x7A30]  }
0x37c: {  	s25 =	sshra.s32 s24, $0x2;
	v3 =	vand.u32 $0xFFFF0000, v3;
	[tilespmem:s12+$0x7A00] =	vst v9;
	v7 =	vmul.f32 v10, v7;
	v9 =	vld [tilespmem:s12+$0x7A70]  }
0x37d: {  	v10 =	vld [tilespmem:s25+$0x2A00];
	[tilespmem:s12+$0x7A40] =	vst v8;
	v6 =	vmul.f32 v3, v6;
	v8 =	vshll.u32 v2, $0x10  }
0x37e: {  	v3 =	vld [tilespmem:s25+$0x2A10];
	[tilespmem:s12+$0x7A10] =	vst v7;
	v7 =	vand.u32 $0xFFFF0000, v2;
	v4 =	vmul.f32 v8, v4  }
0x37f: {  	v2 =	vld [tilespmem:s25+$0x2A20];
	[tilespmem:s12+$0x7A50] =	vst v6;
	v5 =	vmul.f32 v7, v5;
	v6 =	vshll.u32 v1, $0x10  }
0x380: {  	[tilespmem:s12+$0x7A20] =	vst v4;
	v4 =	vand.u32 $0xFFFF0000, v1;
	v1 =	vld [tilespmem:s25+$0x2A30];
	v6 =	vmul.f32 v6, v11  }
0x381: {  	v11 =	vld [tilespmem:s25+$0x7A00];
	[tilespmem:s12+$0x7A60] =	vst v5;
	v4 =	vmul.f32 v4, v9  }
.Ltmp2:
0x382: {  	v8 =	vld [tilespmem:s25+$0x7A40];
	[tilespmem:s12+$0x7A30] =	vst v6;
	(pc) =	sbr.rel @p1 .LBB2_7-.Ltmp2, $4  }
0x383: {  	v7 =	vld [tilespmem:s25+$0x7A10];
	[tilespmem:s12+$0x7A70] =	vst v4;
	s12 =	smov.u32 s25  }
0x384: {  	v6 =	vld [tilespmem:s12+$0x7A50]  }
0x385: {  	v5 =	vshll.u32 v10, $0x10;
	v4 =	vld [tilespmem:s12+$0x7A20]  }
0x386: {  	s24 =	sadd.s32 $0x200, s24;
	v10 =	vand.u32 $0xFFFF0000, v10;
	v9 =	vmul.f32 v5, v11;
	v5 =	vld [tilespmem:s12+$0x7A60]  }
0x387: {  	v11 =	vld [tilespmem:s12+$0x7A30];
	v8 =	vmul.f32 v10, v8;
	v61 =	vshll.u32 v3, $0x10  }
0x388: {  	v3 =	vand.u32 $0xFFFF0000, v3;
	v62 =	vld [tilespmem:s12+$0x7A70];
	[tilespmem:s12+$0x7A00] =	vst v9;
	v7 =	vmul.f32 v61, v7  }
0x389: {  	v63 =	vshll.u32 v2, $0x10;
	[tilespmem:s12+$0x7A40] =	vst v8;
	v3 =	vmul.f32 v3, v6  }
0x38a: {  	v2 =	vand.u32 $0xFFFF0000, v2;
	[tilespmem:s12+$0x7A10] =	vst v7;
	v4 =	vmul.f32 v63, v4  }
0x38b: {  	[tilespmem:s12+$0x7A50] =	vst v3;
	v2 =	vmul.f32 v2, v5;
	v3 =	vshll.u32 v1, $0x10  }
0x38c: {  	v1 =	vand.u32 $0xFFFF0000, v1;
	[tilespmem:s12+$0x7A20] =	vst v4;
	v3 =	vmul.f32 v3, v11  }
0x38d: {  	v1 =	vmul.f32 v1, v62;
	[tilespmem:s12+$0x7A60] =	vst v2  }
0x38e: {  	p1 =	seq.s32 s10, $0x3D;
	[tilespmem:s12+$0x7A30] =	vst v3  }
.Ltmp3:
0x38f: {  	[tilespmem:s12+$0x7A70] =	vst v1;
	(pc) =	sbr.rel @p1 .LBB2_10-.Ltmp3, $4  }
0x390: {  	[spmem:s2] =	stream.indirect.scatter.add.f32 [tilespmem:s17], [sflag:$0x7], $0x80, s22, s31, $0xb8;
	[tilespmem:$0x1DE80] =	vst v63  }
0x391: {  	_ =	swait.ge [sflag:s15], $0x2800  }
0x392: {  	[sflag:s15] =	ssyncset.done $0x0  }
0x393: {  	[sflag:s15] =	ssyncadd.s32 $0xFFFFD800  }
0x394: {  	s11 =	sadd.s32 $0x3, s11  }
0x395: {  	s12 =	sshll.u32 s11, $0x8;
	s11 =	smul.u32 $0x50, s11  }
0x396: {  	s12 =	sadd.s32 s8, s12  }
.Ltmp4:
0x397: {  	s12 =	sshrl.u32 s12, $0x3;
	s11 =	sadd.s32 s7, s11;
	(pc) =	sbr.rel .LBB2_4-.Ltmp4, $4  }
0x398: {  	s12 =	sadd.s32 s6, s12;
	s11 =	sshll.u32 s11, $0x4  }
0x399: {  	[tilespmem:s26], [sflag:$0x2] =	stream.linear.gather [hbm4b:s12+s4], $0x100, $0x38;
	[tilespmem:$0x1DE80] =	vst v63  }
0x39a: {  	s10 =	sadd.s32 $0x1, s10;
	s11 =	sadd.s32 s5, s11  }
0x39b: {  	[tilespmem:s29], [sflag:$0x4] =	stream.linear.gather [hbm4b:s11+s4], $0x2800, $0x38;
	[tilespmem:$0x1DE80] =	vst v63  }
.LBB2_10:
0x39c: {  	_ =	swait.ge [sflag:s18], $0x2800  }
0x39d: {  	[sflag:s18] =	ssyncset.done $0x0  }
0x39e: {  	[sflag:s18] =	ssyncadd.s32 $0xFFFFD800  }
0x39f: {  	_ =	swait.ge [sflag:s3], $0x2800  }
0x3a0: {  	[sflag:s3] =	ssyncset.done $0x0  }
0x3a1: {  	s10 =	simm.s32 $0x0;
	[sflag:s3] =	ssyncadd.s32 $0xFFFFD800  }
0x3a2: {  	v5 =	vld [tilespmem:s10+$0x200]  }
0x3a3: {  	v3 =	vld [tilespmem:s10+$0x210]  }
0x3a4: {  	v2 =	vld [tilespmem:s10+$0x220]  }
0x3a5: {  	v1 =	vld [tilespmem:s10+$0x230]  }
0x3a6: {  	v9 =	vld [tilespmem:s10+$0x5200]  }
0x3a7: {  	v8 =	vld [tilespmem:s10+$0x5240]  }
0x3a8: {  	v7 =	vld [tilespmem:s10+$0x5210]  }
0x3a9: {  	v6 =	vld [tilespmem:s10+$0x5250]  }
0x3aa: {  	v4 =	vld [tilespmem:s10+$0x5220];
	v11 =	vshll.u32 v5, $0x10  }
0x3ab: {  	s11 =	simm.s32 $0x200;
	v10 =	vand.u32 $0xFFFF0000, v5;
	v5 =	vld [tilespmem:s10+$0x5260];
	v9 =	vmul.f32 v11, v9  }
.LBB2_11:
0x3ac: {  	p1 =	sne.s32 s11, $0x9E00;
	v8 =	vmul.f32 v10, v8;
	v10 =	vshll.u32 v3, $0x10;
	v11 =	vld [tilespmem:s10+$0x5230]  }
0x3ad: {  	s12 =	sshra.s32 s11, $0x2;
	v3 =	vand.u32 $0xFFFF0000, v3;
	[tilespmem:s10+$0x5200] =	vst v9;
	v7 =	vmul.f32 v10, v7;
	v9 =	vld [tilespmem:s10+$0x5270]  }
0x3ae: {  	v10 =	vld [tilespmem:s12+$0x200];
	[tilespmem:s10+$0x5240] =	vst v8;
	v6 =	vmul.f32 v3, v6;
	v8 =	vshll.u32 v2, $0x10  }
0x3af: {  	v3 =	vld [tilespmem:s12+$0x210];
	[tilespmem:s10+$0x5210] =	vst v7;
	v7 =	vand.u32 $0xFFFF0000, v2;
	v4 =	vmul.f32 v8, v4  }
0x3b0: {  	v2 =	vld [tilespmem:s12+$0x220];
	[tilespmem:s10+$0x5250] =	vst v6;
	v5 =	vmul.f32 v7, v5;
	v6 =	vshll.u32 v1, $0x10  }
0x3b1: {  	[tilespmem:s10+$0x5220] =	vst v4;
	v4 =	vand.u32 $0xFFFF0000, v1;
	v1 =	vld [tilespmem:s12+$0x230];
	v6 =	vmul.f32 v6, v11  }
0x3b2: {  	v11 =	vld [tilespmem:s12+$0x5200];
	[tilespmem:s10+$0x5260] =	vst v5;
	v4 =	vmul.f32 v4, v9  }
.Ltmp5:
0x3b3: {  	v8 =	vld [tilespmem:s12+$0x5240];
	[tilespmem:s10+$0x5230] =	vst v6;
	(pc) =	sbr.rel @p1 .LBB2_11-.Ltmp5, $4  }
0x3b4: {  	v7 =	vld [tilespmem:s12+$0x5210];
	[tilespmem:s10+$0x5270] =	vst v4;
	s10 =	smov.u32 s12  }
0x3b5: {  	v6 =	vld [tilespmem:s10+$0x5250]  }
0x3b6: {  	v5 =	vshll.u32 v10, $0x10;
	v4 =	vld [tilespmem:s10+$0x5220]  }
0x3b7: {  	s11 =	sadd.s32 $0x200, s11;
	v10 =	vand.u32 $0xFFFF0000, v10;
	v9 =	vmul.f32 v5, v11;
	v5 =	vld [tilespmem:s10+$0x5260]  }
0x3b8: {  	v11 =	vld [tilespmem:s10+$0x5230];
	v8 =	vmul.f32 v10, v8;
	v61 =	vshll.u32 v3, $0x10  }
0x3b9: {  	v3 =	vand.u32 $0xFFFF0000, v3;
	v62 =	vld [tilespmem:s10+$0x5270];
	[tilespmem:s10+$0x5200] =	vst v9;
	v7 =	vmul.f32 v61, v7  }
0x3ba: {  	v63 =	vshll.u32 v2, $0x10;
	[tilespmem:s10+$0x5240] =	vst v8;
	v3 =	vmul.f32 v3, v6  }
0x3bb: {  	v2 =	vand.u32 $0xFFFF0000, v2;
	[tilespmem:s10+$0x5210] =	vst v7;
	v4 =	vmul.f32 v63, v4  }
0x3bc: {  	[tilespmem:s10+$0x5250] =	vst v3;
	v2 =	vmul.f32 v2, v5;
	v3 =	vshll.u32 v1, $0x10  }
0x3bd: {  	v1 =	vand.u32 $0xFFFF0000, v1;
	[tilespmem:s10+$0x5220] =	vst v4;
	v3 =	vmul.f32 v3, v11  }
0x3be: {  	v1 =	vmul.f32 v1, v62;
	[tilespmem:s10+$0x5260] =	vst v2  }
0x3bf: {  	[tilespmem:s10+$0x5230] =	vst v3  }
0x3c0: {  	[tilespmem:s10+$0x5270] =	vst v1  }
0x3c1: {  	[spmem:s2] =	stream.indirect.scatter.add.f32 [tilespmem:s0], [sflag:$0x7], $0x80, s19, s31, $0xb8;
	[tilespmem:$0x1DE80] =	vst v63  }
0x3c2: {  	_ =	swait.ge [sflag:s15], $0x2800  }
0x3c3: {  	[sflag:s15] =	ssyncset.done $0x0  }
0x3c4: {  	s10 =	stileid.u32;
	[sflag:s15] =	ssyncadd.s32 $0xFFFFD800  }
0x3c5: {  	s10 =	sshll.u32 @!p0 s10, $0x6;
	[bflag:$0x0] =	sbarrier.arrive $0xFFFF  }
0x3c6: {  	s11 =	sshrl.u32 @!p0 s13, $0x3;
	s10 =	sor.u32 @!p0 $0x1C07, s10;
	s12 =	rddreg [dreg:$0x11]  }
0x3c7: {  	[hbm:s12], [sflag:s10] =	dma.local @!p0 [spmem:s11], $0x3E80  }
0x3c8: {  	s10 =	simm.s32 @!p0 $0x7  }
0x3c9: {  	_ =	swait.ge @!p0 [sflag:s10], $0x3E80  }
0x3ca: {  	s23 =	sadd.s32 $0x1, s23;
	s25 =	rddreg [dreg:$0x12]  }
0x3cb: {  	p1 =	sne.s32 s23, s25  }
.Ltmp6:
0x3cc: {  	_ = 	snop;
	(pc) =	sbr.rel @p1 .LBB2_1-.Ltmp6, $3  }
0x3cd: {  	_ =	sdelay $0x1  }
0x3ce: {  	[sflag:s10] =	ssyncset.done @!p0 $0x0  }
0x3cf: {  	[sflag:s10] =	ssyncadd.s32 @!p0 $0xFFFFC180  }
0x3d0: {  	_ =	sfence.sel $0x180000  }
0x3d1: {  	[bflag:$0x0] =	sbarrier.arrive $0xFFFF  }
0x3d2: {  	_ =	strace $0x90000047  }
0x3d3: {  	s0 =	stileid.u32;
	[bflag:$0x2] =	sbarrier.arrive $0xFFFF  }
0x3d4: {  	p0 =	sne.s32 s0, $0x0;
	s0 =	rddreg [dreg:$0x3]  }
0x3d5: {  	s0 =	sadd.s32 @!p0 $0x100000, s0  }
0x3d6: {  	[sflag:s0] =	ssyncadd.tile.s32 @!p0 $0x1;
	_ =	shalt  }
.Lfunc_end2:
_tile_overlayer_lowered:
.L_overlay_start_2:
0x3d7: {  	(tag) =	ssettag $0x2  }
0x3d8: {  	s0 =	rddreg [dreg:$0x0];
	s2 =	stileid.u32  }
0x3d9: {  	s1 =	rddreg [dreg:$0x1];
	p0 =	sne.s32 s2, $0x0  }
0x3da: {  	s3 =	rddreg [dreg:$0x2];
	[bflag:$0x3] =	sbarrier.arrive $0xFFFF;
	s2 =	simm.s32 @!p0 $0x1C07  }
0x3db: {  	[timem:s3], [sflag:s2] =	dma.local @!p0 [hbm:s0], s1  }
0x3dc: {  	s0 =	simm.s32 @!p0 $0x7  }
0x3dd: {  	_ =	swait.ge @!p0 [sflag:s0], s1  }
0x3de: {  	s1 =	ssub.s32 @!p0 $0x0, s1;
	[sflag:s0] =	ssyncset.done @!p0 $0x0  }
0x3df: {  	[sflag:s0] =	ssyncadd.s32 @!p0 s1  }
0x3e0: {  	[bflag:$0x3] =	sbarrier.arrive $0xFFFF  }
0x3e1: {  	_ =	shalt  }

</sc_bundles>
